<compile_context>
chip_gen: v7x
topology: tpu7x:2x2x1
jax: 0.10.2.dev20260603
libtpu: 0.0.44.dev20260713+nightly
codegen_flags: <defaults>
</compile_context>

<pallas_src>
import jax
import jax.numpy as jnp
from jax import lax
from jax.experimental import pallas as pl
from jax.experimental.pallas import tpu as pltpu
from jax.experimental.pallas import tpu_sc as plsc

N = 20000
NPAD = 20480
TOPK = 400
CAND = 512
DET = 200
SCORE_THRESH = 0.01
NMS_THRESH = 0.5
NSUB = 16
PER_SUB = NPAD // NSUB
VPS = PER_SUB // 16

_f32 = jnp.float32
_i32 = jnp.int32
NEG_INF = float("-inf")
THRESH_BITS = 0x3C23D70A


def _excl(mask):
  m = mask.astype(_i32)
  return plsc.cumsum(m) - m, m


def _sc_body(sbits_hbm, boxes_hbm, osc_hbm, obx_hbm, obt_hbm,
             bits_v, hist_v, tgt_v, histrb_v,
             selb_v, seli_v, candb_v, candi_v, rowbuf_v, rank_v, obuf_v,
             ibuf_v, sbuf_v, gath_v, colb_v,
             hist_sh, counts_sh, candb_sh, candi_sh, sorted_sh, sem):
  sid = lax.axis_index("s")
  base = sid * PER_SUB
  ones16 = jnp.ones((16,), _i32)
  zeros16 = jnp.zeros((16,), _i32)
  iota = lax.iota(_i32, 16)
  tb = _i32(THRESH_BITS)

  pltpu.sync_copy(sbits_hbm.at[pl.ds(base, PER_SUB)], bits_v)
  for g in range(16):
    hist_v[g] = zeros16
  pltpu.sync_copy(hist_v.at[pl.ds(0, 4)], hist_sh.at[pl.ds(4 * sid, 4)])
  plsc.subcore_barrier()

  prefix = _i32(0)
  rem = _i32(0)
  kk = _i32(0)

  for r in range(4):
    shift = 24 - 8 * r
    for g in range(16):
      hist_v[g] = zeros16

    def p1(i, _):
      b = bits_v[pl.ds(i * 16, 16)]
      m = b > tb
      if r > 0:
        m = m & ((b >> (shift + 8)) == (prefix >> (shift + 8)))
      bucket = (b >> shift) & 255
      plsc.addupdate_scatter(hist_v, [bucket >> 4, bucket & 15], ones16,
                             mask=m)
      return 0
    lax.fori_loop(0, VPS, p1, 0)

    tgt_v[...] = iota + 16 * r
    pltpu.sync_copy(hist_v, hist_sh.at[tgt_v], add=True)
    plsc.subcore_barrier()
    pltpu.sync_copy(hist_sh.at[pl.ds(16 * r, 16)], histrb_v)

    if r == 0:
      total = _i32(0)
      for g in range(16):
        total = total + jnp.sum(histrb_v[g])
      kk = jnp.minimum(_i32(TOPK), total)
      rem = kk

    cum = _i32(0)
    bsel = _i32(0)
    sub = _i32(0)
    for g in range(15, -1, -1):
      row = histrb_v[g]
      rrow = lax.rev(row, (0,))
      rcum = plsc.cumsum(rrow)
      excl = rcum - rrow
      hit = ((cum + excl) < rem) & ((cum + rcum) >= rem)
      bsel = bsel + jnp.sum(jnp.where(hit, 16 * g + 15 - iota, 0))
      sub = sub + jnp.sum(jnp.where(hit, cum + excl, 0))
      cum = cum + jnp.sum(row)

    prefix = prefix | (bsel << shift)
    rem = rem - sub

  t_bits = prefix
  rem_eq = rem

  def p2(i, carry):
    g, e = carry
    b = bits_v[pl.ds(i * 16, 16)]
    valid = b > tb
    g = g + jnp.sum((valid & (b > t_bits)).astype(_i32))
    e = e + jnp.sum((valid & (b == t_bits)).astype(_i32))
    return g, e
  gt_w, eq_w = lax.fori_loop(0, VPS, p2, (_i32(0), _i32(0)))

  cvec = jnp.where(iota == 0, gt_w, jnp.where(iota == 1, eq_w, 0))
  tgt_v[...] = cvec
  pltpu.sync_copy(tgt_v, counts_sh.at[sid])
  plsc.subcore_barrier()
  pltpu.sync_copy(counts_sh, histrb_v)

  gt_all = plsc.load_gather(histrb_v, [iota, zeros16])
  eq_all = plsc.load_gather(histrb_v, [iota, ones16])
  eq_excl = plsc.cumsum(eq_all) - eq_all
  take_all = jnp.clip(rem_eq - eq_excl, 0, eq_all)
  c_all = gt_all + take_all
  c_excl = plsc.cumsum(c_all) - c_all
  my_off = jnp.sum(jnp.where(iota == sid, c_excl, 0))
  my_take = jnp.sum(jnp.where(iota == sid, take_all, 0))

  def p4(i, carry):
    nsel, taken = carry
    b = bits_v[pl.ds(i * 16, 16)]
    valid = b > tb
    gt = valid & (b > t_bits)
    eq = valid & (b == t_bits)
    eq_x, eq_i = _excl(eq)
    sel = gt | (eq & ((taken + eq_x) < my_take))
    pos_x, sel_i = _excl(sel)
    pos = nsel + pos_x
    gidx = base + i * 16 + iota
    plsc.store_scatter(selb_v, [pos], b, mask=sel)
    plsc.store_scatter(seli_v, [pos], gidx, mask=sel)
    return nsel + jnp.sum(sel_i), taken + jnp.sum(eq_i)
  nsel, _ = lax.fori_loop(0, VPS, p4, (_i32(0), _i32(0)))

  nch = (nsel + 15) >> 4

  def p6(k, _):
    pos = my_off + k * 16 + iota
    ok = (k * 16 + iota) < nsel
    tgt_v[...] = jnp.where(ok, pos, CAND + sid)
    pltpu.sync_copy(selb_v.at[pl.ds(k * 16, 16)], candb_sh.at[tgt_v])
    pltpu.sync_copy(seli_v.at[pl.ds(k * 16, 16)], candi_sh.at[tgt_v])
    return 0
  lax.fori_loop(0, nch, p6, 0)
  plsc.subcore_barrier()

  pltpu.sync_copy(candb_sh.at[pl.ds(0, CAND)], candb_v.at[pl.ds(0, CAND)])
  pltpu.sync_copy(candi_sh.at[pl.ds(0, CAND)], candi_v.at[pl.ds(0, CAND)])

  mybase = sid * 32
  mb0 = candb_v[pl.ds(mybase, 16)]
  mi0 = candi_v[pl.ds(mybase, 16)]
  mb1 = candb_v[pl.ds(mybase + 16, 16)]
  mi1 = candi_v[pl.ds(mybase + 16, 16)]

  def p7(p, carry):
    r0, r1 = carry
    bp = candb_v[pl.ds(p, 16)][0]
    ip = candi_v[pl.ds(p, 16)][0]
    a0 = (bp > mb0) | ((bp == mb0) & (ip < mi0))
    a1 = (bp > mb1) | ((bp == mb1) & (ip < mi1))
    return r0 + a0.astype(_i32), r1 + a1.astype(_i32)
  r0, r1 = lax.fori_loop(0, kk, p7, (zeros16, zeros16))
  v0 = (mybase + iota) < kk
  v1 = (mybase + 16 + iota) < kk
  rank_v[pl.ds(0, 16)] = jnp.where(v0, r0, 544 + sid)
  rank_v[pl.ds(16, 16)] = jnp.where(v1, r1, 544 + sid)

  plsc.store_scatter(rowbuf_v, [iota, zeros16], mi0)
  plsc.store_scatter(rowbuf_v, [16 + iota, zeros16], mi1)
  pltpu.sync_copy(rowbuf_v, sorted_sh.at[rank_v])
  plsc.subcore_barrier()

  pltpu.sync_copy(sorted_sh.at[pl.ds(mybase, 32)], obuf_v)

  for h in range(2):
    rows = iota + 16 * h
    iv = plsc.load_gather(obuf_v, [rows, zeros16])
    vmask = (mybase + 16 * h + iota) < kk
    ibuf_v[pl.ds(h * 16, 16)] = jnp.where(vmask, iv, 0)

  pltpu.async_copy(boxes_hbm.at[ibuf_v], gath_v, sem).wait()

  for h in range(2):
    rows = iota + 16 * h
    vmask = (mybase + 16 * h + iota) < kk
    sv = plsc.load_gather(gath_v, [rows, jnp.full((16,), 4, _i32)])
    sbuf_v[pl.ds(h * 16, 16)] = jnp.where(vmask, sv, _f32(NEG_INF))
    for c in range(4):
      col = plsc.load_gather(gath_v, [rows, jnp.full((16,), c, _i32)])
      colb_v[pl.ds(32 * c + 16 * h, 16)] = col

  pltpu.sync_copy(sbuf_v, osc_hbm.at[sid])
  pltpu.sync_copy(gath_v, obx_hbm.at[pl.ds(mybase, 32)])
  for c in range(4):
    pltpu.sync_copy(colb_v.at[pl.ds(32 * c, 32)],
                    obt_hbm.at[c, pl.ds(mybase, 32)])


def _make_sc_kernel():
  mesh = plsc.VectorSubcoreMesh(core_axis_name="c", subcore_axis_name="s")
  return pl.kernel(
      _sc_body,
      out_type=[
          jax.ShapeDtypeStruct((NSUB, 32), _f32),
          jax.ShapeDtypeStruct((CAND, 16), _f32),
          jax.ShapeDtypeStruct((4, CAND), _f32),
      ],
      mesh=mesh,
      compiler_params=pltpu.CompilerParams(needs_layout_passes=False,
                                           use_tc_tiling_on_sc=False),
      scratch_types=[
          pltpu.VMEM((PER_SUB,), _i32),
          pltpu.VMEM((16, 16), _i32),
          pltpu.VMEM((16,), _i32),
          pltpu.VMEM((16, 16), _i32),
          pltpu.VMEM((448,), _i32),
          pltpu.VMEM((448,), _i32),
          pltpu.VMEM((CAND + 16,), _i32),
          pltpu.VMEM((CAND + 16,), _i32),
          pltpu.VMEM((32, 16), _i32),
          pltpu.VMEM((32,), _i32),
          pltpu.VMEM((32, 16), _i32),
          pltpu.VMEM((32,), _i32),
          pltpu.VMEM((32,), _f32),
          pltpu.VMEM((32, 16), _f32),
          pltpu.VMEM((128,), _f32),
          pltpu.VMEM_SHARED((64, 16), _i32),
          pltpu.VMEM_SHARED((16, 16), _i32),
          pltpu.VMEM_SHARED((576,), _i32),
          pltpu.VMEM_SHARED((576,), _i32),
          pltpu.VMEM_SHARED((560, 16), _i32),
          pltpu.SemaphoreType.DMA,
      ],
  )


def _tc_body(sc_ref, bx_ref, bt_ref, out_ref, iou_ref):
  x1c = bx_ref[:, 0:1]
  y1c = bx_ref[:, 1:2]
  x2c = bx_ref[:, 2:3]
  y2c = bx_ref[:, 3:4]
  x1r = bt_ref[0:1, :]
  y1r = bt_ref[1:2, :]
  x2r = bt_ref[2:3, :]
  y2r = bt_ref[3:4, :]
  area_c = (x2c - x1c) * (y2c - y1c)
  area_r = (x2r - x1r) * (y2r - y1r)
  wx = jnp.clip(jnp.minimum(x2c, x2r) - jnp.maximum(x1c, x1r), 0.0, None)
  wy = jnp.clip(jnp.minimum(y2c, y2r) - jnp.maximum(y1c, y1r), 0.0, None)
  inter = wx * wy
  iou_ref[...] = inter / (area_c + area_r - inter + 1e-9)

  lane = lax.broadcasted_iota(_i32, (1, CAND), 1)

  def nms_step(i, sup):
    row = iou_ref[pl.ds(i, 1), :]
    sup_i = jnp.sum(jnp.where(lane == i, sup, 0.0))
    new = jnp.where((row > NMS_THRESH) & (lane > i) & (sup_i == 0.0),
                    1.0, 0.0)
    return jnp.maximum(sup, new)
  sup = lax.fori_loop(0, CAND, nms_step, jnp.zeros((1, CAND), _f32))

  s_row = sc_ref[...]
  keptf = jnp.where((s_row > _f32(NEG_INF)) & (sup == 0.0), 1.0, 0.0)

  r_i = lax.broadcasted_iota(_i32, (CAND, CAND), 0)
  c_i = lax.broadcasted_iota(_i32, (CAND, CAND), 1)
  le = jnp.where(r_i <= c_i, 1.0, 0.0).astype(_f32)
  pos = jnp.dot(keptf, le, preferred_element_type=_f32,
                precision=lax.Precision.HIGHEST)

  o_i = lax.broadcasted_iota(_i32, (256, CAND), 0).astype(_f32)
  oh = jnp.where((pos - 1.0 == o_i) & (keptf > 0.0), 1.0, 0.0)
  data = bx_ref[:, 0:8]
  data = jnp.where(data == _f32(NEG_INF), 0.0, data)
  out_ref[...] = jnp.dot(oh, data, preferred_element_type=_f32,
                         precision=lax.Precision.HIGHEST)


@jax.jit
def kernel(boxes, scores):
  scores_p = jnp.concatenate([scores, jnp.zeros((NPAD - N,), _f32)])
  sbits = jax.lax.bitcast_convert_type(scores_p, _i32)
  boxes16 = (jnp.zeros((NPAD, 16), _f32)
             .at[:N, :4].set(boxes)
             .at[:NPAD, 4].set(scores_p))

  osc, obx, obt = _make_sc_kernel()(sbits, boxes16)
  sc_row = osc.reshape(1, CAND)

  out = pl.pallas_call(
      _tc_body,
      out_shape=jax.ShapeDtypeStruct((256, 8), _f32),
      scratch_shapes=[pltpu.VMEM((CAND, CAND), _f32)],
  )(sc_row, obx, obt)
  return out[:DET, :5]

# --- scband reference (transcript-rebuilt; emitter-appended) ---
"""Pipeline reference for scband-modified-ssdlite-mobile-vi-t-31980326486529 (READ-ONLY COPY).

The authoritative reference and input builder live on the scoring server;
editing this copy changes nothing except your own understanding.
"""

import jax, jax.numpy as jnp
import numpy as np

N = 20000
TOPK = 400
DET = 200
SCORE_THRESH = 0.01
NMS_THRESH = 0.5
IMG = 512.0


def setup_inputs(seed: int = 0) -> dict:
    key = jax.random.key(seed)
    k1, k2, k3 = jax.random.split(key, 3)
    # valid xyxy boxes inside a 512x512 image (matches fixed_size=(512,512))
    cxcy = jax.random.uniform(k1, (N, 2), minval=0.0, maxval=IMG)
    wh = jax.random.uniform(k2, (N, 2), minval=4.0, maxval=128.0)
    x1y1 = jnp.clip(cxcy - wh / 2.0, 0.0, IMG)
    x2y2 = jnp.clip(cxcy + wh / 2.0, 0.0, IMG)
    boxes = jnp.concatenate([x1y1, x2y2], axis=1).astype(jnp.float32)
    scores = jax.random.uniform(k3, (N,), dtype=jnp.float32)
    return {"boxes": boxes, "scores": scores}


def _box_iou(a, b):
    area_a = (a[:, 2] - a[:, 0]) * (a[:, 3] - a[:, 1])
    area_b = (b[:, 2] - b[:, 0]) * (b[:, 3] - b[:, 1])
    lt = jnp.maximum(a[:, None, :2], b[None, :, :2])
    rb = jnp.minimum(a[:, None, 2:], b[None, :, 2:])
    wh = jnp.clip(rb - lt, 0.0)
    inter = wh[..., 0] * wh[..., 1]
    return inter / (area_a[:, None] + area_b[None, :] - inter + 1e-9)


def reference(boxes, scores):
    # SSD postprocess: score threshold -> topk candidates -> greedy NMS -> detections_per_img
    s = jnp.where(scores > SCORE_THRESH, scores, -jnp.inf)
    top_s, top_idx = jax.lax.top_k(s, TOPK)
    top_b = jnp.take(boxes, top_idx, axis=0)
    iou = jax.lax.stop_gradient(_box_iou(top_b, top_b))
    ar = jnp.arange(TOPK)

    def body(i, keep):
        suppress = (iou[i] > NMS_THRESH) & keep[i] & (ar > i)
        return keep & (~suppress)

    keep = jax.lax.fori_loop(0, TOPK, body, jnp.ones((TOPK,), dtype=bool))
    kept_s = jnp.where(keep & jnp.isfinite(top_s), top_s, -jnp.inf)
    final_s, fidx = jax.lax.top_k(kept_s, DET)
    final_b = jnp.take(top_b, fidx, axis=0)
    valid = jnp.isfinite(final_s)
    final_s = jnp.where(valid, final_s, 0.0)
    final_b = jnp.where(valid[:, None], final_b, 0.0)
    return jnp.concatenate([final_b, final_s[:, None]], axis=1)

if __name__ == "__main__":
    import jax
    _d = setup_inputs()
    print(jax.jit(kernel)(*tuple(_d.values())))

</pallas_src>

<mosaic_0001>
#map = affine_map<(d0, d1) -> (0)>
#map1 = affine_map<(d0, d1) -> (0, 0)>
module attributes {stable_mosaic.version = 14 : i64} {
  func.func @_sc_body(%arg0: i32, %arg1: i32, %arg2: memref<20480xi32, #tpu.memory_space<hbm>>, %arg3: memref<20480x16xf32, #tpu.memory_space<hbm>>, %arg4: memref<16x32xf32, #tpu.memory_space<hbm>>, %arg5: memref<512x16xf32, #tpu.memory_space<hbm>>, %arg6: memref<4x512xf32, #tpu.memory_space<hbm>>, %arg7: memref<1280xi32, #tpu.memory_space<vmem>>, %arg8: memref<16x16xi32, #tpu.memory_space<vmem>>, %arg9: memref<16xi32, #tpu.memory_space<vmem>>, %arg10: memref<16x16xi32, #tpu.memory_space<vmem>>, %arg11: memref<448xi32, #tpu.memory_space<vmem>>, %arg12: memref<448xi32, #tpu.memory_space<vmem>>, %arg13: memref<528xi32, #tpu.memory_space<vmem>>, %arg14: memref<528xi32, #tpu.memory_space<vmem>>, %arg15: memref<32x16xi32, #tpu.memory_space<vmem>>, %arg16: memref<32xi32, #tpu.memory_space<vmem>>, %arg17: memref<32x16xi32, #tpu.memory_space<vmem>>, %arg18: memref<32xi32, #tpu.memory_space<vmem>>, %arg19: memref<32xf32, #tpu.memory_space<vmem>>, %arg20: memref<32x16xf32, #tpu.memory_space<vmem>>, %arg21: memref<128xf32, #tpu.memory_space<vmem>>, %arg22: memref<64x16xi32, #tpu.memory_space<vmem_shared>>, %arg23: memref<16x16xi32, #tpu.memory_space<vmem_shared>>, %arg24: memref<576xi32, #tpu.memory_space<vmem_shared>>, %arg25: memref<576xi32, #tpu.memory_space<vmem_shared>>, %arg26: memref<560x16xi32, #tpu.memory_space<vmem_shared>>, %arg27: memref<!tpu.dma_semaphore, #tpu.memory_space<semaphore_mem>>) attributes {dimension_semantics = [#tpu.dimension_semantics<core_parallel>, #tpu.dimension_semantics<subcore_parallel>], iteration_bounds = array<i64: 2, 16>, scalar_prefetch = 0 : i64, scratch_operands = 21 : i64, tpu.core_type = #tpu.core_type<sc_vector_subcore>, window_params = [{transform_indices = #map}, {transform_indices = #map1}, {transform_indices = #map1}, {transform_indices = #map1}, {transform_indices = #map1}]} {
    %mul3A = arith.constant 1280 : i32
    %mul3A_0 = arith.muli %arg1, %mul3A : i32
    %broadcast_in_dim3A = arith.constant 1 : i32
    %broadcast_in_dim3A_1 = vector.broadcast %broadcast_in_dim3A : i32 to vector<16xi32>
    %broadcast_in_dim3A_2 = arith.constant 0 : i32
    %broadcast_in_dim3A_3 = vector.broadcast %broadcast_in_dim3A_2 : i32 to vector<16xi32>
    %iota3A = tpu.iota {dimensions = array<i32: 0>} : vector<16xi32>
    "tpu.region"() ({
      %run_scoped3A_3868 = tpu.sem_alloc : memref<!tpu.dma_semaphore, #tpu.memory_space<semaphore_mem>>
      %dma_start3A_3869 = tpu.memref_slice %arg2[%mul3A_0] : memref<20480xi32, #tpu.memory_space<hbm>> -> memref<1280xi32, #tpu.memory_space<hbm>>
      %dma_start3A_3870 = tpu.memref_slice %arg2[%mul3A_0] : memref<20480xi32, #tpu.memory_space<hbm>> -> memref<1280xi32, #tpu.memory_space<hbm>>
      tpu.enqueue_dma source(%dma_start3A_3870 : memref<1280xi32, #tpu.memory_space<hbm>>) target(%arg7 : memref<1280xi32, #tpu.memory_space<vmem>>) target_semaphore(%run_scoped3A_3868 : memref<!tpu.dma_semaphore, #tpu.memory_space<semaphore_mem>>)
      %dma_wait3A_3871 = tpu.memref_slice %arg2[%mul3A_0] : memref<20480xi32, #tpu.memory_space<hbm>> -> memref<1280xi32, #tpu.memory_space<hbm>>
      %dma_wait3A_3872 = tpu.memref_slice %arg2[%mul3A_0] : memref<20480xi32, #tpu.memory_space<hbm>> -> memref<1280xi32, #tpu.memory_space<hbm>>
      tpu.wait_dma2 semaphore(%run_scoped3A_3868 : memref<!tpu.dma_semaphore, #tpu.memory_space<semaphore_mem>>) src(%dma_wait3A_3872 : memref<1280xi32, #tpu.memory_space<hbm>>) dst(%arg7 : memref<1280xi32, #tpu.memory_space<vmem>>)
      tpu.yield
    }) : () -> ()
    %swap3A = arith.constant 0 : i32
    %swap3A_4 = arith.index_cast %swap3A : i32 to index
    %swap3A_5 = arith.constant 0 : index
    %swap3A_6 = tpu.vector_load %arg8[%swap3A_4, %swap3A_5] {strides = array<i32>} : memref<16x16xi32, #tpu.memory_space<vmem>>, vector<16xi32>,
    tpu.vector_store %arg8[%swap3A_4, %swap3A_5], %broadcast_in_dim3A_3 {strides = array<i32>} : memref<16x16xi32, #tpu.memory_space<vmem>>, vector<16xi32>,
    %swap3A_7 = arith.constant 1 : i32
    %swap3A_8 = arith.index_cast %swap3A_7 : i32 to index
    %swap3A_9 = arith.constant 0 : index
    %swap3A_10 = tpu.vector_load %arg8[%swap3A_8, %swap3A_9] {strides = array<i32>} : memref<16x16xi32, #tpu.memory_space<vmem>>, vector<16xi32>,
    tpu.vector_store %arg8[%swap3A_8, %swap3A_9], %broadcast_in_dim3A_3 {strides = array<i32>} : memref<16x16xi32, #tpu.memory_space<vmem>>, vector<16xi32>,
    %swap3A_11 = arith.constant 2 : i32
    %swap3A_12 = arith.index_cast %swap3A_11 : i32 to index
    %swap3A_13 = arith.constant 0 : index
    %swap3A_14 = tpu.vector_load %arg8[%swap3A_12, %swap3A_13] {strides = array<i32>} : memref<16x16xi32, #tpu.memory_space<vmem>>, vector<16xi32>,
    tpu.vector_store %arg8[%swap3A_12, %swap3A_13], %broadcast_in_dim3A_3 {strides = array<i32>} : memref<16x16xi32, #tpu.memory_space<vmem>>, vector<16xi32>,
    %swap3A_15 = arith.constant 3 : i32
    %swap3A_16 = arith.index_cast %swap3A_15 : i32 to index
    %swap3A_17 = arith.constant 0 : index
    %swap3A_18 = tpu.vector_load %arg8[%swap3A_16, %swap3A_17] {strides = array<i32>} : memref<16x16xi32, #tpu.memory_space<vmem>>, vector<16xi32>,
    tpu.vector_store %arg8[%swap3A_16, %swap3A_17], %broadcast_in_dim3A_3 {strides = array<i32>} : memref<16x16xi32, #tpu.memory_space<vmem>>, vector<16xi32>,
    %swap3A_19 = arith.constant 4 : i32
    %swap3A_20 = arith.index_cast %swap3A_19 : i32 to index
    %swap3A_21 = arith.constant 0 : index
    %swap3A_22 = tpu.vector_load %arg8[%swap3A_20, %swap3A_21] {strides = array<i32>} : memref<16x16xi32, #tpu.memory_space<vmem>>, vector<16xi32>,
    tpu.vector_store %arg8[%swap3A_20, %swap3A_21], %broadcast_in_dim3A_3 {strides = array<i32>} : memref<16x16xi32, #tpu.memory_space<vmem>>, vector<16xi32>,
    %swap3A_23 = arith.constant 5 : i32
    %swap3A_24 = arith.index_cast %swap3A_23 : i32 to index
    %swap3A_25 = arith.constant 0 : index
    %swap3A_26 = tpu.vector_load %arg8[%swap3A_24, %swap3A_25] {strides = array<i32>} : memref<16x16xi32, #tpu.memory_space<vmem>>, vector<16xi32>,
    tpu.vector_store %arg8[%swap3A_24, %swap3A_25], %broadcast_in_dim3A_3 {strides = array<i32>} : memref<16x16xi32, #tpu.memory_space<vmem>>, vector<16xi32>,
    %swap3A_27 = arith.constant 6 : i32
    %swap3A_28 = arith.index_cast %swap3A_27 : i32 to index
    %swap3A_29 = arith.constant 0 : index
    %swap3A_30 = tpu.vector_load %arg8[%swap3A_28, %swap3A_29] {strides = array<i32>} : memref<16x16xi32, #tpu.memory_space<vmem>>, vector<16xi32>,
    tpu.vector_store %arg8[%swap3A_28, %swap3A_29], %broadcast_in_dim3A_3 {strides = array<i32>} : memref<16x16xi32, #tpu.memory_space<vmem>>, vector<16xi32>,
    %swap3A_31 = arith.constant 7 : i32
    %swap3A_32 = arith.index_cast %swap3A_31 : i32 to index
    %swap3A_33 = arith.constant 0 : index
    %swap3A_34 = tpu.vector_load %arg8[%swap3A_32, %swap3A_33] {strides = array<i32>} : memref<16x16xi32, #tpu.memory_space<vmem>>, vector<16xi32>,
    tpu.vector_store %arg8[%swap3A_32, %swap3A_33], %broadcast_in_dim3A_3 {strides = array<i32>} : memref<16x16xi32, #tpu.memory_space<vmem>>, vector<16xi32>,
    %swap3A_35 = arith.constant 8 : i32
    %swap3A_36 = arith.index_cast %swap3A_35 : i32 to index
    %swap3A_37 = arith.constant 0 : index
    %swap3A_38 = tpu.vector_load %arg8[%swap3A_36, %swap3A_37] {strides = array<i32>} : memref<16x16xi32, #tpu.memory_space<vmem>>, vector<16xi32>,
    tpu.vector_store %arg8[%swap3A_36, %swap3A_37], %broadcast_in_dim3A_3 {strides = array<i32>} : memref<16x16xi32, #tpu.memory_space<vmem>>, vector<16xi32>,
    %swap3A_39 = arith.constant 9 : i32
    %swap3A_40 = arith.index_cast %swap3A_39 : i32 to index
    %swap3A_41 = arith.constant 0 : index
    %swap3A_42 = tpu.vector_load %arg8[%swap3A_40, %swap3A_41] {strides = array<i32>} : memref<16x16xi32, #tpu.memory_space<vmem>>, vector<16xi32>,
    tpu.vector_store %arg8[%swap3A_40, %swap3A_41], %broadcast_in_dim3A_3 {strides = array<i32>} : memref<16x16xi32, #tpu.memory_space<vmem>>, vector<16xi32>,
    %swap3A_43 = arith.constant 10 : i32
    %swap3A_44 = arith.index_cast %swap3A_43 : i32 to index
    %swap3A_45 = arith.constant 0 : index
    %swap3A_46 = tpu.vector_load %arg8[%swap3A_44, %swap3A_45] {strides = array<i32>} : memref<16x16xi32, #tpu.memory_space<vmem>>, vector<16xi32>,
    tpu.vector_store %arg8[%swap3A_44, %swap3A_45], %broadcast_in_dim3A_3 {strides = array<i32>} : memref<16x16xi32, #tpu.memory_space<vmem>>, vector<16xi32>,
    %swap3A_47 = arith.constant 11 : i32
    %swap3A_48 = arith.index_cast %swap3A_47 : i32 to index
    %swap3A_49 = arith.constant 0 : index
    %swap3A_50 = tpu.vector_load %arg8[%swap3A_48, %swap3A_49] {strides = array<i32>} : memref<16x16xi32, #tpu.memory_space<vmem>>, vector<16xi32>,
    tpu.vector_store %arg8[%swap3A_48, %swap3A_49], %broadcast_in_dim3A_3 {strides = array<i32>} : memref<16x16xi32, #tpu.memory_space<vmem>>, vector<16xi32>,
    %swap3A_51 = arith.constant 12 : i32
    %swap3A_52 = arith.index_cast %swap3A_51 : i32 to index
    %swap3A_53 = arith.constant 0 : index
    %swap3A_54 = tpu.vector_load %arg8[%swap3A_52, %swap3A_53] {strides = array<i32>} : memref<16x16xi32, #tpu.memory_space<vmem>>, vector<16xi32>,
    tpu.vector_store %arg8[%swap3A_52, %swap3A_53], %broadcast_in_dim3A_3 {strides = array<i32>} : memref<16x16xi32, #tpu.memory_space<vmem>>, vector<16xi32>,
    %swap3A_55 = arith.constant 13 : i32
    %swap3A_56 = arith.index_cast %swap3A_55 : i32 to index
    %swap3A_57 = arith.constant 0 : index
    %swap3A_58 = tpu.vector_load %arg8[%swap3A_56, %swap3A_57] {strides = array<i32>} : memref<16x16xi32, #tpu.memory_space<vmem>>, vector<16xi32>,
    tpu.vector_store %arg8[%swap3A_56, %swap3A_57], %broadcast_in_dim3A_3 {strides = array<i32>} : memref<16x16xi32, #tpu.memory_space<vmem>>, vector<16xi32>,
    %swap3A_59 = arith.constant 14 : i32
    %swap3A_60 = arith.index_cast %swap3A_59 : i32 to index
    %swap3A_61 = arith.constant 0 : index
    %swap3A_62 = tpu.vector_load %arg8[%swap3A_60, %swap3A_61] {strides = array<i32>} : memref<16x16xi32, #tpu.memory_space<vmem>>, vector<16xi32>,
    tpu.vector_store %arg8[%swap3A_60, %swap3A_61], %broadcast_in_dim3A_3 {strides = array<i32>} : memref<16x16xi32, #tpu.memory_space<vmem>>, vector<16xi32>,
    %swap3A_63 = arith.constant 15 : i32
    %swap3A_64 = arith.index_cast %swap3A_63 : i32 to index
    %swap3A_65 = arith.constant 0 : index
    %swap3A_66 = tpu.vector_load %arg8[%swap3A_64, %swap3A_65] {strides = array<i32>} : memref<16x16xi32, #tpu.memory_space<vmem>>, vector<16xi32>,
    tpu.vector_store %arg8[%swap3A_64, %swap3A_65], %broadcast_in_dim3A_3 {strides = array<i32>} : memref<16x16xi32, #tpu.memory_space<vmem>>, vector<16xi32>,
    %mul3A_67 = arith.constant 4 : i32
    %mul3A_68 = arith.muli %mul3A_67, %arg1 : i32
    "tpu.region"() ({
      %run_scoped3A_3868 = tpu.sem_alloc : memref<!tpu.dma_semaphore, #tpu.memory_space<semaphore_mem>>
      %dma_start3A_3869 = arith.constant 0 : i32
      %dma_start3A_3870 = arith.constant 0 : i32
      %dma_start3A_3871 = tpu.memref_slice %arg8[%dma_start3A_3869, %dma_start3A_3870] : memref<16x16xi32, #tpu.memory_space<vmem>> -> memref<4x16xi32, #tpu.memory_space<vmem>>
      %dma_start3A_3872 = arith.constant 0 : i32
      %dma_start3A_3873 = tpu.memref_slice %arg22[%mul3A_68, %dma_start3A_3872] : memref<64x16xi32, #tpu.memory_space<vmem_shared>> -> memref<4x16xi32, #tpu.memory_space<vmem_shared>>
      %dma_start3A_3874 = arith.constant 0 : i32
      %dma_start3A_3875 = tpu.memref_slice %arg22[%mul3A_68, %dma_start3A_3874] : memref<64x16xi32, #tpu.memory_space<vmem_shared>> -> memref<4x16xi32, #tpu.memory_space<vmem_shared>>
      %dma_start3A_3876 = arith.constant 0 : i32
      %dma_start3A_3877 = arith.constant 0 : i32
      %dma_start3A_3878 = tpu.memref_slice %arg8[%dma_start3A_3876, %dma_start3A_3877] : memref<16x16xi32, #tpu.memory_space<vmem>> -> memref<4x16xi32, #tpu.memory_space<vmem>>
      tpu.enqueue_dma source(%dma_start3A_3878 : memref<4x16xi32, #tpu.memory_space<vmem>>) target(%dma_start3A_3875 : memref<4x16xi32, #tpu.memory_space<vmem_shared>>) target_semaphore(%run_scoped3A_3868 : memref<!tpu.dma_semaphore, #tpu.memory_space<semaphore_mem>>)
      %dma_wait3A_3879 = arith.constant 0 : i32
      %dma_wait3A_3880 = arith.constant 0 : i32
      %dma_wait3A_3881 = tpu.memref_slice %arg8[%dma_wait3A_3879, %dma_wait3A_3880] : memref<16x16xi32, #tpu.memory_space<vmem>> -> memref<4x16xi32, #tpu.memory_space<vmem>>
      %dma_wait3A_3882 = arith.constant 0 : i32
      %dma_wait3A_3883 = tpu.memref_slice %arg22[%mul3A_68, %dma_wait3A_3882] : memref<64x16xi32, #tpu.memory_space<vmem_shared>> -> memref<4x16xi32, #tpu.memory_space<vmem_shared>>
      %dma_wait3A_3884 = arith.constant 0 : i32
      %dma_wait3A_3885 = tpu.memref_slice %arg22[%mul3A_68, %dma_wait3A_3884] : memref<64x16xi32, #tpu.memory_space<vmem_shared>> -> memref<4x16xi32, #tpu.memory_space<vmem_shared>>
      %dma_wait3A_3886 = arith.constant 0 : i32
      %dma_wait3A_3887 = arith.constant 0 : i32
      %dma_wait3A_3888 = tpu.memref_slice %arg8[%dma_wait3A_3886, %dma_wait3A_3887] : memref<16x16xi32, #tpu.memory_space<vmem>> -> memref<4x16xi32, #tpu.memory_space<vmem>>
      tpu.wait_dma2 semaphore(%run_scoped3A_3868 : memref<!tpu.dma_semaphore, #tpu.memory_space<semaphore_mem>>) src(%dma_wait3A_3888 : memref<4x16xi32, #tpu.memory_space<vmem>>) dst(%dma_wait3A_3885 : memref<4x16xi32, #tpu.memory_space<vmem_shared>>)
      tpu.yield
    }) : () -> ()
    %barrier3A = arith.constant 0 : index
    tpu.barrier barrier_id(%barrier3A)
    %swap3A_69 = arith.constant 0 : i32
    %swap3A_70 = arith.index_cast %swap3A_69 : i32 to index
    %swap3A_71 = arith.constant 0 : index
    %swap3A_72 = tpu.vector_load %arg8[%swap3A_70, %swap3A_71] {strides = array<i32>} : memref<16x16xi32, #tpu.memory_space<vmem>>, vector<16xi32>,
    tpu.vector_store %arg8[%swap3A_70, %swap3A_71], %broadcast_in_dim3A_3 {strides = array<i32>} : memref<16x16xi32, #tpu.memory_space<vmem>>, vector<16xi32>,
    %swap3A_73 = arith.constant 1 : i32
    %swap3A_74 = arith.index_cast %swap3A_73 : i32 to index
    %swap3A_75 = arith.constant 0 : index
    %swap3A_76 = tpu.vector_load %arg8[%swap3A_74, %swap3A_75] {strides = array<i32>} : memref<16x16xi32, #tpu.memory_space<vmem>>, vector<16xi32>,
    tpu.vector_store %arg8[%swap3A_74, %swap3A_75], %broadcast_in_dim3A_3 {strides = array<i32>} : memref<16x16xi32, #tpu.memory_space<vmem>>, vector<16xi32>,
    %swap3A_77 = arith.constant 2 : i32
    %swap3A_78 = arith.index_cast %swap3A_77 : i32 to index
    %swap3A_79 = arith.constant 0 : index
    %swap3A_80 = tpu.vector_load %arg8[%swap3A_78, %swap3A_79] {strides = array<i32>} : memref<16x16xi32, #tpu.memory_space<vmem>>, vector<16xi32>,
    tpu.vector_store %arg8[%swap3A_78, %swap3A_79], %broadcast_in_dim3A_3 {strides = array<i32>} : memref<16x16xi32, #tpu.memory_space<vmem>>, vector<16xi32>,
    %swap3A_81 = arith.constant 3 : i32
    %swap3A_82 = arith.index_cast %swap3A_81 : i32 to index
    %swap3A_83 = arith.constant 0 : index
    %swap3A_84 = tpu.vector_load %arg8[%swap3A_82, %swap3A_83] {strides = array<i32>} : memref<16x16xi32, #tpu.memory_space<vmem>>, vector<16xi32>,
    tpu.vector_store %arg8[%swap3A_82, %swap3A_83], %broadcast_in_dim3A_3 {strides = array<i32>} : memref<16x16xi32, #tpu.memory_space<vmem>>, vector<16xi32>,
    %swap3A_85 = arith.constant 4 : i32
    %swap3A_86 = arith.index_cast %swap3A_85 : i32 to index
    %swap3A_87 = arith.constant 0 : index
    %swap3A_88 = tpu.vector_load %arg8[%swap3A_86, %swap3A_87] {strides = array<i32>} : memref<16x16xi32, #tpu.memory_space<vmem>>, vector<16xi32>,
    tpu.vector_store %arg8[%swap3A_86, %swap3A_87], %broadcast_in_dim3A_3 {strides = array<i32>} : memref<16x16xi32, #tpu.memory_space<vmem>>, vector<16xi32>,
    %swap3A_89 = arith.constant 5 : i32
    %swap3A_90 = arith.index_cast %swap3A_89 : i32 to index
    %swap3A_91 = arith.constant 0 : index
    %swap3A_92 = tpu.vector_load %arg8[%swap3A_90, %swap3A_91] {strides = array<i32>} : memref<16x16xi32, #tpu.memory_space<vmem>>, vector<16xi32>,
    tpu.vector_store %arg8[%swap3A_90, %swap3A_91], %broadcast_in_dim3A_3 {strides = array<i32>} : memref<16x16xi32, #tpu.memory_space<vmem>>, vector<16xi32>,
    %swap3A_93 = arith.constant 6 : i32
    %swap3A_94 = arith.index_cast %swap3A_93 : i32 to index
    %swap3A_95 = arith.constant 0 : index
    %swap3A_96 = tpu.vector_load %arg8[%swap3A_94, %swap3A_95] {strides = array<i32>} : memref<16x16xi32, #tpu.memory_space<vmem>>, vector<16xi32>,
    tpu.vector_store %arg8[%swap3A_94, %swap3A_95], %broadcast_in_dim3A_3 {strides = array<i32>} : memref<16x16xi32, #tpu.memory_space<vmem>>, vector<16xi32>,
    %swap3A_97 = arith.constant 7 : i32
    %swap3A_98 = arith.index_cast %swap3A_97 : i32 to index
    %swap3A_99 = arith.constant 0 : index
    %swap3A_100 = tpu.vector_load %arg8[%swap3A_98, %swap3A_99] {strides = array<i32>} : memref<16x16xi32, #tpu.memory_space<vmem>>, vector<16xi32>,
    tpu.vector_store %arg8[%swap3A_98, %swap3A_99], %broadcast_in_dim3A_3 {strides = array<i32>} : memref<16x16xi32, #tpu.memory_space<vmem>>, vector<16xi32>,
    %swap3A_101 = arith.constant 8 : i32
    %swap3A_102 = arith.index_cast %swap3A_101 : i32 to index
    %swap3A_103 = arith.constant 0 : index
    %swap3A_104 = tpu.vector_load %arg8[%swap3A_102, %swap3A_103] {strides = array<i32>} : memref<16x16xi32, #tpu.memory_space<vmem>>, vector<16xi32>,
    tpu.vector_store %arg8[%swap3A_102, %swap3A_103], %broadcast_in_dim3A_3 {strides = array<i32>} : memref<16x16xi32, #tpu.memory_space<vmem>>, vector<16xi32>,
    %swap3A_105 = arith.constant 9 : i32
    %swap3A_106 = arith.index_cast %swap3A_105 : i32 to index
    %swap3A_107 = arith.constant 0 : index
    %swap3A_108 = tpu.vector_load %arg8[%swap3A_106, %swap3A_107] {strides = array<i32>} : memref<16x16xi32, #tpu.memory_space<vmem>>, vector<16xi32>,
    tpu.vector_store %arg8[%swap3A_106, %swap3A_107], %broadcast_in_dim3A_3 {strides = array<i32>} : memref<16x16xi32, #tpu.memory_space<vmem>>, vector<16xi32>,
    %swap3A_109 = arith.constant 10 : i32
    %swap3A_110 = arith.index_cast %swap3A_109 : i32 to index
    %swap3A_111 = arith.constant 0 : index
    %swap3A_112 = tpu.vector_load %arg8[%swap3A_110, %swap3A_111] {strides = array<i32>} : memref<16x16xi32, #tpu.memory_space<vmem>>, vector<16xi32>,
    tpu.vector_store %arg8[%swap3A_110, %swap3A_111], %broadcast_in_dim3A_3 {strides = array<i32>} : memref<16x16xi32, #tpu.memory_space<vmem>>, vector<16xi32>,
    %swap3A_113 = arith.constant 11 : i32
    %swap3A_114 = arith.index_cast %swap3A_113 : i32 to index
    %swap3A_115 = arith.constant 0 : index
    %swap3A_116 = tpu.vector_load %arg8[%swap3A_114, %swap3A_115] {strides = array<i32>} : memref<16x16xi32, #tpu.memory_space<vmem>>, vector<16xi32>,
    tpu.vector_store %arg8[%swap3A_114, %swap3A_115], %broadcast_in_dim3A_3 {strides = array<i32>} : memref<16x16xi32, #tpu.memory_space<vmem>>, vector<16xi32>,
    %swap3A_117 = arith.constant 12 : i32
    %swap3A_118 = arith.index_cast %swap3A_117 : i32 to index
    %swap3A_119 = arith.constant 0 : index
    %swap3A_120 = tpu.vector_load %arg8[%swap3A_118, %swap3A_119] {strides = array<i32>} : memref<16x16xi32, #tpu.memory_space<vmem>>, vector<16xi32>,
    tpu.vector_store %arg8[%swap3A_118, %swap3A_119], %broadcast_in_dim3A_3 {strides = array<i32>} : memref<16x16xi32, #tpu.memory_space<vmem>>, vector<16xi32>,
    %swap3A_121 = arith.constant 13 : i32
    %swap3A_122 = arith.index_cast %swap3A_121 : i32 to index
    %swap3A_123 = arith.constant 0 : index
    %swap3A_124 = tpu.vector_load %arg8[%swap3A_122, %swap3A_123] {strides = array<i32>} : memref<16x16xi32, #tpu.memory_space<vmem>>, vector<16xi32>,
    tpu.vector_store %arg8[%swap3A_122, %swap3A_123], %broadcast_in_dim3A_3 {strides = array<i32>} : memref<16x16xi32, #tpu.memory_space<vmem>>, vector<16xi32>,
    %swap3A_125 = arith.constant 14 : i32
    %swap3A_126 = arith.index_cast %swap3A_125 : i32 to index
    %swap3A_127 = arith.constant 0 : index
    %swap3A_128 = tpu.vector_load %arg8[%swap3A_126, %swap3A_127] {strides = array<i32>} : memref<16x16xi32, #tpu.memory_space<vmem>>, vector<16xi32>,
    tpu.vector_store %arg8[%swap3A_126, %swap3A_127], %broadcast_in_dim3A_3 {strides = array<i32>} : memref<16x16xi32, #tpu.memory_space<vmem>>, vector<16xi32>,
    %swap3A_129 = arith.constant 15 : i32
    %swap3A_130 = arith.index_cast %swap3A_129 : i32 to index
    %swap3A_131 = arith.constant 0 : index
    %swap3A_132 = tpu.vector_load %arg8[%swap3A_130, %swap3A_131] {strides = array<i32>} : memref<16x16xi32, #tpu.memory_space<vmem>>, vector<16xi32>,
    tpu.vector_store %arg8[%swap3A_130, %swap3A_131], %broadcast_in_dim3A_3 {strides = array<i32>} : memref<16x16xi32, #tpu.memory_space<vmem>>, vector<16xi32>,
    %scan3A = arith.constant 1008981770 : i32
    %scan3A_133 = arith.constant 0 : i32
    %scan3A_134 = arith.constant 0 : i32
    %scan3A_135 = arith.constant 80 : i32
    %scan3A_136 = arith.addi %scan3A_134, %scan3A_135 : i32
    %scan3A_137 = arith.constant 1 : i32
    %scan3A_138 = scf.for %scan3A_3868 = %scan3A_134 to %scan3A_136 step %scan3A_137 iter_args(%scan3A_3869 = %scan3A_133) -> (i32)  : i32 {
      %mul3A_3870 = arith.constant 16 : i32
      %mul3A_3871 = arith.muli %scan3A_3868, %mul3A_3870 : i32
      %get3A_3872 = arith.index_cast %mul3A_3871 : i32 to index
      %get3A_3873 = tpu.vector_load %arg7[%get3A_3872] {strides = array<i32>} : memref<1280xi32, #tpu.memory_space<vmem>>, vector<16xi32>,
      %gt3A = vector.broadcast %scan3A : i32 to vector<16xi32>
      %gt3A_3874 = arith.cmpi sgt, %get3A_3873, %gt3A : vector<16xi32>
      %shift_right_arithmetic3A_3875 = arith.constant 24 : i32
      %shift_right_arithmetic3A_3876 = vector.broadcast %shift_right_arithmetic3A_3875 : i32 to vector<16xi32>
      %shift_right_arithmetic3A_3877 = arith.shrsi %get3A_3873, %shift_right_arithmetic3A_3876 : vector<16xi32>
      %and3A_3878 = arith.constant 255 : i32
      %and3A_3879 = vector.broadcast %and3A_3878 : i32 to vector<16xi32>
      %and3A_3880 = arith.andi %shift_right_arithmetic3A_3877, %and3A_3879 : vector<16xi32>
      %shift_right_arithmetic3A_3881 = arith.constant 4 : i32
      %shift_right_arithmetic3A_3882 = vector.broadcast %shift_right_arithmetic3A_3881 : i32 to vector<16xi32>
      %shift_right_arithmetic3A_3883 = arith.shrsi %and3A_3880, %shift_right_arithmetic3A_3882 : vector<16xi32>
      %and3A_3884 = arith.constant 15 : i32
      %and3A_3885 = vector.broadcast %and3A_3884 : i32 to vector<16xi32>
      %and3A_3886 = arith.andi %and3A_3880, %and3A_3885 : vector<16xi32>
      tpu.vector_store_idx %arg8[%shift_right_arithmetic3A_3883, %and3A_3886], %broadcast_in_dim3A_1 masked %gt3A_3874 {add = true} : memref<16x16xi32, #tpu.memory_space<vmem>>[vector<16xi32>, vector<16xi32>], vector<16xi32>, vector<16xi1>
      %scan3A_3887 = arith.constant 0 : i32
      scf.yield %scan3A_3887 : i32
    }
    %scan3A_139 = arith.constant 80 : i32
    %add3A = arith.constant 0 : i32
    %add3A_140 = vector.broadcast %add3A : i32 to vector<16xi32>
    %add3A_141 = arith.addi %iota3A, %add3A_140 : vector<16xi32>
    %swap3A_142 = arith.constant 0 : index
    %swap3A_143 = tpu.vector_load %arg9[%swap3A_142] {strides = array<i32>} : memref<16xi32, #tpu.memory_space<vmem>>, vector<16xi32>,
    tpu.vector_store %arg9[%swap3A_142], %add3A_141 {strides = array<i32>} : memref<16xi32, #tpu.memory_space<vmem>>, vector<16xi32>,
    "tpu.region"() ({
      %run_scoped3A_3868 = tpu.sem_alloc : memref<!tpu.dma_semaphore, #tpu.memory_space<semaphore_mem>>
      %dma_start3A_3869 = arith.constant 0 : i32
      %dma_start3A_3870 = arith.constant 0 : i32
      %dma_start3A_3871 = tpu.memref_slice %arg22[%dma_start3A_3869, %dma_start3A_3870] : memref<64x16xi32, #tpu.memory_space<vmem_shared>> -> memref<64x16xi32, #tpu.memory_space<vmem_shared>>
      tpu.enqueue_indirect_dma source(%arg8 : memref<16x16xi32, #tpu.memory_space<vmem>>) target(%dma_start3A_3871 : memref<64x16xi32, #tpu.memory_space<vmem_shared>>) offsets(%arg9 : memref<16xi32, #tpu.memory_space<vmem>>) semaphore(%run_scoped3A_3868 : memref<!tpu.dma_semaphore, #tpu.memory_space<semaphore_mem>>) {add = true}
      %dma_wait3A_3872 = arith.constant 0 : i32
      %dma_wait3A_3873 = arith.constant 0 : i32
      %dma_wait3A_3874 = tpu.memref_slice %arg22[%dma_wait3A_3872, %dma_wait3A_3873] : memref<64x16xi32, #tpu.memory_space<vmem_shared>> -> memref<64x16xi32, #tpu.memory_space<vmem_shared>>
      tpu.wait_indirect_dma semaphore(%run_scoped3A_3868 : memref<!tpu.dma_semaphore, #tpu.memory_space<semaphore_mem>>) src(%arg8 : memref<16x16xi32, #tpu.memory_space<vmem>>) dst(%dma_wait3A_3874 : memref<64x16xi32, #tpu.memory_space<vmem_shared>>)
      tpu.yield
    }) : () -> ()
    %barrier3A_144 = arith.constant 0 : index
    tpu.barrier barrier_id(%barrier3A_144)
    "tpu.region"() ({
      %run_scoped3A_3868 = tpu.sem_alloc : memref<!tpu.dma_semaphore, #tpu.memory_space<semaphore_mem>>
      %dma_start3A_3869 = arith.constant 0 : i32
      %dma_start3A_3870 = arith.constant 0 : i32
      %dma_start3A_3871 = tpu.memref_slice %arg22[%dma_start3A_3869, %dma_start3A_3870] : memref<64x16xi32, #tpu.memory_space<vmem_shared>> -> memref<16x16xi32, #tpu.memory_space<vmem_shared>>
      %dma_start3A_3872 = arith.constant 0 : i32
      %dma_start3A_3873 = arith.constant 0 : i32
      %dma_start3A_3874 = tpu.memref_slice %arg22[%dma_start3A_3872, %dma_start3A_3873] : memref<64x16xi32, #tpu.memory_space<vmem_shared>> -> memref<16x16xi32, #tpu.memory_space<vmem_shared>>
      tpu.enqueue_dma source(%dma_start3A_3874 : memref<16x16xi32, #tpu.memory_space<vmem_shared>>) target(%arg10 : memref<16x16xi32, #tpu.memory_space<vmem>>) target_semaphore(%run_scoped3A_3868 : memref<!tpu.dma_semaphore, #tpu.memory_space<semaphore_mem>>)
      %dma_wait3A_3875 = arith.constant 0 : i32
      %dma_wait3A_3876 = arith.constant 0 : i32
      %dma_wait3A_3877 = tpu.memref_slice %arg22[%dma_wait3A_3875, %dma_wait3A_3876] : memref<64x16xi32, #tpu.memory_space<vmem_shared>> -> memref<16x16xi32, #tpu.memory_space<vmem_shared>>
      %dma_wait3A_3878 = arith.constant 0 : i32
      %dma_wait3A_3879 = arith.constant 0 : i32
      %dma_wait3A_3880 = tpu.memref_slice %arg22[%dma_wait3A_3878, %dma_wait3A_3879] : memref<64x16xi32, #tpu.memory_space<vmem_shared>> -> memref<16x16xi32, #tpu.memory_space<vmem_shared>>
      tpu.wait_dma2 semaphore(%run_scoped3A_3868 : memref<!tpu.dma_semaphore, #tpu.memory_space<semaphore_mem>>) src(%dma_wait3A_3880 : memref<16x16xi32, #tpu.memory_space<vmem_shared>>) dst(%arg10 : memref<16x16xi32, #tpu.memory_space<vmem>>)
      tpu.yield
    }) : () -> ()
    %get3A = arith.constant 0 : i32
    %get3A_145 = arith.index_cast %get3A : i32 to index
    %get3A_146 = arith.constant 0 : index
    %get3A_147 = tpu.vector_load %arg10[%get3A_145, %get3A_146] {strides = array<i32>} : memref<16x16xi32, #tpu.memory_space<vmem>>, vector<16xi32>,
    %reduce_sum3A = arith.constant true
    %reduce_sum3A_148 = vector.broadcast %reduce_sum3A : i1 to vector<16xi1>
    %reduce_sum3A_149 = tpu.scan <sum>, %get3A_147 masked %reduce_sum3A_148 : vector<16xi32>, vector<16xi1> -> vector<16xi32>
    %reduce_sum3A_150 = vector.extract %reduce_sum3A_149[15] : i32 from vector<16xi32>
    %add3A_151 = arith.constant 0 : i32
    %add3A_152 = arith.addi %add3A_151, %reduce_sum3A_150 : i32
    %get3A_153 = arith.constant 1 : i32
    %get3A_154 = arith.index_cast %get3A_153 : i32 to index
    %get3A_155 = arith.constant 0 : index
    %get3A_156 = tpu.vector_load %arg10[%get3A_154, %get3A_155] {strides = array<i32>} : memref<16x16xi32, #tpu.memory_space<vmem>>, vector<16xi32>,
    %reduce_sum3A_157 = arith.constant true
    %reduce_sum3A_158 = vector.broadcast %reduce_sum3A_157 : i1 to vector<16xi1>
    %reduce_sum3A_159 = tpu.scan <sum>, %get3A_156 masked %reduce_sum3A_158 : vector<16xi32>, vector<16xi1> -> vector<16xi32>
    %reduce_sum3A_160 = vector.extract %reduce_sum3A_159[15] : i32 from vector<16xi32>
    %add3A_161 = arith.addi %add3A_152, %reduce_sum3A_160 : i32
    %get3A_162 = arith.constant 2 : i32
    %get3A_163 = arith.index_cast %get3A_162 : i32 to index
    %get3A_164 = arith.constant 0 : index
    %get3A_165 = tpu.vector_load %arg10[%get3A_163, %get3A_164] {strides = array<i32>} : memref<16x16xi32, #tpu.memory_space<vmem>>, vector<16xi32>,
    %reduce_sum3A_166 = arith.constant true
    %reduce_sum3A_167 = vector.broadcast %reduce_sum3A_166 : i1 to vector<16xi1>
    %reduce_sum3A_168 = tpu.scan <sum>, %get3A_165 masked %reduce_sum3A_167 : vector<16xi32>, vector<16xi1> -> vector<16xi32>
    %reduce_sum3A_169 = vector.extract %reduce_sum3A_168[15] : i32 from vector<16xi32>
    %add3A_170 = arith.addi %add3A_161, %reduce_sum3A_169 : i32
    %get3A_171 = arith.constant 3 : i32
    %get3A_172 = arith.index_cast %get3A_171 : i32 to index
    %get3A_173 = arith.constant 0 : index
    %get3A_174 = tpu.vector_load %arg10[%get3A_172, %get3A_173] {strides = array<i32>} : memref<16x16xi32, #tpu.memory_space<vmem>>, vector<16xi32>,
    %reduce_sum3A_175 = arith.constant true
    %reduce_sum3A_176 = vector.broadcast %reduce_sum3A_175 : i1 to vector<16xi1>
    %reduce_sum3A_177 = tpu.scan <sum>, %get3A_174 masked %reduce_sum3A_176 : vector<16xi32>, vector<16xi1> -> vector<16xi32>
    %reduce_sum3A_178 = vector.extract %reduce_sum3A_177[15] : i32 from vector<16xi32>
    %add3A_179 = arith.addi %add3A_170, %reduce_sum3A_178 : i32
    %get3A_180 = arith.constant 4 : i32
    %get3A_181 = arith.index_cast %get3A_180 : i32 to index
    %get3A_182 = arith.constant 0 : index
    %get3A_183 = tpu.vector_load %arg10[%get3A_181, %get3A_182] {strides = array<i32>} : memref<16x16xi32, #tpu.memory_space<vmem>>, vector<16xi32>,
    %reduce_sum3A_184 = arith.constant true
    %reduce_sum3A_185 = vector.broadcast %reduce_sum3A_184 : i1 to vector<16xi1>
    %reduce_sum3A_186 = tpu.scan <sum>, %get3A_183 masked %reduce_sum3A_185 : vector<16xi32>, vector<16xi1> -> vector<16xi32>
    %reduce_sum3A_187 = vector.extract %reduce_sum3A_186[15] : i32 from vector<16xi32>
    %add3A_188 = arith.addi %add3A_179, %reduce_sum3A_187 : i32
    %get3A_189 = arith.constant 5 : i32
    %get3A_190 = arith.index_cast %get3A_189 : i32 to index
    %get3A_191 = arith.constant 0 : index
    %get3A_192 = tpu.vector_load %arg10[%get3A_190, %get3A_191] {strides = array<i32>} : memref<16x16xi32, #tpu.memory_space<vmem>>, vector<16xi32>,
    %reduce_sum3A_193 = arith.constant true
    %reduce_sum3A_194 = vector.broadcast %reduce_sum3A_193 : i1 to vector<16xi1>
    %reduce_sum3A_195 = tpu.scan <sum>, %get3A_192 masked %reduce_sum3A_194 : vector<16xi32>, vector<16xi1> -> vector<16xi32>
    %reduce_sum3A_196 = vector.extract %reduce_sum3A_195[15] : i32 from vector<16xi32>
    %add3A_197 = arith.addi %add3A_188, %reduce_sum3A_196 : i32
    %get3A_198 = arith.constant 6 : i32
    %get3A_199 = arith.index_cast %get3A_198 : i32 to index
    %get3A_200 = arith.constant 0 : index
    %get3A_201 = tpu.vector_load %arg10[%get3A_199, %get3A_200] {strides = array<i32>} : memref<16x16xi32, #tpu.memory_space<vmem>>, vector<16xi32>,
    %reduce_sum3A_202 = arith.constant true
    %reduce_sum3A_203 = vector.broadcast %reduce_sum3A_202 : i1 to vector<16xi1>
    %reduce_sum3A_204 = tpu.scan <sum>, %get3A_201 masked %reduce_sum3A_203 : vector<16xi32>, vector<16xi1> -> vector<16xi32>
    %reduce_sum3A_205 = vector.extract %reduce_sum3A_204[15] : i32 from vector<16xi32>
    %add3A_206 = arith.addi %add3A_197, %reduce_sum3A_205 : i32
    %get3A_207 = arith.constant 7 : i32
    %get3A_208 = arith.index_cast %get3A_207 : i32 to index
    %get3A_209 = arith.constant 0 : index
    %get3A_210 = tpu.vector_load %arg10[%get3A_208, %get3A_209] {strides = array<i32>} : memref<16x16xi32, #tpu.memory_space<vmem>>, vector<16xi32>,
    %reduce_sum3A_211 = arith.constant true
    %reduce_sum3A_212 = vector.broadcast %reduce_sum3A_211 : i1 to vector<16xi1>
    %reduce_sum3A_213 = tpu.scan <sum>, %get3A_210 masked %reduce_sum3A_212 : vector<16xi32>, vector<16xi1> -> vector<16xi32>
    %reduce_sum3A_214 = vector.extract %reduce_sum3A_213[15] : i32 from vector<16xi32>
    %add3A_215 = arith.addi %add3A_206, %reduce_sum3A_214 : i32
    %get3A_216 = arith.constant 8 : i32
    %get3A_217 = arith.index_cast %get3A_216 : i32 to index
    %get3A_218 = arith.constant 0 : index
    %get3A_219 = tpu.vector_load %arg10[%get3A_217, %get3A_218] {strides = array<i32>} : memref<16x16xi32, #tpu.memory_space<vmem>>, vector<16xi32>,
    %reduce_sum3A_220 = arith.constant true
    %reduce_sum3A_221 = vector.broadcast %reduce_sum3A_220 : i1 to vector<16xi1>
    %reduce_sum3A_222 = tpu.scan <sum>, %get3A_219 masked %reduce_sum3A_221 : vector<16xi32>, vector<16xi1> -> vector<16xi32>
    %reduce_sum3A_223 = vector.extract %reduce_sum3A_222[15] : i32 from vector<16xi32>
    %add3A_224 = arith.addi %add3A_215, %reduce_sum3A_223 : i32
    %get3A_225 = arith.constant 9 : i32
    %get3A_226 = arith.index_cast %get3A_225 : i32 to index
    %get3A_227 = arith.constant 0 : index
    %get3A_228 = tpu.vector_load %arg10[%get3A_226, %get3A_227] {strides = array<i32>} : memref<16x16xi32, #tpu.memory_space<vmem>>, vector<16xi32>,
    %reduce_sum3A_229 = arith.constant true
    %reduce_sum3A_230 = vector.broadcast %reduce_sum3A_229 : i1 to vector<16xi1>
    %reduce_sum3A_231 = tpu.scan <sum>, %get3A_228 masked %reduce_sum3A_230 : vector<16xi32>, vector<16xi1> -> vector<16xi32>
    %reduce_sum3A_232 = vector.extract %reduce_sum3A_231[15] : i32 from vector<16xi32>
    %add3A_233 = arith.addi %add3A_224, %reduce_sum3A_232 : i32
    %get3A_234 = arith.constant 10 : i32
    %get3A_235 = arith.index_cast %get3A_234 : i32 to index
    %get3A_236 = arith.constant 0 : index
    %get3A_237 = tpu.vector_load %arg10[%get3A_235, %get3A_236] {strides = array<i32>} : memref<16x16xi32, #tpu.memory_space<vmem>>, vector<16xi32>,
    %reduce_sum3A_238 = arith.constant true
    %reduce_sum3A_239 = vector.broadcast %reduce_sum3A_238 : i1 to vector<16xi1>
    %reduce_sum3A_240 = tpu.scan <sum>, %get3A_237 masked %reduce_sum3A_239 : vector<16xi32>, vector<16xi1> -> vector<16xi32>
    %reduce_sum3A_241 = vector.extract %reduce_sum3A_240[15] : i32 from vector<16xi32>
    %add3A_242 = arith.addi %add3A_233, %reduce_sum3A_241 : i32
    %get3A_243 = arith.constant 11 : i32
    %get3A_244 = arith.index_cast %get3A_243 : i32 to index
    %get3A_245 = arith.constant 0 : index
    %get3A_246 = tpu.vector_load %arg10[%get3A_244, %get3A_245] {strides = array<i32>} : memref<16x16xi32, #tpu.memory_space<vmem>>, vector<16xi32>,
    %reduce_sum3A_247 = arith.constant true
    %reduce_sum3A_248 = vector.broadcast %reduce_sum3A_247 : i1 to vector<16xi1>
    %reduce_sum3A_249 = tpu.scan <sum>, %get3A_246 masked %reduce_sum3A_248 : vector<16xi32>, vector<16xi1> -> vector<16xi32>
    %reduce_sum3A_250 = vector.extract %reduce_sum3A_249[15] : i32 from vector<16xi32>
    %add3A_251 = arith.addi %add3A_242, %reduce_sum3A_250 : i32
    %get3A_252 = arith.constant 12 : i32
    %get3A_253 = arith.index_cast %get3A_252 : i32 to index
    %get3A_254 = arith.constant 0 : index
    %get3A_255 = tpu.vector_load %arg10[%get3A_253, %get3A_254] {strides = array<i32>} : memref<16x16xi32, #tpu.memory_space<vmem>>, vector<16xi32>,
    %reduce_sum3A_256 = arith.constant true
    %reduce_sum3A_257 = vector.broadcast %reduce_sum3A_256 : i1 to vector<16xi1>
    %reduce_sum3A_258 = tpu.scan <sum>, %get3A_255 masked %reduce_sum3A_257 : vector<16xi32>, vector<16xi1> -> vector<16xi32>
    %reduce_sum3A_259 = vector.extract %reduce_sum3A_258[15] : i32 from vector<16xi32>
    %add3A_260 = arith.addi %add3A_251, %reduce_sum3A_259 : i32
    %get3A_261 = arith.constant 13 : i32
    %get3A_262 = arith.index_cast %get3A_261 : i32 to index
    %get3A_263 = arith.constant 0 : index
    %get3A_264 = tpu.vector_load %arg10[%get3A_262, %get3A_263] {strides = array<i32>} : memref<16x16xi32, #tpu.memory_space<vmem>>, vector<16xi32>,
    %reduce_sum3A_265 = arith.constant true
    %reduce_sum3A_266 = vector.broadcast %reduce_sum3A_265 : i1 to vector<16xi1>
    %reduce_sum3A_267 = tpu.scan <sum>, %get3A_264 masked %reduce_sum3A_266 : vector<16xi32>, vector<16xi1> -> vector<16xi32>
    %reduce_sum3A_268 = vector.extract %reduce_sum3A_267[15] : i32 from vector<16xi32>
    %add3A_269 = arith.addi %add3A_260, %reduce_sum3A_268 : i32
    %get3A_270 = arith.constant 14 : i32
    %get3A_271 = arith.index_cast %get3A_270 : i32 to index
    %get3A_272 = arith.constant 0 : index
    %get3A_273 = tpu.vector_load %arg10[%get3A_271, %get3A_272] {strides = array<i32>} : memref<16x16xi32, #tpu.memory_space<vmem>>, vector<16xi32>,
    %reduce_sum3A_274 = arith.constant true
    %reduce_sum3A_275 = vector.broadcast %reduce_sum3A_274 : i1 to vector<16xi1>
    %reduce_sum3A_276 = tpu.scan <sum>, %get3A_273 masked %reduce_sum3A_275 : vector<16xi32>, vector<16xi1> -> vector<16xi32>
    %reduce_sum3A_277 = vector.extract %reduce_sum3A_276[15] : i32 from vector<16xi32>
    %add3A_278 = arith.addi %add3A_269, %reduce_sum3A_277 : i32
    %get3A_279 = arith.constant 15 : i32
    %get3A_280 = arith.index_cast %get3A_279 : i32 to index
    %get3A_281 = arith.constant 0 : index
    %get3A_282 = tpu.vector_load %arg10[%get3A_280, %get3A_281] {strides = array<i32>} : memref<16x16xi32, #tpu.memory_space<vmem>>, vector<16xi32>,
    %reduce_sum3A_283 = arith.constant true
    %reduce_sum3A_284 = vector.broadcast %reduce_sum3A_283 : i1 to vector<16xi1>
    %reduce_sum3A_285 = tpu.scan <sum>, %get3A_282 masked %reduce_sum3A_284 : vector<16xi32>, vector<16xi1> -> vector<16xi32>
    %reduce_sum3A_286 = vector.extract %reduce_sum3A_285[15] : i32 from vector<16xi32>
    %add3A_287 = arith.addi %add3A_278, %reduce_sum3A_286 : i32
    %min3A = arith.constant 400 : i32
    %min3A_288 = arith.minsi %min3A, %add3A_287 : i32
    %get3A_289 = arith.constant 15 : i32
    %get3A_290 = arith.index_cast %get3A_289 : i32 to index
    %get3A_291 = arith.constant 0 : index
    %get3A_292 = tpu.vector_load %arg10[%get3A_290, %get3A_291] {strides = array<i32>} : memref<16x16xi32, #tpu.memory_space<vmem>>, vector<16xi32>,
    %rev3A = arith.constant 15 : i32
    %rev3A_293 = vector.broadcast %rev3A : i32 to vector<16xi32>
    %rev3A_294 = tpu.iota {dimensions = array<i32: 0>} : vector<16xi32>
    %rev3A_295 = arith.subi %rev3A_293, %rev3A_294 : vector<16xi32>
    %rev3A_296 = tpu.dynamic_gather %get3A_292[%rev3A_295] in [0] : vector<16xi32>, vector<16xi32> -> vector<16xi32>
    %broadcast_in_dim3A_297 = arith.constant true
    %broadcast_in_dim3A_298 = vector.broadcast %broadcast_in_dim3A_297 : i1 to vector<16xi1>
    %masked_cumsum3A = tpu.scan <sum>, %rev3A_296 masked %broadcast_in_dim3A_298 : vector<16xi32>, vector<16xi1> -> vector<16xi32>
    %sub3A = arith.subi %masked_cumsum3A, %rev3A_296 : vector<16xi32>
    %add3A_299 = arith.constant 0 : i32
    %add3A_300 = vector.broadcast %add3A_299 : i32 to vector<16xi32>
    %add3A_301 = arith.addi %add3A_300, %sub3A : vector<16xi32>
    %lt3A = vector.broadcast %min3A_288 : i32 to vector<16xi32>
    %lt3A_302 = arith.cmpi slt, %add3A_301, %lt3A : vector<16xi32>
    %add3A_303 = arith.constant 0 : i32
    %add3A_304 = vector.broadcast %add3A_303 : i32 to vector<16xi32>
    %add3A_305 = arith.addi %add3A_304, %masked_cumsum3A : vector<16xi32>
    %ge3A = vector.broadcast %min3A_288 : i32 to vector<16xi32>
    %ge3A_306 = arith.cmpi sge, %add3A_305, %ge3A : vector<16xi32>
    %and3A = arith.andi %lt3A_302, %ge3A_306 : vector<16xi1>
    %sub3A_307 = arith.constant 255 : i32
    %sub3A_308 = vector.broadcast %sub3A_307 : i32 to vector<16xi32>
    %sub3A_309 = arith.subi %sub3A_308, %iota3A : vector<16xi32>
    %jit3A = arith.constant 0 : i32
    %broadcast_in_dim3A_310 = vector.broadcast %jit3A : i32 to vector<16xi32>
    %select_n3A = arith.select %and3A, %sub3A_309, %broadcast_in_dim3A_310 : vector<16xi1>, vector<16xi32>
    %reduce_sum3A_311 = arith.constant true
    %reduce_sum3A_312 = vector.broadcast %reduce_sum3A_311 : i1 to vector<16xi1>
    %reduce_sum3A_313 = tpu.scan <sum>, %select_n3A masked %reduce_sum3A_312 : vector<16xi32>, vector<16xi1> -> vector<16xi32>
    %reduce_sum3A_314 = vector.extract %reduce_sum3A_313[15] : i32 from vector<16xi32>
    %add3A_315 = arith.constant 0 : i32
    %add3A_316 = arith.addi %add3A_315, %reduce_sum3A_314 : i32
    %add3A_317 = arith.constant 0 : i32
    %add3A_318 = vector.broadcast %add3A_317 : i32 to vector<16xi32>
    %add3A_319 = arith.addi %add3A_318, %sub3A : vector<16xi32>
    %jit3A_320 = arith.constant 0 : i32
    %broadcast_in_dim3A_321 = vector.broadcast %jit3A_320 : i32 to vector<16xi32>
    %select_n3A_322 = arith.select %and3A, %add3A_319, %broadcast_in_dim3A_321 : vector<16xi1>, vector<16xi32>
    %reduce_sum3A_323 = arith.constant true
    %reduce_sum3A_324 = vector.broadcast %reduce_sum3A_323 : i1 to vector<16xi1>
    %reduce_sum3A_325 = tpu.scan <sum>, %select_n3A_322 masked %reduce_sum3A_324 : vector<16xi32>, vector<16xi1> -> vector<16xi32>
    %reduce_sum3A_326 = vector.extract %reduce_sum3A_325[15] : i32 from vector<16xi32>
    %add3A_327 = arith.constant 0 : i32
    %add3A_328 = arith.addi %add3A_327, %reduce_sum3A_326 : i32
    %reduce_sum3A_329 = arith.constant true
    %reduce_sum3A_330 = vector.broadcast %reduce_sum3A_329 : i1 to vector<16xi1>
    %reduce_sum3A_331 = tpu.scan <sum>, %get3A_292 masked %reduce_sum3A_330 : vector<16xi32>, vector<16xi1> -> vector<16xi32>
    %reduce_sum3A_332 = vector.extract %reduce_sum3A_331[15] : i32 from vector<16xi32>
    %add3A_333 = arith.constant 0 : i32
    %add3A_334 = arith.addi %add3A_333, %reduce_sum3A_332 : i32
    %get3A_335 = arith.constant 14 : i32
    %get3A_336 = arith.index_cast %get3A_335 : i32 to index
    %get3A_337 = arith.constant 0 : index
    %get3A_338 = tpu.vector_load %arg10[%get3A_336, %get3A_337] {strides = array<i32>} : memref<16x16xi32, #tpu.memory_space<vmem>>, vector<16xi32>,
    %rev3A_339 = arith.constant 15 : i32
    %rev3A_340 = vector.broadcast %rev3A_339 : i32 to vector<16xi32>
    %rev3A_341 = tpu.iota {dimensions = array<i32: 0>} : vector<16xi32>
    %rev3A_342 = arith.subi %rev3A_340, %rev3A_341 : vector<16xi32>
    %rev3A_343 = tpu.dynamic_gather %get3A_338[%rev3A_342] in [0] : vector<16xi32>, vector<16xi32> -> vector<16xi32>
    %broadcast_in_dim3A_344 = arith.constant true
    %broadcast_in_dim3A_345 = vector.broadcast %broadcast_in_dim3A_344 : i1 to vector<16xi1>
    %masked_cumsum3A_346 = tpu.scan <sum>, %rev3A_343 masked %broadcast_in_dim3A_345 : vector<16xi32>, vector<16xi1> -> vector<16xi32>
    %sub3A_347 = arith.subi %masked_cumsum3A_346, %rev3A_343 : vector<16xi32>
    %add3A_348 = vector.broadcast %add3A_334 : i32 to vector<16xi32>
    %add3A_349 = arith.addi %add3A_348, %sub3A_347 : vector<16xi32>
    %lt3A_350 = vector.broadcast %min3A_288 : i32 to vector<16xi32>
    %lt3A_351 = arith.cmpi slt, %add3A_349, %lt3A_350 : vector<16xi32>
    %add3A_352 = vector.broadcast %add3A_334 : i32 to vector<16xi32>
    %add3A_353 = arith.addi %add3A_352, %masked_cumsum3A_346 : vector<16xi32>
    %ge3A_354 = vector.broadcast %min3A_288 : i32 to vector<16xi32>
    %ge3A_355 = arith.cmpi sge, %add3A_353, %ge3A_354 : vector<16xi32>
    %and3A_356 = arith.andi %lt3A_351, %ge3A_355 : vector<16xi1>
    %sub3A_357 = arith.constant 239 : i32
    %sub3A_358 = vector.broadcast %sub3A_357 : i32 to vector<16xi32>
    %sub3A_359 = arith.subi %sub3A_358, %iota3A : vector<16xi32>
    %jit3A_360 = arith.constant 0 : i32
    %broadcast_in_dim3A_361 = vector.broadcast %jit3A_360 : i32 to vector<16xi32>
    %select_n3A_362 = arith.select %and3A_356, %sub3A_359, %broadcast_in_dim3A_361 : vector<16xi1>, vector<16xi32>
    %reduce_sum3A_363 = arith.constant true
    %reduce_sum3A_364 = vector.broadcast %reduce_sum3A_363 : i1 to vector<16xi1>
    %reduce_sum3A_365 = tpu.scan <sum>, %select_n3A_362 masked %reduce_sum3A_364 : vector<16xi32>, vector<16xi1> -> vector<16xi32>
    %reduce_sum3A_366 = vector.extract %reduce_sum3A_365[15] : i32 from vector<16xi32>
    %add3A_367 = arith.addi %add3A_316, %reduce_sum3A_366 : i32
    %add3A_368 = vector.broadcast %add3A_334 : i32 to vector<16xi32>
    %add3A_369 = arith.addi %add3A_368, %sub3A_347 : vector<16xi32>
    %jit3A_370 = arith.constant 0 : i32
    %broadcast_in_dim3A_371 = vector.broadcast %jit3A_370 : i32 to vector<16xi32>
    %select_n3A_372 = arith.select %and3A_356, %add3A_369, %broadcast_in_dim3A_371 : vector<16xi1>, vector<16xi32>
    %reduce_sum3A_373 = arith.constant true
    %reduce_sum3A_374 = vector.broadcast %reduce_sum3A_373 : i1 to vector<16xi1>
    %reduce_sum3A_375 = tpu.scan <sum>, %select_n3A_372 masked %reduce_sum3A_374 : vector<16xi32>, vector<16xi1> -> vector<16xi32>
    %reduce_sum3A_376 = vector.extract %reduce_sum3A_375[15] : i32 from vector<16xi32>
    %add3A_377 = arith.addi %add3A_328, %reduce_sum3A_376 : i32
    %reduce_sum3A_378 = arith.constant true
    %reduce_sum3A_379 = vector.broadcast %reduce_sum3A_378 : i1 to vector<16xi1>
    %reduce_sum3A_380 = tpu.scan <sum>, %get3A_338 masked %reduce_sum3A_379 : vector<16xi32>, vector<16xi1> -> vector<16xi32>
    %reduce_sum3A_381 = vector.extract %reduce_sum3A_380[15] : i32 from vector<16xi32>
    %add3A_382 = arith.addi %add3A_334, %reduce_sum3A_381 : i32
    %get3A_383 = arith.constant 13 : i32
    %get3A_384 = arith.index_cast %get3A_383 : i32 to index
    %get3A_385 = arith.constant 0 : index
    %get3A_386 = tpu.vector_load %arg10[%get3A_384, %get3A_385] {strides = array<i32>} : memref<16x16xi32, #tpu.memory_space<vmem>>, vector<16xi32>,
    %rev3A_387 = arith.constant 15 : i32
    %rev3A_388 = vector.broadcast %rev3A_387 : i32 to vector<16xi32>
    %rev3A_389 = tpu.iota {dimensions = array<i32: 0>} : vector<16xi32>
    %rev3A_390 = arith.subi %rev3A_388, %rev3A_389 : vector<16xi32>
    %rev3A_391 = tpu.dynamic_gather %get3A_386[%rev3A_390] in [0] : vector<16xi32>, vector<16xi32> -> vector<16xi32>
    %broadcast_in_dim3A_392 = arith.constant true
    %broadcast_in_dim3A_393 = vector.broadcast %broadcast_in_dim3A_392 : i1 to vector<16xi1>
    %masked_cumsum3A_394 = tpu.scan <sum>, %rev3A_391 masked %broadcast_in_dim3A_393 : vector<16xi32>, vector<16xi1> -> vector<16xi32>
    %sub3A_395 = arith.subi %masked_cumsum3A_394, %rev3A_391 : vector<16xi32>
    %add3A_396 = vector.broadcast %add3A_382 : i32 to vector<16xi32>
    %add3A_397 = arith.addi %add3A_396, %sub3A_395 : vector<16xi32>
    %lt3A_398 = vector.broadcast %min3A_288 : i32 to vector<16xi32>
    %lt3A_399 = arith.cmpi slt, %add3A_397, %lt3A_398 : vector<16xi32>
    %add3A_400 = vector.broadcast %add3A_382 : i32 to vector<16xi32>
    %add3A_401 = arith.addi %add3A_400, %masked_cumsum3A_394 : vector<16xi32>
    %ge3A_402 = vector.broadcast %min3A_288 : i32 to vector<16xi32>
    %ge3A_403 = arith.cmpi sge, %add3A_401, %ge3A_402 : vector<16xi32>
    %and3A_404 = arith.andi %lt3A_399, %ge3A_403 : vector<16xi1>
    %sub3A_405 = arith.constant 223 : i32
    %sub3A_406 = vector.broadcast %sub3A_405 : i32 to vector<16xi32>
    %sub3A_407 = arith.subi %sub3A_406, %iota3A : vector<16xi32>
    %jit3A_408 = arith.constant 0 : i32
    %broadcast_in_dim3A_409 = vector.broadcast %jit3A_408 : i32 to vector<16xi32>
    %select_n3A_410 = arith.select %and3A_404, %sub3A_407, %broadcast_in_dim3A_409 : vector<16xi1>, vector<16xi32>
    %reduce_sum3A_411 = arith.constant true
    %reduce_sum3A_412 = vector.broadcast %reduce_sum3A_411 : i1 to vector<16xi1>
    %reduce_sum3A_413 = tpu.scan <sum>, %select_n3A_410 masked %reduce_sum3A_412 : vector<16xi32>, vector<16xi1> -> vector<16xi32>
    %reduce_sum3A_414 = vector.extract %reduce_sum3A_413[15] : i32 from vector<16xi32>
    %add3A_415 = arith.addi %add3A_367, %reduce_sum3A_414 : i32
    %add3A_416 = vector.broadcast %add3A_382 : i32 to vector<16xi32>
    %add3A_417 = arith.addi %add3A_416, %sub3A_395 : vector<16xi32>
    %jit3A_418 = arith.constant 0 : i32
    %broadcast_in_dim3A_419 = vector.broadcast %jit3A_418 : i32 to vector<16xi32>
    %select_n3A_420 = arith.select %and3A_404, %add3A_417, %broadcast_in_dim3A_419 : vector<16xi1>, vector<16xi32>
    %reduce_sum3A_421 = arith.constant true
    %reduce_sum3A_422 = vector.broadcast %reduce_sum3A_421 : i1 to vector<16xi1>
    %reduce_sum3A_423 = tpu.scan <sum>, %select_n3A_420 masked %reduce_sum3A_422 : vector<16xi32>, vector<16xi1> -> vector<16xi32>
    %reduce_sum3A_424 = vector.extract %reduce_sum3A_423[15] : i32 from vector<16xi32>
    %add3A_425 = arith.addi %add3A_377, %reduce_sum3A_424 : i32
    %reduce_sum3A_426 = arith.constant true
    %reduce_sum3A_427 = vector.broadcast %reduce_sum3A_426 : i1 to vector<16xi1>
    %reduce_sum3A_428 = tpu.scan <sum>, %get3A_386 masked %reduce_sum3A_427 : vector<16xi32>, vector<16xi1> -> vector<16xi32>
    %reduce_sum3A_429 = vector.extract %reduce_sum3A_428[15] : i32 from vector<16xi32>
    %add3A_430 = arith.addi %add3A_382, %reduce_sum3A_429 : i32
    %get3A_431 = arith.constant 12 : i32
    %get3A_432 = arith.index_cast %get3A_431 : i32 to index
    %get3A_433 = arith.constant 0 : index
    %get3A_434 = tpu.vector_load %arg10[%get3A_432, %get3A_433] {strides = array<i32>} : memref<16x16xi32, #tpu.memory_space<vmem>>, vector<16xi32>,
    %rev3A_435 = arith.constant 15 : i32
    %rev3A_436 = vector.broadcast %rev3A_435 : i32 to vector<16xi32>
    %rev3A_437 = tpu.iota {dimensions = array<i32: 0>} : vector<16xi32>
    %rev3A_438 = arith.subi %rev3A_436, %rev3A_437 : vector<16xi32>
    %rev3A_439 = tpu.dynamic_gather %get3A_434[%rev3A_438] in [0] : vector<16xi32>, vector<16xi32> -> vector<16xi32>
    %broadcast_in_dim3A_440 = arith.constant true
    %broadcast_in_dim3A_441 = vector.broadcast %broadcast_in_dim3A_440 : i1 to vector<16xi1>
    %masked_cumsum3A_442 = tpu.scan <sum>, %rev3A_439 masked %broadcast_in_dim3A_441 : vector<16xi32>, vector<16xi1> -> vector<16xi32>
    %sub3A_443 = arith.subi %masked_cumsum3A_442, %rev3A_439 : vector<16xi32>
    %add3A_444 = vector.broadcast %add3A_430 : i32 to vector<16xi32>
    %add3A_445 = arith.addi %add3A_444, %sub3A_443 : vector<16xi32>
    %lt3A_446 = vector.broadcast %min3A_288 : i32 to vector<16xi32>
    %lt3A_447 = arith.cmpi slt, %add3A_445, %lt3A_446 : vector<16xi32>
    %add3A_448 = vector.broadcast %add3A_430 : i32 to vector<16xi32>
    %add3A_449 = arith.addi %add3A_448, %masked_cumsum3A_442 : vector<16xi32>
    %ge3A_450 = vector.broadcast %min3A_288 : i32 to vector<16xi32>
    %ge3A_451 = arith.cmpi sge, %add3A_449, %ge3A_450 : vector<16xi32>
    %and3A_452 = arith.andi %lt3A_447, %ge3A_451 : vector<16xi1>
    %sub3A_453 = arith.constant 207 : i32
    %sub3A_454 = vector.broadcast %sub3A_453 : i32 to vector<16xi32>
    %sub3A_455 = arith.subi %sub3A_454, %iota3A : vector<16xi32>
    %jit3A_456 = arith.constant 0 : i32
    %broadcast_in_dim3A_457 = vector.broadcast %jit3A_456 : i32 to vector<16xi32>
    %select_n3A_458 = arith.select %and3A_452, %sub3A_455, %broadcast_in_dim3A_457 : vector<16xi1>, vector<16xi32>
    %reduce_sum3A_459 = arith.constant true
    %reduce_sum3A_460 = vector.broadcast %reduce_sum3A_459 : i1 to vector<16xi1>
    %reduce_sum3A_461 = tpu.scan <sum>, %select_n3A_458 masked %reduce_sum3A_460 : vector<16xi32>, vector<16xi1> -> vector<16xi32>
    %reduce_sum3A_462 = vector.extract %reduce_sum3A_461[15] : i32 from vector<16xi32>
    %add3A_463 = arith.addi %add3A_415, %reduce_sum3A_462 : i32
    %add3A_464 = vector.broadcast %add3A_430 : i32 to vector<16xi32>
    %add3A_465 = arith.addi %add3A_464, %sub3A_443 : vector<16xi32>
    %jit3A_466 = arith.constant 0 : i32
    %broadcast_in_dim3A_467 = vector.broadcast %jit3A_466 : i32 to vector<16xi32>
    %select_n3A_468 = arith.select %and3A_452, %add3A_465, %broadcast_in_dim3A_467 : vector<16xi1>, vector<16xi32>
    %reduce_sum3A_469 = arith.constant true
    %reduce_sum3A_470 = vector.broadcast %reduce_sum3A_469 : i1 to vector<16xi1>
    %reduce_sum3A_471 = tpu.scan <sum>, %select_n3A_468 masked %reduce_sum3A_470 : vector<16xi32>, vector<16xi1> -> vector<16xi32>
    %reduce_sum3A_472 = vector.extract %reduce_sum3A_471[15] : i32 from vector<16xi32>
    %add3A_473 = arith.addi %add3A_425, %reduce_sum3A_472 : i32
    %reduce_sum3A_474 = arith.constant true
    %reduce_sum3A_475 = vector.broadcast %reduce_sum3A_474 : i1 to vector<16xi1>
    %reduce_sum3A_476 = tpu.scan <sum>, %get3A_434 masked %reduce_sum3A_475 : vector<16xi32>, vector<16xi1> -> vector<16xi32>
    %reduce_sum3A_477 = vector.extract %reduce_sum3A_476[15] : i32 from vector<16xi32>
    %add3A_478 = arith.addi %add3A_430, %reduce_sum3A_477 : i32
    %get3A_479 = arith.constant 11 : i32
    %get3A_480 = arith.index_cast %get3A_479 : i32 to index
    %get3A_481 = arith.constant 0 : index
    %get3A_482 = tpu.vector_load %arg10[%get3A_480, %get3A_481] {strides = array<i32>} : memref<16x16xi32, #tpu.memory_space<vmem>>, vector<16xi32>,
    %rev3A_483 = arith.constant 15 : i32
    %rev3A_484 = vector.broadcast %rev3A_483 : i32 to vector<16xi32>
    %rev3A_485 = tpu.iota {dimensions = array<i32: 0>} : vector<16xi32>
    %rev3A_486 = arith.subi %rev3A_484, %rev3A_485 : vector<16xi32>
    %rev3A_487 = tpu.dynamic_gather %get3A_482[%rev3A_486] in [0] : vector<16xi32>, vector<16xi32> -> vector<16xi32>
    %broadcast_in_dim3A_488 = arith.constant true
    %broadcast_in_dim3A_489 = vector.broadcast %broadcast_in_dim3A_488 : i1 to vector<16xi1>
    %masked_cumsum3A_490 = tpu.scan <sum>, %rev3A_487 masked %broadcast_in_dim3A_489 : vector<16xi32>, vector<16xi1> -> vector<16xi32>
    %sub3A_491 = arith.subi %masked_cumsum3A_490, %rev3A_487 : vector<16xi32>
    %add3A_492 = vector.broadcast %add3A_478 : i32 to vector<16xi32>
    %add3A_493 = arith.addi %add3A_492, %sub3A_491 : vector<16xi32>
    %lt3A_494 = vector.broadcast %min3A_288 : i32 to vector<16xi32>
    %lt3A_495 = arith.cmpi slt, %add3A_493, %lt3A_494 : vector<16xi32>
    %add3A_496 = vector.broadcast %add3A_478 : i32 to vector<16xi32>
    %add3A_497 = arith.addi %add3A_496, %masked_cumsum3A_490 : vector<16xi32>
    %ge3A_498 = vector.broadcast %min3A_288 : i32 to vector<16xi32>
    %ge3A_499 = arith.cmpi sge, %add3A_497, %ge3A_498 : vector<16xi32>
    %and3A_500 = arith.andi %lt3A_495, %ge3A_499 : vector<16xi1>
    %sub3A_501 = arith.constant 191 : i32
    %sub3A_502 = vector.broadcast %sub3A_501 : i32 to vector<16xi32>
    %sub3A_503 = arith.subi %sub3A_502, %iota3A : vector<16xi32>
    %jit3A_504 = arith.constant 0 : i32
    %broadcast_in_dim3A_505 = vector.broadcast %jit3A_504 : i32 to vector<16xi32>
    %select_n3A_506 = arith.select %and3A_500, %sub3A_503, %broadcast_in_dim3A_505 : vector<16xi1>, vector<16xi32>
    %reduce_sum3A_507 = arith.constant true
    %reduce_sum3A_508 = vector.broadcast %reduce_sum3A_507 : i1 to vector<16xi1>
    %reduce_sum3A_509 = tpu.scan <sum>, %select_n3A_506 masked %reduce_sum3A_508 : vector<16xi32>, vector<16xi1> -> vector<16xi32>
    %reduce_sum3A_510 = vector.extract %reduce_sum3A_509[15] : i32 from vector<16xi32>
    %add3A_511 = arith.addi %add3A_463, %reduce_sum3A_510 : i32
    %add3A_512 = vector.broadcast %add3A_478 : i32 to vector<16xi32>
    %add3A_513 = arith.addi %add3A_512, %sub3A_491 : vector<16xi32>
    %jit3A_514 = arith.constant 0 : i32
    %broadcast_in_dim3A_515 = vector.broadcast %jit3A_514 : i32 to vector<16xi32>
    %select_n3A_516 = arith.select %and3A_500, %add3A_513, %broadcast_in_dim3A_515 : vector<16xi1>, vector<16xi32>
    %reduce_sum3A_517 = arith.constant true
    %reduce_sum3A_518 = vector.broadcast %reduce_sum3A_517 : i1 to vector<16xi1>
    %reduce_sum3A_519 = tpu.scan <sum>, %select_n3A_516 masked %reduce_sum3A_518 : vector<16xi32>, vector<16xi1> -> vector<16xi32>
    %reduce_sum3A_520 = vector.extract %reduce_sum3A_519[15] : i32 from vector<16xi32>
    %add3A_521 = arith.addi %add3A_473, %reduce_sum3A_520 : i32
    %reduce_sum3A_522 = arith.constant true
    %reduce_sum3A_523 = vector.broadcast %reduce_sum3A_522 : i1 to vector<16xi1>
    %reduce_sum3A_524 = tpu.scan <sum>, %get3A_482 masked %reduce_sum3A_523 : vector<16xi32>, vector<16xi1> -> vector<16xi32>
    %reduce_sum3A_525 = vector.extract %reduce_sum3A_524[15] : i32 from vector<16xi32>
    %add3A_526 = arith.addi %add3A_478, %reduce_sum3A_525 : i32
    %get3A_527 = arith.constant 10 : i32
    %get3A_528 = arith.index_cast %get3A_527 : i32 to index
    %get3A_529 = arith.constant 0 : index
    %get3A_530 = tpu.vector_load %arg10[%get3A_528, %get3A_529] {strides = array<i32>} : memref<16x16xi32, #tpu.memory_space<vmem>>, vector<16xi32>,
    %rev3A_531 = arith.constant 15 : i32
    %rev3A_532 = vector.broadcast %rev3A_531 : i32 to vector<16xi32>
    %rev3A_533 = tpu.iota {dimensions = array<i32: 0>} : vector<16xi32>
    %rev3A_534 = arith.subi %rev3A_532, %rev3A_533 : vector<16xi32>
    %rev3A_535 = tpu.dynamic_gather %get3A_530[%rev3A_534] in [0] : vector<16xi32>, vector<16xi32> -> vector<16xi32>
    %broadcast_in_dim3A_536 = arith.constant true
    %broadcast_in_dim3A_537 = vector.broadcast %broadcast_in_dim3A_536 : i1 to vector<16xi1>
    %masked_cumsum3A_538 = tpu.scan <sum>, %rev3A_535 masked %broadcast_in_dim3A_537 : vector<16xi32>, vector<16xi1> -> vector<16xi32>
    %sub3A_539 = arith.subi %masked_cumsum3A_538, %rev3A_535 : vector<16xi32>
    %add3A_540 = vector.broadcast %add3A_526 : i32 to vector<16xi32>
    %add3A_541 = arith.addi %add3A_540, %sub3A_539 : vector<16xi32>
    %lt3A_542 = vector.broadcast %min3A_288 : i32 to vector<16xi32>
    %lt3A_543 = arith.cmpi slt, %add3A_541, %lt3A_542 : vector<16xi32>
    %add3A_544 = vector.broadcast %add3A_526 : i32 to vector<16xi32>
    %add3A_545 = arith.addi %add3A_544, %masked_cumsum3A_538 : vector<16xi32>
    %ge3A_546 = vector.broadcast %min3A_288 : i32 to vector<16xi32>
    %ge3A_547 = arith.cmpi sge, %add3A_545, %ge3A_546 : vector<16xi32>
    %and3A_548 = arith.andi %lt3A_543, %ge3A_547 : vector<16xi1>
    %sub3A_549 = arith.constant 175 : i32
    %sub3A_550 = vector.broadcast %sub3A_549 : i32 to vector<16xi32>
    %sub3A_551 = arith.subi %sub3A_550, %iota3A : vector<16xi32>
    %jit3A_552 = arith.constant 0 : i32
    %broadcast_in_dim3A_553 = vector.broadcast %jit3A_552 : i32 to vector<16xi32>
    %select_n3A_554 = arith.select %and3A_548, %sub3A_551, %broadcast_in_dim3A_553 : vector<16xi1>, vector<16xi32>
    %reduce_sum3A_555 = arith.constant true
    %reduce_sum3A_556 = vector.broadcast %reduce_sum3A_555 : i1 to vector<16xi1>
    %reduce_sum3A_557 = tpu.scan <sum>, %select_n3A_554 masked %reduce_sum3A_556 : vector<16xi32>, vector<16xi1> -> vector<16xi32>
    %reduce_sum3A_558 = vector.extract %reduce_sum3A_557[15] : i32 from vector<16xi32>
    %add3A_559 = arith.addi %add3A_511, %reduce_sum3A_558 : i32
    %add3A_560 = vector.broadcast %add3A_526 : i32 to vector<16xi32>
    %add3A_561 = arith.addi %add3A_560, %sub3A_539 : vector<16xi32>
    %jit3A_562 = arith.constant 0 : i32
    %broadcast_in_dim3A_563 = vector.broadcast %jit3A_562 : i32 to vector<16xi32>
    %select_n3A_564 = arith.select %and3A_548, %add3A_561, %broadcast_in_dim3A_563 : vector<16xi1>, vector<16xi32>
    %reduce_sum3A_565 = arith.constant true
    %reduce_sum3A_566 = vector.broadcast %reduce_sum3A_565 : i1 to vector<16xi1>
    %reduce_sum3A_567 = tpu.scan <sum>, %select_n3A_564 masked %reduce_sum3A_566 : vector<16xi32>, vector<16xi1> -> vector<16xi32>
    %reduce_sum3A_568 = vector.extract %reduce_sum3A_567[15] : i32 from vector<16xi32>
    %add3A_569 = arith.addi %add3A_521, %reduce_sum3A_568 : i32
    %reduce_sum3A_570 = arith.constant true
    %reduce_sum3A_571 = vector.broadcast %reduce_sum3A_570 : i1 to vector<16xi1>
    %reduce_sum3A_572 = tpu.scan <sum>, %get3A_530 masked %reduce_sum3A_571 : vector<16xi32>, vector<16xi1> -> vector<16xi32>
    %reduce_sum3A_573 = vector.extract %reduce_sum3A_572[15] : i32 from vector<16xi32>
    %add3A_574 = arith.addi %add3A_526, %reduce_sum3A_573 : i32
    %get3A_575 = arith.constant 9 : i32
    %get3A_576 = arith.index_cast %get3A_575 : i32 to index
    %get3A_577 = arith.constant 0 : index
    %get3A_578 = tpu.vector_load %arg10[%get3A_576, %get3A_577] {strides = array<i32>} : memref<16x16xi32, #tpu.memory_space<vmem>>, vector<16xi32>,
    %rev3A_579 = arith.constant 15 : i32
    %rev3A_580 = vector.broadcast %rev3A_579 : i32 to vector<16xi32>
    %rev3A_581 = tpu.iota {dimensions = array<i32: 0>} : vector<16xi32>
    %rev3A_582 = arith.subi %rev3A_580, %rev3A_581 : vector<16xi32>
    %rev3A_583 = tpu.dynamic_gather %get3A_578[%rev3A_582] in [0] : vector<16xi32>, vector<16xi32> -> vector<16xi32>
    %broadcast_in_dim3A_584 = arith.constant true
    %broadcast_in_dim3A_585 = vector.broadcast %broadcast_in_dim3A_584 : i1 to vector<16xi1>
    %masked_cumsum3A_586 = tpu.scan <sum>, %rev3A_583 masked %broadcast_in_dim3A_585 : vector<16xi32>, vector<16xi1> -> vector<16xi32>
    %sub3A_587 = arith.subi %masked_cumsum3A_586, %rev3A_583 : vector<16xi32>
    %add3A_588 = vector.broadcast %add3A_574 : i32 to vector<16xi32>
    %add3A_589 = arith.addi %add3A_588, %sub3A_587 : vector<16xi32>
    %lt3A_590 = vector.broadcast %min3A_288 : i32 to vector<16xi32>
    %lt3A_591 = arith.cmpi slt, %add3A_589, %lt3A_590 : vector<16xi32>
    %add3A_592 = vector.broadcast %add3A_574 : i32 to vector<16xi32>
    %add3A_593 = arith.addi %add3A_592, %masked_cumsum3A_586 : vector<16xi32>
    %ge3A_594 = vector.broadcast %min3A_288 : i32 to vector<16xi32>
    %ge3A_595 = arith.cmpi sge, %add3A_593, %ge3A_594 : vector<16xi32>
    %and3A_596 = arith.andi %lt3A_591, %ge3A_595 : vector<16xi1>
    %sub3A_597 = arith.constant 159 : i32
    %sub3A_598 = vector.broadcast %sub3A_597 : i32 to vector<16xi32>
    %sub3A_599 = arith.subi %sub3A_598, %iota3A : vector<16xi32>
    %jit3A_600 = arith.constant 0 : i32
    %broadcast_in_dim3A_601 = vector.broadcast %jit3A_600 : i32 to vector<16xi32>
    %select_n3A_602 = arith.select %and3A_596, %sub3A_599, %broadcast_in_dim3A_601 : vector<16xi1>, vector<16xi32>
    %reduce_sum3A_603 = arith.constant true
    %reduce_sum3A_604 = vector.broadcast %reduce_sum3A_603 : i1 to vector<16xi1>
    %reduce_sum3A_605 = tpu.scan <sum>, %select_n3A_602 masked %reduce_sum3A_604 : vector<16xi32>, vector<16xi1> -> vector<16xi32>
    %reduce_sum3A_606 = vector.extract %reduce_sum3A_605[15] : i32 from vector<16xi32>
    %add3A_607 = arith.addi %add3A_559, %reduce_sum3A_606 : i32
    %add3A_608 = vector.broadcast %add3A_574 : i32 to vector<16xi32>
    %add3A_609 = arith.addi %add3A_608, %sub3A_587 : vector<16xi32>
    %jit3A_610 = arith.constant 0 : i32
    %broadcast_in_dim3A_611 = vector.broadcast %jit3A_610 : i32 to vector<16xi32>
    %select_n3A_612 = arith.select %and3A_596, %add3A_609, %broadcast_in_dim3A_611 : vector<16xi1>, vector<16xi32>
    %reduce_sum3A_613 = arith.constant true
    %reduce_sum3A_614 = vector.broadcast %reduce_sum3A_613 : i1 to vector<16xi1>
    %reduce_sum3A_615 = tpu.scan <sum>, %select_n3A_612 masked %reduce_sum3A_614 : vector<16xi32>, vector<16xi1> -> vector<16xi32>
    %reduce_sum3A_616 = vector.extract %reduce_sum3A_615[15] : i32 from vector<16xi32>
    %add3A_617 = arith.addi %add3A_569, %reduce_sum3A_616 : i32
    %reduce_sum3A_618 = arith.constant true
    %reduce_sum3A_619 = vector.broadcast %reduce_sum3A_618 : i1 to vector<16xi1>
    %reduce_sum3A_620 = tpu.scan <sum>, %get3A_578 masked %reduce_sum3A_619 : vector<16xi32>, vector<16xi1> -> vector<16xi32>
    %reduce_sum3A_621 = vector.extract %reduce_sum3A_620[15] : i32 from vector<16xi32>
    %add3A_622 = arith.addi %add3A_574, %reduce_sum3A_621 : i32
    %get3A_623 = arith.constant 8 : i32
    %get3A_624 = arith.index_cast %get3A_623 : i32 to index
    %get3A_625 = arith.constant 0 : index
    %get3A_626 = tpu.vector_load %arg10[%get3A_624, %get3A_625] {strides = array<i32>} : memref<16x16xi32, #tpu.memory_space<vmem>>, vector<16xi32>,
    %rev3A_627 = arith.constant 15 : i32
    %rev3A_628 = vector.broadcast %rev3A_627 : i32 to vector<16xi32>
    %rev3A_629 = tpu.iota {dimensions = array<i32: 0>} : vector<16xi32>
    %rev3A_630 = arith.subi %rev3A_628, %rev3A_629 : vector<16xi32>
    %rev3A_631 = tpu.dynamic_gather %get3A_626[%rev3A_630] in [0] : vector<16xi32>, vector<16xi32> -> vector<16xi32>
    %broadcast_in_dim3A_632 = arith.constant true
    %broadcast_in_dim3A_633 = vector.broadcast %broadcast_in_dim3A_632 : i1 to vector<16xi1>
    %masked_cumsum3A_634 = tpu.scan <sum>, %rev3A_631 masked %broadcast_in_dim3A_633 : vector<16xi32>, vector<16xi1> -> vector<16xi32>
    %sub3A_635 = arith.subi %masked_cumsum3A_634, %rev3A_631 : vector<16xi32>
    %add3A_636 = vector.broadcast %add3A_622 : i32 to vector<16xi32>
    %add3A_637 = arith.addi %add3A_636, %sub3A_635 : vector<16xi32>
    %lt3A_638 = vector.broadcast %min3A_288 : i32 to vector<16xi32>
    %lt3A_639 = arith.cmpi slt, %add3A_637, %lt3A_638 : vector<16xi32>
    %add3A_640 = vector.broadcast %add3A_622 : i32 to vector<16xi32>
    %add3A_641 = arith.addi %add3A_640, %masked_cumsum3A_634 : vector<16xi32>
    %ge3A_642 = vector.broadcast %min3A_288 : i32 to vector<16xi32>
    %ge3A_643 = arith.cmpi sge, %add3A_641, %ge3A_642 : vector<16xi32>
    %and3A_644 = arith.andi %lt3A_639, %ge3A_643 : vector<16xi1>
    %sub3A_645 = arith.constant 143 : i32
    %sub3A_646 = vector.broadcast %sub3A_645 : i32 to vector<16xi32>
    %sub3A_647 = arith.subi %sub3A_646, %iota3A : vector<16xi32>
    %jit3A_648 = arith.constant 0 : i32
    %broadcast_in_dim3A_649 = vector.broadcast %jit3A_648 : i32 to vector<16xi32>
    %select_n3A_650 = arith.select %and3A_644, %sub3A_647, %broadcast_in_dim3A_649 : vector<16xi1>, vector<16xi32>
    %reduce_sum3A_651 = arith.constant true
    %reduce_sum3A_652 = vector.broadcast %reduce_sum3A_651 : i1 to vector<16xi1>
    %reduce_sum3A_653 = tpu.scan <sum>, %select_n3A_650 masked %reduce_sum3A_652 : vector<16xi32>, vector<16xi1> -> vector<16xi32>
    %reduce_sum3A_654 = vector.extract %reduce_sum3A_653[15] : i32 from vector<16xi32>
    %add3A_655 = arith.addi %add3A_607, %reduce_sum3A_654 : i32
    %add3A_656 = vector.broadcast %add3A_622 : i32 to vector<16xi32>
    %add3A_657 = arith.addi %add3A_656, %sub3A_635 : vector<16xi32>
    %jit3A_658 = arith.constant 0 : i32
    %broadcast_in_dim3A_659 = vector.broadcast %jit3A_658 : i32 to vector<16xi32>
    %select_n3A_660 = arith.select %and3A_644, %add3A_657, %broadcast_in_dim3A_659 : vector<16xi1>, vector<16xi32>
    %reduce_sum3A_661 = arith.constant true
    %reduce_sum3A_662 = vector.broadcast %reduce_sum3A_661 : i1 to vector<16xi1>
    %reduce_sum3A_663 = tpu.scan <sum>, %select_n3A_660 masked %reduce_sum3A_662 : vector<16xi32>, vector<16xi1> -> vector<16xi32>
    %reduce_sum3A_664 = vector.extract %reduce_sum3A_663[15] : i32 from vector<16xi32>
    %add3A_665 = arith.addi %add3A_617, %reduce_sum3A_664 : i32
    %reduce_sum3A_666 = arith.constant true
    %reduce_sum3A_667 = vector.broadcast %reduce_sum3A_666 : i1 to vector<16xi1>
    %reduce_sum3A_668 = tpu.scan <sum>, %get3A_626 masked %reduce_sum3A_667 : vector<16xi32>, vector<16xi1> -> vector<16xi32>
    %reduce_sum3A_669 = vector.extract %reduce_sum3A_668[15] : i32 from vector<16xi32>
    %add3A_670 = arith.addi %add3A_622, %reduce_sum3A_669 : i32
    %get3A_671 = arith.constant 7 : i32
    %get3A_672 = arith.index_cast %get3A_671 : i32 to index
    %get3A_673 = arith.constant 0 : index
    %get3A_674 = tpu.vector_load %arg10[%get3A_672, %get3A_673] {strides = array<i32>} : memref<16x16xi32, #tpu.memory_space<vmem>>, vector<16xi32>,
    %rev3A_675 = arith.constant 15 : i32
    %rev3A_676 = vector.broadcast %rev3A_675 : i32 to vector<16xi32>
    %rev3A_677 = tpu.iota {dimensions = array<i32: 0>} : vector<16xi32>
    %rev3A_678 = arith.subi %rev3A_676, %rev3A_677 : vector<16xi32>
    %rev3A_679 = tpu.dynamic_gather %get3A_674[%rev3A_678] in [0] : vector<16xi32>, vector<16xi32> -> vector<16xi32>
    %broadcast_in_dim3A_680 = arith.constant true
    %broadcast_in_dim3A_681 = vector.broadcast %broadcast_in_dim3A_680 : i1 to vector<16xi1>
    %masked_cumsum3A_682 = tpu.scan <sum>, %rev3A_679 masked %broadcast_in_dim3A_681 : vector<16xi32>, vector<16xi1> -> vector<16xi32>
    %sub3A_683 = arith.subi %masked_cumsum3A_682, %rev3A_679 : vector<16xi32>
    %add3A_684 = vector.broadcast %add3A_670 : i32 to vector<16xi32>
    %add3A_685 = arith.addi %add3A_684, %sub3A_683 : vector<16xi32>
    %lt3A_686 = vector.broadcast %min3A_288 : i32 to vector<16xi32>
    %lt3A_687 = arith.cmpi slt, %add3A_685, %lt3A_686 : vector<16xi32>
    %add3A_688 = vector.broadcast %add3A_670 : i32 to vector<16xi32>
    %add3A_689 = arith.addi %add3A_688, %masked_cumsum3A_682 : vector<16xi32>
    %ge3A_690 = vector.broadcast %min3A_288 : i32 to vector<16xi32>
    %ge3A_691 = arith.cmpi sge, %add3A_689, %ge3A_690 : vector<16xi32>
    %and3A_692 = arith.andi %lt3A_687, %ge3A_691 : vector<16xi1>
    %sub3A_693 = arith.constant 127 : i32
    %sub3A_694 = vector.broadcast %sub3A_693 : i32 to vector<16xi32>
    %sub3A_695 = arith.subi %sub3A_694, %iota3A : vector<16xi32>
    %jit3A_696 = arith.constant 0 : i32
    %broadcast_in_dim3A_697 = vector.broadcast %jit3A_696 : i32 to vector<16xi32>
    %select_n3A_698 = arith.select %and3A_692, %sub3A_695, %broadcast_in_dim3A_697 : vector<16xi1>, vector<16xi32>
    %reduce_sum3A_699 = arith.constant true
    %reduce_sum3A_700 = vector.broadcast %reduce_sum3A_699 : i1 to vector<16xi1>
    %reduce_sum3A_701 = tpu.scan <sum>, %select_n3A_698 masked %reduce_sum3A_700 : vector<16xi32>, vector<16xi1> -> vector<16xi32>
    %reduce_sum3A_702 = vector.extract %reduce_sum3A_701[15] : i32 from vector<16xi32>
    %add3A_703 = arith.addi %add3A_655, %reduce_sum3A_702 : i32
    %add3A_704 = vector.broadcast %add3A_670 : i32 to vector<16xi32>
    %add3A_705 = arith.addi %add3A_704, %sub3A_683 : vector<16xi32>
    %jit3A_706 = arith.constant 0 : i32
    %broadcast_in_dim3A_707 = vector.broadcast %jit3A_706 : i32 to vector<16xi32>
    %select_n3A_708 = arith.select %and3A_692, %add3A_705, %broadcast_in_dim3A_707 : vector<16xi1>, vector<16xi32>
    %reduce_sum3A_709 = arith.constant true
    %reduce_sum3A_710 = vector.broadcast %reduce_sum3A_709 : i1 to vector<16xi1>
    %reduce_sum3A_711 = tpu.scan <sum>, %select_n3A_708 masked %reduce_sum3A_710 : vector<16xi32>, vector<16xi1> -> vector<16xi32>
    %reduce_sum3A_712 = vector.extract %reduce_sum3A_711[15] : i32 from vector<16xi32>
    %add3A_713 = arith.addi %add3A_665, %reduce_sum3A_712 : i32
    %reduce_sum3A_714 = arith.constant true
    %reduce_sum3A_715 = vector.broadcast %reduce_sum3A_714 : i1 to vector<16xi1>
    %reduce_sum3A_716 = tpu.scan <sum>, %get3A_674 masked %reduce_sum3A_715 : vector<16xi32>, vector<16xi1> -> vector<16xi32>
    %reduce_sum3A_717 = vector.extract %reduce_sum3A_716[15] : i32 from vector<16xi32>
    %add3A_718 = arith.addi %add3A_670, %reduce_sum3A_717 : i32
    %get3A_719 = arith.constant 6 : i32
    %get3A_720 = arith.index_cast %get3A_719 : i32 to index
    %get3A_721 = arith.constant 0 : index
    %get3A_722 = tpu.vector_load %arg10[%get3A_720, %get3A_721] {strides = array<i32>} : memref<16x16xi32, #tpu.memory_space<vmem>>, vector<16xi32>,
    %rev3A_723 = arith.constant 15 : i32
    %rev3A_724 = vector.broadcast %rev3A_723 : i32 to vector<16xi32>
    %rev3A_725 = tpu.iota {dimensions = array<i32: 0>} : vector<16xi32>
    %rev3A_726 = arith.subi %rev3A_724, %rev3A_725 : vector<16xi32>
    %rev3A_727 = tpu.dynamic_gather %get3A_722[%rev3A_726] in [0] : vector<16xi32>, vector<16xi32> -> vector<16xi32>
    %broadcast_in_dim3A_728 = arith.constant true
    %broadcast_in_dim3A_729 = vector.broadcast %broadcast_in_dim3A_728 : i1 to vector<16xi1>
    %masked_cumsum3A_730 = tpu.scan <sum>, %rev3A_727 masked %broadcast_in_dim3A_729 : vector<16xi32>, vector<16xi1> -> vector<16xi32>
    %sub3A_731 = arith.subi %masked_cumsum3A_730, %rev3A_727 : vector<16xi32>
    %add3A_732 = vector.broadcast %add3A_718 : i32 to vector<16xi32>
    %add3A_733 = arith.addi %add3A_732, %sub3A_731 : vector<16xi32>
    %lt3A_734 = vector.broadcast %min3A_288 : i32 to vector<16xi32>
    %lt3A_735 = arith.cmpi slt, %add3A_733, %lt3A_734 : vector<16xi32>
    %add3A_736 = vector.broadcast %add3A_718 : i32 to vector<16xi32>
    %add3A_737 = arith.addi %add3A_736, %masked_cumsum3A_730 : vector<16xi32>
    %ge3A_738 = vector.broadcast %min3A_288 : i32 to vector<16xi32>
    %ge3A_739 = arith.cmpi sge, %add3A_737, %ge3A_738 : vector<16xi32>
    %and3A_740 = arith.andi %lt3A_735, %ge3A_739 : vector<16xi1>
    %sub3A_741 = arith.constant 111 : i32
    %sub3A_742 = vector.broadcast %sub3A_741 : i32 to vector<16xi32>
    %sub3A_743 = arith.subi %sub3A_742, %iota3A : vector<16xi32>
    %jit3A_744 = arith.constant 0 : i32
    %broadcast_in_dim3A_745 = vector.broadcast %jit3A_744 : i32 to vector<16xi32>
    %select_n3A_746 = arith.select %and3A_740, %sub3A_743, %broadcast_in_dim3A_745 : vector<16xi1>, vector<16xi32>
    %reduce_sum3A_747 = arith.constant true
    %reduce_sum3A_748 = vector.broadcast %reduce_sum3A_747 : i1 to vector<16xi1>
    %reduce_sum3A_749 = tpu.scan <sum>, %select_n3A_746 masked %reduce_sum3A_748 : vector<16xi32>, vector<16xi1> -> vector<16xi32>
    %reduce_sum3A_750 = vector.extract %reduce_sum3A_749[15] : i32 from vector<16xi32>
    %add3A_751 = arith.addi %add3A_703, %reduce_sum3A_750 : i32
    %add3A_752 = vector.broadcast %add3A_718 : i32 to vector<16xi32>
    %add3A_753 = arith.addi %add3A_752, %sub3A_731 : vector<16xi32>
    %jit3A_754 = arith.constant 0 : i32
    %broadcast_in_dim3A_755 = vector.broadcast %jit3A_754 : i32 to vector<16xi32>
    %select_n3A_756 = arith.select %and3A_740, %add3A_753, %broadcast_in_dim3A_755 : vector<16xi1>, vector<16xi32>
    %reduce_sum3A_757 = arith.constant true
    %reduce_sum3A_758 = vector.broadcast %reduce_sum3A_757 : i1 to vector<16xi1>
    %reduce_sum3A_759 = tpu.scan <sum>, %select_n3A_756 masked %reduce_sum3A_758 : vector<16xi32>, vector<16xi1> -> vector<16xi32>
    %reduce_sum3A_760 = vector.extract %reduce_sum3A_759[15] : i32 from vector<16xi32>
    %add3A_761 = arith.addi %add3A_713, %reduce_sum3A_760 : i32
    %reduce_sum3A_762 = arith.constant true
    %reduce_sum3A_763 = vector.broadcast %reduce_sum3A_762 : i1 to vector<16xi1>
    %reduce_sum3A_764 = tpu.scan <sum>, %get3A_722 masked %reduce_sum3A_763 : vector<16xi32>, vector<16xi1> -> vector<16xi32>
    %reduce_sum3A_765 = vector.extract %reduce_sum3A_764[15] : i32 from vector<16xi32>
    %add3A_766 = arith.addi %add3A_718, %reduce_sum3A_765 : i32
    %get3A_767 = arith.constant 5 : i32
    %get3A_768 = arith.index_cast %get3A_767 : i32 to index
    %get3A_769 = arith.constant 0 : index
    %get3A_770 = tpu.vector_load %arg10[%get3A_768, %get3A_769] {strides = array<i32>} : memref<16x16xi32, #tpu.memory_space<vmem>>, vector<16xi32>,
    %rev3A_771 = arith.constant 15 : i32
    %rev3A_772 = vector.broadcast %rev3A_771 : i32 to vector<16xi32>
    %rev3A_773 = tpu.iota {dimensions = array<i32: 0>} : vector<16xi32>
    %rev3A_774 = arith.subi %rev3A_772, %rev3A_773 : vector<16xi32>
    %rev3A_775 = tpu.dynamic_gather %get3A_770[%rev3A_774] in [0] : vector<16xi32>, vector<16xi32> -> vector<16xi32>
    %broadcast_in_dim3A_776 = arith.constant true
    %broadcast_in_dim3A_777 = vector.broadcast %broadcast_in_dim3A_776 : i1 to vector<16xi1>
    %masked_cumsum3A_778 = tpu.scan <sum>, %rev3A_775 masked %broadcast_in_dim3A_777 : vector<16xi32>, vector<16xi1> -> vector<16xi32>
    %sub3A_779 = arith.subi %masked_cumsum3A_778, %rev3A_775 : vector<16xi32>
    %add3A_780 = vector.broadcast %add3A_766 : i32 to vector<16xi32>
    %add3A_781 = arith.addi %add3A_780, %sub3A_779 : vector<16xi32>
    %lt3A_782 = vector.broadcast %min3A_288 : i32 to vector<16xi32>
    %lt3A_783 = arith.cmpi slt, %add3A_781, %lt3A_782 : vector<16xi32>
    %add3A_784 = vector.broadcast %add3A_766 : i32 to vector<16xi32>
    %add3A_785 = arith.addi %add3A_784, %masked_cumsum3A_778 : vector<16xi32>
    %ge3A_786 = vector.broadcast %min3A_288 : i32 to vector<16xi32>
    %ge3A_787 = arith.cmpi sge, %add3A_785, %ge3A_786 : vector<16xi32>
    %and3A_788 = arith.andi %lt3A_783, %ge3A_787 : vector<16xi1>
    %sub3A_789 = arith.constant 95 : i32
    %sub3A_790 = vector.broadcast %sub3A_789 : i32 to vector<16xi32>
    %sub3A_791 = arith.subi %sub3A_790, %iota3A : vector<16xi32>
    %jit3A_792 = arith.constant 0 : i32
    %broadcast_in_dim3A_793 = vector.broadcast %jit3A_792 : i32 to vector<16xi32>
    %select_n3A_794 = arith.select %and3A_788, %sub3A_791, %broadcast_in_dim3A_793 : vector<16xi1>, vector<16xi32>
    %reduce_sum3A_795 = arith.constant true
    %reduce_sum3A_796 = vector.broadcast %reduce_sum3A_795 : i1 to vector<16xi1>
    %reduce_sum3A_797 = tpu.scan <sum>, %select_n3A_794 masked %reduce_sum3A_796 : vector<16xi32>, vector<16xi1> -> vector<16xi32>
    %reduce_sum3A_798 = vector.extract %reduce_sum3A_797[15] : i32 from vector<16xi32>
    %add3A_799 = arith.addi %add3A_751, %reduce_sum3A_798 : i32
    %add3A_800 = vector.broadcast %add3A_766 : i32 to vector<16xi32>
    %add3A_801 = arith.addi %add3A_800, %sub3A_779 : vector<16xi32>
    %jit3A_802 = arith.constant 0 : i32
    %broadcast_in_dim3A_803 = vector.broadcast %jit3A_802 : i32 to vector<16xi32>
    %select_n3A_804 = arith.select %and3A_788, %add3A_801, %broadcast_in_dim3A_803 : vector<16xi1>, vector<16xi32>
    %reduce_sum3A_805 = arith.constant true
    %reduce_sum3A_806 = vector.broadcast %reduce_sum3A_805 : i1 to vector<16xi1>
    %reduce_sum3A_807 = tpu.scan <sum>, %select_n3A_804 masked %reduce_sum3A_806 : vector<16xi32>, vector<16xi1> -> vector<16xi32>
    %reduce_sum3A_808 = vector.extract %reduce_sum3A_807[15] : i32 from vector<16xi32>
    %add3A_809 = arith.addi %add3A_761, %reduce_sum3A_808 : i32
    %reduce_sum3A_810 = arith.constant true
    %reduce_sum3A_811 = vector.broadcast %reduce_sum3A_810 : i1 to vector<16xi1>
    %reduce_sum3A_812 = tpu.scan <sum>, %get3A_770 masked %reduce_sum3A_811 : vector<16xi32>, vector<16xi1> -> vector<16xi32>
    %reduce_sum3A_813 = vector.extract %reduce_sum3A_812[15] : i32 from vector<16xi32>
    %add3A_814 = arith.addi %add3A_766, %reduce_sum3A_813 : i32
    %get3A_815 = arith.constant 4 : i32
    %get3A_816 = arith.index_cast %get3A_815 : i32 to index
    %get3A_817 = arith.constant 0 : index
    %get3A_818 = tpu.vector_load %arg10[%get3A_816, %get3A_817] {strides = array<i32>} : memref<16x16xi32, #tpu.memory_space<vmem>>, vector<16xi32>,
    %rev3A_819 = arith.constant 15 : i32
    %rev3A_820 = vector.broadcast %rev3A_819 : i32 to vector<16xi32>
    %rev3A_821 = tpu.iota {dimensions = array<i32: 0>} : vector<16xi32>
    %rev3A_822 = arith.subi %rev3A_820, %rev3A_821 : vector<16xi32>
    %rev3A_823 = tpu.dynamic_gather %get3A_818[%rev3A_822] in [0] : vector<16xi32>, vector<16xi32> -> vector<16xi32>
    %broadcast_in_dim3A_824 = arith.constant true
    %broadcast_in_dim3A_825 = vector.broadcast %broadcast_in_dim3A_824 : i1 to vector<16xi1>
    %masked_cumsum3A_826 = tpu.scan <sum>, %rev3A_823 masked %broadcast_in_dim3A_825 : vector<16xi32>, vector<16xi1> -> vector<16xi32>
    %sub3A_827 = arith.subi %masked_cumsum3A_826, %rev3A_823 : vector<16xi32>
    %add3A_828 = vector.broadcast %add3A_814 : i32 to vector<16xi32>
    %add3A_829 = arith.addi %add3A_828, %sub3A_827 : vector<16xi32>
    %lt3A_830 = vector.broadcast %min3A_288 : i32 to vector<16xi32>
    %lt3A_831 = arith.cmpi slt, %add3A_829, %lt3A_830 : vector<16xi32>
    %add3A_832 = vector.broadcast %add3A_814 : i32 to vector<16xi32>
    %add3A_833 = arith.addi %add3A_832, %masked_cumsum3A_826 : vector<16xi32>
    %ge3A_834 = vector.broadcast %min3A_288 : i32 to vector<16xi32>
    %ge3A_835 = arith.cmpi sge, %add3A_833, %ge3A_834 : vector<16xi32>
    %and3A_836 = arith.andi %lt3A_831, %ge3A_835 : vector<16xi1>
    %sub3A_837 = arith.constant 79 : i32
    %sub3A_838 = vector.broadcast %sub3A_837 : i32 to vector<16xi32>
    %sub3A_839 = arith.subi %sub3A_838, %iota3A : vector<16xi32>
    %jit3A_840 = arith.constant 0 : i32
    %broadcast_in_dim3A_841 = vector.broadcast %jit3A_840 : i32 to vector<16xi32>
    %select_n3A_842 = arith.select %and3A_836, %sub3A_839, %broadcast_in_dim3A_841 : vector<16xi1>, vector<16xi32>
    %reduce_sum3A_843 = arith.constant true
    %reduce_sum3A_844 = vector.broadcast %reduce_sum3A_843 : i1 to vector<16xi1>
    %reduce_sum3A_845 = tpu.scan <sum>, %select_n3A_842 masked %reduce_sum3A_844 : vector<16xi32>, vector<16xi1> -> vector<16xi32>
    %reduce_sum3A_846 = vector.extract %reduce_sum3A_845[15] : i32 from vector<16xi32>
    %add3A_847 = arith.addi %add3A_799, %reduce_sum3A_846 : i32
    %add3A_848 = vector.broadcast %add3A_814 : i32 to vector<16xi32>
    %add3A_849 = arith.addi %add3A_848, %sub3A_827 : vector<16xi32>
    %jit3A_850 = arith.constant 0 : i32
    %broadcast_in_dim3A_851 = vector.broadcast %jit3A_850 : i32 to vector<16xi32>
    %select_n3A_852 = arith.select %and3A_836, %add3A_849, %broadcast_in_dim3A_851 : vector<16xi1>, vector<16xi32>
    %reduce_sum3A_853 = arith.constant true
    %reduce_sum3A_854 = vector.broadcast %reduce_sum3A_853 : i1 to vector<16xi1>
    %reduce_sum3A_855 = tpu.scan <sum>, %select_n3A_852 masked %reduce_sum3A_854 : vector<16xi32>, vector<16xi1> -> vector<16xi32>
    %reduce_sum3A_856 = vector.extract %reduce_sum3A_855[15] : i32 from vector<16xi32>
    %add3A_857 = arith.addi %add3A_809, %reduce_sum3A_856 : i32
    %reduce_sum3A_858 = arith.constant true
    %reduce_sum3A_859 = vector.broadcast %reduce_sum3A_858 : i1 to vector<16xi1>
    %reduce_sum3A_860 = tpu.scan <sum>, %get3A_818 masked %reduce_sum3A_859 : vector<16xi32>, vector<16xi1> -> vector<16xi32>
    %reduce_sum3A_861 = vector.extract %reduce_sum3A_860[15] : i32 from vector<16xi32>
    %add3A_862 = arith.addi %add3A_814, %reduce_sum3A_861 : i32
    %get3A_863 = arith.constant 3 : i32
    %get3A_864 = arith.index_cast %get3A_863 : i32 to index
    %get3A_865 = arith.constant 0 : index
    %get3A_866 = tpu.vector_load %arg10[%get3A_864, %get3A_865] {strides = array<i32>} : memref<16x16xi32, #tpu.memory_space<vmem>>, vector<16xi32>,
    %rev3A_867 = arith.constant 15 : i32
    %rev3A_868 = vector.broadcast %rev3A_867 : i32 to vector<16xi32>
    %rev3A_869 = tpu.iota {dimensions = array<i32: 0>} : vector<16xi32>
    %rev3A_870 = arith.subi %rev3A_868, %rev3A_869 : vector<16xi32>
    %rev3A_871 = tpu.dynamic_gather %get3A_866[%rev3A_870] in [0] : vector<16xi32>, vector<16xi32> -> vector<16xi32>
    %broadcast_in_dim3A_872 = arith.constant true
    %broadcast_in_dim3A_873 = vector.broadcast %broadcast_in_dim3A_872 : i1 to vector<16xi1>
    %masked_cumsum3A_874 = tpu.scan <sum>, %rev3A_871 masked %broadcast_in_dim3A_873 : vector<16xi32>, vector<16xi1> -> vector<16xi32>
    %sub3A_875 = arith.subi %masked_cumsum3A_874, %rev3A_871 : vector<16xi32>
    %add3A_876 = vector.broadcast %add3A_862 : i32 to vector<16xi32>
    %add3A_877 = arith.addi %add3A_876, %sub3A_875 : vector<16xi32>
    %lt3A_878 = vector.broadcast %min3A_288 : i32 to vector<16xi32>
    %lt3A_879 = arith.cmpi slt, %add3A_877, %lt3A_878 : vector<16xi32>
    %add3A_880 = vector.broadcast %add3A_862 : i32 to vector<16xi32>
    %add3A_881 = arith.addi %add3A_880, %masked_cumsum3A_874 : vector<16xi32>
    %ge3A_882 = vector.broadcast %min3A_288 : i32 to vector<16xi32>
    %ge3A_883 = arith.cmpi sge, %add3A_881, %ge3A_882 : vector<16xi32>
    %and3A_884 = arith.andi %lt3A_879, %ge3A_883 : vector<16xi1>
    %sub3A_885 = arith.constant 63 : i32
    %sub3A_886 = vector.broadcast %sub3A_885 : i32 to vector<16xi32>
    %sub3A_887 = arith.subi %sub3A_886, %iota3A : vector<16xi32>
    %jit3A_888 = arith.constant 0 : i32
    %broadcast_in_dim3A_889 = vector.broadcast %jit3A_888 : i32 to vector<16xi32>
    %select_n3A_890 = arith.select %and3A_884, %sub3A_887, %broadcast_in_dim3A_889 : vector<16xi1>, vector<16xi32>
    %reduce_sum3A_891 = arith.constant true
    %reduce_sum3A_892 = vector.broadcast %reduce_sum3A_891 : i1 to vector<16xi1>
    %reduce_sum3A_893 = tpu.scan <sum>, %select_n3A_890 masked %reduce_sum3A_892 : vector<16xi32>, vector<16xi1> -> vector<16xi32>
    %reduce_sum3A_894 = vector.extract %reduce_sum3A_893[15] : i32 from vector<16xi32>
    %add3A_895 = arith.addi %add3A_847, %reduce_sum3A_894 : i32
    %add3A_896 = vector.broadcast %add3A_862 : i32 to vector<16xi32>
    %add3A_897 = arith.addi %add3A_896, %sub3A_875 : vector<16xi32>
    %jit3A_898 = arith.constant 0 : i32
    %broadcast_in_dim3A_899 = vector.broadcast %jit3A_898 : i32 to vector<16xi32>
    %select_n3A_900 = arith.select %and3A_884, %add3A_897, %broadcast_in_dim3A_899 : vector<16xi1>, vector<16xi32>
    %reduce_sum3A_901 = arith.constant true
    %reduce_sum3A_902 = vector.broadcast %reduce_sum3A_901 : i1 to vector<16xi1>
    %reduce_sum3A_903 = tpu.scan <sum>, %select_n3A_900 masked %reduce_sum3A_902 : vector<16xi32>, vector<16xi1> -> vector<16xi32>
    %reduce_sum3A_904 = vector.extract %reduce_sum3A_903[15] : i32 from vector<16xi32>
    %add3A_905 = arith.addi %add3A_857, %reduce_sum3A_904 : i32
    %reduce_sum3A_906 = arith.constant true
    %reduce_sum3A_907 = vector.broadcast %reduce_sum3A_906 : i1 to vector<16xi1>
    %reduce_sum3A_908 = tpu.scan <sum>, %get3A_866 masked %reduce_sum3A_907 : vector<16xi32>, vector<16xi1> -> vector<16xi32>
    %reduce_sum3A_909 = vector.extract %reduce_sum3A_908[15] : i32 from vector<16xi32>
    %add3A_910 = arith.addi %add3A_862, %reduce_sum3A_909 : i32
    %get3A_911 = arith.constant 2 : i32
    %get3A_912 = arith.index_cast %get3A_911 : i32 to index
    %get3A_913 = arith.constant 0 : index
    %get3A_914 = tpu.vector_load %arg10[%get3A_912, %get3A_913] {strides = array<i32>} : memref<16x16xi32, #tpu.memory_space<vmem>>, vector<16xi32>,
    %rev3A_915 = arith.constant 15 : i32
    %rev3A_916 = vector.broadcast %rev3A_915 : i32 to vector<16xi32>
    %rev3A_917 = tpu.iota {dimensions = array<i32: 0>} : vector<16xi32>
    %rev3A_918 = arith.subi %rev3A_916, %rev3A_917 : vector<16xi32>
    %rev3A_919 = tpu.dynamic_gather %get3A_914[%rev3A_918] in [0] : vector<16xi32>, vector<16xi32> -> vector<16xi32>
    %broadcast_in_dim3A_920 = arith.constant true
    %broadcast_in_dim3A_921 = vector.broadcast %broadcast_in_dim3A_920 : i1 to vector<16xi1>
    %masked_cumsum3A_922 = tpu.scan <sum>, %rev3A_919 masked %broadcast_in_dim3A_921 : vector<16xi32>, vector<16xi1> -> vector<16xi32>
    %sub3A_923 = arith.subi %masked_cumsum3A_922, %rev3A_919 : vector<16xi32>
    %add3A_924 = vector.broadcast %add3A_910 : i32 to vector<16xi32>
    %add3A_925 = arith.addi %add3A_924, %sub3A_923 : vector<16xi32>
    %lt3A_926 = vector.broadcast %min3A_288 : i32 to vector<16xi32>
    %lt3A_927 = arith.cmpi slt, %add3A_925, %lt3A_926 : vector<16xi32>
    %add3A_928 = vector.broadcast %add3A_910 : i32 to vector<16xi32>
    %add3A_929 = arith.addi %add3A_928, %masked_cumsum3A_922 : vector<16xi32>
    %ge3A_930 = vector.broadcast %min3A_288 : i32 to vector<16xi32>
    %ge3A_931 = arith.cmpi sge, %add3A_929, %ge3A_930 : vector<16xi32>
    %and3A_932 = arith.andi %lt3A_927, %ge3A_931 : vector<16xi1>
    %sub3A_933 = arith.constant 47 : i32
    %sub3A_934 = vector.broadcast %sub3A_933 : i32 to vector<16xi32>
    %sub3A_935 = arith.subi %sub3A_934, %iota3A : vector<16xi32>
    %jit3A_936 = arith.constant 0 : i32
    %broadcast_in_dim3A_937 = vector.broadcast %jit3A_936 : i32 to vector<16xi32>
    %select_n3A_938 = arith.select %and3A_932, %sub3A_935, %broadcast_in_dim3A_937 : vector<16xi1>, vector<16xi32>
    %reduce_sum3A_939 = arith.constant true
    %reduce_sum3A_940 = vector.broadcast %reduce_sum3A_939 : i1 to vector<16xi1>
    %reduce_sum3A_941 = tpu.scan <sum>, %select_n3A_938 masked %reduce_sum3A_940 : vector<16xi32>, vector<16xi1> -> vector<16xi32>
    %reduce_sum3A_942 = vector.extract %reduce_sum3A_941[15] : i32 from vector<16xi32>
    %add3A_943 = arith.addi %add3A_895, %reduce_sum3A_942 : i32
    %add3A_944 = vector.broadcast %add3A_910 : i32 to vector<16xi32>
    %add3A_945 = arith.addi %add3A_944, %sub3A_923 : vector<16xi32>
    %jit3A_946 = arith.constant 0 : i32
    %broadcast_in_dim3A_947 = vector.broadcast %jit3A_946 : i32 to vector<16xi32>
    %select_n3A_948 = arith.select %and3A_932, %add3A_945, %broadcast_in_dim3A_947 : vector<16xi1>, vector<16xi32>
    %reduce_sum3A_949 = arith.constant true
    %reduce_sum3A_950 = vector.broadcast %reduce_sum3A_949 : i1 to vector<16xi1>
    %reduce_sum3A_951 = tpu.scan <sum>, %select_n3A_948 masked %reduce_sum3A_950 : vector<16xi32>, vector<16xi1> -> vector<16xi32>
    %reduce_sum3A_952 = vector.extract %reduce_sum3A_951[15] : i32 from vector<16xi32>
    %add3A_953 = arith.addi %add3A_905, %reduce_sum3A_952 : i32
    %reduce_sum3A_954 = arith.constant true
    %reduce_sum3A_955 = vector.broadcast %reduce_sum3A_954 : i1 to vector<16xi1>
    %reduce_sum3A_956 = tpu.scan <sum>, %get3A_914 masked %reduce_sum3A_955 : vector<16xi32>, vector<16xi1> -> vector<16xi32>
    %reduce_sum3A_957 = vector.extract %reduce_sum3A_956[15] : i32 from vector<16xi32>
    %add3A_958 = arith.addi %add3A_910, %reduce_sum3A_957 : i32
    %get3A_959 = arith.constant 1 : i32
    %get3A_960 = arith.index_cast %get3A_959 : i32 to index
    %get3A_961 = arith.constant 0 : index
    %get3A_962 = tpu.vector_load %arg10[%get3A_960, %get3A_961] {strides = array<i32>} : memref<16x16xi32, #tpu.memory_space<vmem>>, vector<16xi32>,
    %rev3A_963 = arith.constant 15 : i32
    %rev3A_964 = vector.broadcast %rev3A_963 : i32 to vector<16xi32>
    %rev3A_965 = tpu.iota {dimensions = array<i32: 0>} : vector<16xi32>
    %rev3A_966 = arith.subi %rev3A_964, %rev3A_965 : vector<16xi32>
    %rev3A_967 = tpu.dynamic_gather %get3A_962[%rev3A_966] in [0] : vector<16xi32>, vector<16xi32> -> vector<16xi32>
    %broadcast_in_dim3A_968 = arith.constant true
    %broadcast_in_dim3A_969 = vector.broadcast %broadcast_in_dim3A_968 : i1 to vector<16xi1>
    %masked_cumsum3A_970 = tpu.scan <sum>, %rev3A_967 masked %broadcast_in_dim3A_969 : vector<16xi32>, vector<16xi1> -> vector<16xi32>
    %sub3A_971 = arith.subi %masked_cumsum3A_970, %rev3A_967 : vector<16xi32>
    %add3A_972 = vector.broadcast %add3A_958 : i32 to vector<16xi32>
    %add3A_973 = arith.addi %add3A_972, %sub3A_971 : vector<16xi32>
    %lt3A_974 = vector.broadcast %min3A_288 : i32 to vector<16xi32>
    %lt3A_975 = arith.cmpi slt, %add3A_973, %lt3A_974 : vector<16xi32>
    %add3A_976 = vector.broadcast %add3A_958 : i32 to vector<16xi32>
    %add3A_977 = arith.addi %add3A_976, %masked_cumsum3A_970 : vector<16xi32>
    %ge3A_978 = vector.broadcast %min3A_288 : i32 to vector<16xi32>
    %ge3A_979 = arith.cmpi sge, %add3A_977, %ge3A_978 : vector<16xi32>
    %and3A_980 = arith.andi %lt3A_975, %ge3A_979 : vector<16xi1>
    %sub3A_981 = arith.constant 31 : i32
    %sub3A_982 = vector.broadcast %sub3A_981 : i32 to vector<16xi32>
    %sub3A_983 = arith.subi %sub3A_982, %iota3A : vector<16xi32>
    %jit3A_984 = arith.constant 0 : i32
    %broadcast_in_dim3A_985 = vector.broadcast %jit3A_984 : i32 to vector<16xi32>
    %select_n3A_986 = arith.select %and3A_980, %sub3A_983, %broadcast_in_dim3A_985 : vector<16xi1>, vector<16xi32>
    %reduce_sum3A_987 = arith.constant true
    %reduce_sum3A_988 = vector.broadcast %reduce_sum3A_987 : i1 to vector<16xi1>
    %reduce_sum3A_989 = tpu.scan <sum>, %select_n3A_986 masked %reduce_sum3A_988 : vector<16xi32>, vector<16xi1> -> vector<16xi32>
    %reduce_sum3A_990 = vector.extract %reduce_sum3A_989[15] : i32 from vector<16xi32>
    %add3A_991 = arith.addi %add3A_943, %reduce_sum3A_990 : i32
    %add3A_992 = vector.broadcast %add3A_958 : i32 to vector<16xi32>
    %add3A_993 = arith.addi %add3A_992, %sub3A_971 : vector<16xi32>
    %jit3A_994 = arith.constant 0 : i32
    %broadcast_in_dim3A_995 = vector.broadcast %jit3A_994 : i32 to vector<16xi32>
    %select_n3A_996 = arith.select %and3A_980, %add3A_993, %broadcast_in_dim3A_995 : vector<16xi1>, vector<16xi32>
    %reduce_sum3A_997 = arith.constant true
    %reduce_sum3A_998 = vector.broadcast %reduce_sum3A_997 : i1 to vector<16xi1>
    %reduce_sum3A_999 = tpu.scan <sum>, %select_n3A_996 masked %reduce_sum3A_998 : vector<16xi32>, vector<16xi1> -> vector<16xi32>
    %reduce_sum3A_1000 = vector.extract %reduce_sum3A_999[15] : i32 from vector<16xi32>
    %add3A_1001 = arith.addi %add3A_953, %reduce_sum3A_1000 : i32
    %reduce_sum3A_1002 = arith.constant true
    %reduce_sum3A_1003 = vector.broadcast %reduce_sum3A_1002 : i1 to vector<16xi1>
    %reduce_sum3A_1004 = tpu.scan <sum>, %get3A_962 masked %reduce_sum3A_1003 : vector<16xi32>, vector<16xi1> -> vector<16xi32>
    %reduce_sum3A_1005 = vector.extract %reduce_sum3A_1004[15] : i32 from vector<16xi32>
    %add3A_1006 = arith.addi %add3A_958, %reduce_sum3A_1005 : i32
    %get3A_1007 = arith.constant 0 : i32
    %get3A_1008 = arith.index_cast %get3A_1007 : i32 to index
    %get3A_1009 = arith.constant 0 : index
    %get3A_1010 = tpu.vector_load %arg10[%get3A_1008, %get3A_1009] {strides = array<i32>} : memref<16x16xi32, #tpu.memory_space<vmem>>, vector<16xi32>,
    %rev3A_1011 = arith.constant 15 : i32
    %rev3A_1012 = vector.broadcast %rev3A_1011 : i32 to vector<16xi32>
    %rev3A_1013 = tpu.iota {dimensions = array<i32: 0>} : vector<16xi32>
    %rev3A_1014 = arith.subi %rev3A_1012, %rev3A_1013 : vector<16xi32>
    %rev3A_1015 = tpu.dynamic_gather %get3A_1010[%rev3A_1014] in [0] : vector<16xi32>, vector<16xi32> -> vector<16xi32>
    %broadcast_in_dim3A_1016 = arith.constant true
    %broadcast_in_dim3A_1017 = vector.broadcast %broadcast_in_dim3A_1016 : i1 to vector<16xi1>
    %masked_cumsum3A_1018 = tpu.scan <sum>, %rev3A_1015 masked %broadcast_in_dim3A_1017 : vector<16xi32>, vector<16xi1> -> vector<16xi32>
    %sub3A_1019 = arith.subi %masked_cumsum3A_1018, %rev3A_1015 : vector<16xi32>
    %add3A_1020 = vector.broadcast %add3A_1006 : i32 to vector<16xi32>
    %add3A_1021 = arith.addi %add3A_1020, %sub3A_1019 : vector<16xi32>
    %lt3A_1022 = vector.broadcast %min3A_288 : i32 to vector<16xi32>
    %lt3A_1023 = arith.cmpi slt, %add3A_1021, %lt3A_1022 : vector<16xi32>
    %add3A_1024 = vector.broadcast %add3A_1006 : i32 to vector<16xi32>
    %add3A_1025 = arith.addi %add3A_1024, %masked_cumsum3A_1018 : vector<16xi32>
    %ge3A_1026 = vector.broadcast %min3A_288 : i32 to vector<16xi32>
    %ge3A_1027 = arith.cmpi sge, %add3A_1025, %ge3A_1026 : vector<16xi32>
    %and3A_1028 = arith.andi %lt3A_1023, %ge3A_1027 : vector<16xi1>
    %sub3A_1029 = arith.constant 15 : i32
    %sub3A_1030 = vector.broadcast %sub3A_1029 : i32 to vector<16xi32>
    %sub3A_1031 = arith.subi %sub3A_1030, %iota3A : vector<16xi32>
    %jit3A_1032 = arith.constant 0 : i32
    %broadcast_in_dim3A_1033 = vector.broadcast %jit3A_1032 : i32 to vector<16xi32>
    %select_n3A_1034 = arith.select %and3A_1028, %sub3A_1031, %broadcast_in_dim3A_1033 : vector<16xi1>, vector<16xi32>
    %reduce_sum3A_1035 = arith.constant true
    %reduce_sum3A_1036 = vector.broadcast %reduce_sum3A_1035 : i1 to vector<16xi1>
    %reduce_sum3A_1037 = tpu.scan <sum>, %select_n3A_1034 masked %reduce_sum3A_1036 : vector<16xi32>, vector<16xi1> -> vector<16xi32>
    %reduce_sum3A_1038 = vector.extract %reduce_sum3A_1037[15] : i32 from vector<16xi32>
    %add3A_1039 = arith.addi %add3A_991, %reduce_sum3A_1038 : i32
    %add3A_1040 = vector.broadcast %add3A_1006 : i32 to vector<16xi32>
    %add3A_1041 = arith.addi %add3A_1040, %sub3A_1019 : vector<16xi32>
    %jit3A_1042 = arith.constant 0 : i32
    %broadcast_in_dim3A_1043 = vector.broadcast %jit3A_1042 : i32 to vector<16xi32>
    %select_n3A_1044 = arith.select %and3A_1028, %add3A_1041, %broadcast_in_dim3A_1043 : vector<16xi1>, vector<16xi32>
    %reduce_sum3A_1045 = arith.constant true
    %reduce_sum3A_1046 = vector.broadcast %reduce_sum3A_1045 : i1 to vector<16xi1>
    %reduce_sum3A_1047 = tpu.scan <sum>, %select_n3A_1044 masked %reduce_sum3A_1046 : vector<16xi32>, vector<16xi1> -> vector<16xi32>
    %reduce_sum3A_1048 = vector.extract %reduce_sum3A_1047[15] : i32 from vector<16xi32>
    %add3A_1049 = arith.addi %add3A_1001, %reduce_sum3A_1048 : i32
    %reduce_sum3A_1050 = arith.constant true
    %reduce_sum3A_1051 = vector.broadcast %reduce_sum3A_1050 : i1 to vector<16xi1>
    %reduce_sum3A_1052 = tpu.scan <sum>, %get3A_1010 masked %reduce_sum3A_1051 : vector<16xi32>, vector<16xi1> -> vector<16xi32>
    %reduce_sum3A_1053 = vector.extract %reduce_sum3A_1052[15] : i32 from vector<16xi32>
    %add3A_1054 = arith.addi %add3A_1006, %reduce_sum3A_1053 : i32
    %shift_left3A = arith.constant 24 : i32
    %shift_left3A_1055 = arith.shli %add3A_1039, %shift_left3A : i32
    %or3A = arith.constant 0 : i32
    %or3A_1056 = arith.ori %or3A, %shift_left3A_1055 : i32
    %sub3A_1057 = arith.subi %min3A_288, %add3A_1049 : i32
    %swap3A_1058 = arith.constant 0 : i32
    %swap3A_1059 = arith.index_cast %swap3A_1058 : i32 to index
    %swap3A_1060 = arith.constant 0 : index
    %swap3A_1061 = tpu.vector_load %arg8[%swap3A_1059, %swap3A_1060] {strides = array<i32>} : memref<16x16xi32, #tpu.memory_space<vmem>>, vector<16xi32>,
    tpu.vector_store %arg8[%swap3A_1059, %swap3A_1060], %broadcast_in_dim3A_3 {strides = array<i32>} : memref<16x16xi32, #tpu.memory_space<vmem>>, vector<16xi32>,
    %swap3A_1062 = arith.constant 1 : i32
    %swap3A_1063 = arith.index_cast %swap3A_1062 : i32 to index
    %swap3A_1064 = arith.constant 0 : index
    %swap3A_1065 = tpu.vector_load %arg8[%swap3A_1063, %swap3A_1064] {strides = array<i32>} : memref<16x16xi32, #tpu.memory_space<vmem>>, vector<16xi32>,
    tpu.vector_store %arg8[%swap3A_1063, %swap3A_1064], %broadcast_in_dim3A_3 {strides = array<i32>} : memref<16x16xi32, #tpu.memory_space<vmem>>, vector<16xi32>,
    %swap3A_1066 = arith.constant 2 : i32
    %swap3A_1067 = arith.index_cast %swap3A_1066 : i32 to index
    %swap3A_1068 = arith.constant 0 : index
    %swap3A_1069 = tpu.vector_load %arg8[%swap3A_1067, %swap3A_1068] {strides = array<i32>} : memref<16x16xi32, #tpu.memory_space<vmem>>, vector<16xi32>,
    tpu.vector_store %arg8[%swap3A_1067, %swap3A_1068], %broadcast_in_dim3A_3 {strides = array<i32>} : memref<16x16xi32, #tpu.memory_space<vmem>>, vector<16xi32>,
    %swap3A_1070 = arith.constant 3 : i32
    %swap3A_1071 = arith.index_cast %swap3A_1070 : i32 to index
    %swap3A_1072 = arith.constant 0 : index
    %swap3A_1073 = tpu.vector_load %arg8[%swap3A_1071, %swap3A_1072] {strides = array<i32>} : memref<16x16xi32, #tpu.memory_space<vmem>>, vector<16xi32>,
    tpu.vector_store %arg8[%swap3A_1071, %swap3A_1072], %broadcast_in_dim3A_3 {strides = array<i32>} : memref<16x16xi32, #tpu.memory_space<vmem>>, vector<16xi32>,
    %swap3A_1074 = arith.constant 4 : i32
    %swap3A_1075 = arith.index_cast %swap3A_1074 : i32 to index
    %swap3A_1076 = arith.constant 0 : index
    %swap3A_1077 = tpu.vector_load %arg8[%swap3A_1075, %swap3A_1076] {strides = array<i32>} : memref<16x16xi32, #tpu.memory_space<vmem>>, vector<16xi32>,
    tpu.vector_store %arg8[%swap3A_1075, %swap3A_1076], %broadcast_in_dim3A_3 {strides = array<i32>} : memref<16x16xi32, #tpu.memory_space<vmem>>, vector<16xi32>,
    %swap3A_1078 = arith.constant 5 : i32
    %swap3A_1079 = arith.index_cast %swap3A_1078 : i32 to index
    %swap3A_1080 = arith.constant 0 : index
    %swap3A_1081 = tpu.vector_load %arg8[%swap3A_1079, %swap3A_1080] {strides = array<i32>} : memref<16x16xi32, #tpu.memory_space<vmem>>, vector<16xi32>,
    tpu.vector_store %arg8[%swap3A_1079, %swap3A_1080], %broadcast_in_dim3A_3 {strides = array<i32>} : memref<16x16xi32, #tpu.memory_space<vmem>>, vector<16xi32>,
    %swap3A_1082 = arith.constant 6 : i32
    %swap3A_1083 = arith.index_cast %swap3A_1082 : i32 to index
    %swap3A_1084 = arith.constant 0 : index
    %swap3A_1085 = tpu.vector_load %arg8[%swap3A_1083, %swap3A_1084] {strides = array<i32>} : memref<16x16xi32, #tpu.memory_space<vmem>>, vector<16xi32>,
    tpu.vector_store %arg8[%swap3A_1083, %swap3A_1084], %broadcast_in_dim3A_3 {strides = array<i32>} : memref<16x16xi32, #tpu.memory_space<vmem>>, vector<16xi32>,
    %swap3A_1086 = arith.constant 7 : i32
    %swap3A_1087 = arith.index_cast %swap3A_1086 : i32 to index
    %swap3A_1088 = arith.constant 0 : index
    %swap3A_1089 = tpu.vector_load %arg8[%swap3A_1087, %swap3A_1088] {strides = array<i32>} : memref<16x16xi32, #tpu.memory_space<vmem>>, vector<16xi32>,
    tpu.vector_store %arg8[%swap3A_1087, %swap3A_1088], %broadcast_in_dim3A_3 {strides = array<i32>} : memref<16x16xi32, #tpu.memory_space<vmem>>, vector<16xi32>,
    %swap3A_1090 = arith.constant 8 : i32
    %swap3A_1091 = arith.index_cast %swap3A_1090 : i32 to index
    %swap3A_1092 = arith.constant 0 : index
    %swap3A_1093 = tpu.vector_load %arg8[%swap3A_1091, %swap3A_1092] {strides = array<i32>} : memref<16x16xi32, #tpu.memory_space<vmem>>, vector<16xi32>,
    tpu.vector_store %arg8[%swap3A_1091, %swap3A_1092], %broadcast_in_dim3A_3 {strides = array<i32>} : memref<16x16xi32, #tpu.memory_space<vmem>>, vector<16xi32>,
    %swap3A_1094 = arith.constant 9 : i32
    %swap3A_1095 = arith.index_cast %swap3A_1094 : i32 to index
    %swap3A_1096 = arith.constant 0 : index
    %swap3A_1097 = tpu.vector_load %arg8[%swap3A_1095, %swap3A_1096] {strides = array<i32>} : memref<16x16xi32, #tpu.memory_space<vmem>>, vector<16xi32>,
    tpu.vector_store %arg8[%swap3A_1095, %swap3A_1096], %broadcast_in_dim3A_3 {strides = array<i32>} : memref<16x16xi32, #tpu.memory_space<vmem>>, vector<16xi32>,
    %swap3A_1098 = arith.constant 10 : i32
    %swap3A_1099 = arith.index_cast %swap3A_1098 : i32 to index
    %swap3A_1100 = arith.constant 0 : index
    %swap3A_1101 = tpu.vector_load %arg8[%swap3A_1099, %swap3A_1100] {strides = array<i32>} : memref<16x16xi32, #tpu.memory_space<vmem>>, vector<16xi32>,
    tpu.vector_store %arg8[%swap3A_1099, %swap3A_1100], %broadcast_in_dim3A_3 {strides = array<i32>} : memref<16x16xi32, #tpu.memory_space<vmem>>, vector<16xi32>,
    %swap3A_1102 = arith.constant 11 : i32
    %swap3A_1103 = arith.index_cast %swap3A_1102 : i32 to index
    %swap3A_1104 = arith.constant 0 : index
    %swap3A_1105 = tpu.vector_load %arg8[%swap3A_1103, %swap3A_1104] {strides = array<i32>} : memref<16x16xi32, #tpu.memory_space<vmem>>, vector<16xi32>,
    tpu.vector_store %arg8[%swap3A_1103, %swap3A_1104], %broadcast_in_dim3A_3 {strides = array<i32>} : memref<16x16xi32, #tpu.memory_space<vmem>>, vector<16xi32>,
    %swap3A_1106 = arith.constant 12 : i32
    %swap3A_1107 = arith.index_cast %swap3A_1106 : i32 to index
    %swap3A_1108 = arith.constant 0 : index
    %swap3A_1109 = tpu.vector_load %arg8[%swap3A_1107, %swap3A_1108] {strides = array<i32>} : memref<16x16xi32, #tpu.memory_space<vmem>>, vector<16xi32>,
    tpu.vector_store %arg8[%swap3A_1107, %swap3A_1108], %broadcast_in_dim3A_3 {strides = array<i32>} : memref<16x16xi32, #tpu.memory_space<vmem>>, vector<16xi32>,
    %swap3A_1110 = arith.constant 13 : i32
    %swap3A_1111 = arith.index_cast %swap3A_1110 : i32 to index
    %swap3A_1112 = arith.constant 0 : index
    %swap3A_1113 = tpu.vector_load %arg8[%swap3A_1111, %swap3A_1112] {strides = array<i32>} : memref<16x16xi32, #tpu.memory_space<vmem>>, vector<16xi32>,
    tpu.vector_store %arg8[%swap3A_1111, %swap3A_1112], %broadcast_in_dim3A_3 {strides = array<i32>} : memref<16x16xi32, #tpu.memory_space<vmem>>, vector<16xi32>,
    %swap3A_1114 = arith.constant 14 : i32
    %swap3A_1115 = arith.index_cast %swap3A_1114 : i32 to index
    %swap3A_1116 = arith.constant 0 : index
    %swap3A_1117 = tpu.vector_load %arg8[%swap3A_1115, %swap3A_1116] {strides = array<i32>} : memref<16x16xi32, #tpu.memory_space<vmem>>, vector<16xi32>,
    tpu.vector_store %arg8[%swap3A_1115, %swap3A_1116], %broadcast_in_dim3A_3 {strides = array<i32>} : memref<16x16xi32, #tpu.memory_space<vmem>>, vector<16xi32>,
    %swap3A_1118 = arith.constant 15 : i32
    %swap3A_1119 = arith.index_cast %swap3A_1118 : i32 to index
    %swap3A_1120 = arith.constant 0 : index
    %swap3A_1121 = tpu.vector_load %arg8[%swap3A_1119, %swap3A_1120] {strides = array<i32>} : memref<16x16xi32, #tpu.memory_space<vmem>>, vector<16xi32>,
    tpu.vector_store %arg8[%swap3A_1119, %swap3A_1120], %broadcast_in_dim3A_3 {strides = array<i32>} : memref<16x16xi32, #tpu.memory_space<vmem>>, vector<16xi32>,
    %scan3A_1122 = arith.constant 1008981770 : i32
    %scan3A_1123 = arith.constant 0 : i32
    %scan3A_1124 = arith.constant 0 : i32
    %scan3A_1125 = arith.constant 80 : i32
    %scan3A_1126 = arith.addi %scan3A_1124, %scan3A_1125 : i32
    %scan3A_1127 = arith.constant 1 : i32
    %scan3A_1128 = scf.for %scan3A_3868 = %scan3A_1124 to %scan3A_1126 step %scan3A_1127 iter_args(%scan3A_3869 = %scan3A_1123) -> (i32)  : i32 {
      %mul3A_3870 = arith.constant 16 : i32
      %mul3A_3871 = arith.muli %scan3A_3868, %mul3A_3870 : i32
      %get3A_3872 = arith.index_cast %mul3A_3871 : i32 to index
      %get3A_3873 = tpu.vector_load %arg7[%get3A_3872] {strides = array<i32>} : memref<1280xi32, #tpu.memory_space<vmem>>, vector<16xi32>,
      %gt3A = vector.broadcast %scan3A_1122 : i32 to vector<16xi32>
      %gt3A_3874 = arith.cmpi sgt, %get3A_3873, %gt3A : vector<16xi32>
      %shift_right_arithmetic3A_3875 = arith.constant 24 : i32
      %shift_right_arithmetic3A_3876 = vector.broadcast %shift_right_arithmetic3A_3875 : i32 to vector<16xi32>
      %shift_right_arithmetic3A_3877 = arith.shrsi %get3A_3873, %shift_right_arithmetic3A_3876 : vector<16xi32>
      %shift_right_arithmetic3A_3878 = arith.constant 24 : i32
      %shift_right_arithmetic3A_3879 = arith.shrsi %or3A_1056, %shift_right_arithmetic3A_3878 : i32
      %eq3A_3880 = vector.broadcast %shift_right_arithmetic3A_3879 : i32 to vector<16xi32>
      %eq3A_3881 = arith.cmpi eq, %shift_right_arithmetic3A_3877, %eq3A_3880 : vector<16xi32>
      %and3A_3882 = arith.andi %gt3A_3874, %eq3A_3881 : vector<16xi1>
      %shift_right_arithmetic3A_3883 = arith.constant 16 : i32
      %shift_right_arithmetic3A_3884 = vector.broadcast %shift_right_arithmetic3A_3883 : i32 to vector<16xi32>
      %shift_right_arithmetic3A_3885 = arith.shrsi %get3A_3873, %shift_right_arithmetic3A_3884 : vector<16xi32>
      %and3A_3886 = arith.constant 255 : i32
      %and3A_3887 = vector.broadcast %and3A_3886 : i32 to vector<16xi32>
      %and3A_3888 = arith.andi %shift_right_arithmetic3A_3885, %and3A_3887 : vector<16xi32>
      %shift_right_arithmetic3A_3889 = arith.constant 4 : i32
      %shift_right_arithmetic3A_3890 = vector.broadcast %shift_right_arithmetic3A_3889 : i32 to vector<16xi32>
      %shift_right_arithmetic3A_3891 = arith.shrsi %and3A_3888, %shift_right_arithmetic3A_3890 : vector<16xi32>
      %and3A_3892 = arith.constant 15 : i32
      %and3A_3893 = vector.broadcast %and3A_3892 : i32 to vector<16xi32>
      %and3A_3894 = arith.andi %and3A_3888, %and3A_3893 : vector<16xi32>
      tpu.vector_store_idx %arg8[%shift_right_arithmetic3A_3891, %and3A_3894], %broadcast_in_dim3A_1 masked %and3A_3882 {add = true} : memref<16x16xi32, #tpu.memory_space<vmem>>[vector<16xi32>, vector<16xi32>], vector<16xi32>, vector<16xi1>
      %scan3A_3895 = arith.constant 0 : i32
      scf.yield %scan3A_3895 : i32
    }
    %scan3A_1129 = arith.constant 80 : i32
    %add3A_1130 = arith.constant 16 : i32
    %add3A_1131 = vector.broadcast %add3A_1130 : i32 to vector<16xi32>
    %add3A_1132 = arith.addi %iota3A, %add3A_1131 : vector<16xi32>
    %swap3A_1133 = arith.constant 0 : index
    %swap3A_1134 = tpu.vector_load %arg9[%swap3A_1133] {strides = array<i32>} : memref<16xi32, #tpu.memory_space<vmem>>, vector<16xi32>,
    tpu.vector_store %arg9[%swap3A_1133], %add3A_1132 {strides = array<i32>} : memref<16xi32, #tpu.memory_space<vmem>>, vector<16xi32>,
    "tpu.region"() ({
      %run_scoped3A_3868 = tpu.sem_alloc : memref<!tpu.dma_semaphore, #tpu.memory_space<semaphore_mem>>
      %dma_start3A_3869 = arith.constant 0 : i32
      %dma_start3A_3870 = arith.constant 0 : i32
      %dma_start3A_3871 = tpu.memref_slice %arg22[%dma_start3A_3869, %dma_start3A_3870] : memref<64x16xi32, #tpu.memory_space<vmem_shared>> -> memref<64x16xi32, #tpu.memory_space<vmem_shared>>
      tpu.enqueue_indirect_dma source(%arg8 : memref<16x16xi32, #tpu.memory_space<vmem>>) target(%dma_start3A_3871 : memref<64x16xi32, #tpu.memory_space<vmem_shared>>) offsets(%arg9 : memref<16xi32, #tpu.memory_space<vmem>>) semaphore(%run_scoped3A_3868 : memref<!tpu.dma_semaphore, #tpu.memory_space<semaphore_mem>>) {add = true}
      %dma_wait3A_3872 = arith.constant 0 : i32
      %dma_wait3A_3873 = arith.constant 0 : i32
      %dma_wait3A_3874 = tpu.memref_slice %arg22[%dma_wait3A_3872, %dma_wait3A_3873] : memref<64x16xi32, #tpu.memory_space<vmem_shared>> -> memref<64x16xi32, #tpu.memory_space<vmem_shared>>
      tpu.wait_indirect_dma semaphore(%run_scoped3A_3868 : memref<!tpu.dma_semaphore, #tpu.memory_space<semaphore_mem>>) src(%arg8 : memref<16x16xi32, #tpu.memory_space<vmem>>) dst(%dma_wait3A_3874 : memref<64x16xi32, #tpu.memory_space<vmem_shared>>)
      tpu.yield
    }) : () -> ()
    %barrier3A_1135 = arith.constant 0 : index
    tpu.barrier barrier_id(%barrier3A_1135)
    "tpu.region"() ({
      %run_scoped3A_3868 = tpu.sem_alloc : memref<!tpu.dma_semaphore, #tpu.memory_space<semaphore_mem>>
      %dma_start3A_3869 = arith.constant 16 : i32
      %dma_start3A_3870 = arith.constant 0 : i32
      %dma_start3A_3871 = tpu.memref_slice %arg22[%dma_start3A_3869, %dma_start3A_3870] : memref<64x16xi32, #tpu.memory_space<vmem_shared>> -> memref<16x16xi32, #tpu.memory_space<vmem_shared>>
      %dma_start3A_3872 = arith.constant 16 : i32
      %dma_start3A_3873 = arith.constant 0 : i32
      %dma_start3A_3874 = tpu.memref_slice %arg22[%dma_start3A_3872, %dma_start3A_3873] : memref<64x16xi32, #tpu.memory_space<vmem_shared>> -> memref<16x16xi32, #tpu.memory_space<vmem_shared>>
      tpu.enqueue_dma source(%dma_start3A_3874 : memref<16x16xi32, #tpu.memory_space<vmem_shared>>) target(%arg10 : memref<16x16xi32, #tpu.memory_space<vmem>>) target_semaphore(%run_scoped3A_3868 : memref<!tpu.dma_semaphore, #tpu.memory_space<semaphore_mem>>)
      %dma_wait3A_3875 = arith.constant 16 : i32
      %dma_wait3A_3876 = arith.constant 0 : i32
      %dma_wait3A_3877 = tpu.memref_slice %arg22[%dma_wait3A_3875, %dma_wait3A_3876] : memref<64x16xi32, #tpu.memory_space<vmem_shared>> -> memref<16x16xi32, #tpu.memory_space<vmem_shared>>
      %dma_wait3A_3878 = arith.constant 16 : i32
      %dma_wait3A_3879 = arith.constant 0 : i32
      %dma_wait3A_3880 = tpu.memref_slice %arg22[%dma_wait3A_3878, %dma_wait3A_3879] : memref<64x16xi32, #tpu.memory_space<vmem_shared>> -> memref<16x16xi32, #tpu.memory_space<vmem_shared>>
      tpu.wait_dma2 semaphore(%run_scoped3A_3868 : memref<!tpu.dma_semaphore, #tpu.memory_space<semaphore_mem>>) src(%dma_wait3A_3880 : memref<16x16xi32, #tpu.memory_space<vmem_shared>>) dst(%arg10 : memref<16x16xi32, #tpu.memory_space<vmem>>)
      tpu.yield
    }) : () -> ()
    %get3A_1136 = arith.constant 15 : i32
    %get3A_1137 = arith.index_cast %get3A_1136 : i32 to index
    %get3A_1138 = arith.constant 0 : index
    %get3A_1139 = tpu.vector_load %arg10[%get3A_1137, %get3A_1138] {strides = array<i32>} : memref<16x16xi32, #tpu.memory_space<vmem>>, vector<16xi32>,
    %rev3A_1140 = arith.constant 15 : i32
    %rev3A_1141 = vector.broadcast %rev3A_1140 : i32 to vector<16xi32>
    %rev3A_1142 = tpu.iota {dimensions = array<i32: 0>} : vector<16xi32>
    %rev3A_1143 = arith.subi %rev3A_1141, %rev3A_1142 : vector<16xi32>
    %rev3A_1144 = tpu.dynamic_gather %get3A_1139[%rev3A_1143] in [0] : vector<16xi32>, vector<16xi32> -> vector<16xi32>
    %broadcast_in_dim3A_1145 = arith.constant true
    %broadcast_in_dim3A_1146 = vector.broadcast %broadcast_in_dim3A_1145 : i1 to vector<16xi1>
    %masked_cumsum3A_1147 = tpu.scan <sum>, %rev3A_1144 masked %broadcast_in_dim3A_1146 : vector<16xi32>, vector<16xi1> -> vector<16xi32>
    %sub3A_1148 = arith.subi %masked_cumsum3A_1147, %rev3A_1144 : vector<16xi32>
    %add3A_1149 = arith.constant 0 : i32
    %add3A_1150 = vector.broadcast %add3A_1149 : i32 to vector<16xi32>
    %add3A_1151 = arith.addi %add3A_1150, %sub3A_1148 : vector<16xi32>
    %lt3A_1152 = vector.broadcast %sub3A_1057 : i32 to vector<16xi32>
    %lt3A_1153 = arith.cmpi slt, %add3A_1151, %lt3A_1152 : vector<16xi32>
    %add3A_1154 = arith.constant 0 : i32
    %add3A_1155 = vector.broadcast %add3A_1154 : i32 to vector<16xi32>
    %add3A_1156 = arith.addi %add3A_1155, %masked_cumsum3A_1147 : vector<16xi32>
    %ge3A_1157 = vector.broadcast %sub3A_1057 : i32 to vector<16xi32>
    %ge3A_1158 = arith.cmpi sge, %add3A_1156, %ge3A_1157 : vector<16xi32>
    %and3A_1159 = arith.andi %lt3A_1153, %ge3A_1158 : vector<16xi1>
    %sub3A_1160 = arith.constant 255 : i32
    %sub3A_1161 = vector.broadcast %sub3A_1160 : i32 to vector<16xi32>
    %sub3A_1162 = arith.subi %sub3A_1161, %iota3A : vector<16xi32>
    %jit3A_1163 = arith.constant 0 : i32
    %broadcast_in_dim3A_1164 = vector.broadcast %jit3A_1163 : i32 to vector<16xi32>
    %select_n3A_1165 = arith.select %and3A_1159, %sub3A_1162, %broadcast_in_dim3A_1164 : vector<16xi1>, vector<16xi32>
    %reduce_sum3A_1166 = arith.constant true
    %reduce_sum3A_1167 = vector.broadcast %reduce_sum3A_1166 : i1 to vector<16xi1>
    %reduce_sum3A_1168 = tpu.scan <sum>, %select_n3A_1165 masked %reduce_sum3A_1167 : vector<16xi32>, vector<16xi1> -> vector<16xi32>
    %reduce_sum3A_1169 = vector.extract %reduce_sum3A_1168[15] : i32 from vector<16xi32>
    %add3A_1170 = arith.constant 0 : i32
    %add3A_1171 = arith.addi %add3A_1170, %reduce_sum3A_1169 : i32
    %add3A_1172 = arith.constant 0 : i32
    %add3A_1173 = vector.broadcast %add3A_1172 : i32 to vector<16xi32>
    %add3A_1174 = arith.addi %add3A_1173, %sub3A_1148 : vector<16xi32>
    %jit3A_1175 = arith.constant 0 : i32
    %broadcast_in_dim3A_1176 = vector.broadcast %jit3A_1175 : i32 to vector<16xi32>
    %select_n3A_1177 = arith.select %and3A_1159, %add3A_1174, %broadcast_in_dim3A_1176 : vector<16xi1>, vector<16xi32>
    %reduce_sum3A_1178 = arith.constant true
    %reduce_sum3A_1179 = vector.broadcast %reduce_sum3A_1178 : i1 to vector<16xi1>
    %reduce_sum3A_1180 = tpu.scan <sum>, %select_n3A_1177 masked %reduce_sum3A_1179 : vector<16xi32>, vector<16xi1> -> vector<16xi32>
    %reduce_sum3A_1181 = vector.extract %reduce_sum3A_1180[15] : i32 from vector<16xi32>
    %add3A_1182 = arith.constant 0 : i32
    %add3A_1183 = arith.addi %add3A_1182, %reduce_sum3A_1181 : i32
    %reduce_sum3A_1184 = arith.constant true
    %reduce_sum3A_1185 = vector.broadcast %reduce_sum3A_1184 : i1 to vector<16xi1>
    %reduce_sum3A_1186 = tpu.scan <sum>, %get3A_1139 masked %reduce_sum3A_1185 : vector<16xi32>, vector<16xi1> -> vector<16xi32>
    %reduce_sum3A_1187 = vector.extract %reduce_sum3A_1186[15] : i32 from vector<16xi32>
    %add3A_1188 = arith.constant 0 : i32
    %add3A_1189 = arith.addi %add3A_1188, %reduce_sum3A_1187 : i32
    %get3A_1190 = arith.constant 14 : i32
    %get3A_1191 = arith.index_cast %get3A_1190 : i32 to index
    %get3A_1192 = arith.constant 0 : index
    %get3A_1193 = tpu.vector_load %arg10[%get3A_1191, %get3A_1192] {strides = array<i32>} : memref<16x16xi32, #tpu.memory_space<vmem>>, vector<16xi32>,
    %rev3A_1194 = arith.constant 15 : i32
    %rev3A_1195 = vector.broadcast %rev3A_1194 : i32 to vector<16xi32>
    %rev3A_1196 = tpu.iota {dimensions = array<i32: 0>} : vector<16xi32>
    %rev3A_1197 = arith.subi %rev3A_1195, %rev3A_1196 : vector<16xi32>
    %rev3A_1198 = tpu.dynamic_gather %get3A_1193[%rev3A_1197] in [0] : vector<16xi32>, vector<16xi32> -> vector<16xi32>
    %broadcast_in_dim3A_1199 = arith.constant true
    %broadcast_in_dim3A_1200 = vector.broadcast %broadcast_in_dim3A_1199 : i1 to vector<16xi1>
    %masked_cumsum3A_1201 = tpu.scan <sum>, %rev3A_1198 masked %broadcast_in_dim3A_1200 : vector<16xi32>, vector<16xi1> -> vector<16xi32>
    %sub3A_1202 = arith.subi %masked_cumsum3A_1201, %rev3A_1198 : vector<16xi32>
    %add3A_1203 = vector.broadcast %add3A_1189 : i32 to vector<16xi32>
    %add3A_1204 = arith.addi %add3A_1203, %sub3A_1202 : vector<16xi32>
    %lt3A_1205 = vector.broadcast %sub3A_1057 : i32 to vector<16xi32>
    %lt3A_1206 = arith.cmpi slt, %add3A_1204, %lt3A_1205 : vector<16xi32>
    %add3A_1207 = vector.broadcast %add3A_1189 : i32 to vector<16xi32>
    %add3A_1208 = arith.addi %add3A_1207, %masked_cumsum3A_1201 : vector<16xi32>
    %ge3A_1209 = vector.broadcast %sub3A_1057 : i32 to vector<16xi32>
    %ge3A_1210 = arith.cmpi sge, %add3A_1208, %ge3A_1209 : vector<16xi32>
    %and3A_1211 = arith.andi %lt3A_1206, %ge3A_1210 : vector<16xi1>
    %sub3A_1212 = arith.constant 239 : i32
    %sub3A_1213 = vector.broadcast %sub3A_1212 : i32 to vector<16xi32>
    %sub3A_1214 = arith.subi %sub3A_1213, %iota3A : vector<16xi32>
    %jit3A_1215 = arith.constant 0 : i32
    %broadcast_in_dim3A_1216 = vector.broadcast %jit3A_1215 : i32 to vector<16xi32>
    %select_n3A_1217 = arith.select %and3A_1211, %sub3A_1214, %broadcast_in_dim3A_1216 : vector<16xi1>, vector<16xi32>
    %reduce_sum3A_1218 = arith.constant true
    %reduce_sum3A_1219 = vector.broadcast %reduce_sum3A_1218 : i1 to vector<16xi1>
    %reduce_sum3A_1220 = tpu.scan <sum>, %select_n3A_1217 masked %reduce_sum3A_1219 : vector<16xi32>, vector<16xi1> -> vector<16xi32>
    %reduce_sum3A_1221 = vector.extract %reduce_sum3A_1220[15] : i32 from vector<16xi32>
    %add3A_1222 = arith.addi %add3A_1171, %reduce_sum3A_1221 : i32
    %add3A_1223 = vector.broadcast %add3A_1189 : i32 to vector<16xi32>
    %add3A_1224 = arith.addi %add3A_1223, %sub3A_1202 : vector<16xi32>
    %jit3A_1225 = arith.constant 0 : i32
    %broadcast_in_dim3A_1226 = vector.broadcast %jit3A_1225 : i32 to vector<16xi32>
    %select_n3A_1227 = arith.select %and3A_1211, %add3A_1224, %broadcast_in_dim3A_1226 : vector<16xi1>, vector<16xi32>
    %reduce_sum3A_1228 = arith.constant true
    %reduce_sum3A_1229 = vector.broadcast %reduce_sum3A_1228 : i1 to vector<16xi1>
    %reduce_sum3A_1230 = tpu.scan <sum>, %select_n3A_1227 masked %reduce_sum3A_1229 : vector<16xi32>, vector<16xi1> -> vector<16xi32>
    %reduce_sum3A_1231 = vector.extract %reduce_sum3A_1230[15] : i32 from vector<16xi32>
    %add3A_1232 = arith.addi %add3A_1183, %reduce_sum3A_1231 : i32
    %reduce_sum3A_1233 = arith.constant true
    %reduce_sum3A_1234 = vector.broadcast %reduce_sum3A_1233 : i1 to vector<16xi1>
    %reduce_sum3A_1235 = tpu.scan <sum>, %get3A_1193 masked %reduce_sum3A_1234 : vector<16xi32>, vector<16xi1> -> vector<16xi32>
    %reduce_sum3A_1236 = vector.extract %reduce_sum3A_1235[15] : i32 from vector<16xi32>
    %add3A_1237 = arith.addi %add3A_1189, %reduce_sum3A_1236 : i32
    %get3A_1238 = arith.constant 13 : i32
    %get3A_1239 = arith.index_cast %get3A_1238 : i32 to index
    %get3A_1240 = arith.constant 0 : index
    %get3A_1241 = tpu.vector_load %arg10[%get3A_1239, %get3A_1240] {strides = array<i32>} : memref<16x16xi32, #tpu.memory_space<vmem>>, vector<16xi32>,
    %rev3A_1242 = arith.constant 15 : i32
    %rev3A_1243 = vector.broadcast %rev3A_1242 : i32 to vector<16xi32>
    %rev3A_1244 = tpu.iota {dimensions = array<i32: 0>} : vector<16xi32>
    %rev3A_1245 = arith.subi %rev3A_1243, %rev3A_1244 : vector<16xi32>
    %rev3A_1246 = tpu.dynamic_gather %get3A_1241[%rev3A_1245] in [0] : vector<16xi32>, vector<16xi32> -> vector<16xi32>
    %broadcast_in_dim3A_1247 = arith.constant true
    %broadcast_in_dim3A_1248 = vector.broadcast %broadcast_in_dim3A_1247 : i1 to vector<16xi1>
    %masked_cumsum3A_1249 = tpu.scan <sum>, %rev3A_1246 masked %broadcast_in_dim3A_1248 : vector<16xi32>, vector<16xi1> -> vector<16xi32>
    %sub3A_1250 = arith.subi %masked_cumsum3A_1249, %rev3A_1246 : vector<16xi32>
    %add3A_1251 = vector.broadcast %add3A_1237 : i32 to vector<16xi32>
    %add3A_1252 = arith.addi %add3A_1251, %sub3A_1250 : vector<16xi32>
    %lt3A_1253 = vector.broadcast %sub3A_1057 : i32 to vector<16xi32>
    %lt3A_1254 = arith.cmpi slt, %add3A_1252, %lt3A_1253 : vector<16xi32>
    %add3A_1255 = vector.broadcast %add3A_1237 : i32 to vector<16xi32>
    %add3A_1256 = arith.addi %add3A_1255, %masked_cumsum3A_1249 : vector<16xi32>
    %ge3A_1257 = vector.broadcast %sub3A_1057 : i32 to vector<16xi32>
    %ge3A_1258 = arith.cmpi sge, %add3A_1256, %ge3A_1257 : vector<16xi32>
    %and3A_1259 = arith.andi %lt3A_1254, %ge3A_1258 : vector<16xi1>
    %sub3A_1260 = arith.constant 223 : i32
    %sub3A_1261 = vector.broadcast %sub3A_1260 : i32 to vector<16xi32>
    %sub3A_1262 = arith.subi %sub3A_1261, %iota3A : vector<16xi32>
    %jit3A_1263 = arith.constant 0 : i32
    %broadcast_in_dim3A_1264 = vector.broadcast %jit3A_1263 : i32 to vector<16xi32>
    %select_n3A_1265 = arith.select %and3A_1259, %sub3A_1262, %broadcast_in_dim3A_1264 : vector<16xi1>, vector<16xi32>
    %reduce_sum3A_1266 = arith.constant true
    %reduce_sum3A_1267 = vector.broadcast %reduce_sum3A_1266 : i1 to vector<16xi1>
    %reduce_sum3A_1268 = tpu.scan <sum>, %select_n3A_1265 masked %reduce_sum3A_1267 : vector<16xi32>, vector<16xi1> -> vector<16xi32>
    %reduce_sum3A_1269 = vector.extract %reduce_sum3A_1268[15] : i32 from vector<16xi32>
    %add3A_1270 = arith.addi %add3A_1222, %reduce_sum3A_1269 : i32
    %add3A_1271 = vector.broadcast %add3A_1237 : i32 to vector<16xi32>
    %add3A_1272 = arith.addi %add3A_1271, %sub3A_1250 : vector<16xi32>
    %jit3A_1273 = arith.constant 0 : i32
    %broadcast_in_dim3A_1274 = vector.broadcast %jit3A_1273 : i32 to vector<16xi32>
    %select_n3A_1275 = arith.select %and3A_1259, %add3A_1272, %broadcast_in_dim3A_1274 : vector<16xi1>, vector<16xi32>
    %reduce_sum3A_1276 = arith.constant true
    %reduce_sum3A_1277 = vector.broadcast %reduce_sum3A_1276 : i1 to vector<16xi1>
    %reduce_sum3A_1278 = tpu.scan <sum>, %select_n3A_1275 masked %reduce_sum3A_1277 : vector<16xi32>, vector<16xi1> -> vector<16xi32>
    %reduce_sum3A_1279 = vector.extract %reduce_sum3A_1278[15] : i32 from vector<16xi32>
    %add3A_1280 = arith.addi %add3A_1232, %reduce_sum3A_1279 : i32
    %reduce_sum3A_1281 = arith.constant true
    %reduce_sum3A_1282 = vector.broadcast %reduce_sum3A_1281 : i1 to vector<16xi1>
    %reduce_sum3A_1283 = tpu.scan <sum>, %get3A_1241 masked %reduce_sum3A_1282 : vector<16xi32>, vector<16xi1> -> vector<16xi32>
    %reduce_sum3A_1284 = vector.extract %reduce_sum3A_1283[15] : i32 from vector<16xi32>
    %add3A_1285 = arith.addi %add3A_1237, %reduce_sum3A_1284 : i32
    %get3A_1286 = arith.constant 12 : i32
    %get3A_1287 = arith.index_cast %get3A_1286 : i32 to index
    %get3A_1288 = arith.constant 0 : index
    %get3A_1289 = tpu.vector_load %arg10[%get3A_1287, %get3A_1288] {strides = array<i32>} : memref<16x16xi32, #tpu.memory_space<vmem>>, vector<16xi32>,
    %rev3A_1290 = arith.constant 15 : i32
    %rev3A_1291 = vector.broadcast %rev3A_1290 : i32 to vector<16xi32>
    %rev3A_1292 = tpu.iota {dimensions = array<i32: 0>} : vector<16xi32>
    %rev3A_1293 = arith.subi %rev3A_1291, %rev3A_1292 : vector<16xi32>
    %rev3A_1294 = tpu.dynamic_gather %get3A_1289[%rev3A_1293] in [0] : vector<16xi32>, vector<16xi32> -> vector<16xi32>
    %broadcast_in_dim3A_1295 = arith.constant true
    %broadcast_in_dim3A_1296 = vector.broadcast %broadcast_in_dim3A_1295 : i1 to vector<16xi1>
    %masked_cumsum3A_1297 = tpu.scan <sum>, %rev3A_1294 masked %broadcast_in_dim3A_1296 : vector<16xi32>, vector<16xi1> -> vector<16xi32>
    %sub3A_1298 = arith.subi %masked_cumsum3A_1297, %rev3A_1294 : vector<16xi32>
    %add3A_1299 = vector.broadcast %add3A_1285 : i32 to vector<16xi32>
    %add3A_1300 = arith.addi %add3A_1299, %sub3A_1298 : vector<16xi32>
    %lt3A_1301 = vector.broadcast %sub3A_1057 : i32 to vector<16xi32>
    %lt3A_1302 = arith.cmpi slt, %add3A_1300, %lt3A_1301 : vector<16xi32>
    %add3A_1303 = vector.broadcast %add3A_1285 : i32 to vector<16xi32>
    %add3A_1304 = arith.addi %add3A_1303, %masked_cumsum3A_1297 : vector<16xi32>
    %ge3A_1305 = vector.broadcast %sub3A_1057 : i32 to vector<16xi32>
    %ge3A_1306 = arith.cmpi sge, %add3A_1304, %ge3A_1305 : vector<16xi32>
    %and3A_1307 = arith.andi %lt3A_1302, %ge3A_1306 : vector<16xi1>
    %sub3A_1308 = arith.constant 207 : i32
    %sub3A_1309 = vector.broadcast %sub3A_1308 : i32 to vector<16xi32>
    %sub3A_1310 = arith.subi %sub3A_1309, %iota3A : vector<16xi32>
    %jit3A_1311 = arith.constant 0 : i32
    %broadcast_in_dim3A_1312 = vector.broadcast %jit3A_1311 : i32 to vector<16xi32>
    %select_n3A_1313 = arith.select %and3A_1307, %sub3A_1310, %broadcast_in_dim3A_1312 : vector<16xi1>, vector<16xi32>
    %reduce_sum3A_1314 = arith.constant true
    %reduce_sum3A_1315 = vector.broadcast %reduce_sum3A_1314 : i1 to vector<16xi1>
    %reduce_sum3A_1316 = tpu.scan <sum>, %select_n3A_1313 masked %reduce_sum3A_1315 : vector<16xi32>, vector<16xi1> -> vector<16xi32>
    %reduce_sum3A_1317 = vector.extract %reduce_sum3A_1316[15] : i32 from vector<16xi32>
    %add3A_1318 = arith.addi %add3A_1270, %reduce_sum3A_1317 : i32
    %add3A_1319 = vector.broadcast %add3A_1285 : i32 to vector<16xi32>
    %add3A_1320 = arith.addi %add3A_1319, %sub3A_1298 : vector<16xi32>
    %jit3A_1321 = arith.constant 0 : i32
    %broadcast_in_dim3A_1322 = vector.broadcast %jit3A_1321 : i32 to vector<16xi32>
    %select_n3A_1323 = arith.select %and3A_1307, %add3A_1320, %broadcast_in_dim3A_1322 : vector<16xi1>, vector<16xi32>
    %reduce_sum3A_1324 = arith.constant true
    %reduce_sum3A_1325 = vector.broadcast %reduce_sum3A_1324 : i1 to vector<16xi1>
    %reduce_sum3A_1326 = tpu.scan <sum>, %select_n3A_1323 masked %reduce_sum3A_1325 : vector<16xi32>, vector<16xi1> -> vector<16xi32>
    %reduce_sum3A_1327 = vector.extract %reduce_sum3A_1326[15] : i32 from vector<16xi32>
    %add3A_1328 = arith.addi %add3A_1280, %reduce_sum3A_1327 : i32
    %reduce_sum3A_1329 = arith.constant true
    %reduce_sum3A_1330 = vector.broadcast %reduce_sum3A_1329 : i1 to vector<16xi1>
    %reduce_sum3A_1331 = tpu.scan <sum>, %get3A_1289 masked %reduce_sum3A_1330 : vector<16xi32>, vector<16xi1> -> vector<16xi32>
    %reduce_sum3A_1332 = vector.extract %reduce_sum3A_1331[15] : i32 from vector<16xi32>
    %add3A_1333 = arith.addi %add3A_1285, %reduce_sum3A_1332 : i32
    %get3A_1334 = arith.constant 11 : i32
    %get3A_1335 = arith.index_cast %get3A_1334 : i32 to index
    %get3A_1336 = arith.constant 0 : index
    %get3A_1337 = tpu.vector_load %arg10[%get3A_1335, %get3A_1336] {strides = array<i32>} : memref<16x16xi32, #tpu.memory_space<vmem>>, vector<16xi32>,
    %rev3A_1338 = arith.constant 15 : i32
    %rev3A_1339 = vector.broadcast %rev3A_1338 : i32 to vector<16xi32>
    %rev3A_1340 = tpu.iota {dimensions = array<i32: 0>} : vector<16xi32>
    %rev3A_1341 = arith.subi %rev3A_1339, %rev3A_1340 : vector<16xi32>
    %rev3A_1342 = tpu.dynamic_gather %get3A_1337[%rev3A_1341] in [0] : vector<16xi32>, vector<16xi32> -> vector<16xi32>
    %broadcast_in_dim3A_1343 = arith.constant true
    %broadcast_in_dim3A_1344 = vector.broadcast %broadcast_in_dim3A_1343 : i1 to vector<16xi1>
    %masked_cumsum3A_1345 = tpu.scan <sum>, %rev3A_1342 masked %broadcast_in_dim3A_1344 : vector<16xi32>, vector<16xi1> -> vector<16xi32>
    %sub3A_1346 = arith.subi %masked_cumsum3A_1345, %rev3A_1342 : vector<16xi32>
    %add3A_1347 = vector.broadcast %add3A_1333 : i32 to vector<16xi32>
    %add3A_1348 = arith.addi %add3A_1347, %sub3A_1346 : vector<16xi32>
    %lt3A_1349 = vector.broadcast %sub3A_1057 : i32 to vector<16xi32>
    %lt3A_1350 = arith.cmpi slt, %add3A_1348, %lt3A_1349 : vector<16xi32>
    %add3A_1351 = vector.broadcast %add3A_1333 : i32 to vector<16xi32>
    %add3A_1352 = arith.addi %add3A_1351, %masked_cumsum3A_1345 : vector<16xi32>
    %ge3A_1353 = vector.broadcast %sub3A_1057 : i32 to vector<16xi32>
    %ge3A_1354 = arith.cmpi sge, %add3A_1352, %ge3A_1353 : vector<16xi32>
    %and3A_1355 = arith.andi %lt3A_1350, %ge3A_1354 : vector<16xi1>
    %sub3A_1356 = arith.constant 191 : i32
    %sub3A_1357 = vector.broadcast %sub3A_1356 : i32 to vector<16xi32>
    %sub3A_1358 = arith.subi %sub3A_1357, %iota3A : vector<16xi32>
    %jit3A_1359 = arith.constant 0 : i32
    %broadcast_in_dim3A_1360 = vector.broadcast %jit3A_1359 : i32 to vector<16xi32>
    %select_n3A_1361 = arith.select %and3A_1355, %sub3A_1358, %broadcast_in_dim3A_1360 : vector<16xi1>, vector<16xi32>
    %reduce_sum3A_1362 = arith.constant true
    %reduce_sum3A_1363 = vector.broadcast %reduce_sum3A_1362 : i1 to vector<16xi1>
    %reduce_sum3A_1364 = tpu.scan <sum>, %select_n3A_1361 masked %reduce_sum3A_1363 : vector<16xi32>, vector<16xi1> -> vector<16xi32>
    %reduce_sum3A_1365 = vector.extract %reduce_sum3A_1364[15] : i32 from vector<16xi32>
    %add3A_1366 = arith.addi %add3A_1318, %reduce_sum3A_1365 : i32
    %add3A_1367 = vector.broadcast %add3A_1333 : i32 to vector<16xi32>
    %add3A_1368 = arith.addi %add3A_1367, %sub3A_1346 : vector<16xi32>
    %jit3A_1369 = arith.constant 0 : i32
    %broadcast_in_dim3A_1370 = vector.broadcast %jit3A_1369 : i32 to vector<16xi32>
    %select_n3A_1371 = arith.select %and3A_1355, %add3A_1368, %broadcast_in_dim3A_1370 : vector<16xi1>, vector<16xi32>
    %reduce_sum3A_1372 = arith.constant true
    %reduce_sum3A_1373 = vector.broadcast %reduce_sum3A_1372 : i1 to vector<16xi1>
    %reduce_sum3A_1374 = tpu.scan <sum>, %select_n3A_1371 masked %reduce_sum3A_1373 : vector<16xi32>, vector<16xi1> -> vector<16xi32>
    %reduce_sum3A_1375 = vector.extract %reduce_sum3A_1374[15] : i32 from vector<16xi32>
    %add3A_1376 = arith.addi %add3A_1328, %reduce_sum3A_1375 : i32
    %reduce_sum3A_1377 = arith.constant true
    %reduce_sum3A_1378 = vector.broadcast %reduce_sum3A_1377 : i1 to vector<16xi1>
    %reduce_sum3A_1379 = tpu.scan <sum>, %get3A_1337 masked %reduce_sum3A_1378 : vector<16xi32>, vector<16xi1> -> vector<16xi32>
    %reduce_sum3A_1380 = vector.extract %reduce_sum3A_1379[15] : i32 from vector<16xi32>
    %add3A_1381 = arith.addi %add3A_1333, %reduce_sum3A_1380 : i32
    %get3A_1382 = arith.constant 10 : i32
    %get3A_1383 = arith.index_cast %get3A_1382 : i32 to index
    %get3A_1384 = arith.constant 0 : index
    %get3A_1385 = tpu.vector_load %arg10[%get3A_1383, %get3A_1384] {strides = array<i32>} : memref<16x16xi32, #tpu.memory_space<vmem>>, vector<16xi32>,
    %rev3A_1386 = arith.constant 15 : i32
    %rev3A_1387 = vector.broadcast %rev3A_1386 : i32 to vector<16xi32>
    %rev3A_1388 = tpu.iota {dimensions = array<i32: 0>} : vector<16xi32>
    %rev3A_1389 = arith.subi %rev3A_1387, %rev3A_1388 : vector<16xi32>
    %rev3A_1390 = tpu.dynamic_gather %get3A_1385[%rev3A_1389] in [0] : vector<16xi32>, vector<16xi32> -> vector<16xi32>
    %broadcast_in_dim3A_1391 = arith.constant true
    %broadcast_in_dim3A_1392 = vector.broadcast %broadcast_in_dim3A_1391 : i1 to vector<16xi1>
    %masked_cumsum3A_1393 = tpu.scan <sum>, %rev3A_1390 masked %broadcast_in_dim3A_1392 : vector<16xi32>, vector<16xi1> -> vector<16xi32>
    %sub3A_1394 = arith.subi %masked_cumsum3A_1393, %rev3A_1390 : vector<16xi32>
    %add3A_1395 = vector.broadcast %add3A_1381 : i32 to vector<16xi32>
    %add3A_1396 = arith.addi %add3A_1395, %sub3A_1394 : vector<16xi32>
    %lt3A_1397 = vector.broadcast %sub3A_1057 : i32 to vector<16xi32>
    %lt3A_1398 = arith.cmpi slt, %add3A_1396, %lt3A_1397 : vector<16xi32>
    %add3A_1399 = vector.broadcast %add3A_1381 : i32 to vector<16xi32>
    %add3A_1400 = arith.addi %add3A_1399, %masked_cumsum3A_1393 : vector<16xi32>
    %ge3A_1401 = vector.broadcast %sub3A_1057 : i32 to vector<16xi32>
    %ge3A_1402 = arith.cmpi sge, %add3A_1400, %ge3A_1401 : vector<16xi32>
    %and3A_1403 = arith.andi %lt3A_1398, %ge3A_1402 : vector<16xi1>
    %sub3A_1404 = arith.constant 175 : i32
    %sub3A_1405 = vector.broadcast %sub3A_1404 : i32 to vector<16xi32>
    %sub3A_1406 = arith.subi %sub3A_1405, %iota3A : vector<16xi32>
    %jit3A_1407 = arith.constant 0 : i32
    %broadcast_in_dim3A_1408 = vector.broadcast %jit3A_1407 : i32 to vector<16xi32>
    %select_n3A_1409 = arith.select %and3A_1403, %sub3A_1406, %broadcast_in_dim3A_1408 : vector<16xi1>, vector<16xi32>
    %reduce_sum3A_1410 = arith.constant true
    %reduce_sum3A_1411 = vector.broadcast %reduce_sum3A_1410 : i1 to vector<16xi1>
    %reduce_sum3A_1412 = tpu.scan <sum>, %select_n3A_1409 masked %reduce_sum3A_1411 : vector<16xi32>, vector<16xi1> -> vector<16xi32>
    %reduce_sum3A_1413 = vector.extract %reduce_sum3A_1412[15] : i32 from vector<16xi32>
    %add3A_1414 = arith.addi %add3A_1366, %reduce_sum3A_1413 : i32
    %add3A_1415 = vector.broadcast %add3A_1381 : i32 to vector<16xi32>
    %add3A_1416 = arith.addi %add3A_1415, %sub3A_1394 : vector<16xi32>
    %jit3A_1417 = arith.constant 0 : i32
    %broadcast_in_dim3A_1418 = vector.broadcast %jit3A_1417 : i32 to vector<16xi32>
    %select_n3A_1419 = arith.select %and3A_1403, %add3A_1416, %broadcast_in_dim3A_1418 : vector<16xi1>, vector<16xi32>
    %reduce_sum3A_1420 = arith.constant true
    %reduce_sum3A_1421 = vector.broadcast %reduce_sum3A_1420 : i1 to vector<16xi1>
    %reduce_sum3A_1422 = tpu.scan <sum>, %select_n3A_1419 masked %reduce_sum3A_1421 : vector<16xi32>, vector<16xi1> -> vector<16xi32>
    %reduce_sum3A_1423 = vector.extract %reduce_sum3A_1422[15] : i32 from vector<16xi32>
    %add3A_1424 = arith.addi %add3A_1376, %reduce_sum3A_1423 : i32
    %reduce_sum3A_1425 = arith.constant true
    %reduce_sum3A_1426 = vector.broadcast %reduce_sum3A_1425 : i1 to vector<16xi1>
    %reduce_sum3A_1427 = tpu.scan <sum>, %get3A_1385 masked %reduce_sum3A_1426 : vector<16xi32>, vector<16xi1> -> vector<16xi32>
    %reduce_sum3A_1428 = vector.extract %reduce_sum3A_1427[15] : i32 from vector<16xi32>
    %add3A_1429 = arith.addi %add3A_1381, %reduce_sum3A_1428 : i32
    %get3A_1430 = arith.constant 9 : i32
    %get3A_1431 = arith.index_cast %get3A_1430 : i32 to index
    %get3A_1432 = arith.constant 0 : index
    %get3A_1433 = tpu.vector_load %arg10[%get3A_1431, %get3A_1432] {strides = array<i32>} : memref<16x16xi32, #tpu.memory_space<vmem>>, vector<16xi32>,
    %rev3A_1434 = arith.constant 15 : i32
    %rev3A_1435 = vector.broadcast %rev3A_1434 : i32 to vector<16xi32>
    %rev3A_1436 = tpu.iota {dimensions = array<i32: 0>} : vector<16xi32>
    %rev3A_1437 = arith.subi %rev3A_1435, %rev3A_1436 : vector<16xi32>
    %rev3A_1438 = tpu.dynamic_gather %get3A_1433[%rev3A_1437] in [0] : vector<16xi32>, vector<16xi32> -> vector<16xi32>
    %broadcast_in_dim3A_1439 = arith.constant true
    %broadcast_in_dim3A_1440 = vector.broadcast %broadcast_in_dim3A_1439 : i1 to vector<16xi1>
    %masked_cumsum3A_1441 = tpu.scan <sum>, %rev3A_1438 masked %broadcast_in_dim3A_1440 : vector<16xi32>, vector<16xi1> -> vector<16xi32>
    %sub3A_1442 = arith.subi %masked_cumsum3A_1441, %rev3A_1438 : vector<16xi32>
    %add3A_1443 = vector.broadcast %add3A_1429 : i32 to vector<16xi32>
    %add3A_1444 = arith.addi %add3A_1443, %sub3A_1442 : vector<16xi32>
    %lt3A_1445 = vector.broadcast %sub3A_1057 : i32 to vector<16xi32>
    %lt3A_1446 = arith.cmpi slt, %add3A_1444, %lt3A_1445 : vector<16xi32>
    %add3A_1447 = vector.broadcast %add3A_1429 : i32 to vector<16xi32>
    %add3A_1448 = arith.addi %add3A_1447, %masked_cumsum3A_1441 : vector<16xi32>
    %ge3A_1449 = vector.broadcast %sub3A_1057 : i32 to vector<16xi32>
    %ge3A_1450 = arith.cmpi sge, %add3A_1448, %ge3A_1449 : vector<16xi32>
    %and3A_1451 = arith.andi %lt3A_1446, %ge3A_1450 : vector<16xi1>
    %sub3A_1452 = arith.constant 159 : i32
    %sub3A_1453 = vector.broadcast %sub3A_1452 : i32 to vector<16xi32>
    %sub3A_1454 = arith.subi %sub3A_1453, %iota3A : vector<16xi32>
    %jit3A_1455 = arith.constant 0 : i32
    %broadcast_in_dim3A_1456 = vector.broadcast %jit3A_1455 : i32 to vector<16xi32>
    %select_n3A_1457 = arith.select %and3A_1451, %sub3A_1454, %broadcast_in_dim3A_1456 : vector<16xi1>, vector<16xi32>
    %reduce_sum3A_1458 = arith.constant true
    %reduce_sum3A_1459 = vector.broadcast %reduce_sum3A_1458 : i1 to vector<16xi1>
    %reduce_sum3A_1460 = tpu.scan <sum>, %select_n3A_1457 masked %reduce_sum3A_1459 : vector<16xi32>, vector<16xi1> -> vector<16xi32>
    %reduce_sum3A_1461 = vector.extract %reduce_sum3A_1460[15] : i32 from vector<16xi32>
    %add3A_1462 = arith.addi %add3A_1414, %reduce_sum3A_1461 : i32
    %add3A_1463 = vector.broadcast %add3A_1429 : i32 to vector<16xi32>
    %add3A_1464 = arith.addi %add3A_1463, %sub3A_1442 : vector<16xi32>
    %jit3A_1465 = arith.constant 0 : i32
    %broadcast_in_dim3A_1466 = vector.broadcast %jit3A_1465 : i32 to vector<16xi32>
    %select_n3A_1467 = arith.select %and3A_1451, %add3A_1464, %broadcast_in_dim3A_1466 : vector<16xi1>, vector<16xi32>
    %reduce_sum3A_1468 = arith.constant true
    %reduce_sum3A_1469 = vector.broadcast %reduce_sum3A_1468 : i1 to vector<16xi1>
    %reduce_sum3A_1470 = tpu.scan <sum>, %select_n3A_1467 masked %reduce_sum3A_1469 : vector<16xi32>, vector<16xi1> -> vector<16xi32>
    %reduce_sum3A_1471 = vector.extract %reduce_sum3A_1470[15] : i32 from vector<16xi32>
    %add3A_1472 = arith.addi %add3A_1424, %reduce_sum3A_1471 : i32
    %reduce_sum3A_1473 = arith.constant true
    %reduce_sum3A_1474 = vector.broadcast %reduce_sum3A_1473 : i1 to vector<16xi1>
    %reduce_sum3A_1475 = tpu.scan <sum>, %get3A_1433 masked %reduce_sum3A_1474 : vector<16xi32>, vector<16xi1> -> vector<16xi32>
    %reduce_sum3A_1476 = vector.extract %reduce_sum3A_1475[15] : i32 from vector<16xi32>
    %add3A_1477 = arith.addi %add3A_1429, %reduce_sum3A_1476 : i32
    %get3A_1478 = arith.constant 8 : i32
    %get3A_1479 = arith.index_cast %get3A_1478 : i32 to index
    %get3A_1480 = arith.constant 0 : index
    %get3A_1481 = tpu.vector_load %arg10[%get3A_1479, %get3A_1480] {strides = array<i32>} : memref<16x16xi32, #tpu.memory_space<vmem>>, vector<16xi32>,
    %rev3A_1482 = arith.constant 15 : i32
    %rev3A_1483 = vector.broadcast %rev3A_1482 : i32 to vector<16xi32>
    %rev3A_1484 = tpu.iota {dimensions = array<i32: 0>} : vector<16xi32>
    %rev3A_1485 = arith.subi %rev3A_1483, %rev3A_1484 : vector<16xi32>
    %rev3A_1486 = tpu.dynamic_gather %get3A_1481[%rev3A_1485] in [0] : vector<16xi32>, vector<16xi32> -> vector<16xi32>
    %broadcast_in_dim3A_1487 = arith.constant true
    %broadcast_in_dim3A_1488 = vector.broadcast %broadcast_in_dim3A_1487 : i1 to vector<16xi1>
    %masked_cumsum3A_1489 = tpu.scan <sum>, %rev3A_1486 masked %broadcast_in_dim3A_1488 : vector<16xi32>, vector<16xi1> -> vector<16xi32>
    %sub3A_1490 = arith.subi %masked_cumsum3A_1489, %rev3A_1486 : vector<16xi32>
    %add3A_1491 = vector.broadcast %add3A_1477 : i32 to vector<16xi32>
    %add3A_1492 = arith.addi %add3A_1491, %sub3A_1490 : vector<16xi32>
    %lt3A_1493 = vector.broadcast %sub3A_1057 : i32 to vector<16xi32>
    %lt3A_1494 = arith.cmpi slt, %add3A_1492, %lt3A_1493 : vector<16xi32>
    %add3A_1495 = vector.broadcast %add3A_1477 : i32 to vector<16xi32>
    %add3A_1496 = arith.addi %add3A_1495, %masked_cumsum3A_1489 : vector<16xi32>
    %ge3A_1497 = vector.broadcast %sub3A_1057 : i32 to vector<16xi32>
    %ge3A_1498 = arith.cmpi sge, %add3A_1496, %ge3A_1497 : vector<16xi32>
    %and3A_1499 = arith.andi %lt3A_1494, %ge3A_1498 : vector<16xi1>
    %sub3A_1500 = arith.constant 143 : i32
    %sub3A_1501 = vector.broadcast %sub3A_1500 : i32 to vector<16xi32>
    %sub3A_1502 = arith.subi %sub3A_1501, %iota3A : vector<16xi32>
    %jit3A_1503 = arith.constant 0 : i32
    %broadcast_in_dim3A_1504 = vector.broadcast %jit3A_1503 : i32 to vector<16xi32>
    %select_n3A_1505 = arith.select %and3A_1499, %sub3A_1502, %broadcast_in_dim3A_1504 : vector<16xi1>, vector<16xi32>
    %reduce_sum3A_1506 = arith.constant true
    %reduce_sum3A_1507 = vector.broadcast %reduce_sum3A_1506 : i1 to vector<16xi1>
    %reduce_sum3A_1508 = tpu.scan <sum>, %select_n3A_1505 masked %reduce_sum3A_1507 : vector<16xi32>, vector<16xi1> -> vector<16xi32>
    %reduce_sum3A_1509 = vector.extract %reduce_sum3A_1508[15] : i32 from vector<16xi32>
    %add3A_1510 = arith.addi %add3A_1462, %reduce_sum3A_1509 : i32
    %add3A_1511 = vector.broadcast %add3A_1477 : i32 to vector<16xi32>
    %add3A_1512 = arith.addi %add3A_1511, %sub3A_1490 : vector<16xi32>
    %jit3A_1513 = arith.constant 0 : i32
    %broadcast_in_dim3A_1514 = vector.broadcast %jit3A_1513 : i32 to vector<16xi32>
    %select_n3A_1515 = arith.select %and3A_1499, %add3A_1512, %broadcast_in_dim3A_1514 : vector<16xi1>, vector<16xi32>
    %reduce_sum3A_1516 = arith.constant true
    %reduce_sum3A_1517 = vector.broadcast %reduce_sum3A_1516 : i1 to vector<16xi1>
    %reduce_sum3A_1518 = tpu.scan <sum>, %select_n3A_1515 masked %reduce_sum3A_1517 : vector<16xi32>, vector<16xi1> -> vector<16xi32>
    %reduce_sum3A_1519 = vector.extract %reduce_sum3A_1518[15] : i32 from vector<16xi32>
    %add3A_1520 = arith.addi %add3A_1472, %reduce_sum3A_1519 : i32
    %reduce_sum3A_1521 = arith.constant true
    %reduce_sum3A_1522 = vector.broadcast %reduce_sum3A_1521 : i1 to vector<16xi1>
    %reduce_sum3A_1523 = tpu.scan <sum>, %get3A_1481 masked %reduce_sum3A_1522 : vector<16xi32>, vector<16xi1> -> vector<16xi32>
    %reduce_sum3A_1524 = vector.extract %reduce_sum3A_1523[15] : i32 from vector<16xi32>
    %add3A_1525 = arith.addi %add3A_1477, %reduce_sum3A_1524 : i32
    %get3A_1526 = arith.constant 7 : i32
    %get3A_1527 = arith.index_cast %get3A_1526 : i32 to index
    %get3A_1528 = arith.constant 0 : index
    %get3A_1529 = tpu.vector_load %arg10[%get3A_1527, %get3A_1528] {strides = array<i32>} : memref<16x16xi32, #tpu.memory_space<vmem>>, vector<16xi32>,
    %rev3A_1530 = arith.constant 15 : i32
    %rev3A_1531 = vector.broadcast %rev3A_1530 : i32 to vector<16xi32>
    %rev3A_1532 = tpu.iota {dimensions = array<i32: 0>} : vector<16xi32>
    %rev3A_1533 = arith.subi %rev3A_1531, %rev3A_1532 : vector<16xi32>
    %rev3A_1534 = tpu.dynamic_gather %get3A_1529[%rev3A_1533] in [0] : vector<16xi32>, vector<16xi32> -> vector<16xi32>
    %broadcast_in_dim3A_1535 = arith.constant true
    %broadcast_in_dim3A_1536 = vector.broadcast %broadcast_in_dim3A_1535 : i1 to vector<16xi1>
    %masked_cumsum3A_1537 = tpu.scan <sum>, %rev3A_1534 masked %broadcast_in_dim3A_1536 : vector<16xi32>, vector<16xi1> -> vector<16xi32>
    %sub3A_1538 = arith.subi %masked_cumsum3A_1537, %rev3A_1534 : vector<16xi32>
    %add3A_1539 = vector.broadcast %add3A_1525 : i32 to vector<16xi32>
    %add3A_1540 = arith.addi %add3A_1539, %sub3A_1538 : vector<16xi32>
    %lt3A_1541 = vector.broadcast %sub3A_1057 : i32 to vector<16xi32>
    %lt3A_1542 = arith.cmpi slt, %add3A_1540, %lt3A_1541 : vector<16xi32>
    %add3A_1543 = vector.broadcast %add3A_1525 : i32 to vector<16xi32>
    %add3A_1544 = arith.addi %add3A_1543, %masked_cumsum3A_1537 : vector<16xi32>
    %ge3A_1545 = vector.broadcast %sub3A_1057 : i32 to vector<16xi32>
    %ge3A_1546 = arith.cmpi sge, %add3A_1544, %ge3A_1545 : vector<16xi32>
    %and3A_1547 = arith.andi %lt3A_1542, %ge3A_1546 : vector<16xi1>
    %sub3A_1548 = arith.constant 127 : i32
    %sub3A_1549 = vector.broadcast %sub3A_1548 : i32 to vector<16xi32>
    %sub3A_1550 = arith.subi %sub3A_1549, %iota3A : vector<16xi32>
    %jit3A_1551 = arith.constant 0 : i32
    %broadcast_in_dim3A_1552 = vector.broadcast %jit3A_1551 : i32 to vector<16xi32>
    %select_n3A_1553 = arith.select %and3A_1547, %sub3A_1550, %broadcast_in_dim3A_1552 : vector<16xi1>, vector<16xi32>
    %reduce_sum3A_1554 = arith.constant true
    %reduce_sum3A_1555 = vector.broadcast %reduce_sum3A_1554 : i1 to vector<16xi1>
    %reduce_sum3A_1556 = tpu.scan <sum>, %select_n3A_1553 masked %reduce_sum3A_1555 : vector<16xi32>, vector<16xi1> -> vector<16xi32>
    %reduce_sum3A_1557 = vector.extract %reduce_sum3A_1556[15] : i32 from vector<16xi32>
    %add3A_1558 = arith.addi %add3A_1510, %reduce_sum3A_1557 : i32
    %add3A_1559 = vector.broadcast %add3A_1525 : i32 to vector<16xi32>
    %add3A_1560 = arith.addi %add3A_1559, %sub3A_1538 : vector<16xi32>
    %jit3A_1561 = arith.constant 0 : i32
    %broadcast_in_dim3A_1562 = vector.broadcast %jit3A_1561 : i32 to vector<16xi32>
    %select_n3A_1563 = arith.select %and3A_1547, %add3A_1560, %broadcast_in_dim3A_1562 : vector<16xi1>, vector<16xi32>
    %reduce_sum3A_1564 = arith.constant true
    %reduce_sum3A_1565 = vector.broadcast %reduce_sum3A_1564 : i1 to vector<16xi1>
    %reduce_sum3A_1566 = tpu.scan <sum>, %select_n3A_1563 masked %reduce_sum3A_1565 : vector<16xi32>, vector<16xi1> -> vector<16xi32>
    %reduce_sum3A_1567 = vector.extract %reduce_sum3A_1566[15] : i32 from vector<16xi32>
    %add3A_1568 = arith.addi %add3A_1520, %reduce_sum3A_1567 : i32
    %reduce_sum3A_1569 = arith.constant true
    %reduce_sum3A_1570 = vector.broadcast %reduce_sum3A_1569 : i1 to vector<16xi1>
    %reduce_sum3A_1571 = tpu.scan <sum>, %get3A_1529 masked %reduce_sum3A_1570 : vector<16xi32>, vector<16xi1> -> vector<16xi32>
    %reduce_sum3A_1572 = vector.extract %reduce_sum3A_1571[15] : i32 from vector<16xi32>
    %add3A_1573 = arith.addi %add3A_1525, %reduce_sum3A_1572 : i32
    %get3A_1574 = arith.constant 6 : i32
    %get3A_1575 = arith.index_cast %get3A_1574 : i32 to index
    %get3A_1576 = arith.constant 0 : index
    %get3A_1577 = tpu.vector_load %arg10[%get3A_1575, %get3A_1576] {strides = array<i32>} : memref<16x16xi32, #tpu.memory_space<vmem>>, vector<16xi32>,
    %rev3A_1578 = arith.constant 15 : i32
    %rev3A_1579 = vector.broadcast %rev3A_1578 : i32 to vector<16xi32>
    %rev3A_1580 = tpu.iota {dimensions = array<i32: 0>} : vector<16xi32>
    %rev3A_1581 = arith.subi %rev3A_1579, %rev3A_1580 : vector<16xi32>
    %rev3A_1582 = tpu.dynamic_gather %get3A_1577[%rev3A_1581] in [0] : vector<16xi32>, vector<16xi32> -> vector<16xi32>
    %broadcast_in_dim3A_1583 = arith.constant true
    %broadcast_in_dim3A_1584 = vector.broadcast %broadcast_in_dim3A_1583 : i1 to vector<16xi1>
    %masked_cumsum3A_1585 = tpu.scan <sum>, %rev3A_1582 masked %broadcast_in_dim3A_1584 : vector<16xi32>, vector<16xi1> -> vector<16xi32>
    %sub3A_1586 = arith.subi %masked_cumsum3A_1585, %rev3A_1582 : vector<16xi32>
    %add3A_1587 = vector.broadcast %add3A_1573 : i32 to vector<16xi32>
    %add3A_1588 = arith.addi %add3A_1587, %sub3A_1586 : vector<16xi32>
    %lt3A_1589 = vector.broadcast %sub3A_1057 : i32 to vector<16xi32>
    %lt3A_1590 = arith.cmpi slt, %add3A_1588, %lt3A_1589 : vector<16xi32>
    %add3A_1591 = vector.broadcast %add3A_1573 : i32 to vector<16xi32>
    %add3A_1592 = arith.addi %add3A_1591, %masked_cumsum3A_1585 : vector<16xi32>
    %ge3A_1593 = vector.broadcast %sub3A_1057 : i32 to vector<16xi32>
    %ge3A_1594 = arith.cmpi sge, %add3A_1592, %ge3A_1593 : vector<16xi32>
    %and3A_1595 = arith.andi %lt3A_1590, %ge3A_1594 : vector<16xi1>
    %sub3A_1596 = arith.constant 111 : i32
    %sub3A_1597 = vector.broadcast %sub3A_1596 : i32 to vector<16xi32>
    %sub3A_1598 = arith.subi %sub3A_1597, %iota3A : vector<16xi32>
    %jit3A_1599 = arith.constant 0 : i32
    %broadcast_in_dim3A_1600 = vector.broadcast %jit3A_1599 : i32 to vector<16xi32>
    %select_n3A_1601 = arith.select %and3A_1595, %sub3A_1598, %broadcast_in_dim3A_1600 : vector<16xi1>, vector<16xi32>
    %reduce_sum3A_1602 = arith.constant true
    %reduce_sum3A_1603 = vector.broadcast %reduce_sum3A_1602 : i1 to vector<16xi1>
    %reduce_sum3A_1604 = tpu.scan <sum>, %select_n3A_1601 masked %reduce_sum3A_1603 : vector<16xi32>, vector<16xi1> -> vector<16xi32>
    %reduce_sum3A_1605 = vector.extract %reduce_sum3A_1604[15] : i32 from vector<16xi32>
    %add3A_1606 = arith.addi %add3A_1558, %reduce_sum3A_1605 : i32
    %add3A_1607 = vector.broadcast %add3A_1573 : i32 to vector<16xi32>
    %add3A_1608 = arith.addi %add3A_1607, %sub3A_1586 : vector<16xi32>
    %jit3A_1609 = arith.constant 0 : i32
    %broadcast_in_dim3A_1610 = vector.broadcast %jit3A_1609 : i32 to vector<16xi32>
    %select_n3A_1611 = arith.select %and3A_1595, %add3A_1608, %broadcast_in_dim3A_1610 : vector<16xi1>, vector<16xi32>
    %reduce_sum3A_1612 = arith.constant true
    %reduce_sum3A_1613 = vector.broadcast %reduce_sum3A_1612 : i1 to vector<16xi1>
    %reduce_sum3A_1614 = tpu.scan <sum>, %select_n3A_1611 masked %reduce_sum3A_1613 : vector<16xi32>, vector<16xi1> -> vector<16xi32>
    %reduce_sum3A_1615 = vector.extract %reduce_sum3A_1614[15] : i32 from vector<16xi32>
    %add3A_1616 = arith.addi %add3A_1568, %reduce_sum3A_1615 : i32
    %reduce_sum3A_1617 = arith.constant true
    %reduce_sum3A_1618 = vector.broadcast %reduce_sum3A_1617 : i1 to vector<16xi1>
    %reduce_sum3A_1619 = tpu.scan <sum>, %get3A_1577 masked %reduce_sum3A_1618 : vector<16xi32>, vector<16xi1> -> vector<16xi32>
    %reduce_sum3A_1620 = vector.extract %reduce_sum3A_1619[15] : i32 from vector<16xi32>
    %add3A_1621 = arith.addi %add3A_1573, %reduce_sum3A_1620 : i32
    %get3A_1622 = arith.constant 5 : i32
    %get3A_1623 = arith.index_cast %get3A_1622 : i32 to index
    %get3A_1624 = arith.constant 0 : index
    %get3A_1625 = tpu.vector_load %arg10[%get3A_1623, %get3A_1624] {strides = array<i32>} : memref<16x16xi32, #tpu.memory_space<vmem>>, vector<16xi32>,
    %rev3A_1626 = arith.constant 15 : i32
    %rev3A_1627 = vector.broadcast %rev3A_1626 : i32 to vector<16xi32>
    %rev3A_1628 = tpu.iota {dimensions = array<i32: 0>} : vector<16xi32>
    %rev3A_1629 = arith.subi %rev3A_1627, %rev3A_1628 : vector<16xi32>
    %rev3A_1630 = tpu.dynamic_gather %get3A_1625[%rev3A_1629] in [0] : vector<16xi32>, vector<16xi32> -> vector<16xi32>
    %broadcast_in_dim3A_1631 = arith.constant true
    %broadcast_in_dim3A_1632 = vector.broadcast %broadcast_in_dim3A_1631 : i1 to vector<16xi1>
    %masked_cumsum3A_1633 = tpu.scan <sum>, %rev3A_1630 masked %broadcast_in_dim3A_1632 : vector<16xi32>, vector<16xi1> -> vector<16xi32>
    %sub3A_1634 = arith.subi %masked_cumsum3A_1633, %rev3A_1630 : vector<16xi32>
    %add3A_1635 = vector.broadcast %add3A_1621 : i32 to vector<16xi32>
    %add3A_1636 = arith.addi %add3A_1635, %sub3A_1634 : vector<16xi32>
    %lt3A_1637 = vector.broadcast %sub3A_1057 : i32 to vector<16xi32>
    %lt3A_1638 = arith.cmpi slt, %add3A_1636, %lt3A_1637 : vector<16xi32>
    %add3A_1639 = vector.broadcast %add3A_1621 : i32 to vector<16xi32>
    %add3A_1640 = arith.addi %add3A_1639, %masked_cumsum3A_1633 : vector<16xi32>
    %ge3A_1641 = vector.broadcast %sub3A_1057 : i32 to vector<16xi32>
    %ge3A_1642 = arith.cmpi sge, %add3A_1640, %ge3A_1641 : vector<16xi32>
    %and3A_1643 = arith.andi %lt3A_1638, %ge3A_1642 : vector<16xi1>
    %sub3A_1644 = arith.constant 95 : i32
    %sub3A_1645 = vector.broadcast %sub3A_1644 : i32 to vector<16xi32>
    %sub3A_1646 = arith.subi %sub3A_1645, %iota3A : vector<16xi32>
    %jit3A_1647 = arith.constant 0 : i32
    %broadcast_in_dim3A_1648 = vector.broadcast %jit3A_1647 : i32 to vector<16xi32>
    %select_n3A_1649 = arith.select %and3A_1643, %sub3A_1646, %broadcast_in_dim3A_1648 : vector<16xi1>, vector<16xi32>
    %reduce_sum3A_1650 = arith.constant true
    %reduce_sum3A_1651 = vector.broadcast %reduce_sum3A_1650 : i1 to vector<16xi1>
    %reduce_sum3A_1652 = tpu.scan <sum>, %select_n3A_1649 masked %reduce_sum3A_1651 : vector<16xi32>, vector<16xi1> -> vector<16xi32>
    %reduce_sum3A_1653 = vector.extract %reduce_sum3A_1652[15] : i32 from vector<16xi32>
    %add3A_1654 = arith.addi %add3A_1606, %reduce_sum3A_1653 : i32
    %add3A_1655 = vector.broadcast %add3A_1621 : i32 to vector<16xi32>
    %add3A_1656 = arith.addi %add3A_1655, %sub3A_1634 : vector<16xi32>
    %jit3A_1657 = arith.constant 0 : i32
    %broadcast_in_dim3A_1658 = vector.broadcast %jit3A_1657 : i32 to vector<16xi32>
    %select_n3A_1659 = arith.select %and3A_1643, %add3A_1656, %broadcast_in_dim3A_1658 : vector<16xi1>, vector<16xi32>
    %reduce_sum3A_1660 = arith.constant true
    %reduce_sum3A_1661 = vector.broadcast %reduce_sum3A_1660 : i1 to vector<16xi1>
    %reduce_sum3A_1662 = tpu.scan <sum>, %select_n3A_1659 masked %reduce_sum3A_1661 : vector<16xi32>, vector<16xi1> -> vector<16xi32>
    %reduce_sum3A_1663 = vector.extract %reduce_sum3A_1662[15] : i32 from vector<16xi32>
    %add3A_1664 = arith.addi %add3A_1616, %reduce_sum3A_1663 : i32
    %reduce_sum3A_1665 = arith.constant true
    %reduce_sum3A_1666 = vector.broadcast %reduce_sum3A_1665 : i1 to vector<16xi1>
    %reduce_sum3A_1667 = tpu.scan <sum>, %get3A_1625 masked %reduce_sum3A_1666 : vector<16xi32>, vector<16xi1> -> vector<16xi32>
    %reduce_sum3A_1668 = vector.extract %reduce_sum3A_1667[15] : i32 from vector<16xi32>
    %add3A_1669 = arith.addi %add3A_1621, %reduce_sum3A_1668 : i32
    %get3A_1670 = arith.constant 4 : i32
    %get3A_1671 = arith.index_cast %get3A_1670 : i32 to index
    %get3A_1672 = arith.constant 0 : index
    %get3A_1673 = tpu.vector_load %arg10[%get3A_1671, %get3A_1672] {strides = array<i32>} : memref<16x16xi32, #tpu.memory_space<vmem>>, vector<16xi32>,
    %rev3A_1674 = arith.constant 15 : i32
    %rev3A_1675 = vector.broadcast %rev3A_1674 : i32 to vector<16xi32>
    %rev3A_1676 = tpu.iota {dimensions = array<i32: 0>} : vector<16xi32>
    %rev3A_1677 = arith.subi %rev3A_1675, %rev3A_1676 : vector<16xi32>
    %rev3A_1678 = tpu.dynamic_gather %get3A_1673[%rev3A_1677] in [0] : vector<16xi32>, vector<16xi32> -> vector<16xi32>
    %broadcast_in_dim3A_1679 = arith.constant true
    %broadcast_in_dim3A_1680 = vector.broadcast %broadcast_in_dim3A_1679 : i1 to vector<16xi1>
    %masked_cumsum3A_1681 = tpu.scan <sum>, %rev3A_1678 masked %broadcast_in_dim3A_1680 : vector<16xi32>, vector<16xi1> -> vector<16xi32>
    %sub3A_1682 = arith.subi %masked_cumsum3A_1681, %rev3A_1678 : vector<16xi32>
    %add3A_1683 = vector.broadcast %add3A_1669 : i32 to vector<16xi32>
    %add3A_1684 = arith.addi %add3A_1683, %sub3A_1682 : vector<16xi32>
    %lt3A_1685 = vector.broadcast %sub3A_1057 : i32 to vector<16xi32>
    %lt3A_1686 = arith.cmpi slt, %add3A_1684, %lt3A_1685 : vector<16xi32>
    %add3A_1687 = vector.broadcast %add3A_1669 : i32 to vector<16xi32>
    %add3A_1688 = arith.addi %add3A_1687, %masked_cumsum3A_1681 : vector<16xi32>
    %ge3A_1689 = vector.broadcast %sub3A_1057 : i32 to vector<16xi32>
    %ge3A_1690 = arith.cmpi sge, %add3A_1688, %ge3A_1689 : vector<16xi32>
    %and3A_1691 = arith.andi %lt3A_1686, %ge3A_1690 : vector<16xi1>
    %sub3A_1692 = arith.constant 79 : i32
    %sub3A_1693 = vector.broadcast %sub3A_1692 : i32 to vector<16xi32>
    %sub3A_1694 = arith.subi %sub3A_1693, %iota3A : vector<16xi32>
    %jit3A_1695 = arith.constant 0 : i32
    %broadcast_in_dim3A_1696 = vector.broadcast %jit3A_1695 : i32 to vector<16xi32>
    %select_n3A_1697 = arith.select %and3A_1691, %sub3A_1694, %broadcast_in_dim3A_1696 : vector<16xi1>, vector<16xi32>
    %reduce_sum3A_1698 = arith.constant true
    %reduce_sum3A_1699 = vector.broadcast %reduce_sum3A_1698 : i1 to vector<16xi1>
    %reduce_sum3A_1700 = tpu.scan <sum>, %select_n3A_1697 masked %reduce_sum3A_1699 : vector<16xi32>, vector<16xi1> -> vector<16xi32>
    %reduce_sum3A_1701 = vector.extract %reduce_sum3A_1700[15] : i32 from vector<16xi32>
    %add3A_1702 = arith.addi %add3A_1654, %reduce_sum3A_1701 : i32
    %add3A_1703 = vector.broadcast %add3A_1669 : i32 to vector<16xi32>
    %add3A_1704 = arith.addi %add3A_1703, %sub3A_1682 : vector<16xi32>
    %jit3A_1705 = arith.constant 0 : i32
    %broadcast_in_dim3A_1706 = vector.broadcast %jit3A_1705 : i32 to vector<16xi32>
    %select_n3A_1707 = arith.select %and3A_1691, %add3A_1704, %broadcast_in_dim3A_1706 : vector<16xi1>, vector<16xi32>
    %reduce_sum3A_1708 = arith.constant true
    %reduce_sum3A_1709 = vector.broadcast %reduce_sum3A_1708 : i1 to vector<16xi1>
    %reduce_sum3A_1710 = tpu.scan <sum>, %select_n3A_1707 masked %reduce_sum3A_1709 : vector<16xi32>, vector<16xi1> -> vector<16xi32>
    %reduce_sum3A_1711 = vector.extract %reduce_sum3A_1710[15] : i32 from vector<16xi32>
    %add3A_1712 = arith.addi %add3A_1664, %reduce_sum3A_1711 : i32
    %reduce_sum3A_1713 = arith.constant true
    %reduce_sum3A_1714 = vector.broadcast %reduce_sum3A_1713 : i1 to vector<16xi1>
    %reduce_sum3A_1715 = tpu.scan <sum>, %get3A_1673 masked %reduce_sum3A_1714 : vector<16xi32>, vector<16xi1> -> vector<16xi32>
    %reduce_sum3A_1716 = vector.extract %reduce_sum3A_1715[15] : i32 from vector<16xi32>
    %add3A_1717 = arith.addi %add3A_1669, %reduce_sum3A_1716 : i32
    %get3A_1718 = arith.constant 3 : i32
    %get3A_1719 = arith.index_cast %get3A_1718 : i32 to index
    %get3A_1720 = arith.constant 0 : index
    %get3A_1721 = tpu.vector_load %arg10[%get3A_1719, %get3A_1720] {strides = array<i32>} : memref<16x16xi32, #tpu.memory_space<vmem>>, vector<16xi32>,
    %rev3A_1722 = arith.constant 15 : i32
    %rev3A_1723 = vector.broadcast %rev3A_1722 : i32 to vector<16xi32>
    %rev3A_1724 = tpu.iota {dimensions = array<i32: 0>} : vector<16xi32>
    %rev3A_1725 = arith.subi %rev3A_1723, %rev3A_1724 : vector<16xi32>
    %rev3A_1726 = tpu.dynamic_gather %get3A_1721[%rev3A_1725] in [0] : vector<16xi32>, vector<16xi32> -> vector<16xi32>
    %broadcast_in_dim3A_1727 = arith.constant true
    %broadcast_in_dim3A_1728 = vector.broadcast %broadcast_in_dim3A_1727 : i1 to vector<16xi1>
    %masked_cumsum3A_1729 = tpu.scan <sum>, %rev3A_1726 masked %broadcast_in_dim3A_1728 : vector<16xi32>, vector<16xi1> -> vector<16xi32>
    %sub3A_1730 = arith.subi %masked_cumsum3A_1729, %rev3A_1726 : vector<16xi32>
    %add3A_1731 = vector.broadcast %add3A_1717 : i32 to vector<16xi32>
    %add3A_1732 = arith.addi %add3A_1731, %sub3A_1730 : vector<16xi32>
    %lt3A_1733 = vector.broadcast %sub3A_1057 : i32 to vector<16xi32>
    %lt3A_1734 = arith.cmpi slt, %add3A_1732, %lt3A_1733 : vector<16xi32>
    %add3A_1735 = vector.broadcast %add3A_1717 : i32 to vector<16xi32>
    %add3A_1736 = arith.addi %add3A_1735, %masked_cumsum3A_1729 : vector<16xi32>
    %ge3A_1737 = vector.broadcast %sub3A_1057 : i32 to vector<16xi32>
    %ge3A_1738 = arith.cmpi sge, %add3A_1736, %ge3A_1737 : vector<16xi32>
    %and3A_1739 = arith.andi %lt3A_1734, %ge3A_1738 : vector<16xi1>
    %sub3A_1740 = arith.constant 63 : i32
    %sub3A_1741 = vector.broadcast %sub3A_1740 : i32 to vector<16xi32>
    %sub3A_1742 = arith.subi %sub3A_1741, %iota3A : vector<16xi32>
    %jit3A_1743 = arith.constant 0 : i32
    %broadcast_in_dim3A_1744 = vector.broadcast %jit3A_1743 : i32 to vector<16xi32>
    %select_n3A_1745 = arith.select %and3A_1739, %sub3A_1742, %broadcast_in_dim3A_1744 : vector<16xi1>, vector<16xi32>
    %reduce_sum3A_1746 = arith.constant true
    %reduce_sum3A_1747 = vector.broadcast %reduce_sum3A_1746 : i1 to vector<16xi1>
    %reduce_sum3A_1748 = tpu.scan <sum>, %select_n3A_1745 masked %reduce_sum3A_1747 : vector<16xi32>, vector<16xi1> -> vector<16xi32>
    %reduce_sum3A_1749 = vector.extract %reduce_sum3A_1748[15] : i32 from vector<16xi32>
    %add3A_1750 = arith.addi %add3A_1702, %reduce_sum3A_1749 : i32
    %add3A_1751 = vector.broadcast %add3A_1717 : i32 to vector<16xi32>
    %add3A_1752 = arith.addi %add3A_1751, %sub3A_1730 : vector<16xi32>
    %jit3A_1753 = arith.constant 0 : i32
    %broadcast_in_dim3A_1754 = vector.broadcast %jit3A_1753 : i32 to vector<16xi32>
    %select_n3A_1755 = arith.select %and3A_1739, %add3A_1752, %broadcast_in_dim3A_1754 : vector<16xi1>, vector<16xi32>
    %reduce_sum3A_1756 = arith.constant true
    %reduce_sum3A_1757 = vector.broadcast %reduce_sum3A_1756 : i1 to vector<16xi1>
    %reduce_sum3A_1758 = tpu.scan <sum>, %select_n3A_1755 masked %reduce_sum3A_1757 : vector<16xi32>, vector<16xi1> -> vector<16xi32>
    %reduce_sum3A_1759 = vector.extract %reduce_sum3A_1758[15] : i32 from vector<16xi32>
    %add3A_1760 = arith.addi %add3A_1712, %reduce_sum3A_1759 : i32
    %reduce_sum3A_1761 = arith.constant true
    %reduce_sum3A_1762 = vector.broadcast %reduce_sum3A_1761 : i1 to vector<16xi1>
    %reduce_sum3A_1763 = tpu.scan <sum>, %get3A_1721 masked %reduce_sum3A_1762 : vector<16xi32>, vector<16xi1> -> vector<16xi32>
    %reduce_sum3A_1764 = vector.extract %reduce_sum3A_1763[15] : i32 from vector<16xi32>
    %add3A_1765 = arith.addi %add3A_1717, %reduce_sum3A_1764 : i32
    %get3A_1766 = arith.constant 2 : i32
    %get3A_1767 = arith.index_cast %get3A_1766 : i32 to index
    %get3A_1768 = arith.constant 0 : index
    %get3A_1769 = tpu.vector_load %arg10[%get3A_1767, %get3A_1768] {strides = array<i32>} : memref<16x16xi32, #tpu.memory_space<vmem>>, vector<16xi32>,
    %rev3A_1770 = arith.constant 15 : i32
    %rev3A_1771 = vector.broadcast %rev3A_1770 : i32 to vector<16xi32>
    %rev3A_1772 = tpu.iota {dimensions = array<i32: 0>} : vector<16xi32>
    %rev3A_1773 = arith.subi %rev3A_1771, %rev3A_1772 : vector<16xi32>
    %rev3A_1774 = tpu.dynamic_gather %get3A_1769[%rev3A_1773] in [0] : vector<16xi32>, vector<16xi32> -> vector<16xi32>
    %broadcast_in_dim3A_1775 = arith.constant true
    %broadcast_in_dim3A_1776 = vector.broadcast %broadcast_in_dim3A_1775 : i1 to vector<16xi1>
    %masked_cumsum3A_1777 = tpu.scan <sum>, %rev3A_1774 masked %broadcast_in_dim3A_1776 : vector<16xi32>, vector<16xi1> -> vector<16xi32>
    %sub3A_1778 = arith.subi %masked_cumsum3A_1777, %rev3A_1774 : vector<16xi32>
    %add3A_1779 = vector.broadcast %add3A_1765 : i32 to vector<16xi32>
    %add3A_1780 = arith.addi %add3A_1779, %sub3A_1778 : vector<16xi32>
    %lt3A_1781 = vector.broadcast %sub3A_1057 : i32 to vector<16xi32>
    %lt3A_1782 = arith.cmpi slt, %add3A_1780, %lt3A_1781 : vector<16xi32>
    %add3A_1783 = vector.broadcast %add3A_1765 : i32 to vector<16xi32>
    %add3A_1784 = arith.addi %add3A_1783, %masked_cumsum3A_1777 : vector<16xi32>
    %ge3A_1785 = vector.broadcast %sub3A_1057 : i32 to vector<16xi32>
    %ge3A_1786 = arith.cmpi sge, %add3A_1784, %ge3A_1785 : vector<16xi32>
    %and3A_1787 = arith.andi %lt3A_1782, %ge3A_1786 : vector<16xi1>
    %sub3A_1788 = arith.constant 47 : i32
    %sub3A_1789 = vector.broadcast %sub3A_1788 : i32 to vector<16xi32>
    %sub3A_1790 = arith.subi %sub3A_1789, %iota3A : vector<16xi32>
    %jit3A_1791 = arith.constant 0 : i32
    %broadcast_in_dim3A_1792 = vector.broadcast %jit3A_1791 : i32 to vector<16xi32>
    %select_n3A_1793 = arith.select %and3A_1787, %sub3A_1790, %broadcast_in_dim3A_1792 : vector<16xi1>, vector<16xi32>
    %reduce_sum3A_1794 = arith.constant true
    %reduce_sum3A_1795 = vector.broadcast %reduce_sum3A_1794 : i1 to vector<16xi1>
    %reduce_sum3A_1796 = tpu.scan <sum>, %select_n3A_1793 masked %reduce_sum3A_1795 : vector<16xi32>, vector<16xi1> -> vector<16xi32>
    %reduce_sum3A_1797 = vector.extract %reduce_sum3A_1796[15] : i32 from vector<16xi32>
    %add3A_1798 = arith.addi %add3A_1750, %reduce_sum3A_1797 : i32
    %add3A_1799 = vector.broadcast %add3A_1765 : i32 to vector<16xi32>
    %add3A_1800 = arith.addi %add3A_1799, %sub3A_1778 : vector<16xi32>
    %jit3A_1801 = arith.constant 0 : i32
    %broadcast_in_dim3A_1802 = vector.broadcast %jit3A_1801 : i32 to vector<16xi32>
    %select_n3A_1803 = arith.select %and3A_1787, %add3A_1800, %broadcast_in_dim3A_1802 : vector<16xi1>, vector<16xi32>
    %reduce_sum3A_1804 = arith.constant true
    %reduce_sum3A_1805 = vector.broadcast %reduce_sum3A_1804 : i1 to vector<16xi1>
    %reduce_sum3A_1806 = tpu.scan <sum>, %select_n3A_1803 masked %reduce_sum3A_1805 : vector<16xi32>, vector<16xi1> -> vector<16xi32>
    %reduce_sum3A_1807 = vector.extract %reduce_sum3A_1806[15] : i32 from vector<16xi32>
    %add3A_1808 = arith.addi %add3A_1760, %reduce_sum3A_1807 : i32
    %reduce_sum3A_1809 = arith.constant true
    %reduce_sum3A_1810 = vector.broadcast %reduce_sum3A_1809 : i1 to vector<16xi1>
    %reduce_sum3A_1811 = tpu.scan <sum>, %get3A_1769 masked %reduce_sum3A_1810 : vector<16xi32>, vector<16xi1> -> vector<16xi32>
    %reduce_sum3A_1812 = vector.extract %reduce_sum3A_1811[15] : i32 from vector<16xi32>
    %add3A_1813 = arith.addi %add3A_1765, %reduce_sum3A_1812 : i32
    %get3A_1814 = arith.constant 1 : i32
    %get3A_1815 = arith.index_cast %get3A_1814 : i32 to index
    %get3A_1816 = arith.constant 0 : index
    %get3A_1817 = tpu.vector_load %arg10[%get3A_1815, %get3A_1816] {strides = array<i32>} : memref<16x16xi32, #tpu.memory_space<vmem>>, vector<16xi32>,
    %rev3A_1818 = arith.constant 15 : i32
    %rev3A_1819 = vector.broadcast %rev3A_1818 : i32 to vector<16xi32>
    %rev3A_1820 = tpu.iota {dimensions = array<i32: 0>} : vector<16xi32>
    %rev3A_1821 = arith.subi %rev3A_1819, %rev3A_1820 : vector<16xi32>
    %rev3A_1822 = tpu.dynamic_gather %get3A_1817[%rev3A_1821] in [0] : vector<16xi32>, vector<16xi32> -> vector<16xi32>
    %broadcast_in_dim3A_1823 = arith.constant true
    %broadcast_in_dim3A_1824 = vector.broadcast %broadcast_in_dim3A_1823 : i1 to vector<16xi1>
    %masked_cumsum3A_1825 = tpu.scan <sum>, %rev3A_1822 masked %broadcast_in_dim3A_1824 : vector<16xi32>, vector<16xi1> -> vector<16xi32>
    %sub3A_1826 = arith.subi %masked_cumsum3A_1825, %rev3A_1822 : vector<16xi32>
    %add3A_1827 = vector.broadcast %add3A_1813 : i32 to vector<16xi32>
    %add3A_1828 = arith.addi %add3A_1827, %sub3A_1826 : vector<16xi32>
    %lt3A_1829 = vector.broadcast %sub3A_1057 : i32 to vector<16xi32>
    %lt3A_1830 = arith.cmpi slt, %add3A_1828, %lt3A_1829 : vector<16xi32>
    %add3A_1831 = vector.broadcast %add3A_1813 : i32 to vector<16xi32>
    %add3A_1832 = arith.addi %add3A_1831, %masked_cumsum3A_1825 : vector<16xi32>
    %ge3A_1833 = vector.broadcast %sub3A_1057 : i32 to vector<16xi32>
    %ge3A_1834 = arith.cmpi sge, %add3A_1832, %ge3A_1833 : vector<16xi32>
    %and3A_1835 = arith.andi %lt3A_1830, %ge3A_1834 : vector<16xi1>
    %sub3A_1836 = arith.constant 31 : i32
    %sub3A_1837 = vector.broadcast %sub3A_1836 : i32 to vector<16xi32>
    %sub3A_1838 = arith.subi %sub3A_1837, %iota3A : vector<16xi32>
    %jit3A_1839 = arith.constant 0 : i32
    %broadcast_in_dim3A_1840 = vector.broadcast %jit3A_1839 : i32 to vector<16xi32>
    %select_n3A_1841 = arith.select %and3A_1835, %sub3A_1838, %broadcast_in_dim3A_1840 : vector<16xi1>, vector<16xi32>
    %reduce_sum3A_1842 = arith.constant true
    %reduce_sum3A_1843 = vector.broadcast %reduce_sum3A_1842 : i1 to vector<16xi1>
    %reduce_sum3A_1844 = tpu.scan <sum>, %select_n3A_1841 masked %reduce_sum3A_1843 : vector<16xi32>, vector<16xi1> -> vector<16xi32>
    %reduce_sum3A_1845 = vector.extract %reduce_sum3A_1844[15] : i32 from vector<16xi32>
    %add3A_1846 = arith.addi %add3A_1798, %reduce_sum3A_1845 : i32
    %add3A_1847 = vector.broadcast %add3A_1813 : i32 to vector<16xi32>
    %add3A_1848 = arith.addi %add3A_1847, %sub3A_1826 : vector<16xi32>
    %jit3A_1849 = arith.constant 0 : i32
    %broadcast_in_dim3A_1850 = vector.broadcast %jit3A_1849 : i32 to vector<16xi32>
    %select_n3A_1851 = arith.select %and3A_1835, %add3A_1848, %broadcast_in_dim3A_1850 : vector<16xi1>, vector<16xi32>
    %reduce_sum3A_1852 = arith.constant true
    %reduce_sum3A_1853 = vector.broadcast %reduce_sum3A_1852 : i1 to vector<16xi1>
    %reduce_sum3A_1854 = tpu.scan <sum>, %select_n3A_1851 masked %reduce_sum3A_1853 : vector<16xi32>, vector<16xi1> -> vector<16xi32>
    %reduce_sum3A_1855 = vector.extract %reduce_sum3A_1854[15] : i32 from vector<16xi32>
    %add3A_1856 = arith.addi %add3A_1808, %reduce_sum3A_1855 : i32
    %reduce_sum3A_1857 = arith.constant true
    %reduce_sum3A_1858 = vector.broadcast %reduce_sum3A_1857 : i1 to vector<16xi1>
    %reduce_sum3A_1859 = tpu.scan <sum>, %get3A_1817 masked %reduce_sum3A_1858 : vector<16xi32>, vector<16xi1> -> vector<16xi32>
    %reduce_sum3A_1860 = vector.extract %reduce_sum3A_1859[15] : i32 from vector<16xi32>
    %add3A_1861 = arith.addi %add3A_1813, %reduce_sum3A_1860 : i32
    %get3A_1862 = arith.constant 0 : i32
    %get3A_1863 = arith.index_cast %get3A_1862 : i32 to index
    %get3A_1864 = arith.constant 0 : index
    %get3A_1865 = tpu.vector_load %arg10[%get3A_1863, %get3A_1864] {strides = array<i32>} : memref<16x16xi32, #tpu.memory_space<vmem>>, vector<16xi32>,
    %rev3A_1866 = arith.constant 15 : i32
    %rev3A_1867 = vector.broadcast %rev3A_1866 : i32 to vector<16xi32>
    %rev3A_1868 = tpu.iota {dimensions = array<i32: 0>} : vector<16xi32>
    %rev3A_1869 = arith.subi %rev3A_1867, %rev3A_1868 : vector<16xi32>
    %rev3A_1870 = tpu.dynamic_gather %get3A_1865[%rev3A_1869] in [0] : vector<16xi32>, vector<16xi32> -> vector<16xi32>
    %broadcast_in_dim3A_1871 = arith.constant true
    %broadcast_in_dim3A_1872 = vector.broadcast %broadcast_in_dim3A_1871 : i1 to vector<16xi1>
    %masked_cumsum3A_1873 = tpu.scan <sum>, %rev3A_1870 masked %broadcast_in_dim3A_1872 : vector<16xi32>, vector<16xi1> -> vector<16xi32>
    %sub3A_1874 = arith.subi %masked_cumsum3A_1873, %rev3A_1870 : vector<16xi32>
    %add3A_1875 = vector.broadcast %add3A_1861 : i32 to vector<16xi32>
    %add3A_1876 = arith.addi %add3A_1875, %sub3A_1874 : vector<16xi32>
    %lt3A_1877 = vector.broadcast %sub3A_1057 : i32 to vector<16xi32>
    %lt3A_1878 = arith.cmpi slt, %add3A_1876, %lt3A_1877 : vector<16xi32>
    %add3A_1879 = vector.broadcast %add3A_1861 : i32 to vector<16xi32>
    %add3A_1880 = arith.addi %add3A_1879, %masked_cumsum3A_1873 : vector<16xi32>
    %ge3A_1881 = vector.broadcast %sub3A_1057 : i32 to vector<16xi32>
    %ge3A_1882 = arith.cmpi sge, %add3A_1880, %ge3A_1881 : vector<16xi32>
    %and3A_1883 = arith.andi %lt3A_1878, %ge3A_1882 : vector<16xi1>
    %sub3A_1884 = arith.constant 15 : i32
    %sub3A_1885 = vector.broadcast %sub3A_1884 : i32 to vector<16xi32>
    %sub3A_1886 = arith.subi %sub3A_1885, %iota3A : vector<16xi32>
    %jit3A_1887 = arith.constant 0 : i32
    %broadcast_in_dim3A_1888 = vector.broadcast %jit3A_1887 : i32 to vector<16xi32>
    %select_n3A_1889 = arith.select %and3A_1883, %sub3A_1886, %broadcast_in_dim3A_1888 : vector<16xi1>, vector<16xi32>
    %reduce_sum3A_1890 = arith.constant true
    %reduce_sum3A_1891 = vector.broadcast %reduce_sum3A_1890 : i1 to vector<16xi1>
    %reduce_sum3A_1892 = tpu.scan <sum>, %select_n3A_1889 masked %reduce_sum3A_1891 : vector<16xi32>, vector<16xi1> -> vector<16xi32>
    %reduce_sum3A_1893 = vector.extract %reduce_sum3A_1892[15] : i32 from vector<16xi32>
    %add3A_1894 = arith.addi %add3A_1846, %reduce_sum3A_1893 : i32
    %add3A_1895 = vector.broadcast %add3A_1861 : i32 to vector<16xi32>
    %add3A_1896 = arith.addi %add3A_1895, %sub3A_1874 : vector<16xi32>
    %jit3A_1897 = arith.constant 0 : i32
    %broadcast_in_dim3A_1898 = vector.broadcast %jit3A_1897 : i32 to vector<16xi32>
    %select_n3A_1899 = arith.select %and3A_1883, %add3A_1896, %broadcast_in_dim3A_1898 : vector<16xi1>, vector<16xi32>
    %reduce_sum3A_1900 = arith.constant true
    %reduce_sum3A_1901 = vector.broadcast %reduce_sum3A_1900 : i1 to vector<16xi1>
    %reduce_sum3A_1902 = tpu.scan <sum>, %select_n3A_1899 masked %reduce_sum3A_1901 : vector<16xi32>, vector<16xi1> -> vector<16xi32>
    %reduce_sum3A_1903 = vector.extract %reduce_sum3A_1902[15] : i32 from vector<16xi32>
    %add3A_1904 = arith.addi %add3A_1856, %reduce_sum3A_1903 : i32
    %reduce_sum3A_1905 = arith.constant true
    %reduce_sum3A_1906 = vector.broadcast %reduce_sum3A_1905 : i1 to vector<16xi1>
    %reduce_sum3A_1907 = tpu.scan <sum>, %get3A_1865 masked %reduce_sum3A_1906 : vector<16xi32>, vector<16xi1> -> vector<16xi32>
    %reduce_sum3A_1908 = vector.extract %reduce_sum3A_1907[15] : i32 from vector<16xi32>
    %add3A_1909 = arith.addi %add3A_1861, %reduce_sum3A_1908 : i32
    %shift_left3A_1910 = arith.constant 16 : i32
    %shift_left3A_1911 = arith.shli %add3A_1894, %shift_left3A_1910 : i32
    %or3A_1912 = arith.ori %or3A_1056, %shift_left3A_1911 : i32
    %sub3A_1913 = arith.subi %sub3A_1057, %add3A_1904 : i32
    %swap3A_1914 = arith.constant 0 : i32
    %swap3A_1915 = arith.index_cast %swap3A_1914 : i32 to index
    %swap3A_1916 = arith.constant 0 : index
    %swap3A_1917 = tpu.vector_load %arg8[%swap3A_1915, %swap3A_1916] {strides = array<i32>} : memref<16x16xi32, #tpu.memory_space<vmem>>, vector<16xi32>,
    tpu.vector_store %arg8[%swap3A_1915, %swap3A_1916], %broadcast_in_dim3A_3 {strides = array<i32>} : memref<16x16xi32, #tpu.memory_space<vmem>>, vector<16xi32>,
    %swap3A_1918 = arith.constant 1 : i32
    %swap3A_1919 = arith.index_cast %swap3A_1918 : i32 to index
    %swap3A_1920 = arith.constant 0 : index
    %swap3A_1921 = tpu.vector_load %arg8[%swap3A_1919, %swap3A_1920] {strides = array<i32>} : memref<16x16xi32, #tpu.memory_space<vmem>>, vector<16xi32>,
    tpu.vector_store %arg8[%swap3A_1919, %swap3A_1920], %broadcast_in_dim3A_3 {strides = array<i32>} : memref<16x16xi32, #tpu.memory_space<vmem>>, vector<16xi32>,
    %swap3A_1922 = arith.constant 2 : i32
    %swap3A_1923 = arith.index_cast %swap3A_1922 : i32 to index
    %swap3A_1924 = arith.constant 0 : index
    %swap3A_1925 = tpu.vector_load %arg8[%swap3A_1923, %swap3A_1924] {strides = array<i32>} : memref<16x16xi32, #tpu.memory_space<vmem>>, vector<16xi32>,
    tpu.vector_store %arg8[%swap3A_1923, %swap3A_1924], %broadcast_in_dim3A_3 {strides = array<i32>} : memref<16x16xi32, #tpu.memory_space<vmem>>, vector<16xi32>,
    %swap3A_1926 = arith.constant 3 : i32
    %swap3A_1927 = arith.index_cast %swap3A_1926 : i32 to index
    %swap3A_1928 = arith.constant 0 : index
    %swap3A_1929 = tpu.vector_load %arg8[%swap3A_1927, %swap3A_1928] {strides = array<i32>} : memref<16x16xi32, #tpu.memory_space<vmem>>, vector<16xi32>,
    tpu.vector_store %arg8[%swap3A_1927, %swap3A_1928], %broadcast_in_dim3A_3 {strides = array<i32>} : memref<16x16xi32, #tpu.memory_space<vmem>>, vector<16xi32>,
    %swap3A_1930 = arith.constant 4 : i32
    %swap3A_1931 = arith.index_cast %swap3A_1930 : i32 to index
    %swap3A_1932 = arith.constant 0 : index
    %swap3A_1933 = tpu.vector_load %arg8[%swap3A_1931, %swap3A_1932] {strides = array<i32>} : memref<16x16xi32, #tpu.memory_space<vmem>>, vector<16xi32>,
    tpu.vector_store %arg8[%swap3A_1931, %swap3A_1932], %broadcast_in_dim3A_3 {strides = array<i32>} : memref<16x16xi32, #tpu.memory_space<vmem>>, vector<16xi32>,
    %swap3A_1934 = arith.constant 5 : i32
    %swap3A_1935 = arith.index_cast %swap3A_1934 : i32 to index
    %swap3A_1936 = arith.constant 0 : index
    %swap3A_1937 = tpu.vector_load %arg8[%swap3A_1935, %swap3A_1936] {strides = array<i32>} : memref<16x16xi32, #tpu.memory_space<vmem>>, vector<16xi32>,
    tpu.vector_store %arg8[%swap3A_1935, %swap3A_1936], %broadcast_in_dim3A_3 {strides = array<i32>} : memref<16x16xi32, #tpu.memory_space<vmem>>, vector<16xi32>,
    %swap3A_1938 = arith.constant 6 : i32
    %swap3A_1939 = arith.index_cast %swap3A_1938 : i32 to index
    %swap3A_1940 = arith.constant 0 : index
    %swap3A_1941 = tpu.vector_load %arg8[%swap3A_1939, %swap3A_1940] {strides = array<i32>} : memref<16x16xi32, #tpu.memory_space<vmem>>, vector<16xi32>,
    tpu.vector_store %arg8[%swap3A_1939, %swap3A_1940], %broadcast_in_dim3A_3 {strides = array<i32>} : memref<16x16xi32, #tpu.memory_space<vmem>>, vector<16xi32>,
    %swap3A_1942 = arith.constant 7 : i32
    %swap3A_1943 = arith.index_cast %swap3A_1942 : i32 to index
    %swap3A_1944 = arith.constant 0 : index
    %swap3A_1945 = tpu.vector_load %arg8[%swap3A_1943, %swap3A_1944] {strides = array<i32>} : memref<16x16xi32, #tpu.memory_space<vmem>>, vector<16xi32>,
    tpu.vector_store %arg8[%swap3A_1943, %swap3A_1944], %broadcast_in_dim3A_3 {strides = array<i32>} : memref<16x16xi32, #tpu.memory_space<vmem>>, vector<16xi32>,
    %swap3A_1946 = arith.constant 8 : i32
    %swap3A_1947 = arith.index_cast %swap3A_1946 : i32 to index
    %swap3A_1948 = arith.constant 0 : index
    %swap3A_1949 = tpu.vector_load %arg8[%swap3A_1947, %swap3A_1948] {strides = array<i32>} : memref<16x16xi32, #tpu.memory_space<vmem>>, vector<16xi32>,
    tpu.vector_store %arg8[%swap3A_1947, %swap3A_1948], %broadcast_in_dim3A_3 {strides = array<i32>} : memref<16x16xi32, #tpu.memory_space<vmem>>, vector<16xi32>,
    %swap3A_1950 = arith.constant 9 : i32
    %swap3A_1951 = arith.index_cast %swap3A_1950 : i32 to index
    %swap3A_1952 = arith.constant 0 : index
    %swap3A_1953 = tpu.vector_load %arg8[%swap3A_1951, %swap3A_1952] {strides = array<i32>} : memref<16x16xi32, #tpu.memory_space<vmem>>, vector<16xi32>,
    tpu.vector_store %arg8[%swap3A_1951, %swap3A_1952], %broadcast_in_dim3A_3 {strides = array<i32>} : memref<16x16xi32, #tpu.memory_space<vmem>>, vector<16xi32>,
    %swap3A_1954 = arith.constant 10 : i32
    %swap3A_1955 = arith.index_cast %swap3A_1954 : i32 to index
    %swap3A_1956 = arith.constant 0 : index
    %swap3A_1957 = tpu.vector_load %arg8[%swap3A_1955, %swap3A_1956] {strides = array<i32>} : memref<16x16xi32, #tpu.memory_space<vmem>>, vector<16xi32>,
    tpu.vector_store %arg8[%swap3A_1955, %swap3A_1956], %broadcast_in_dim3A_3 {strides = array<i32>} : memref<16x16xi32, #tpu.memory_space<vmem>>, vector<16xi32>,
    %swap3A_1958 = arith.constant 11 : i32
    %swap3A_1959 = arith.index_cast %swap3A_1958 : i32 to index
    %swap3A_1960 = arith.constant 0 : index
    %swap3A_1961 = tpu.vector_load %arg8[%swap3A_1959, %swap3A_1960] {strides = array<i32>} : memref<16x16xi32, #tpu.memory_space<vmem>>, vector<16xi32>,
    tpu.vector_store %arg8[%swap3A_1959, %swap3A_1960], %broadcast_in_dim3A_3 {strides = array<i32>} : memref<16x16xi32, #tpu.memory_space<vmem>>, vector<16xi32>,
    %swap3A_1962 = arith.constant 12 : i32
    %swap3A_1963 = arith.index_cast %swap3A_1962 : i32 to index
    %swap3A_1964 = arith.constant 0 : index
    %swap3A_1965 = tpu.vector_load %arg8[%swap3A_1963, %swap3A_1964] {strides = array<i32>} : memref<16x16xi32, #tpu.memory_space<vmem>>, vector<16xi32>,
    tpu.vector_store %arg8[%swap3A_1963, %swap3A_1964], %broadcast_in_dim3A_3 {strides = array<i32>} : memref<16x16xi32, #tpu.memory_space<vmem>>, vector<16xi32>,
    %swap3A_1966 = arith.constant 13 : i32
    %swap3A_1967 = arith.index_cast %swap3A_1966 : i32 to index
    %swap3A_1968 = arith.constant 0 : index
    %swap3A_1969 = tpu.vector_load %arg8[%swap3A_1967, %swap3A_1968] {strides = array<i32>} : memref<16x16xi32, #tpu.memory_space<vmem>>, vector<16xi32>,
    tpu.vector_store %arg8[%swap3A_1967, %swap3A_1968], %broadcast_in_dim3A_3 {strides = array<i32>} : memref<16x16xi32, #tpu.memory_space<vmem>>, vector<16xi32>,
    %swap3A_1970 = arith.constant 14 : i32
    %swap3A_1971 = arith.index_cast %swap3A_1970 : i32 to index
    %swap3A_1972 = arith.constant 0 : index
    %swap3A_1973 = tpu.vector_load %arg8[%swap3A_1971, %swap3A_1972] {strides = array<i32>} : memref<16x16xi32, #tpu.memory_space<vmem>>, vector<16xi32>,
    tpu.vector_store %arg8[%swap3A_1971, %swap3A_1972], %broadcast_in_dim3A_3 {strides = array<i32>} : memref<16x16xi32, #tpu.memory_space<vmem>>, vector<16xi32>,
    %swap3A_1974 = arith.constant 15 : i32
    %swap3A_1975 = arith.index_cast %swap3A_1974 : i32 to index
    %swap3A_1976 = arith.constant 0 : index
    %swap3A_1977 = tpu.vector_load %arg8[%swap3A_1975, %swap3A_1976] {strides = array<i32>} : memref<16x16xi32, #tpu.memory_space<vmem>>, vector<16xi32>,
    tpu.vector_store %arg8[%swap3A_1975, %swap3A_1976], %broadcast_in_dim3A_3 {strides = array<i32>} : memref<16x16xi32, #tpu.memory_space<vmem>>, vector<16xi32>,
    %scan3A_1978 = arith.constant 1008981770 : i32
    %scan3A_1979 = arith.constant 0 : i32
    %scan3A_1980 = arith.constant 0 : i32
    %scan3A_1981 = arith.constant 80 : i32
    %scan3A_1982 = arith.addi %scan3A_1980, %scan3A_1981 : i32
    %scan3A_1983 = arith.constant 1 : i32
    %scan3A_1984 = scf.for %scan3A_3868 = %scan3A_1980 to %scan3A_1982 step %scan3A_1983 iter_args(%scan3A_3869 = %scan3A_1979) -> (i32)  : i32 {
      %mul3A_3870 = arith.constant 16 : i32
      %mul3A_3871 = arith.muli %scan3A_3868, %mul3A_3870 : i32
      %get3A_3872 = arith.index_cast %mul3A_3871 : i32 to index
      %get3A_3873 = tpu.vector_load %arg7[%get3A_3872] {strides = array<i32>} : memref<1280xi32, #tpu.memory_space<vmem>>, vector<16xi32>,
      %gt3A = vector.broadcast %scan3A_1978 : i32 to vector<16xi32>
      %gt3A_3874 = arith.cmpi sgt, %get3A_3873, %gt3A : vector<16xi32>
      %shift_right_arithmetic3A_3875 = arith.constant 16 : i32
      %shift_right_arithmetic3A_3876 = vector.broadcast %shift_right_arithmetic3A_3875 : i32 to vector<16xi32>
      %shift_right_arithmetic3A_3877 = arith.shrsi %get3A_3873, %shift_right_arithmetic3A_3876 : vector<16xi32>
      %shift_right_arithmetic3A_3878 = arith.constant 16 : i32
      %shift_right_arithmetic3A_3879 = arith.shrsi %or3A_1912, %shift_right_arithmetic3A_3878 : i32
      %eq3A_3880 = vector.broadcast %shift_right_arithmetic3A_3879 : i32 to vector<16xi32>
      %eq3A_3881 = arith.cmpi eq, %shift_right_arithmetic3A_3877, %eq3A_3880 : vector<16xi32>
      %and3A_3882 = arith.andi %gt3A_3874, %eq3A_3881 : vector<16xi1>
      %shift_right_arithmetic3A_3883 = arith.constant 8 : i32
      %shift_right_arithmetic3A_3884 = vector.broadcast %shift_right_arithmetic3A_3883 : i32 to vector<16xi32>
      %shift_right_arithmetic3A_3885 = arith.shrsi %get3A_3873, %shift_right_arithmetic3A_3884 : vector<16xi32>
      %and3A_3886 = arith.constant 255 : i32
      %and3A_3887 = vector.broadcast %and3A_3886 : i32 to vector<16xi32>
      %and3A_3888 = arith.andi %shift_right_arithmetic3A_3885, %and3A_3887 : vector<16xi32>
      %shift_right_arithmetic3A_3889 = arith.constant 4 : i32
      %shift_right_arithmetic3A_3890 = vector.broadcast %shift_right_arithmetic3A_3889 : i32 to vector<16xi32>
      %shift_right_arithmetic3A_3891 = arith.shrsi %and3A_3888, %shift_right_arithmetic3A_3890 : vector<16xi32>
      %and3A_3892 = arith.constant 15 : i32
      %and3A_3893 = vector.broadcast %and3A_3892 : i32 to vector<16xi32>
      %and3A_3894 = arith.andi %and3A_3888, %and3A_3893 : vector<16xi32>
      tpu.vector_store_idx %arg8[%shift_right_arithmetic3A_3891, %and3A_3894], %broadcast_in_dim3A_1 masked %and3A_3882 {add = true} : memref<16x16xi32, #tpu.memory_space<vmem>>[vector<16xi32>, vector<16xi32>], vector<16xi32>, vector<16xi1>
      %scan3A_3895 = arith.constant 0 : i32
      scf.yield %scan3A_3895 : i32
    }
    %scan3A_1985 = arith.constant 80 : i32
    %add3A_1986 = arith.constant 32 : i32
    %add3A_1987 = vector.broadcast %add3A_1986 : i32 to vector<16xi32>
    %add3A_1988 = arith.addi %iota3A, %add3A_1987 : vector<16xi32>
    %swap3A_1989 = arith.constant 0 : index
    %swap3A_1990 = tpu.vector_load %arg9[%swap3A_1989] {strides = array<i32>} : memref<16xi32, #tpu.memory_space<vmem>>, vector<16xi32>,
    tpu.vector_store %arg9[%swap3A_1989], %add3A_1988 {strides = array<i32>} : memref<16xi32, #tpu.memory_space<vmem>>, vector<16xi32>,
    "tpu.region"() ({
      %run_scoped3A_3868 = tpu.sem_alloc : memref<!tpu.dma_semaphore, #tpu.memory_space<semaphore_mem>>
      %dma_start3A_3869 = arith.constant 0 : i32
      %dma_start3A_3870 = arith.constant 0 : i32
      %dma_start3A_3871 = tpu.memref_slice %arg22[%dma_start3A_3869, %dma_start3A_3870] : memref<64x16xi32, #tpu.memory_space<vmem_shared>> -> memref<64x16xi32, #tpu.memory_space<vmem_shared>>
      tpu.enqueue_indirect_dma source(%arg8 : memref<16x16xi32, #tpu.memory_space<vmem>>) target(%dma_start3A_3871 : memref<64x16xi32, #tpu.memory_space<vmem_shared>>) offsets(%arg9 : memref<16xi32, #tpu.memory_space<vmem>>) semaphore(%run_scoped3A_3868 : memref<!tpu.dma_semaphore, #tpu.memory_space<semaphore_mem>>) {add = true}
      %dma_wait3A_3872 = arith.constant 0 : i32
      %dma_wait3A_3873 = arith.constant 0 : i32
      %dma_wait3A_3874 = tpu.memref_slice %arg22[%dma_wait3A_3872, %dma_wait3A_3873] : memref<64x16xi32, #tpu.memory_space<vmem_shared>> -> memref<64x16xi32, #tpu.memory_space<vmem_shared>>
      tpu.wait_indirect_dma semaphore(%run_scoped3A_3868 : memref<!tpu.dma_semaphore, #tpu.memory_space<semaphore_mem>>) src(%arg8 : memref<16x16xi32, #tpu.memory_space<vmem>>) dst(%dma_wait3A_3874 : memref<64x16xi32, #tpu.memory_space<vmem_shared>>)
      tpu.yield
    }) : () -> ()
    %barrier3A_1991 = arith.constant 0 : index
    tpu.barrier barrier_id(%barrier3A_1991)
    "tpu.region"() ({
      %run_scoped3A_3868 = tpu.sem_alloc : memref<!tpu.dma_semaphore, #tpu.memory_space<semaphore_mem>>
      %dma_start3A_3869 = arith.constant 32 : i32
      %dma_start3A_3870 = arith.constant 0 : i32
      %dma_start3A_3871 = tpu.memref_slice %arg22[%dma_start3A_3869, %dma_start3A_3870] : memref<64x16xi32, #tpu.memory_space<vmem_shared>> -> memref<16x16xi32, #tpu.memory_space<vmem_shared>>
      %dma_start3A_3872 = arith.constant 32 : i32
      %dma_start3A_3873 = arith.constant 0 : i32
      %dma_start3A_3874 = tpu.memref_slice %arg22[%dma_start3A_3872, %dma_start3A_3873] : memref<64x16xi32, #tpu.memory_space<vmem_shared>> -> memref<16x16xi32, #tpu.memory_space<vmem_shared>>
      tpu.enqueue_dma source(%dma_start3A_3874 : memref<16x16xi32, #tpu.memory_space<vmem_shared>>) target(%arg10 : memref<16x16xi32, #tpu.memory_space<vmem>>) target_semaphore(%run_scoped3A_3868 : memref<!tpu.dma_semaphore, #tpu.memory_space<semaphore_mem>>)
      %dma_wait3A_3875 = arith.constant 32 : i32
      %dma_wait3A_3876 = arith.constant 0 : i32
      %dma_wait3A_3877 = tpu.memref_slice %arg22[%dma_wait3A_3875, %dma_wait3A_3876] : memref<64x16xi32, #tpu.memory_space<vmem_shared>> -> memref<16x16xi32, #tpu.memory_space<vmem_shared>>
      %dma_wait3A_3878 = arith.constant 32 : i32
      %dma_wait3A_3879 = arith.constant 0 : i32
      %dma_wait3A_3880 = tpu.memref_slice %arg22[%dma_wait3A_3878, %dma_wait3A_3879] : memref<64x16xi32, #tpu.memory_space<vmem_shared>> -> memref<16x16xi32, #tpu.memory_space<vmem_shared>>
      tpu.wait_dma2 semaphore(%run_scoped3A_3868 : memref<!tpu.dma_semaphore, #tpu.memory_space<semaphore_mem>>) src(%dma_wait3A_3880 : memref<16x16xi32, #tpu.memory_space<vmem_shared>>) dst(%arg10 : memref<16x16xi32, #tpu.memory_space<vmem>>)
      tpu.yield
    }) : () -> ()
    %get3A_1992 = arith.constant 15 : i32
    %get3A_1993 = arith.index_cast %get3A_1992 : i32 to index
    %get3A_1994 = arith.constant 0 : index
    %get3A_1995 = tpu.vector_load %arg10[%get3A_1993, %get3A_1994] {strides = array<i32>} : memref<16x16xi32, #tpu.memory_space<vmem>>, vector<16xi32>,
    %rev3A_1996 = arith.constant 15 : i32
    %rev3A_1997 = vector.broadcast %rev3A_1996 : i32 to vector<16xi32>
    %rev3A_1998 = tpu.iota {dimensions = array<i32: 0>} : vector<16xi32>
    %rev3A_1999 = arith.subi %rev3A_1997, %rev3A_1998 : vector<16xi32>
    %rev3A_2000 = tpu.dynamic_gather %get3A_1995[%rev3A_1999] in [0] : vector<16xi32>, vector<16xi32> -> vector<16xi32>
    %broadcast_in_dim3A_2001 = arith.constant true
    %broadcast_in_dim3A_2002 = vector.broadcast %broadcast_in_dim3A_2001 : i1 to vector<16xi1>
    %masked_cumsum3A_2003 = tpu.scan <sum>, %rev3A_2000 masked %broadcast_in_dim3A_2002 : vector<16xi32>, vector<16xi1> -> vector<16xi32>
    %sub3A_2004 = arith.subi %masked_cumsum3A_2003, %rev3A_2000 : vector<16xi32>
    %add3A_2005 = arith.constant 0 : i32
    %add3A_2006 = vector.broadcast %add3A_2005 : i32 to vector<16xi32>
    %add3A_2007 = arith.addi %add3A_2006, %sub3A_2004 : vector<16xi32>
    %lt3A_2008 = vector.broadcast %sub3A_1913 : i32 to vector<16xi32>
    %lt3A_2009 = arith.cmpi slt, %add3A_2007, %lt3A_2008 : vector<16xi32>
    %add3A_2010 = arith.constant 0 : i32
    %add3A_2011 = vector.broadcast %add3A_2010 : i32 to vector<16xi32>
    %add3A_2012 = arith.addi %add3A_2011, %masked_cumsum3A_2003 : vector<16xi32>
    %ge3A_2013 = vector.broadcast %sub3A_1913 : i32 to vector<16xi32>
    %ge3A_2014 = arith.cmpi sge, %add3A_2012, %ge3A_2013 : vector<16xi32>
    %and3A_2015 = arith.andi %lt3A_2009, %ge3A_2014 : vector<16xi1>
    %sub3A_2016 = arith.constant 255 : i32
    %sub3A_2017 = vector.broadcast %sub3A_2016 : i32 to vector<16xi32>
    %sub3A_2018 = arith.subi %sub3A_2017, %iota3A : vector<16xi32>
    %jit3A_2019 = arith.constant 0 : i32
    %broadcast_in_dim3A_2020 = vector.broadcast %jit3A_2019 : i32 to vector<16xi32>
    %select_n3A_2021 = arith.select %and3A_2015, %sub3A_2018, %broadcast_in_dim3A_2020 : vector<16xi1>, vector<16xi32>
    %reduce_sum3A_2022 = arith.constant true
    %reduce_sum3A_2023 = vector.broadcast %reduce_sum3A_2022 : i1 to vector<16xi1>
    %reduce_sum3A_2024 = tpu.scan <sum>, %select_n3A_2021 masked %reduce_sum3A_2023 : vector<16xi32>, vector<16xi1> -> vector<16xi32>
    %reduce_sum3A_2025 = vector.extract %reduce_sum3A_2024[15] : i32 from vector<16xi32>
    %add3A_2026 = arith.constant 0 : i32
    %add3A_2027 = arith.addi %add3A_2026, %reduce_sum3A_2025 : i32
    %add3A_2028 = arith.constant 0 : i32
    %add3A_2029 = vector.broadcast %add3A_2028 : i32 to vector<16xi32>
    %add3A_2030 = arith.addi %add3A_2029, %sub3A_2004 : vector<16xi32>
    %jit3A_2031 = arith.constant 0 : i32
    %broadcast_in_dim3A_2032 = vector.broadcast %jit3A_2031 : i32 to vector<16xi32>
    %select_n3A_2033 = arith.select %and3A_2015, %add3A_2030, %broadcast_in_dim3A_2032 : vector<16xi1>, vector<16xi32>
    %reduce_sum3A_2034 = arith.constant true
    %reduce_sum3A_2035 = vector.broadcast %reduce_sum3A_2034 : i1 to vector<16xi1>
    %reduce_sum3A_2036 = tpu.scan <sum>, %select_n3A_2033 masked %reduce_sum3A_2035 : vector<16xi32>, vector<16xi1> -> vector<16xi32>
    %reduce_sum3A_2037 = vector.extract %reduce_sum3A_2036[15] : i32 from vector<16xi32>
    %add3A_2038 = arith.constant 0 : i32
    %add3A_2039 = arith.addi %add3A_2038, %reduce_sum3A_2037 : i32
    %reduce_sum3A_2040 = arith.constant true
    %reduce_sum3A_2041 = vector.broadcast %reduce_sum3A_2040 : i1 to vector<16xi1>
    %reduce_sum3A_2042 = tpu.scan <sum>, %get3A_1995 masked %reduce_sum3A_2041 : vector<16xi32>, vector<16xi1> -> vector<16xi32>
    %reduce_sum3A_2043 = vector.extract %reduce_sum3A_2042[15] : i32 from vector<16xi32>
    %add3A_2044 = arith.constant 0 : i32
    %add3A_2045 = arith.addi %add3A_2044, %reduce_sum3A_2043 : i32
    %get3A_2046 = arith.constant 14 : i32
    %get3A_2047 = arith.index_cast %get3A_2046 : i32 to index
    %get3A_2048 = arith.constant 0 : index
    %get3A_2049 = tpu.vector_load %arg10[%get3A_2047, %get3A_2048] {strides = array<i32>} : memref<16x16xi32, #tpu.memory_space<vmem>>, vector<16xi32>,
    %rev3A_2050 = arith.constant 15 : i32
    %rev3A_2051 = vector.broadcast %rev3A_2050 : i32 to vector<16xi32>
    %rev3A_2052 = tpu.iota {dimensions = array<i32: 0>} : vector<16xi32>
    %rev3A_2053 = arith.subi %rev3A_2051, %rev3A_2052 : vector<16xi32>
    %rev3A_2054 = tpu.dynamic_gather %get3A_2049[%rev3A_2053] in [0] : vector<16xi32>, vector<16xi32> -> vector<16xi32>
    %broadcast_in_dim3A_2055 = arith.constant true
    %broadcast_in_dim3A_2056 = vector.broadcast %broadcast_in_dim3A_2055 : i1 to vector<16xi1>
    %masked_cumsum3A_2057 = tpu.scan <sum>, %rev3A_2054 masked %broadcast_in_dim3A_2056 : vector<16xi32>, vector<16xi1> -> vector<16xi32>
    %sub3A_2058 = arith.subi %masked_cumsum3A_2057, %rev3A_2054 : vector<16xi32>
    %add3A_2059 = vector.broadcast %add3A_2045 : i32 to vector<16xi32>
    %add3A_2060 = arith.addi %add3A_2059, %sub3A_2058 : vector<16xi32>
    %lt3A_2061 = vector.broadcast %sub3A_1913 : i32 to vector<16xi32>
    %lt3A_2062 = arith.cmpi slt, %add3A_2060, %lt3A_2061 : vector<16xi32>
    %add3A_2063 = vector.broadcast %add3A_2045 : i32 to vector<16xi32>
    %add3A_2064 = arith.addi %add3A_2063, %masked_cumsum3A_2057 : vector<16xi32>
    %ge3A_2065 = vector.broadcast %sub3A_1913 : i32 to vector<16xi32>
    %ge3A_2066 = arith.cmpi sge, %add3A_2064, %ge3A_2065 : vector<16xi32>
    %and3A_2067 = arith.andi %lt3A_2062, %ge3A_2066 : vector<16xi1>
    %sub3A_2068 = arith.constant 239 : i32
    %sub3A_2069 = vector.broadcast %sub3A_2068 : i32 to vector<16xi32>
    %sub3A_2070 = arith.subi %sub3A_2069, %iota3A : vector<16xi32>
    %jit3A_2071 = arith.constant 0 : i32
    %broadcast_in_dim3A_2072 = vector.broadcast %jit3A_2071 : i32 to vector<16xi32>
    %select_n3A_2073 = arith.select %and3A_2067, %sub3A_2070, %broadcast_in_dim3A_2072 : vector<16xi1>, vector<16xi32>
    %reduce_sum3A_2074 = arith.constant true
    %reduce_sum3A_2075 = vector.broadcast %reduce_sum3A_2074 : i1 to vector<16xi1>
    %reduce_sum3A_2076 = tpu.scan <sum>, %select_n3A_2073 masked %reduce_sum3A_2075 : vector<16xi32>, vector<16xi1> -> vector<16xi32>
    %reduce_sum3A_2077 = vector.extract %reduce_sum3A_2076[15] : i32 from vector<16xi32>
    %add3A_2078 = arith.addi %add3A_2027, %reduce_sum3A_2077 : i32
    %add3A_2079 = vector.broadcast %add3A_2045 : i32 to vector<16xi32>
    %add3A_2080 = arith.addi %add3A_2079, %sub3A_2058 : vector<16xi32>
    %jit3A_2081 = arith.constant 0 : i32
    %broadcast_in_dim3A_2082 = vector.broadcast %jit3A_2081 : i32 to vector<16xi32>
    %select_n3A_2083 = arith.select %and3A_2067, %add3A_2080, %broadcast_in_dim3A_2082 : vector<16xi1>, vector<16xi32>
    %reduce_sum3A_2084 = arith.constant true
    %reduce_sum3A_2085 = vector.broadcast %reduce_sum3A_2084 : i1 to vector<16xi1>
    %reduce_sum3A_2086 = tpu.scan <sum>, %select_n3A_2083 masked %reduce_sum3A_2085 : vector<16xi32>, vector<16xi1> -> vector<16xi32>
    %reduce_sum3A_2087 = vector.extract %reduce_sum3A_2086[15] : i32 from vector<16xi32>
    %add3A_2088 = arith.addi %add3A_2039, %reduce_sum3A_2087 : i32
    %reduce_sum3A_2089 = arith.constant true
    %reduce_sum3A_2090 = vector.broadcast %reduce_sum3A_2089 : i1 to vector<16xi1>
    %reduce_sum3A_2091 = tpu.scan <sum>, %get3A_2049 masked %reduce_sum3A_2090 : vector<16xi32>, vector<16xi1> -> vector<16xi32>
    %reduce_sum3A_2092 = vector.extract %reduce_sum3A_2091[15] : i32 from vector<16xi32>
    %add3A_2093 = arith.addi %add3A_2045, %reduce_sum3A_2092 : i32
    %get3A_2094 = arith.constant 13 : i32
    %get3A_2095 = arith.index_cast %get3A_2094 : i32 to index
    %get3A_2096 = arith.constant 0 : index
    %get3A_2097 = tpu.vector_load %arg10[%get3A_2095, %get3A_2096] {strides = array<i32>} : memref<16x16xi32, #tpu.memory_space<vmem>>, vector<16xi32>,
    %rev3A_2098 = arith.constant 15 : i32
    %rev3A_2099 = vector.broadcast %rev3A_2098 : i32 to vector<16xi32>
    %rev3A_2100 = tpu.iota {dimensions = array<i32: 0>} : vector<16xi32>
    %rev3A_2101 = arith.subi %rev3A_2099, %rev3A_2100 : vector<16xi32>
    %rev3A_2102 = tpu.dynamic_gather %get3A_2097[%rev3A_2101] in [0] : vector<16xi32>, vector<16xi32> -> vector<16xi32>
    %broadcast_in_dim3A_2103 = arith.constant true
    %broadcast_in_dim3A_2104 = vector.broadcast %broadcast_in_dim3A_2103 : i1 to vector<16xi1>
    %masked_cumsum3A_2105 = tpu.scan <sum>, %rev3A_2102 masked %broadcast_in_dim3A_2104 : vector<16xi32>, vector<16xi1> -> vector<16xi32>
    %sub3A_2106 = arith.subi %masked_cumsum3A_2105, %rev3A_2102 : vector<16xi32>
    %add3A_2107 = vector.broadcast %add3A_2093 : i32 to vector<16xi32>
    %add3A_2108 = arith.addi %add3A_2107, %sub3A_2106 : vector<16xi32>
    %lt3A_2109 = vector.broadcast %sub3A_1913 : i32 to vector<16xi32>
    %lt3A_2110 = arith.cmpi slt, %add3A_2108, %lt3A_2109 : vector<16xi32>
    %add3A_2111 = vector.broadcast %add3A_2093 : i32 to vector<16xi32>
    %add3A_2112 = arith.addi %add3A_2111, %masked_cumsum3A_2105 : vector<16xi32>
    %ge3A_2113 = vector.broadcast %sub3A_1913 : i32 to vector<16xi32>
    %ge3A_2114 = arith.cmpi sge, %add3A_2112, %ge3A_2113 : vector<16xi32>
    %and3A_2115 = arith.andi %lt3A_2110, %ge3A_2114 : vector<16xi1>
    %sub3A_2116 = arith.constant 223 : i32
    %sub3A_2117 = vector.broadcast %sub3A_2116 : i32 to vector<16xi32>
    %sub3A_2118 = arith.subi %sub3A_2117, %iota3A : vector<16xi32>
    %jit3A_2119 = arith.constant 0 : i32
    %broadcast_in_dim3A_2120 = vector.broadcast %jit3A_2119 : i32 to vector<16xi32>
    %select_n3A_2121 = arith.select %and3A_2115, %sub3A_2118, %broadcast_in_dim3A_2120 : vector<16xi1>, vector<16xi32>
    %reduce_sum3A_2122 = arith.constant true
    %reduce_sum3A_2123 = vector.broadcast %reduce_sum3A_2122 : i1 to vector<16xi1>
    %reduce_sum3A_2124 = tpu.scan <sum>, %select_n3A_2121 masked %reduce_sum3A_2123 : vector<16xi32>, vector<16xi1> -> vector<16xi32>
    %reduce_sum3A_2125 = vector.extract %reduce_sum3A_2124[15] : i32 from vector<16xi32>
    %add3A_2126 = arith.addi %add3A_2078, %reduce_sum3A_2125 : i32
    %add3A_2127 = vector.broadcast %add3A_2093 : i32 to vector<16xi32>
    %add3A_2128 = arith.addi %add3A_2127, %sub3A_2106 : vector<16xi32>
    %jit3A_2129 = arith.constant 0 : i32
    %broadcast_in_dim3A_2130 = vector.broadcast %jit3A_2129 : i32 to vector<16xi32>
    %select_n3A_2131 = arith.select %and3A_2115, %add3A_2128, %broadcast_in_dim3A_2130 : vector<16xi1>, vector<16xi32>
    %reduce_sum3A_2132 = arith.constant true
    %reduce_sum3A_2133 = vector.broadcast %reduce_sum3A_2132 : i1 to vector<16xi1>
    %reduce_sum3A_2134 = tpu.scan <sum>, %select_n3A_2131 masked %reduce_sum3A_2133 : vector<16xi32>, vector<16xi1> -> vector<16xi32>
    %reduce_sum3A_2135 = vector.extract %reduce_sum3A_2134[15] : i32 from vector<16xi32>
    %add3A_2136 = arith.addi %add3A_2088, %reduce_sum3A_2135 : i32
    %reduce_sum3A_2137 = arith.constant true
    %reduce_sum3A_2138 = vector.broadcast %reduce_sum3A_2137 : i1 to vector<16xi1>
    %reduce_sum3A_2139 = tpu.scan <sum>, %get3A_2097 masked %reduce_sum3A_2138 : vector<16xi32>, vector<16xi1> -> vector<16xi32>
    %reduce_sum3A_2140 = vector.extract %reduce_sum3A_2139[15] : i32 from vector<16xi32>
    %add3A_2141 = arith.addi %add3A_2093, %reduce_sum3A_2140 : i32
    %get3A_2142 = arith.constant 12 : i32
    %get3A_2143 = arith.index_cast %get3A_2142 : i32 to index
    %get3A_2144 = arith.constant 0 : index
    %get3A_2145 = tpu.vector_load %arg10[%get3A_2143, %get3A_2144] {strides = array<i32>} : memref<16x16xi32, #tpu.memory_space<vmem>>, vector<16xi32>,
    %rev3A_2146 = arith.constant 15 : i32
    %rev3A_2147 = vector.broadcast %rev3A_2146 : i32 to vector<16xi32>
    %rev3A_2148 = tpu.iota {dimensions = array<i32: 0>} : vector<16xi32>
    %rev3A_2149 = arith.subi %rev3A_2147, %rev3A_2148 : vector<16xi32>
    %rev3A_2150 = tpu.dynamic_gather %get3A_2145[%rev3A_2149] in [0] : vector<16xi32>, vector<16xi32> -> vector<16xi32>
    %broadcast_in_dim3A_2151 = arith.constant true
    %broadcast_in_dim3A_2152 = vector.broadcast %broadcast_in_dim3A_2151 : i1 to vector<16xi1>
    %masked_cumsum3A_2153 = tpu.scan <sum>, %rev3A_2150 masked %broadcast_in_dim3A_2152 : vector<16xi32>, vector<16xi1> -> vector<16xi32>
    %sub3A_2154 = arith.subi %masked_cumsum3A_2153, %rev3A_2150 : vector<16xi32>
    %add3A_2155 = vector.broadcast %add3A_2141 : i32 to vector<16xi32>
    %add3A_2156 = arith.addi %add3A_2155, %sub3A_2154 : vector<16xi32>
    %lt3A_2157 = vector.broadcast %sub3A_1913 : i32 to vector<16xi32>
    %lt3A_2158 = arith.cmpi slt, %add3A_2156, %lt3A_2157 : vector<16xi32>
    %add3A_2159 = vector.broadcast %add3A_2141 : i32 to vector<16xi32>
    %add3A_2160 = arith.addi %add3A_2159, %masked_cumsum3A_2153 : vector<16xi32>
    %ge3A_2161 = vector.broadcast %sub3A_1913 : i32 to vector<16xi32>
    %ge3A_2162 = arith.cmpi sge, %add3A_2160, %ge3A_2161 : vector<16xi32>
    %and3A_2163 = arith.andi %lt3A_2158, %ge3A_2162 : vector<16xi1>
    %sub3A_2164 = arith.constant 207 : i32
    %sub3A_2165 = vector.broadcast %sub3A_2164 : i32 to vector<16xi32>
    %sub3A_2166 = arith.subi %sub3A_2165, %iota3A : vector<16xi32>
    %jit3A_2167 = arith.constant 0 : i32
    %broadcast_in_dim3A_2168 = vector.broadcast %jit3A_2167 : i32 to vector<16xi32>
    %select_n3A_2169 = arith.select %and3A_2163, %sub3A_2166, %broadcast_in_dim3A_2168 : vector<16xi1>, vector<16xi32>
    %reduce_sum3A_2170 = arith.constant true
    %reduce_sum3A_2171 = vector.broadcast %reduce_sum3A_2170 : i1 to vector<16xi1>
    %reduce_sum3A_2172 = tpu.scan <sum>, %select_n3A_2169 masked %reduce_sum3A_2171 : vector<16xi32>, vector<16xi1> -> vector<16xi32>
    %reduce_sum3A_2173 = vector.extract %reduce_sum3A_2172[15] : i32 from vector<16xi32>
    %add3A_2174 = arith.addi %add3A_2126, %reduce_sum3A_2173 : i32
    %add3A_2175 = vector.broadcast %add3A_2141 : i32 to vector<16xi32>
    %add3A_2176 = arith.addi %add3A_2175, %sub3A_2154 : vector<16xi32>
    %jit3A_2177 = arith.constant 0 : i32
    %broadcast_in_dim3A_2178 = vector.broadcast %jit3A_2177 : i32 to vector<16xi32>
    %select_n3A_2179 = arith.select %and3A_2163, %add3A_2176, %broadcast_in_dim3A_2178 : vector<16xi1>, vector<16xi32>
    %reduce_sum3A_2180 = arith.constant true
    %reduce_sum3A_2181 = vector.broadcast %reduce_sum3A_2180 : i1 to vector<16xi1>
    %reduce_sum3A_2182 = tpu.scan <sum>, %select_n3A_2179 masked %reduce_sum3A_2181 : vector<16xi32>, vector<16xi1> -> vector<16xi32>
    %reduce_sum3A_2183 = vector.extract %reduce_sum3A_2182[15] : i32 from vector<16xi32>
    %add3A_2184 = arith.addi %add3A_2136, %reduce_sum3A_2183 : i32
    %reduce_sum3A_2185 = arith.constant true
    %reduce_sum3A_2186 = vector.broadcast %reduce_sum3A_2185 : i1 to vector<16xi1>
    %reduce_sum3A_2187 = tpu.scan <sum>, %get3A_2145 masked %reduce_sum3A_2186 : vector<16xi32>, vector<16xi1> -> vector<16xi32>
    %reduce_sum3A_2188 = vector.extract %reduce_sum3A_2187[15] : i32 from vector<16xi32>
    %add3A_2189 = arith.addi %add3A_2141, %reduce_sum3A_2188 : i32
    %get3A_2190 = arith.constant 11 : i32
    %get3A_2191 = arith.index_cast %get3A_2190 : i32 to index
    %get3A_2192 = arith.constant 0 : index
    %get3A_2193 = tpu.vector_load %arg10[%get3A_2191, %get3A_2192] {strides = array<i32>} : memref<16x16xi32, #tpu.memory_space<vmem>>, vector<16xi32>,
    %rev3A_2194 = arith.constant 15 : i32
    %rev3A_2195 = vector.broadcast %rev3A_2194 : i32 to vector<16xi32>
    %rev3A_2196 = tpu.iota {dimensions = array<i32: 0>} : vector<16xi32>
    %rev3A_2197 = arith.subi %rev3A_2195, %rev3A_2196 : vector<16xi32>
    %rev3A_2198 = tpu.dynamic_gather %get3A_2193[%rev3A_2197] in [0] : vector<16xi32>, vector<16xi32> -> vector<16xi32>
    %broadcast_in_dim3A_2199 = arith.constant true
    %broadcast_in_dim3A_2200 = vector.broadcast %broadcast_in_dim3A_2199 : i1 to vector<16xi1>
    %masked_cumsum3A_2201 = tpu.scan <sum>, %rev3A_2198 masked %broadcast_in_dim3A_2200 : vector<16xi32>, vector<16xi1> -> vector<16xi32>
    %sub3A_2202 = arith.subi %masked_cumsum3A_2201, %rev3A_2198 : vector<16xi32>
    %add3A_2203 = vector.broadcast %add3A_2189 : i32 to vector<16xi32>
    %add3A_2204 = arith.addi %add3A_2203, %sub3A_2202 : vector<16xi32>
    %lt3A_2205 = vector.broadcast %sub3A_1913 : i32 to vector<16xi32>
    %lt3A_2206 = arith.cmpi slt, %add3A_2204, %lt3A_2205 : vector<16xi32>
    %add3A_2207 = vector.broadcast %add3A_2189 : i32 to vector<16xi32>
    %add3A_2208 = arith.addi %add3A_2207, %masked_cumsum3A_2201 : vector<16xi32>
    %ge3A_2209 = vector.broadcast %sub3A_1913 : i32 to vector<16xi32>
    %ge3A_2210 = arith.cmpi sge, %add3A_2208, %ge3A_2209 : vector<16xi32>
    %and3A_2211 = arith.andi %lt3A_2206, %ge3A_2210 : vector<16xi1>
    %sub3A_2212 = arith.constant 191 : i32
    %sub3A_2213 = vector.broadcast %sub3A_2212 : i32 to vector<16xi32>
    %sub3A_2214 = arith.subi %sub3A_2213, %iota3A : vector<16xi32>
    %jit3A_2215 = arith.constant 0 : i32
    %broadcast_in_dim3A_2216 = vector.broadcast %jit3A_2215 : i32 to vector<16xi32>
    %select_n3A_2217 = arith.select %and3A_2211, %sub3A_2214, %broadcast_in_dim3A_2216 : vector<16xi1>, vector<16xi32>
    %reduce_sum3A_2218 = arith.constant true
    %reduce_sum3A_2219 = vector.broadcast %reduce_sum3A_2218 : i1 to vector<16xi1>
    %reduce_sum3A_2220 = tpu.scan <sum>, %select_n3A_2217 masked %reduce_sum3A_2219 : vector<16xi32>, vector<16xi1> -> vector<16xi32>
    %reduce_sum3A_2221 = vector.extract %reduce_sum3A_2220[15] : i32 from vector<16xi32>
    %add3A_2222 = arith.addi %add3A_2174, %reduce_sum3A_2221 : i32
    %add3A_2223 = vector.broadcast %add3A_2189 : i32 to vector<16xi32>
    %add3A_2224 = arith.addi %add3A_2223, %sub3A_2202 : vector<16xi32>
    %jit3A_2225 = arith.constant 0 : i32
    %broadcast_in_dim3A_2226 = vector.broadcast %jit3A_2225 : i32 to vector<16xi32>
    %select_n3A_2227 = arith.select %and3A_2211, %add3A_2224, %broadcast_in_dim3A_2226 : vector<16xi1>, vector<16xi32>
    %reduce_sum3A_2228 = arith.constant true
    %reduce_sum3A_2229 = vector.broadcast %reduce_sum3A_2228 : i1 to vector<16xi1>
    %reduce_sum3A_2230 = tpu.scan <sum>, %select_n3A_2227 masked %reduce_sum3A_2229 : vector<16xi32>, vector<16xi1> -> vector<16xi32>
    %reduce_sum3A_2231 = vector.extract %reduce_sum3A_2230[15] : i32 from vector<16xi32>
    %add3A_2232 = arith.addi %add3A_2184, %reduce_sum3A_2231 : i32
    %reduce_sum3A_2233 = arith.constant true
    %reduce_sum3A_2234 = vector.broadcast %reduce_sum3A_2233 : i1 to vector<16xi1>
    %reduce_sum3A_2235 = tpu.scan <sum>, %get3A_2193 masked %reduce_sum3A_2234 : vector<16xi32>, vector<16xi1> -> vector<16xi32>
    %reduce_sum3A_2236 = vector.extract %reduce_sum3A_2235[15] : i32 from vector<16xi32>
    %add3A_2237 = arith.addi %add3A_2189, %reduce_sum3A_2236 : i32
    %get3A_2238 = arith.constant 10 : i32
    %get3A_2239 = arith.index_cast %get3A_2238 : i32 to index
    %get3A_2240 = arith.constant 0 : index
    %get3A_2241 = tpu.vector_load %arg10[%get3A_2239, %get3A_2240] {strides = array<i32>} : memref<16x16xi32, #tpu.memory_space<vmem>>, vector<16xi32>,
    %rev3A_2242 = arith.constant 15 : i32
    %rev3A_2243 = vector.broadcast %rev3A_2242 : i32 to vector<16xi32>
    %rev3A_2244 = tpu.iota {dimensions = array<i32: 0>} : vector<16xi32>
    %rev3A_2245 = arith.subi %rev3A_2243, %rev3A_2244 : vector<16xi32>
    %rev3A_2246 = tpu.dynamic_gather %get3A_2241[%rev3A_2245] in [0] : vector<16xi32>, vector<16xi32> -> vector<16xi32>
    %broadcast_in_dim3A_2247 = arith.constant true
    %broadcast_in_dim3A_2248 = vector.broadcast %broadcast_in_dim3A_2247 : i1 to vector<16xi1>
    %masked_cumsum3A_2249 = tpu.scan <sum>, %rev3A_2246 masked %broadcast_in_dim3A_2248 : vector<16xi32>, vector<16xi1> -> vector<16xi32>
    %sub3A_2250 = arith.subi %masked_cumsum3A_2249, %rev3A_2246 : vector<16xi32>
    %add3A_2251 = vector.broadcast %add3A_2237 : i32 to vector<16xi32>
    %add3A_2252 = arith.addi %add3A_2251, %sub3A_2250 : vector<16xi32>
    %lt3A_2253 = vector.broadcast %sub3A_1913 : i32 to vector<16xi32>
    %lt3A_2254 = arith.cmpi slt, %add3A_2252, %lt3A_2253 : vector<16xi32>
    %add3A_2255 = vector.broadcast %add3A_2237 : i32 to vector<16xi32>
    %add3A_2256 = arith.addi %add3A_2255, %masked_cumsum3A_2249 : vector<16xi32>
    %ge3A_2257 = vector.broadcast %sub3A_1913 : i32 to vector<16xi32>
    %ge3A_2258 = arith.cmpi sge, %add3A_2256, %ge3A_2257 : vector<16xi32>
    %and3A_2259 = arith.andi %lt3A_2254, %ge3A_2258 : vector<16xi1>
    %sub3A_2260 = arith.constant 175 : i32
    %sub3A_2261 = vector.broadcast %sub3A_2260 : i32 to vector<16xi32>
    %sub3A_2262 = arith.subi %sub3A_2261, %iota3A : vector<16xi32>
    %jit3A_2263 = arith.constant 0 : i32
    %broadcast_in_dim3A_2264 = vector.broadcast %jit3A_2263 : i32 to vector<16xi32>
    %select_n3A_2265 = arith.select %and3A_2259, %sub3A_2262, %broadcast_in_dim3A_2264 : vector<16xi1>, vector<16xi32>
    %reduce_sum3A_2266 = arith.constant true
    %reduce_sum3A_2267 = vector.broadcast %reduce_sum3A_2266 : i1 to vector<16xi1>
    %reduce_sum3A_2268 = tpu.scan <sum>, %select_n3A_2265 masked %reduce_sum3A_2267 : vector<16xi32>, vector<16xi1> -> vector<16xi32>
    %reduce_sum3A_2269 = vector.extract %reduce_sum3A_2268[15] : i32 from vector<16xi32>
    %add3A_2270 = arith.addi %add3A_2222, %reduce_sum3A_2269 : i32
    %add3A_2271 = vector.broadcast %add3A_2237 : i32 to vector<16xi32>
    %add3A_2272 = arith.addi %add3A_2271, %sub3A_2250 : vector<16xi32>
    %jit3A_2273 = arith.constant 0 : i32
    %broadcast_in_dim3A_2274 = vector.broadcast %jit3A_2273 : i32 to vector<16xi32>
    %select_n3A_2275 = arith.select %and3A_2259, %add3A_2272, %broadcast_in_dim3A_2274 : vector<16xi1>, vector<16xi32>
    %reduce_sum3A_2276 = arith.constant true
    %reduce_sum3A_2277 = vector.broadcast %reduce_sum3A_2276 : i1 to vector<16xi1>
    %reduce_sum3A_2278 = tpu.scan <sum>, %select_n3A_2275 masked %reduce_sum3A_2277 : vector<16xi32>, vector<16xi1> -> vector<16xi32>
    %reduce_sum3A_2279 = vector.extract %reduce_sum3A_2278[15] : i32 from vector<16xi32>
    %add3A_2280 = arith.addi %add3A_2232, %reduce_sum3A_2279 : i32
    %reduce_sum3A_2281 = arith.constant true
    %reduce_sum3A_2282 = vector.broadcast %reduce_sum3A_2281 : i1 to vector<16xi1>
    %reduce_sum3A_2283 = tpu.scan <sum>, %get3A_2241 masked %reduce_sum3A_2282 : vector<16xi32>, vector<16xi1> -> vector<16xi32>
    %reduce_sum3A_2284 = vector.extract %reduce_sum3A_2283[15] : i32 from vector<16xi32>
    %add3A_2285 = arith.addi %add3A_2237, %reduce_sum3A_2284 : i32
    %get3A_2286 = arith.constant 9 : i32
    %get3A_2287 = arith.index_cast %get3A_2286 : i32 to index
    %get3A_2288 = arith.constant 0 : index
    %get3A_2289 = tpu.vector_load %arg10[%get3A_2287, %get3A_2288] {strides = array<i32>} : memref<16x16xi32, #tpu.memory_space<vmem>>, vector<16xi32>,
    %rev3A_2290 = arith.constant 15 : i32
    %rev3A_2291 = vector.broadcast %rev3A_2290 : i32 to vector<16xi32>
    %rev3A_2292 = tpu.iota {dimensions = array<i32: 0>} : vector<16xi32>
    %rev3A_2293 = arith.subi %rev3A_2291, %rev3A_2292 : vector<16xi32>
    %rev3A_2294 = tpu.dynamic_gather %get3A_2289[%rev3A_2293] in [0] : vector<16xi32>, vector<16xi32> -> vector<16xi32>
    %broadcast_in_dim3A_2295 = arith.constant true
    %broadcast_in_dim3A_2296 = vector.broadcast %broadcast_in_dim3A_2295 : i1 to vector<16xi1>
    %masked_cumsum3A_2297 = tpu.scan <sum>, %rev3A_2294 masked %broadcast_in_dim3A_2296 : vector<16xi32>, vector<16xi1> -> vector<16xi32>
    %sub3A_2298 = arith.subi %masked_cumsum3A_2297, %rev3A_2294 : vector<16xi32>
    %add3A_2299 = vector.broadcast %add3A_2285 : i32 to vector<16xi32>
    %add3A_2300 = arith.addi %add3A_2299, %sub3A_2298 : vector<16xi32>
    %lt3A_2301 = vector.broadcast %sub3A_1913 : i32 to vector<16xi32>
    %lt3A_2302 = arith.cmpi slt, %add3A_2300, %lt3A_2301 : vector<16xi32>
    %add3A_2303 = vector.broadcast %add3A_2285 : i32 to vector<16xi32>
    %add3A_2304 = arith.addi %add3A_2303, %masked_cumsum3A_2297 : vector<16xi32>
    %ge3A_2305 = vector.broadcast %sub3A_1913 : i32 to vector<16xi32>
    %ge3A_2306 = arith.cmpi sge, %add3A_2304, %ge3A_2305 : vector<16xi32>
    %and3A_2307 = arith.andi %lt3A_2302, %ge3A_2306 : vector<16xi1>
    %sub3A_2308 = arith.constant 159 : i32
    %sub3A_2309 = vector.broadcast %sub3A_2308 : i32 to vector<16xi32>
    %sub3A_2310 = arith.subi %sub3A_2309, %iota3A : vector<16xi32>
    %jit3A_2311 = arith.constant 0 : i32
    %broadcast_in_dim3A_2312 = vector.broadcast %jit3A_2311 : i32 to vector<16xi32>
    %select_n3A_2313 = arith.select %and3A_2307, %sub3A_2310, %broadcast_in_dim3A_2312 : vector<16xi1>, vector<16xi32>
    %reduce_sum3A_2314 = arith.constant true
    %reduce_sum3A_2315 = vector.broadcast %reduce_sum3A_2314 : i1 to vector<16xi1>
    %reduce_sum3A_2316 = tpu.scan <sum>, %select_n3A_2313 masked %reduce_sum3A_2315 : vector<16xi32>, vector<16xi1> -> vector<16xi32>
    %reduce_sum3A_2317 = vector.extract %reduce_sum3A_2316[15] : i32 from vector<16xi32>
    %add3A_2318 = arith.addi %add3A_2270, %reduce_sum3A_2317 : i32
    %add3A_2319 = vector.broadcast %add3A_2285 : i32 to vector<16xi32>
    %add3A_2320 = arith.addi %add3A_2319, %sub3A_2298 : vector<16xi32>
    %jit3A_2321 = arith.constant 0 : i32
    %broadcast_in_dim3A_2322 = vector.broadcast %jit3A_2321 : i32 to vector<16xi32>
    %select_n3A_2323 = arith.select %and3A_2307, %add3A_2320, %broadcast_in_dim3A_2322 : vector<16xi1>, vector<16xi32>
    %reduce_sum3A_2324 = arith.constant true
    %reduce_sum3A_2325 = vector.broadcast %reduce_sum3A_2324 : i1 to vector<16xi1>
    %reduce_sum3A_2326 = tpu.scan <sum>, %select_n3A_2323 masked %reduce_sum3A_2325 : vector<16xi32>, vector<16xi1> -> vector<16xi32>
    %reduce_sum3A_2327 = vector.extract %reduce_sum3A_2326[15] : i32 from vector<16xi32>
    %add3A_2328 = arith.addi %add3A_2280, %reduce_sum3A_2327 : i32
    %reduce_sum3A_2329 = arith.constant true
    %reduce_sum3A_2330 = vector.broadcast %reduce_sum3A_2329 : i1 to vector<16xi1>
    %reduce_sum3A_2331 = tpu.scan <sum>, %get3A_2289 masked %reduce_sum3A_2330 : vector<16xi32>, vector<16xi1> -> vector<16xi32>
    %reduce_sum3A_2332 = vector.extract %reduce_sum3A_2331[15] : i32 from vector<16xi32>
    %add3A_2333 = arith.addi %add3A_2285, %reduce_sum3A_2332 : i32
    %get3A_2334 = arith.constant 8 : i32
    %get3A_2335 = arith.index_cast %get3A_2334 : i32 to index
    %get3A_2336 = arith.constant 0 : index
    %get3A_2337 = tpu.vector_load %arg10[%get3A_2335, %get3A_2336] {strides = array<i32>} : memref<16x16xi32, #tpu.memory_space<vmem>>, vector<16xi32>,
    %rev3A_2338 = arith.constant 15 : i32
    %rev3A_2339 = vector.broadcast %rev3A_2338 : i32 to vector<16xi32>
    %rev3A_2340 = tpu.iota {dimensions = array<i32: 0>} : vector<16xi32>
    %rev3A_2341 = arith.subi %rev3A_2339, %rev3A_2340 : vector<16xi32>
    %rev3A_2342 = tpu.dynamic_gather %get3A_2337[%rev3A_2341] in [0] : vector<16xi32>, vector<16xi32> -> vector<16xi32>
    %broadcast_in_dim3A_2343 = arith.constant true
    %broadcast_in_dim3A_2344 = vector.broadcast %broadcast_in_dim3A_2343 : i1 to vector<16xi1>
    %masked_cumsum3A_2345 = tpu.scan <sum>, %rev3A_2342 masked %broadcast_in_dim3A_2344 : vector<16xi32>, vector<16xi1> -> vector<16xi32>
    %sub3A_2346 = arith.subi %masked_cumsum3A_2345, %rev3A_2342 : vector<16xi32>
    %add3A_2347 = vector.broadcast %add3A_2333 : i32 to vector<16xi32>
    %add3A_2348 = arith.addi %add3A_2347, %sub3A_2346 : vector<16xi32>
    %lt3A_2349 = vector.broadcast %sub3A_1913 : i32 to vector<16xi32>
    %lt3A_2350 = arith.cmpi slt, %add3A_2348, %lt3A_2349 : vector<16xi32>
    %add3A_2351 = vector.broadcast %add3A_2333 : i32 to vector<16xi32>
    %add3A_2352 = arith.addi %add3A_2351, %masked_cumsum3A_2345 : vector<16xi32>
    %ge3A_2353 = vector.broadcast %sub3A_1913 : i32 to vector<16xi32>
    %ge3A_2354 = arith.cmpi sge, %add3A_2352, %ge3A_2353 : vector<16xi32>
    %and3A_2355 = arith.andi %lt3A_2350, %ge3A_2354 : vector<16xi1>
    %sub3A_2356 = arith.constant 143 : i32
    %sub3A_2357 = vector.broadcast %sub3A_2356 : i32 to vector<16xi32>
    %sub3A_2358 = arith.subi %sub3A_2357, %iota3A : vector<16xi32>
    %jit3A_2359 = arith.constant 0 : i32
    %broadcast_in_dim3A_2360 = vector.broadcast %jit3A_2359 : i32 to vector<16xi32>
    %select_n3A_2361 = arith.select %and3A_2355, %sub3A_2358, %broadcast_in_dim3A_2360 : vector<16xi1>, vector<16xi32>
    %reduce_sum3A_2362 = arith.constant true
    %reduce_sum3A_2363 = vector.broadcast %reduce_sum3A_2362 : i1 to vector<16xi1>
    %reduce_sum3A_2364 = tpu.scan <sum>, %select_n3A_2361 masked %reduce_sum3A_2363 : vector<16xi32>, vector<16xi1> -> vector<16xi32>
    %reduce_sum3A_2365 = vector.extract %reduce_sum3A_2364[15] : i32 from vector<16xi32>
    %add3A_2366 = arith.addi %add3A_2318, %reduce_sum3A_2365 : i32
    %add3A_2367 = vector.broadcast %add3A_2333 : i32 to vector<16xi32>
    %add3A_2368 = arith.addi %add3A_2367, %sub3A_2346 : vector<16xi32>
    %jit3A_2369 = arith.constant 0 : i32
    %broadcast_in_dim3A_2370 = vector.broadcast %jit3A_2369 : i32 to vector<16xi32>
    %select_n3A_2371 = arith.select %and3A_2355, %add3A_2368, %broadcast_in_dim3A_2370 : vector<16xi1>, vector<16xi32>
    %reduce_sum3A_2372 = arith.constant true
    %reduce_sum3A_2373 = vector.broadcast %reduce_sum3A_2372 : i1 to vector<16xi1>
    %reduce_sum3A_2374 = tpu.scan <sum>, %select_n3A_2371 masked %reduce_sum3A_2373 : vector<16xi32>, vector<16xi1> -> vector<16xi32>
    %reduce_sum3A_2375 = vector.extract %reduce_sum3A_2374[15] : i32 from vector<16xi32>
    %add3A_2376 = arith.addi %add3A_2328, %reduce_sum3A_2375 : i32
    %reduce_sum3A_2377 = arith.constant true
    %reduce_sum3A_2378 = vector.broadcast %reduce_sum3A_2377 : i1 to vector<16xi1>
    %reduce_sum3A_2379 = tpu.scan <sum>, %get3A_2337 masked %reduce_sum3A_2378 : vector<16xi32>, vector<16xi1> -> vector<16xi32>
    %reduce_sum3A_2380 = vector.extract %reduce_sum3A_2379[15] : i32 from vector<16xi32>
    %add3A_2381 = arith.addi %add3A_2333, %reduce_sum3A_2380 : i32
    %get3A_2382 = arith.constant 7 : i32
    %get3A_2383 = arith.index_cast %get3A_2382 : i32 to index
    %get3A_2384 = arith.constant 0 : index
    %get3A_2385 = tpu.vector_load %arg10[%get3A_2383, %get3A_2384] {strides = array<i32>} : memref<16x16xi32, #tpu.memory_space<vmem>>, vector<16xi32>,
    %rev3A_2386 = arith.constant 15 : i32
    %rev3A_2387 = vector.broadcast %rev3A_2386 : i32 to vector<16xi32>
    %rev3A_2388 = tpu.iota {dimensions = array<i32: 0>} : vector<16xi32>
    %rev3A_2389 = arith.subi %rev3A_2387, %rev3A_2388 : vector<16xi32>
    %rev3A_2390 = tpu.dynamic_gather %get3A_2385[%rev3A_2389] in [0] : vector<16xi32>, vector<16xi32> -> vector<16xi32>
    %broadcast_in_dim3A_2391 = arith.constant true
    %broadcast_in_dim3A_2392 = vector.broadcast %broadcast_in_dim3A_2391 : i1 to vector<16xi1>
    %masked_cumsum3A_2393 = tpu.scan <sum>, %rev3A_2390 masked %broadcast_in_dim3A_2392 : vector<16xi32>, vector<16xi1> -> vector<16xi32>
    %sub3A_2394 = arith.subi %masked_cumsum3A_2393, %rev3A_2390 : vector<16xi32>
    %add3A_2395 = vector.broadcast %add3A_2381 : i32 to vector<16xi32>
    %add3A_2396 = arith.addi %add3A_2395, %sub3A_2394 : vector<16xi32>
    %lt3A_2397 = vector.broadcast %sub3A_1913 : i32 to vector<16xi32>
    %lt3A_2398 = arith.cmpi slt, %add3A_2396, %lt3A_2397 : vector<16xi32>
    %add3A_2399 = vector.broadcast %add3A_2381 : i32 to vector<16xi32>
    %add3A_2400 = arith.addi %add3A_2399, %masked_cumsum3A_2393 : vector<16xi32>
    %ge3A_2401 = vector.broadcast %sub3A_1913 : i32 to vector<16xi32>
    %ge3A_2402 = arith.cmpi sge, %add3A_2400, %ge3A_2401 : vector<16xi32>
    %and3A_2403 = arith.andi %lt3A_2398, %ge3A_2402 : vector<16xi1>
    %sub3A_2404 = arith.constant 127 : i32
    %sub3A_2405 = vector.broadcast %sub3A_2404 : i32 to vector<16xi32>
    %sub3A_2406 = arith.subi %sub3A_2405, %iota3A : vector<16xi32>
    %jit3A_2407 = arith.constant 0 : i32
    %broadcast_in_dim3A_2408 = vector.broadcast %jit3A_2407 : i32 to vector<16xi32>
    %select_n3A_2409 = arith.select %and3A_2403, %sub3A_2406, %broadcast_in_dim3A_2408 : vector<16xi1>, vector<16xi32>
    %reduce_sum3A_2410 = arith.constant true
    %reduce_sum3A_2411 = vector.broadcast %reduce_sum3A_2410 : i1 to vector<16xi1>
    %reduce_sum3A_2412 = tpu.scan <sum>, %select_n3A_2409 masked %reduce_sum3A_2411 : vector<16xi32>, vector<16xi1> -> vector<16xi32>
    %reduce_sum3A_2413 = vector.extract %reduce_sum3A_2412[15] : i32 from vector<16xi32>
    %add3A_2414 = arith.addi %add3A_2366, %reduce_sum3A_2413 : i32
    %add3A_2415 = vector.broadcast %add3A_2381 : i32 to vector<16xi32>
    %add3A_2416 = arith.addi %add3A_2415, %sub3A_2394 : vector<16xi32>
    %jit3A_2417 = arith.constant 0 : i32
    %broadcast_in_dim3A_2418 = vector.broadcast %jit3A_2417 : i32 to vector<16xi32>
    %select_n3A_2419 = arith.select %and3A_2403, %add3A_2416, %broadcast_in_dim3A_2418 : vector<16xi1>, vector<16xi32>
    %reduce_sum3A_2420 = arith.constant true
    %reduce_sum3A_2421 = vector.broadcast %reduce_sum3A_2420 : i1 to vector<16xi1>
    %reduce_sum3A_2422 = tpu.scan <sum>, %select_n3A_2419 masked %reduce_sum3A_2421 : vector<16xi32>, vector<16xi1> -> vector<16xi32>
    %reduce_sum3A_2423 = vector.extract %reduce_sum3A_2422[15] : i32 from vector<16xi32>
    %add3A_2424 = arith.addi %add3A_2376, %reduce_sum3A_2423 : i32
    %reduce_sum3A_2425 = arith.constant true
    %reduce_sum3A_2426 = vector.broadcast %reduce_sum3A_2425 : i1 to vector<16xi1>
    %reduce_sum3A_2427 = tpu.scan <sum>, %get3A_2385 masked %reduce_sum3A_2426 : vector<16xi32>, vector<16xi1> -> vector<16xi32>
    %reduce_sum3A_2428 = vector.extract %reduce_sum3A_2427[15] : i32 from vector<16xi32>
    %add3A_2429 = arith.addi %add3A_2381, %reduce_sum3A_2428 : i32
    %get3A_2430 = arith.constant 6 : i32
    %get3A_2431 = arith.index_cast %get3A_2430 : i32 to index
    %get3A_2432 = arith.constant 0 : index
    %get3A_2433 = tpu.vector_load %arg10[%get3A_2431, %get3A_2432] {strides = array<i32>} : memref<16x16xi32, #tpu.memory_space<vmem>>, vector<16xi32>,
    %rev3A_2434 = arith.constant 15 : i32
    %rev3A_2435 = vector.broadcast %rev3A_2434 : i32 to vector<16xi32>
    %rev3A_2436 = tpu.iota {dimensions = array<i32: 0>} : vector<16xi32>
    %rev3A_2437 = arith.subi %rev3A_2435, %rev3A_2436 : vector<16xi32>
    %rev3A_2438 = tpu.dynamic_gather %get3A_2433[%rev3A_2437] in [0] : vector<16xi32>, vector<16xi32> -> vector<16xi32>
    %broadcast_in_dim3A_2439 = arith.constant true
    %broadcast_in_dim3A_2440 = vector.broadcast %broadcast_in_dim3A_2439 : i1 to vector<16xi1>
    %masked_cumsum3A_2441 = tpu.scan <sum>, %rev3A_2438 masked %broadcast_in_dim3A_2440 : vector<16xi32>, vector<16xi1> -> vector<16xi32>
    %sub3A_2442 = arith.subi %masked_cumsum3A_2441, %rev3A_2438 : vector<16xi32>
    %add3A_2443 = vector.broadcast %add3A_2429 : i32 to vector<16xi32>
    %add3A_2444 = arith.addi %add3A_2443, %sub3A_2442 : vector<16xi32>
    %lt3A_2445 = vector.broadcast %sub3A_1913 : i32 to vector<16xi32>
    %lt3A_2446 = arith.cmpi slt, %add3A_2444, %lt3A_2445 : vector<16xi32>
    %add3A_2447 = vector.broadcast %add3A_2429 : i32 to vector<16xi32>
    %add3A_2448 = arith.addi %add3A_2447, %masked_cumsum3A_2441 : vector<16xi32>
    %ge3A_2449 = vector.broadcast %sub3A_1913 : i32 to vector<16xi32>
    %ge3A_2450 = arith.cmpi sge, %add3A_2448, %ge3A_2449 : vector<16xi32>
    %and3A_2451 = arith.andi %lt3A_2446, %ge3A_2450 : vector<16xi1>
    %sub3A_2452 = arith.constant 111 : i32
    %sub3A_2453 = vector.broadcast %sub3A_2452 : i32 to vector<16xi32>
    %sub3A_2454 = arith.subi %sub3A_2453, %iota3A : vector<16xi32>
    %jit3A_2455 = arith.constant 0 : i32
    %broadcast_in_dim3A_2456 = vector.broadcast %jit3A_2455 : i32 to vector<16xi32>
    %select_n3A_2457 = arith.select %and3A_2451, %sub3A_2454, %broadcast_in_dim3A_2456 : vector<16xi1>, vector<16xi32>
    %reduce_sum3A_2458 = arith.constant true
    %reduce_sum3A_2459 = vector.broadcast %reduce_sum3A_2458 : i1 to vector<16xi1>
    %reduce_sum3A_2460 = tpu.scan <sum>, %select_n3A_2457 masked %reduce_sum3A_2459 : vector<16xi32>, vector<16xi1> -> vector<16xi32>
    %reduce_sum3A_2461 = vector.extract %reduce_sum3A_2460[15] : i32 from vector<16xi32>
    %add3A_2462 = arith.addi %add3A_2414, %reduce_sum3A_2461 : i32
    %add3A_2463 = vector.broadcast %add3A_2429 : i32 to vector<16xi32>
    %add3A_2464 = arith.addi %add3A_2463, %sub3A_2442 : vector<16xi32>
    %jit3A_2465 = arith.constant 0 : i32
    %broadcast_in_dim3A_2466 = vector.broadcast %jit3A_2465 : i32 to vector<16xi32>
    %select_n3A_2467 = arith.select %and3A_2451, %add3A_2464, %broadcast_in_dim3A_2466 : vector<16xi1>, vector<16xi32>
    %reduce_sum3A_2468 = arith.constant true
    %reduce_sum3A_2469 = vector.broadcast %reduce_sum3A_2468 : i1 to vector<16xi1>
    %reduce_sum3A_2470 = tpu.scan <sum>, %select_n3A_2467 masked %reduce_sum3A_2469 : vector<16xi32>, vector<16xi1> -> vector<16xi32>
    %reduce_sum3A_2471 = vector.extract %reduce_sum3A_2470[15] : i32 from vector<16xi32>
    %add3A_2472 = arith.addi %add3A_2424, %reduce_sum3A_2471 : i32
    %reduce_sum3A_2473 = arith.constant true
    %reduce_sum3A_2474 = vector.broadcast %reduce_sum3A_2473 : i1 to vector<16xi1>
    %reduce_sum3A_2475 = tpu.scan <sum>, %get3A_2433 masked %reduce_sum3A_2474 : vector<16xi32>, vector<16xi1> -> vector<16xi32>
    %reduce_sum3A_2476 = vector.extract %reduce_sum3A_2475[15] : i32 from vector<16xi32>
    %add3A_2477 = arith.addi %add3A_2429, %reduce_sum3A_2476 : i32
    %get3A_2478 = arith.constant 5 : i32
    %get3A_2479 = arith.index_cast %get3A_2478 : i32 to index
    %get3A_2480 = arith.constant 0 : index
    %get3A_2481 = tpu.vector_load %arg10[%get3A_2479, %get3A_2480] {strides = array<i32>} : memref<16x16xi32, #tpu.memory_space<vmem>>, vector<16xi32>,
    %rev3A_2482 = arith.constant 15 : i32
    %rev3A_2483 = vector.broadcast %rev3A_2482 : i32 to vector<16xi32>
    %rev3A_2484 = tpu.iota {dimensions = array<i32: 0>} : vector<16xi32>
    %rev3A_2485 = arith.subi %rev3A_2483, %rev3A_2484 : vector<16xi32>
    %rev3A_2486 = tpu.dynamic_gather %get3A_2481[%rev3A_2485] in [0] : vector<16xi32>, vector<16xi32> -> vector<16xi32>
    %broadcast_in_dim3A_2487 = arith.constant true
    %broadcast_in_dim3A_2488 = vector.broadcast %broadcast_in_dim3A_2487 : i1 to vector<16xi1>
    %masked_cumsum3A_2489 = tpu.scan <sum>, %rev3A_2486 masked %broadcast_in_dim3A_2488 : vector<16xi32>, vector<16xi1> -> vector<16xi32>
    %sub3A_2490 = arith.subi %masked_cumsum3A_2489, %rev3A_2486 : vector<16xi32>
    %add3A_2491 = vector.broadcast %add3A_2477 : i32 to vector<16xi32>
    %add3A_2492 = arith.addi %add3A_2491, %sub3A_2490 : vector<16xi32>
    %lt3A_2493 = vector.broadcast %sub3A_1913 : i32 to vector<16xi32>
    %lt3A_2494 = arith.cmpi slt, %add3A_2492, %lt3A_2493 : vector<16xi32>
    %add3A_2495 = vector.broadcast %add3A_2477 : i32 to vector<16xi32>
    %add3A_2496 = arith.addi %add3A_2495, %masked_cumsum3A_2489 : vector<16xi32>
    %ge3A_2497 = vector.broadcast %sub3A_1913 : i32 to vector<16xi32>
    %ge3A_2498 = arith.cmpi sge, %add3A_2496, %ge3A_2497 : vector<16xi32>
    %and3A_2499 = arith.andi %lt3A_2494, %ge3A_2498 : vector<16xi1>
    %sub3A_2500 = arith.constant 95 : i32
    %sub3A_2501 = vector.broadcast %sub3A_2500 : i32 to vector<16xi32>
    %sub3A_2502 = arith.subi %sub3A_2501, %iota3A : vector<16xi32>
    %jit3A_2503 = arith.constant 0 : i32
    %broadcast_in_dim3A_2504 = vector.broadcast %jit3A_2503 : i32 to vector<16xi32>
    %select_n3A_2505 = arith.select %and3A_2499, %sub3A_2502, %broadcast_in_dim3A_2504 : vector<16xi1>, vector<16xi32>
    %reduce_sum3A_2506 = arith.constant true
    %reduce_sum3A_2507 = vector.broadcast %reduce_sum3A_2506 : i1 to vector<16xi1>
    %reduce_sum3A_2508 = tpu.scan <sum>, %select_n3A_2505 masked %reduce_sum3A_2507 : vector<16xi32>, vector<16xi1> -> vector<16xi32>
    %reduce_sum3A_2509 = vector.extract %reduce_sum3A_2508[15] : i32 from vector<16xi32>
    %add3A_2510 = arith.addi %add3A_2462, %reduce_sum3A_2509 : i32
    %add3A_2511 = vector.broadcast %add3A_2477 : i32 to vector<16xi32>
    %add3A_2512 = arith.addi %add3A_2511, %sub3A_2490 : vector<16xi32>
    %jit3A_2513 = arith.constant 0 : i32
    %broadcast_in_dim3A_2514 = vector.broadcast %jit3A_2513 : i32 to vector<16xi32>
    %select_n3A_2515 = arith.select %and3A_2499, %add3A_2512, %broadcast_in_dim3A_2514 : vector<16xi1>, vector<16xi32>
    %reduce_sum3A_2516 = arith.constant true
    %reduce_sum3A_2517 = vector.broadcast %reduce_sum3A_2516 : i1 to vector<16xi1>
    %reduce_sum3A_2518 = tpu.scan <sum>, %select_n3A_2515 masked %reduce_sum3A_2517 : vector<16xi32>, vector<16xi1> -> vector<16xi32>
    %reduce_sum3A_2519 = vector.extract %reduce_sum3A_2518[15] : i32 from vector<16xi32>
    %add3A_2520 = arith.addi %add3A_2472, %reduce_sum3A_2519 : i32
    %reduce_sum3A_2521 = arith.constant true
    %reduce_sum3A_2522 = vector.broadcast %reduce_sum3A_2521 : i1 to vector<16xi1>
    %reduce_sum3A_2523 = tpu.scan <sum>, %get3A_2481 masked %reduce_sum3A_2522 : vector<16xi32>, vector<16xi1> -> vector<16xi32>
    %reduce_sum3A_2524 = vector.extract %reduce_sum3A_2523[15] : i32 from vector<16xi32>
    %add3A_2525 = arith.addi %add3A_2477, %reduce_sum3A_2524 : i32
    %get3A_2526 = arith.constant 4 : i32
    %get3A_2527 = arith.index_cast %get3A_2526 : i32 to index
    %get3A_2528 = arith.constant 0 : index
    %get3A_2529 = tpu.vector_load %arg10[%get3A_2527, %get3A_2528] {strides = array<i32>} : memref<16x16xi32, #tpu.memory_space<vmem>>, vector<16xi32>,
    %rev3A_2530 = arith.constant 15 : i32
    %rev3A_2531 = vector.broadcast %rev3A_2530 : i32 to vector<16xi32>
    %rev3A_2532 = tpu.iota {dimensions = array<i32: 0>} : vector<16xi32>
    %rev3A_2533 = arith.subi %rev3A_2531, %rev3A_2532 : vector<16xi32>
    %rev3A_2534 = tpu.dynamic_gather %get3A_2529[%rev3A_2533] in [0] : vector<16xi32>, vector<16xi32> -> vector<16xi32>
    %broadcast_in_dim3A_2535 = arith.constant true
    %broadcast_in_dim3A_2536 = vector.broadcast %broadcast_in_dim3A_2535 : i1 to vector<16xi1>
    %masked_cumsum3A_2537 = tpu.scan <sum>, %rev3A_2534 masked %broadcast_in_dim3A_2536 : vector<16xi32>, vector<16xi1> -> vector<16xi32>
    %sub3A_2538 = arith.subi %masked_cumsum3A_2537, %rev3A_2534 : vector<16xi32>
    %add3A_2539 = vector.broadcast %add3A_2525 : i32 to vector<16xi32>
    %add3A_2540 = arith.addi %add3A_2539, %sub3A_2538 : vector<16xi32>
    %lt3A_2541 = vector.broadcast %sub3A_1913 : i32 to vector<16xi32>
    %lt3A_2542 = arith.cmpi slt, %add3A_2540, %lt3A_2541 : vector<16xi32>
    %add3A_2543 = vector.broadcast %add3A_2525 : i32 to vector<16xi32>
    %add3A_2544 = arith.addi %add3A_2543, %masked_cumsum3A_2537 : vector<16xi32>
    %ge3A_2545 = vector.broadcast %sub3A_1913 : i32 to vector<16xi32>
    %ge3A_2546 = arith.cmpi sge, %add3A_2544, %ge3A_2545 : vector<16xi32>
    %and3A_2547 = arith.andi %lt3A_2542, %ge3A_2546 : vector<16xi1>
    %sub3A_2548 = arith.constant 79 : i32
    %sub3A_2549 = vector.broadcast %sub3A_2548 : i32 to vector<16xi32>
    %sub3A_2550 = arith.subi %sub3A_2549, %iota3A : vector<16xi32>
    %jit3A_2551 = arith.constant 0 : i32
    %broadcast_in_dim3A_2552 = vector.broadcast %jit3A_2551 : i32 to vector<16xi32>
    %select_n3A_2553 = arith.select %and3A_2547, %sub3A_2550, %broadcast_in_dim3A_2552 : vector<16xi1>, vector<16xi32>
    %reduce_sum3A_2554 = arith.constant true
    %reduce_sum3A_2555 = vector.broadcast %reduce_sum3A_2554 : i1 to vector<16xi1>
    %reduce_sum3A_2556 = tpu.scan <sum>, %select_n3A_2553 masked %reduce_sum3A_2555 : vector<16xi32>, vector<16xi1> -> vector<16xi32>
    %reduce_sum3A_2557 = vector.extract %reduce_sum3A_2556[15] : i32 from vector<16xi32>
    %add3A_2558 = arith.addi %add3A_2510, %reduce_sum3A_2557 : i32
    %add3A_2559 = vector.broadcast %add3A_2525 : i32 to vector<16xi32>
    %add3A_2560 = arith.addi %add3A_2559, %sub3A_2538 : vector<16xi32>
    %jit3A_2561 = arith.constant 0 : i32
    %broadcast_in_dim3A_2562 = vector.broadcast %jit3A_2561 : i32 to vector<16xi32>
    %select_n3A_2563 = arith.select %and3A_2547, %add3A_2560, %broadcast_in_dim3A_2562 : vector<16xi1>, vector<16xi32>
    %reduce_sum3A_2564 = arith.constant true
    %reduce_sum3A_2565 = vector.broadcast %reduce_sum3A_2564 : i1 to vector<16xi1>
    %reduce_sum3A_2566 = tpu.scan <sum>, %select_n3A_2563 masked %reduce_sum3A_2565 : vector<16xi32>, vector<16xi1> -> vector<16xi32>
    %reduce_sum3A_2567 = vector.extract %reduce_sum3A_2566[15] : i32 from vector<16xi32>
    %add3A_2568 = arith.addi %add3A_2520, %reduce_sum3A_2567 : i32
    %reduce_sum3A_2569 = arith.constant true
    %reduce_sum3A_2570 = vector.broadcast %reduce_sum3A_2569 : i1 to vector<16xi1>
    %reduce_sum3A_2571 = tpu.scan <sum>, %get3A_2529 masked %reduce_sum3A_2570 : vector<16xi32>, vector<16xi1> -> vector<16xi32>
    %reduce_sum3A_2572 = vector.extract %reduce_sum3A_2571[15] : i32 from vector<16xi32>
    %add3A_2573 = arith.addi %add3A_2525, %reduce_sum3A_2572 : i32
    %get3A_2574 = arith.constant 3 : i32
    %get3A_2575 = arith.index_cast %get3A_2574 : i32 to index
    %get3A_2576 = arith.constant 0 : index
    %get3A_2577 = tpu.vector_load %arg10[%get3A_2575, %get3A_2576] {strides = array<i32>} : memref<16x16xi32, #tpu.memory_space<vmem>>, vector<16xi32>,
    %rev3A_2578 = arith.constant 15 : i32
    %rev3A_2579 = vector.broadcast %rev3A_2578 : i32 to vector<16xi32>
    %rev3A_2580 = tpu.iota {dimensions = array<i32: 0>} : vector<16xi32>
    %rev3A_2581 = arith.subi %rev3A_2579, %rev3A_2580 : vector<16xi32>
    %rev3A_2582 = tpu.dynamic_gather %get3A_2577[%rev3A_2581] in [0] : vector<16xi32>, vector<16xi32> -> vector<16xi32>
    %broadcast_in_dim3A_2583 = arith.constant true
    %broadcast_in_dim3A_2584 = vector.broadcast %broadcast_in_dim3A_2583 : i1 to vector<16xi1>
    %masked_cumsum3A_2585 = tpu.scan <sum>, %rev3A_2582 masked %broadcast_in_dim3A_2584 : vector<16xi32>, vector<16xi1> -> vector<16xi32>
    %sub3A_2586 = arith.subi %masked_cumsum3A_2585, %rev3A_2582 : vector<16xi32>
    %add3A_2587 = vector.broadcast %add3A_2573 : i32 to vector<16xi32>
    %add3A_2588 = arith.addi %add3A_2587, %sub3A_2586 : vector<16xi32>
    %lt3A_2589 = vector.broadcast %sub3A_1913 : i32 to vector<16xi32>
    %lt3A_2590 = arith.cmpi slt, %add3A_2588, %lt3A_2589 : vector<16xi32>
    %add3A_2591 = vector.broadcast %add3A_2573 : i32 to vector<16xi32>
    %add3A_2592 = arith.addi %add3A_2591, %masked_cumsum3A_2585 : vector<16xi32>
    %ge3A_2593 = vector.broadcast %sub3A_1913 : i32 to vector<16xi32>
    %ge3A_2594 = arith.cmpi sge, %add3A_2592, %ge3A_2593 : vector<16xi32>
    %and3A_2595 = arith.andi %lt3A_2590, %ge3A_2594 : vector<16xi1>
    %sub3A_2596 = arith.constant 63 : i32
    %sub3A_2597 = vector.broadcast %sub3A_2596 : i32 to vector<16xi32>
    %sub3A_2598 = arith.subi %sub3A_2597, %iota3A : vector<16xi32>
    %jit3A_2599 = arith.constant 0 : i32
    %broadcast_in_dim3A_2600 = vector.broadcast %jit3A_2599 : i32 to vector<16xi32>
    %select_n3A_2601 = arith.select %and3A_2595, %sub3A_2598, %broadcast_in_dim3A_2600 : vector<16xi1>, vector<16xi32>
    %reduce_sum3A_2602 = arith.constant true
    %reduce_sum3A_2603 = vector.broadcast %reduce_sum3A_2602 : i1 to vector<16xi1>
    %reduce_sum3A_2604 = tpu.scan <sum>, %select_n3A_2601 masked %reduce_sum3A_2603 : vector<16xi32>, vector<16xi1> -> vector<16xi32>
    %reduce_sum3A_2605 = vector.extract %reduce_sum3A_2604[15] : i32 from vector<16xi32>
    %add3A_2606 = arith.addi %add3A_2558, %reduce_sum3A_2605 : i32
    %add3A_2607 = vector.broadcast %add3A_2573 : i32 to vector<16xi32>
    %add3A_2608 = arith.addi %add3A_2607, %sub3A_2586 : vector<16xi32>
    %jit3A_2609 = arith.constant 0 : i32
    %broadcast_in_dim3A_2610 = vector.broadcast %jit3A_2609 : i32 to vector<16xi32>
    %select_n3A_2611 = arith.select %and3A_2595, %add3A_2608, %broadcast_in_dim3A_2610 : vector<16xi1>, vector<16xi32>
    %reduce_sum3A_2612 = arith.constant true
    %reduce_sum3A_2613 = vector.broadcast %reduce_sum3A_2612 : i1 to vector<16xi1>
    %reduce_sum3A_2614 = tpu.scan <sum>, %select_n3A_2611 masked %reduce_sum3A_2613 : vector<16xi32>, vector<16xi1> -> vector<16xi32>
    %reduce_sum3A_2615 = vector.extract %reduce_sum3A_2614[15] : i32 from vector<16xi32>
    %add3A_2616 = arith.addi %add3A_2568, %reduce_sum3A_2615 : i32
    %reduce_sum3A_2617 = arith.constant true
    %reduce_sum3A_2618 = vector.broadcast %reduce_sum3A_2617 : i1 to vector<16xi1>
    %reduce_sum3A_2619 = tpu.scan <sum>, %get3A_2577 masked %reduce_sum3A_2618 : vector<16xi32>, vector<16xi1> -> vector<16xi32>
    %reduce_sum3A_2620 = vector.extract %reduce_sum3A_2619[15] : i32 from vector<16xi32>
    %add3A_2621 = arith.addi %add3A_2573, %reduce_sum3A_2620 : i32
    %get3A_2622 = arith.constant 2 : i32
    %get3A_2623 = arith.index_cast %get3A_2622 : i32 to index
    %get3A_2624 = arith.constant 0 : index
    %get3A_2625 = tpu.vector_load %arg10[%get3A_2623, %get3A_2624] {strides = array<i32>} : memref<16x16xi32, #tpu.memory_space<vmem>>, vector<16xi32>,
    %rev3A_2626 = arith.constant 15 : i32
    %rev3A_2627 = vector.broadcast %rev3A_2626 : i32 to vector<16xi32>
    %rev3A_2628 = tpu.iota {dimensions = array<i32: 0>} : vector<16xi32>
    %rev3A_2629 = arith.subi %rev3A_2627, %rev3A_2628 : vector<16xi32>
    %rev3A_2630 = tpu.dynamic_gather %get3A_2625[%rev3A_2629] in [0] : vector<16xi32>, vector<16xi32> -> vector<16xi32>
    %broadcast_in_dim3A_2631 = arith.constant true
    %broadcast_in_dim3A_2632 = vector.broadcast %broadcast_in_dim3A_2631 : i1 to vector<16xi1>
    %masked_cumsum3A_2633 = tpu.scan <sum>, %rev3A_2630 masked %broadcast_in_dim3A_2632 : vector<16xi32>, vector<16xi1> -> vector<16xi32>
    %sub3A_2634 = arith.subi %masked_cumsum3A_2633, %rev3A_2630 : vector<16xi32>
    %add3A_2635 = vector.broadcast %add3A_2621 : i32 to vector<16xi32>
    %add3A_2636 = arith.addi %add3A_2635, %sub3A_2634 : vector<16xi32>
    %lt3A_2637 = vector.broadcast %sub3A_1913 : i32 to vector<16xi32>
    %lt3A_2638 = arith.cmpi slt, %add3A_2636, %lt3A_2637 : vector<16xi32>
    %add3A_2639 = vector.broadcast %add3A_2621 : i32 to vector<16xi32>
    %add3A_2640 = arith.addi %add3A_2639, %masked_cumsum3A_2633 : vector<16xi32>
    %ge3A_2641 = vector.broadcast %sub3A_1913 : i32 to vector<16xi32>
    %ge3A_2642 = arith.cmpi sge, %add3A_2640, %ge3A_2641 : vector<16xi32>
    %and3A_2643 = arith.andi %lt3A_2638, %ge3A_2642 : vector<16xi1>
    %sub3A_2644 = arith.constant 47 : i32
    %sub3A_2645 = vector.broadcast %sub3A_2644 : i32 to vector<16xi32>
    %sub3A_2646 = arith.subi %sub3A_2645, %iota3A : vector<16xi32>
    %jit3A_2647 = arith.constant 0 : i32
    %broadcast_in_dim3A_2648 = vector.broadcast %jit3A_2647 : i32 to vector<16xi32>
    %select_n3A_2649 = arith.select %and3A_2643, %sub3A_2646, %broadcast_in_dim3A_2648 : vector<16xi1>, vector<16xi32>
    %reduce_sum3A_2650 = arith.constant true
    %reduce_sum3A_2651 = vector.broadcast %reduce_sum3A_2650 : i1 to vector<16xi1>
    %reduce_sum3A_2652 = tpu.scan <sum>, %select_n3A_2649 masked %reduce_sum3A_2651 : vector<16xi32>, vector<16xi1> -> vector<16xi32>
    %reduce_sum3A_2653 = vector.extract %reduce_sum3A_2652[15] : i32 from vector<16xi32>
    %add3A_2654 = arith.addi %add3A_2606, %reduce_sum3A_2653 : i32
    %add3A_2655 = vector.broadcast %add3A_2621 : i32 to vector<16xi32>
    %add3A_2656 = arith.addi %add3A_2655, %sub3A_2634 : vector<16xi32>
    %jit3A_2657 = arith.constant 0 : i32
    %broadcast_in_dim3A_2658 = vector.broadcast %jit3A_2657 : i32 to vector<16xi32>
    %select_n3A_2659 = arith.select %and3A_2643, %add3A_2656, %broadcast_in_dim3A_2658 : vector<16xi1>, vector<16xi32>
    %reduce_sum3A_2660 = arith.constant true
    %reduce_sum3A_2661 = vector.broadcast %reduce_sum3A_2660 : i1 to vector<16xi1>
    %reduce_sum3A_2662 = tpu.scan <sum>, %select_n3A_2659 masked %reduce_sum3A_2661 : vector<16xi32>, vector<16xi1> -> vector<16xi32>
    %reduce_sum3A_2663 = vector.extract %reduce_sum3A_2662[15] : i32 from vector<16xi32>
    %add3A_2664 = arith.addi %add3A_2616, %reduce_sum3A_2663 : i32
    %reduce_sum3A_2665 = arith.constant true
    %reduce_sum3A_2666 = vector.broadcast %reduce_sum3A_2665 : i1 to vector<16xi1>
    %reduce_sum3A_2667 = tpu.scan <sum>, %get3A_2625 masked %reduce_sum3A_2666 : vector<16xi32>, vector<16xi1> -> vector<16xi32>
    %reduce_sum3A_2668 = vector.extract %reduce_sum3A_2667[15] : i32 from vector<16xi32>
    %add3A_2669 = arith.addi %add3A_2621, %reduce_sum3A_2668 : i32
    %get3A_2670 = arith.constant 1 : i32
    %get3A_2671 = arith.index_cast %get3A_2670 : i32 to index
    %get3A_2672 = arith.constant 0 : index
    %get3A_2673 = tpu.vector_load %arg10[%get3A_2671, %get3A_2672] {strides = array<i32>} : memref<16x16xi32, #tpu.memory_space<vmem>>, vector<16xi32>,
    %rev3A_2674 = arith.constant 15 : i32
    %rev3A_2675 = vector.broadcast %rev3A_2674 : i32 to vector<16xi32>
    %rev3A_2676 = tpu.iota {dimensions = array<i32: 0>} : vector<16xi32>
    %rev3A_2677 = arith.subi %rev3A_2675, %rev3A_2676 : vector<16xi32>
    %rev3A_2678 = tpu.dynamic_gather %get3A_2673[%rev3A_2677] in [0] : vector<16xi32>, vector<16xi32> -> vector<16xi32>
    %broadcast_in_dim3A_2679 = arith.constant true
    %broadcast_in_dim3A_2680 = vector.broadcast %broadcast_in_dim3A_2679 : i1 to vector<16xi1>
    %masked_cumsum3A_2681 = tpu.scan <sum>, %rev3A_2678 masked %broadcast_in_dim3A_2680 : vector<16xi32>, vector<16xi1> -> vector<16xi32>
    %sub3A_2682 = arith.subi %masked_cumsum3A_2681, %rev3A_2678 : vector<16xi32>
    %add3A_2683 = vector.broadcast %add3A_2669 : i32 to vector<16xi32>
    %add3A_2684 = arith.addi %add3A_2683, %sub3A_2682 : vector<16xi32>
    %lt3A_2685 = vector.broadcast %sub3A_1913 : i32 to vector<16xi32>
    %lt3A_2686 = arith.cmpi slt, %add3A_2684, %lt3A_2685 : vector<16xi32>
    %add3A_2687 = vector.broadcast %add3A_2669 : i32 to vector<16xi32>
    %add3A_2688 = arith.addi %add3A_2687, %masked_cumsum3A_2681 : vector<16xi32>
    %ge3A_2689 = vector.broadcast %sub3A_1913 : i32 to vector<16xi32>
    %ge3A_2690 = arith.cmpi sge, %add3A_2688, %ge3A_2689 : vector<16xi32>
    %and3A_2691 = arith.andi %lt3A_2686, %ge3A_2690 : vector<16xi1>
    %sub3A_2692 = arith.constant 31 : i32
    %sub3A_2693 = vector.broadcast %sub3A_2692 : i32 to vector<16xi32>
    %sub3A_2694 = arith.subi %sub3A_2693, %iota3A : vector<16xi32>
    %jit3A_2695 = arith.constant 0 : i32
    %broadcast_in_dim3A_2696 = vector.broadcast %jit3A_2695 : i32 to vector<16xi32>
    %select_n3A_2697 = arith.select %and3A_2691, %sub3A_2694, %broadcast_in_dim3A_2696 : vector<16xi1>, vector<16xi32>
    %reduce_sum3A_2698 = arith.constant true
    %reduce_sum3A_2699 = vector.broadcast %reduce_sum3A_2698 : i1 to vector<16xi1>
    %reduce_sum3A_2700 = tpu.scan <sum>, %select_n3A_2697 masked %reduce_sum3A_2699 : vector<16xi32>, vector<16xi1> -> vector<16xi32>
    %reduce_sum3A_2701 = vector.extract %reduce_sum3A_2700[15] : i32 from vector<16xi32>
    %add3A_2702 = arith.addi %add3A_2654, %reduce_sum3A_2701 : i32
    %add3A_2703 = vector.broadcast %add3A_2669 : i32 to vector<16xi32>
    %add3A_2704 = arith.addi %add3A_2703, %sub3A_2682 : vector<16xi32>
    %jit3A_2705 = arith.constant 0 : i32
    %broadcast_in_dim3A_2706 = vector.broadcast %jit3A_2705 : i32 to vector<16xi32>
    %select_n3A_2707 = arith.select %and3A_2691, %add3A_2704, %broadcast_in_dim3A_2706 : vector<16xi1>, vector<16xi32>
    %reduce_sum3A_2708 = arith.constant true
    %reduce_sum3A_2709 = vector.broadcast %reduce_sum3A_2708 : i1 to vector<16xi1>
    %reduce_sum3A_2710 = tpu.scan <sum>, %select_n3A_2707 masked %reduce_sum3A_2709 : vector<16xi32>, vector<16xi1> -> vector<16xi32>
    %reduce_sum3A_2711 = vector.extract %reduce_sum3A_2710[15] : i32 from vector<16xi32>
    %add3A_2712 = arith.addi %add3A_2664, %reduce_sum3A_2711 : i32
    %reduce_sum3A_2713 = arith.constant true
    %reduce_sum3A_2714 = vector.broadcast %reduce_sum3A_2713 : i1 to vector<16xi1>
    %reduce_sum3A_2715 = tpu.scan <sum>, %get3A_2673 masked %reduce_sum3A_2714 : vector<16xi32>, vector<16xi1> -> vector<16xi32>
    %reduce_sum3A_2716 = vector.extract %reduce_sum3A_2715[15] : i32 from vector<16xi32>
    %add3A_2717 = arith.addi %add3A_2669, %reduce_sum3A_2716 : i32
    %get3A_2718 = arith.constant 0 : i32
    %get3A_2719 = arith.index_cast %get3A_2718 : i32 to index
    %get3A_2720 = arith.constant 0 : index
    %get3A_2721 = tpu.vector_load %arg10[%get3A_2719, %get3A_2720] {strides = array<i32>} : memref<16x16xi32, #tpu.memory_space<vmem>>, vector<16xi32>,
    %rev3A_2722 = arith.constant 15 : i32
    %rev3A_2723 = vector.broadcast %rev3A_2722 : i32 to vector<16xi32>
    %rev3A_2724 = tpu.iota {dimensions = array<i32: 0>} : vector<16xi32>
    %rev3A_2725 = arith.subi %rev3A_2723, %rev3A_2724 : vector<16xi32>
    %rev3A_2726 = tpu.dynamic_gather %get3A_2721[%rev3A_2725] in [0] : vector<16xi32>, vector<16xi32> -> vector<16xi32>
    %broadcast_in_dim3A_2727 = arith.constant true
    %broadcast_in_dim3A_2728 = vector.broadcast %broadcast_in_dim3A_2727 : i1 to vector<16xi1>
    %masked_cumsum3A_2729 = tpu.scan <sum>, %rev3A_2726 masked %broadcast_in_dim3A_2728 : vector<16xi32>, vector<16xi1> -> vector<16xi32>
    %sub3A_2730 = arith.subi %masked_cumsum3A_2729, %rev3A_2726 : vector<16xi32>
    %add3A_2731 = vector.broadcast %add3A_2717 : i32 to vector<16xi32>
    %add3A_2732 = arith.addi %add3A_2731, %sub3A_2730 : vector<16xi32>
    %lt3A_2733 = vector.broadcast %sub3A_1913 : i32 to vector<16xi32>
    %lt3A_2734 = arith.cmpi slt, %add3A_2732, %lt3A_2733 : vector<16xi32>
    %add3A_2735 = vector.broadcast %add3A_2717 : i32 to vector<16xi32>
    %add3A_2736 = arith.addi %add3A_2735, %masked_cumsum3A_2729 : vector<16xi32>
    %ge3A_2737 = vector.broadcast %sub3A_1913 : i32 to vector<16xi32>
    %ge3A_2738 = arith.cmpi sge, %add3A_2736, %ge3A_2737 : vector<16xi32>
    %and3A_2739 = arith.andi %lt3A_2734, %ge3A_2738 : vector<16xi1>
    %sub3A_2740 = arith.constant 15 : i32
    %sub3A_2741 = vector.broadcast %sub3A_2740 : i32 to vector<16xi32>
    %sub3A_2742 = arith.subi %sub3A_2741, %iota3A : vector<16xi32>
    %jit3A_2743 = arith.constant 0 : i32
    %broadcast_in_dim3A_2744 = vector.broadcast %jit3A_2743 : i32 to vector<16xi32>
    %select_n3A_2745 = arith.select %and3A_2739, %sub3A_2742, %broadcast_in_dim3A_2744 : vector<16xi1>, vector<16xi32>
    %reduce_sum3A_2746 = arith.constant true
    %reduce_sum3A_2747 = vector.broadcast %reduce_sum3A_2746 : i1 to vector<16xi1>
    %reduce_sum3A_2748 = tpu.scan <sum>, %select_n3A_2745 masked %reduce_sum3A_2747 : vector<16xi32>, vector<16xi1> -> vector<16xi32>
    %reduce_sum3A_2749 = vector.extract %reduce_sum3A_2748[15] : i32 from vector<16xi32>
    %add3A_2750 = arith.addi %add3A_2702, %reduce_sum3A_2749 : i32
    %add3A_2751 = vector.broadcast %add3A_2717 : i32 to vector<16xi32>
    %add3A_2752 = arith.addi %add3A_2751, %sub3A_2730 : vector<16xi32>
    %jit3A_2753 = arith.constant 0 : i32
    %broadcast_in_dim3A_2754 = vector.broadcast %jit3A_2753 : i32 to vector<16xi32>
    %select_n3A_2755 = arith.select %and3A_2739, %add3A_2752, %broadcast_in_dim3A_2754 : vector<16xi1>, vector<16xi32>
    %reduce_sum3A_2756 = arith.constant true
    %reduce_sum3A_2757 = vector.broadcast %reduce_sum3A_2756 : i1 to vector<16xi1>
    %reduce_sum3A_2758 = tpu.scan <sum>, %select_n3A_2755 masked %reduce_sum3A_2757 : vector<16xi32>, vector<16xi1> -> vector<16xi32>
    %reduce_sum3A_2759 = vector.extract %reduce_sum3A_2758[15] : i32 from vector<16xi32>
    %add3A_2760 = arith.addi %add3A_2712, %reduce_sum3A_2759 : i32
    %reduce_sum3A_2761 = arith.constant true
    %reduce_sum3A_2762 = vector.broadcast %reduce_sum3A_2761 : i1 to vector<16xi1>
    %reduce_sum3A_2763 = tpu.scan <sum>, %get3A_2721 masked %reduce_sum3A_2762 : vector<16xi32>, vector<16xi1> -> vector<16xi32>
    %reduce_sum3A_2764 = vector.extract %reduce_sum3A_2763[15] : i32 from vector<16xi32>
    %add3A_2765 = arith.addi %add3A_2717, %reduce_sum3A_2764 : i32
    %shift_left3A_2766 = arith.constant 8 : i32
    %shift_left3A_2767 = arith.shli %add3A_2750, %shift_left3A_2766 : i32
    %or3A_2768 = arith.ori %or3A_1912, %shift_left3A_2767 : i32
    %sub3A_2769 = arith.subi %sub3A_1913, %add3A_2760 : i32
    %swap3A_2770 = arith.constant 0 : i32
    %swap3A_2771 = arith.index_cast %swap3A_2770 : i32 to index
    %swap3A_2772 = arith.constant 0 : index
    %swap3A_2773 = tpu.vector_load %arg8[%swap3A_2771, %swap3A_2772] {strides = array<i32>} : memref<16x16xi32, #tpu.memory_space<vmem>>, vector<16xi32>,
    tpu.vector_store %arg8[%swap3A_2771, %swap3A_2772], %broadcast_in_dim3A_3 {strides = array<i32>} : memref<16x16xi32, #tpu.memory_space<vmem>>, vector<16xi32>,
    %swap3A_2774 = arith.constant 1 : i32
    %swap3A_2775 = arith.index_cast %swap3A_2774 : i32 to index
    %swap3A_2776 = arith.constant 0 : index
    %swap3A_2777 = tpu.vector_load %arg8[%swap3A_2775, %swap3A_2776] {strides = array<i32>} : memref<16x16xi32, #tpu.memory_space<vmem>>, vector<16xi32>,
    tpu.vector_store %arg8[%swap3A_2775, %swap3A_2776], %broadcast_in_dim3A_3 {strides = array<i32>} : memref<16x16xi32, #tpu.memory_space<vmem>>, vector<16xi32>,
    %swap3A_2778 = arith.constant 2 : i32
    %swap3A_2779 = arith.index_cast %swap3A_2778 : i32 to index
    %swap3A_2780 = arith.constant 0 : index
    %swap3A_2781 = tpu.vector_load %arg8[%swap3A_2779, %swap3A_2780] {strides = array<i32>} : memref<16x16xi32, #tpu.memory_space<vmem>>, vector<16xi32>,
    tpu.vector_store %arg8[%swap3A_2779, %swap3A_2780], %broadcast_in_dim3A_3 {strides = array<i32>} : memref<16x16xi32, #tpu.memory_space<vmem>>, vector<16xi32>,
    %swap3A_2782 = arith.constant 3 : i32
    %swap3A_2783 = arith.index_cast %swap3A_2782 : i32 to index
    %swap3A_2784 = arith.constant 0 : index
    %swap3A_2785 = tpu.vector_load %arg8[%swap3A_2783, %swap3A_2784] {strides = array<i32>} : memref<16x16xi32, #tpu.memory_space<vmem>>, vector<16xi32>,
    tpu.vector_store %arg8[%swap3A_2783, %swap3A_2784], %broadcast_in_dim3A_3 {strides = array<i32>} : memref<16x16xi32, #tpu.memory_space<vmem>>, vector<16xi32>,
    %swap3A_2786 = arith.constant 4 : i32
    %swap3A_2787 = arith.index_cast %swap3A_2786 : i32 to index
    %swap3A_2788 = arith.constant 0 : index
    %swap3A_2789 = tpu.vector_load %arg8[%swap3A_2787, %swap3A_2788] {strides = array<i32>} : memref<16x16xi32, #tpu.memory_space<vmem>>, vector<16xi32>,
    tpu.vector_store %arg8[%swap3A_2787, %swap3A_2788], %broadcast_in_dim3A_3 {strides = array<i32>} : memref<16x16xi32, #tpu.memory_space<vmem>>, vector<16xi32>,
    %swap3A_2790 = arith.constant 5 : i32
    %swap3A_2791 = arith.index_cast %swap3A_2790 : i32 to index
    %swap3A_2792 = arith.constant 0 : index
    %swap3A_2793 = tpu.vector_load %arg8[%swap3A_2791, %swap3A_2792] {strides = array<i32>} : memref<16x16xi32, #tpu.memory_space<vmem>>, vector<16xi32>,
    tpu.vector_store %arg8[%swap3A_2791, %swap3A_2792], %broadcast_in_dim3A_3 {strides = array<i32>} : memref<16x16xi32, #tpu.memory_space<vmem>>, vector<16xi32>,
    %swap3A_2794 = arith.constant 6 : i32
    %swap3A_2795 = arith.index_cast %swap3A_2794 : i32 to index
    %swap3A_2796 = arith.constant 0 : index
    %swap3A_2797 = tpu.vector_load %arg8[%swap3A_2795, %swap3A_2796] {strides = array<i32>} : memref<16x16xi32, #tpu.memory_space<vmem>>, vector<16xi32>,
    tpu.vector_store %arg8[%swap3A_2795, %swap3A_2796], %broadcast_in_dim3A_3 {strides = array<i32>} : memref<16x16xi32, #tpu.memory_space<vmem>>, vector<16xi32>,
    %swap3A_2798 = arith.constant 7 : i32
    %swap3A_2799 = arith.index_cast %swap3A_2798 : i32 to index
    %swap3A_2800 = arith.constant 0 : index
    %swap3A_2801 = tpu.vector_load %arg8[%swap3A_2799, %swap3A_2800] {strides = array<i32>} : memref<16x16xi32, #tpu.memory_space<vmem>>, vector<16xi32>,
    tpu.vector_store %arg8[%swap3A_2799, %swap3A_2800], %broadcast_in_dim3A_3 {strides = array<i32>} : memref<16x16xi32, #tpu.memory_space<vmem>>, vector<16xi32>,
    %swap3A_2802 = arith.constant 8 : i32
    %swap3A_2803 = arith.index_cast %swap3A_2802 : i32 to index
    %swap3A_2804 = arith.constant 0 : index
    %swap3A_2805 = tpu.vector_load %arg8[%swap3A_2803, %swap3A_2804] {strides = array<i32>} : memref<16x16xi32, #tpu.memory_space<vmem>>, vector<16xi32>,
    tpu.vector_store %arg8[%swap3A_2803, %swap3A_2804], %broadcast_in_dim3A_3 {strides = array<i32>} : memref<16x16xi32, #tpu.memory_space<vmem>>, vector<16xi32>,
    %swap3A_2806 = arith.constant 9 : i32
    %swap3A_2807 = arith.index_cast %swap3A_2806 : i32 to index
    %swap3A_2808 = arith.constant 0 : index
    %swap3A_2809 = tpu.vector_load %arg8[%swap3A_2807, %swap3A_2808] {strides = array<i32>} : memref<16x16xi32, #tpu.memory_space<vmem>>, vector<16xi32>,
    tpu.vector_store %arg8[%swap3A_2807, %swap3A_2808], %broadcast_in_dim3A_3 {strides = array<i32>} : memref<16x16xi32, #tpu.memory_space<vmem>>, vector<16xi32>,
    %swap3A_2810 = arith.constant 10 : i32
    %swap3A_2811 = arith.index_cast %swap3A_2810 : i32 to index
    %swap3A_2812 = arith.constant 0 : index
    %swap3A_2813 = tpu.vector_load %arg8[%swap3A_2811, %swap3A_2812] {strides = array<i32>} : memref<16x16xi32, #tpu.memory_space<vmem>>, vector<16xi32>,
    tpu.vector_store %arg8[%swap3A_2811, %swap3A_2812], %broadcast_in_dim3A_3 {strides = array<i32>} : memref<16x16xi32, #tpu.memory_space<vmem>>, vector<16xi32>,
    %swap3A_2814 = arith.constant 11 : i32
    %swap3A_2815 = arith.index_cast %swap3A_2814 : i32 to index
    %swap3A_2816 = arith.constant 0 : index
    %swap3A_2817 = tpu.vector_load %arg8[%swap3A_2815, %swap3A_2816] {strides = array<i32>} : memref<16x16xi32, #tpu.memory_space<vmem>>, vector<16xi32>,
    tpu.vector_store %arg8[%swap3A_2815, %swap3A_2816], %broadcast_in_dim3A_3 {strides = array<i32>} : memref<16x16xi32, #tpu.memory_space<vmem>>, vector<16xi32>,
    %swap3A_2818 = arith.constant 12 : i32
    %swap3A_2819 = arith.index_cast %swap3A_2818 : i32 to index
    %swap3A_2820 = arith.constant 0 : index
    %swap3A_2821 = tpu.vector_load %arg8[%swap3A_2819, %swap3A_2820] {strides = array<i32>} : memref<16x16xi32, #tpu.memory_space<vmem>>, vector<16xi32>,
    tpu.vector_store %arg8[%swap3A_2819, %swap3A_2820], %broadcast_in_dim3A_3 {strides = array<i32>} : memref<16x16xi32, #tpu.memory_space<vmem>>, vector<16xi32>,
    %swap3A_2822 = arith.constant 13 : i32
    %swap3A_2823 = arith.index_cast %swap3A_2822 : i32 to index
    %swap3A_2824 = arith.constant 0 : index
    %swap3A_2825 = tpu.vector_load %arg8[%swap3A_2823, %swap3A_2824] {strides = array<i32>} : memref<16x16xi32, #tpu.memory_space<vmem>>, vector<16xi32>,
    tpu.vector_store %arg8[%swap3A_2823, %swap3A_2824], %broadcast_in_dim3A_3 {strides = array<i32>} : memref<16x16xi32, #tpu.memory_space<vmem>>, vector<16xi32>,
    %swap3A_2826 = arith.constant 14 : i32
    %swap3A_2827 = arith.index_cast %swap3A_2826 : i32 to index
    %swap3A_2828 = arith.constant 0 : index
    %swap3A_2829 = tpu.vector_load %arg8[%swap3A_2827, %swap3A_2828] {strides = array<i32>} : memref<16x16xi32, #tpu.memory_space<vmem>>, vector<16xi32>,
    tpu.vector_store %arg8[%swap3A_2827, %swap3A_2828], %broadcast_in_dim3A_3 {strides = array<i32>} : memref<16x16xi32, #tpu.memory_space<vmem>>, vector<16xi32>,
    %swap3A_2830 = arith.constant 15 : i32
    %swap3A_2831 = arith.index_cast %swap3A_2830 : i32 to index
    %swap3A_2832 = arith.constant 0 : index
    %swap3A_2833 = tpu.vector_load %arg8[%swap3A_2831, %swap3A_2832] {strides = array<i32>} : memref<16x16xi32, #tpu.memory_space<vmem>>, vector<16xi32>,
    tpu.vector_store %arg8[%swap3A_2831, %swap3A_2832], %broadcast_in_dim3A_3 {strides = array<i32>} : memref<16x16xi32, #tpu.memory_space<vmem>>, vector<16xi32>,
    %scan3A_2834 = arith.constant 1008981770 : i32
    %scan3A_2835 = arith.constant 0 : i32
    %scan3A_2836 = arith.constant 0 : i32
    %scan3A_2837 = arith.constant 80 : i32
    %scan3A_2838 = arith.addi %scan3A_2836, %scan3A_2837 : i32
    %scan3A_2839 = arith.constant 1 : i32
    %scan3A_2840 = scf.for %scan3A_3868 = %scan3A_2836 to %scan3A_2838 step %scan3A_2839 iter_args(%scan3A_3869 = %scan3A_2835) -> (i32)  : i32 {
      %mul3A_3870 = arith.constant 16 : i32
      %mul3A_3871 = arith.muli %scan3A_3868, %mul3A_3870 : i32
      %get3A_3872 = arith.index_cast %mul3A_3871 : i32 to index
      %get3A_3873 = tpu.vector_load %arg7[%get3A_3872] {strides = array<i32>} : memref<1280xi32, #tpu.memory_space<vmem>>, vector<16xi32>,
      %gt3A = vector.broadcast %scan3A_2834 : i32 to vector<16xi32>
      %gt3A_3874 = arith.cmpi sgt, %get3A_3873, %gt3A : vector<16xi32>
      %shift_right_arithmetic3A_3875 = arith.constant 8 : i32
      %shift_right_arithmetic3A_3876 = vector.broadcast %shift_right_arithmetic3A_3875 : i32 to vector<16xi32>
      %shift_right_arithmetic3A_3877 = arith.shrsi %get3A_3873, %shift_right_arithmetic3A_3876 : vector<16xi32>
      %shift_right_arithmetic3A_3878 = arith.constant 8 : i32
      %shift_right_arithmetic3A_3879 = arith.shrsi %or3A_2768, %shift_right_arithmetic3A_3878 : i32
      %eq3A_3880 = vector.broadcast %shift_right_arithmetic3A_3879 : i32 to vector<16xi32>
      %eq3A_3881 = arith.cmpi eq, %shift_right_arithmetic3A_3877, %eq3A_3880 : vector<16xi32>
      %and3A_3882 = arith.andi %gt3A_3874, %eq3A_3881 : vector<16xi1>
      %shift_right_arithmetic3A_3883 = arith.constant 0 : i32
      %shift_right_arithmetic3A_3884 = vector.broadcast %shift_right_arithmetic3A_3883 : i32 to vector<16xi32>
      %shift_right_arithmetic3A_3885 = arith.shrsi %get3A_3873, %shift_right_arithmetic3A_3884 : vector<16xi32>
      %and3A_3886 = arith.constant 255 : i32
      %and3A_3887 = vector.broadcast %and3A_3886 : i32 to vector<16xi32>
      %and3A_3888 = arith.andi %shift_right_arithmetic3A_3885, %and3A_3887 : vector<16xi32>
      %shift_right_arithmetic3A_3889 = arith.constant 4 : i32
      %shift_right_arithmetic3A_3890 = vector.broadcast %shift_right_arithmetic3A_3889 : i32 to vector<16xi32>
      %shift_right_arithmetic3A_3891 = arith.shrsi %and3A_3888, %shift_right_arithmetic3A_3890 : vector<16xi32>
      %and3A_3892 = arith.constant 15 : i32
      %and3A_3893 = vector.broadcast %and3A_3892 : i32 to vector<16xi32>
      %and3A_3894 = arith.andi %and3A_3888, %and3A_3893 : vector<16xi32>
      tpu.vector_store_idx %arg8[%shift_right_arithmetic3A_3891, %and3A_3894], %broadcast_in_dim3A_1 masked %and3A_3882 {add = true} : memref<16x16xi32, #tpu.memory_space<vmem>>[vector<16xi32>, vector<16xi32>], vector<16xi32>, vector<16xi1>
      %scan3A_3895 = arith.constant 0 : i32
      scf.yield %scan3A_3895 : i32
    }
    %scan3A_2841 = arith.constant 80 : i32
    %add3A_2842 = arith.constant 48 : i32
    %add3A_2843 = vector.broadcast %add3A_2842 : i32 to vector<16xi32>
    %add3A_2844 = arith.addi %iota3A, %add3A_2843 : vector<16xi32>
    %swap3A_2845 = arith.constant 0 : index
    %swap3A_2846 = tpu.vector_load %arg9[%swap3A_2845] {strides = array<i32>} : memref<16xi32, #tpu.memory_space<vmem>>, vector<16xi32>,
    tpu.vector_store %arg9[%swap3A_2845], %add3A_2844 {strides = array<i32>} : memref<16xi32, #tpu.memory_space<vmem>>, vector<16xi32>,
    "tpu.region"() ({
      %run_scoped3A_3868 = tpu.sem_alloc : memref<!tpu.dma_semaphore, #tpu.memory_space<semaphore_mem>>
      %dma_start3A_3869 = arith.constant 0 : i32
      %dma_start3A_3870 = arith.constant 0 : i32
      %dma_start3A_3871 = tpu.memref_slice %arg22[%dma_start3A_3869, %dma_start3A_3870] : memref<64x16xi32, #tpu.memory_space<vmem_shared>> -> memref<64x16xi32, #tpu.memory_space<vmem_shared>>
      tpu.enqueue_indirect_dma source(%arg8 : memref<16x16xi32, #tpu.memory_space<vmem>>) target(%dma_start3A_3871 : memref<64x16xi32, #tpu.memory_space<vmem_shared>>) offsets(%arg9 : memref<16xi32, #tpu.memory_space<vmem>>) semaphore(%run_scoped3A_3868 : memref<!tpu.dma_semaphore, #tpu.memory_space<semaphore_mem>>) {add = true}
      %dma_wait3A_3872 = arith.constant 0 : i32
      %dma_wait3A_3873 = arith.constant 0 : i32
      %dma_wait3A_3874 = tpu.memref_slice %arg22[%dma_wait3A_3872, %dma_wait3A_3873] : memref<64x16xi32, #tpu.memory_space<vmem_shared>> -> memref<64x16xi32, #tpu.memory_space<vmem_shared>>
      tpu.wait_indirect_dma semaphore(%run_scoped3A_3868 : memref<!tpu.dma_semaphore, #tpu.memory_space<semaphore_mem>>) src(%arg8 : memref<16x16xi32, #tpu.memory_space<vmem>>) dst(%dma_wait3A_3874 : memref<64x16xi32, #tpu.memory_space<vmem_shared>>)
      tpu.yield
    }) : () -> ()
    %barrier3A_2847 = arith.constant 0 : index
    tpu.barrier barrier_id(%barrier3A_2847)
    "tpu.region"() ({
      %run_scoped3A_3868 = tpu.sem_alloc : memref<!tpu.dma_semaphore, #tpu.memory_space<semaphore_mem>>
      %dma_start3A_3869 = arith.constant 48 : i32
      %dma_start3A_3870 = arith.constant 0 : i32
      %dma_start3A_3871 = tpu.memref_slice %arg22[%dma_start3A_3869, %dma_start3A_3870] : memref<64x16xi32, #tpu.memory_space<vmem_shared>> -> memref<16x16xi32, #tpu.memory_space<vmem_shared>>
      %dma_start3A_3872 = arith.constant 48 : i32
      %dma_start3A_3873 = arith.constant 0 : i32
      %dma_start3A_3874 = tpu.memref_slice %arg22[%dma_start3A_3872, %dma_start3A_3873] : memref<64x16xi32, #tpu.memory_space<vmem_shared>> -> memref<16x16xi32, #tpu.memory_space<vmem_shared>>
      tpu.enqueue_dma source(%dma_start3A_3874 : memref<16x16xi32, #tpu.memory_space<vmem_shared>>) target(%arg10 : memref<16x16xi32, #tpu.memory_space<vmem>>) target_semaphore(%run_scoped3A_3868 : memref<!tpu.dma_semaphore, #tpu.memory_space<semaphore_mem>>)
      %dma_wait3A_3875 = arith.constant 48 : i32
      %dma_wait3A_3876 = arith.constant 0 : i32
      %dma_wait3A_3877 = tpu.memref_slice %arg22[%dma_wait3A_3875, %dma_wait3A_3876] : memref<64x16xi32, #tpu.memory_space<vmem_shared>> -> memref<16x16xi32, #tpu.memory_space<vmem_shared>>
      %dma_wait3A_3878 = arith.constant 48 : i32
      %dma_wait3A_3879 = arith.constant 0 : i32
      %dma_wait3A_3880 = tpu.memref_slice %arg22[%dma_wait3A_3878, %dma_wait3A_3879] : memref<64x16xi32, #tpu.memory_space<vmem_shared>> -> memref<16x16xi32, #tpu.memory_space<vmem_shared>>
      tpu.wait_dma2 semaphore(%run_scoped3A_3868 : memref<!tpu.dma_semaphore, #tpu.memory_space<semaphore_mem>>) src(%dma_wait3A_3880 : memref<16x16xi32, #tpu.memory_space<vmem_shared>>) dst(%arg10 : memref<16x16xi32, #tpu.memory_space<vmem>>)
      tpu.yield
    }) : () -> ()
    %get3A_2848 = arith.constant 15 : i32
    %get3A_2849 = arith.index_cast %get3A_2848 : i32 to index
    %get3A_2850 = arith.constant 0 : index
    %get3A_2851 = tpu.vector_load %arg10[%get3A_2849, %get3A_2850] {strides = array<i32>} : memref<16x16xi32, #tpu.memory_space<vmem>>, vector<16xi32>,
    %rev3A_2852 = arith.constant 15 : i32
    %rev3A_2853 = vector.broadcast %rev3A_2852 : i32 to vector<16xi32>
    %rev3A_2854 = tpu.iota {dimensions = array<i32: 0>} : vector<16xi32>
    %rev3A_2855 = arith.subi %rev3A_2853, %rev3A_2854 : vector<16xi32>
    %rev3A_2856 = tpu.dynamic_gather %get3A_2851[%rev3A_2855] in [0] : vector<16xi32>, vector<16xi32> -> vector<16xi32>
    %broadcast_in_dim3A_2857 = arith.constant true
    %broadcast_in_dim3A_2858 = vector.broadcast %broadcast_in_dim3A_2857 : i1 to vector<16xi1>
    %masked_cumsum3A_2859 = tpu.scan <sum>, %rev3A_2856 masked %broadcast_in_dim3A_2858 : vector<16xi32>, vector<16xi1> -> vector<16xi32>
    %sub3A_2860 = arith.subi %masked_cumsum3A_2859, %rev3A_2856 : vector<16xi32>
    %add3A_2861 = arith.constant 0 : i32
    %add3A_2862 = vector.broadcast %add3A_2861 : i32 to vector<16xi32>
    %add3A_2863 = arith.addi %add3A_2862, %sub3A_2860 : vector<16xi32>
    %lt3A_2864 = vector.broadcast %sub3A_2769 : i32 to vector<16xi32>
    %lt3A_2865 = arith.cmpi slt, %add3A_2863, %lt3A_2864 : vector<16xi32>
    %add3A_2866 = arith.constant 0 : i32
    %add3A_2867 = vector.broadcast %add3A_2866 : i32 to vector<16xi32>
    %add3A_2868 = arith.addi %add3A_2867, %masked_cumsum3A_2859 : vector<16xi32>
    %ge3A_2869 = vector.broadcast %sub3A_2769 : i32 to vector<16xi32>
    %ge3A_2870 = arith.cmpi sge, %add3A_2868, %ge3A_2869 : vector<16xi32>
    %and3A_2871 = arith.andi %lt3A_2865, %ge3A_2870 : vector<16xi1>
    %sub3A_2872 = arith.constant 255 : i32
    %sub3A_2873 = vector.broadcast %sub3A_2872 : i32 to vector<16xi32>
    %sub3A_2874 = arith.subi %sub3A_2873, %iota3A : vector<16xi32>
    %jit3A_2875 = arith.constant 0 : i32
    %broadcast_in_dim3A_2876 = vector.broadcast %jit3A_2875 : i32 to vector<16xi32>
    %select_n3A_2877 = arith.select %and3A_2871, %sub3A_2874, %broadcast_in_dim3A_2876 : vector<16xi1>, vector<16xi32>
    %reduce_sum3A_2878 = arith.constant true
    %reduce_sum3A_2879 = vector.broadcast %reduce_sum3A_2878 : i1 to vector<16xi1>
    %reduce_sum3A_2880 = tpu.scan <sum>, %select_n3A_2877 masked %reduce_sum3A_2879 : vector<16xi32>, vector<16xi1> -> vector<16xi32>
    %reduce_sum3A_2881 = vector.extract %reduce_sum3A_2880[15] : i32 from vector<16xi32>
    %add3A_2882 = arith.constant 0 : i32
    %add3A_2883 = arith.addi %add3A_2882, %reduce_sum3A_2881 : i32
    %add3A_2884 = arith.constant 0 : i32
    %add3A_2885 = vector.broadcast %add3A_2884 : i32 to vector<16xi32>
    %add3A_2886 = arith.addi %add3A_2885, %sub3A_2860 : vector<16xi32>
    %jit3A_2887 = arith.constant 0 : i32
    %broadcast_in_dim3A_2888 = vector.broadcast %jit3A_2887 : i32 to vector<16xi32>
    %select_n3A_2889 = arith.select %and3A_2871, %add3A_2886, %broadcast_in_dim3A_2888 : vector<16xi1>, vector<16xi32>
    %reduce_sum3A_2890 = arith.constant true
    %reduce_sum3A_2891 = vector.broadcast %reduce_sum3A_2890 : i1 to vector<16xi1>
    %reduce_sum3A_2892 = tpu.scan <sum>, %select_n3A_2889 masked %reduce_sum3A_2891 : vector<16xi32>, vector<16xi1> -> vector<16xi32>
    %reduce_sum3A_2893 = vector.extract %reduce_sum3A_2892[15] : i32 from vector<16xi32>
    %add3A_2894 = arith.constant 0 : i32
    %add3A_2895 = arith.addi %add3A_2894, %reduce_sum3A_2893 : i32
    %reduce_sum3A_2896 = arith.constant true
    %reduce_sum3A_2897 = vector.broadcast %reduce_sum3A_2896 : i1 to vector<16xi1>
    %reduce_sum3A_2898 = tpu.scan <sum>, %get3A_2851 masked %reduce_sum3A_2897 : vector<16xi32>, vector<16xi1> -> vector<16xi32>
    %reduce_sum3A_2899 = vector.extract %reduce_sum3A_2898[15] : i32 from vector<16xi32>
    %add3A_2900 = arith.constant 0 : i32
    %add3A_2901 = arith.addi %add3A_2900, %reduce_sum3A_2899 : i32
    %get3A_2902 = arith.constant 14 : i32
    %get3A_2903 = arith.index_cast %get3A_2902 : i32 to index
    %get3A_2904 = arith.constant 0 : index
    %get3A_2905 = tpu.vector_load %arg10[%get3A_2903, %get3A_2904] {strides = array<i32>} : memref<16x16xi32, #tpu.memory_space<vmem>>, vector<16xi32>,
    %rev3A_2906 = arith.constant 15 : i32
    %rev3A_2907 = vector.broadcast %rev3A_2906 : i32 to vector<16xi32>
    %rev3A_2908 = tpu.iota {dimensions = array<i32: 0>} : vector<16xi32>
    %rev3A_2909 = arith.subi %rev3A_2907, %rev3A_2908 : vector<16xi32>
    %rev3A_2910 = tpu.dynamic_gather %get3A_2905[%rev3A_2909] in [0] : vector<16xi32>, vector<16xi32> -> vector<16xi32>
    %broadcast_in_dim3A_2911 = arith.constant true
    %broadcast_in_dim3A_2912 = vector.broadcast %broadcast_in_dim3A_2911 : i1 to vector<16xi1>
    %masked_cumsum3A_2913 = tpu.scan <sum>, %rev3A_2910 masked %broadcast_in_dim3A_2912 : vector<16xi32>, vector<16xi1> -> vector<16xi32>
    %sub3A_2914 = arith.subi %masked_cumsum3A_2913, %rev3A_2910 : vector<16xi32>
    %add3A_2915 = vector.broadcast %add3A_2901 : i32 to vector<16xi32>
    %add3A_2916 = arith.addi %add3A_2915, %sub3A_2914 : vector<16xi32>
    %lt3A_2917 = vector.broadcast %sub3A_2769 : i32 to vector<16xi32>
    %lt3A_2918 = arith.cmpi slt, %add3A_2916, %lt3A_2917 : vector<16xi32>
    %add3A_2919 = vector.broadcast %add3A_2901 : i32 to vector<16xi32>
    %add3A_2920 = arith.addi %add3A_2919, %masked_cumsum3A_2913 : vector<16xi32>
    %ge3A_2921 = vector.broadcast %sub3A_2769 : i32 to vector<16xi32>
    %ge3A_2922 = arith.cmpi sge, %add3A_2920, %ge3A_2921 : vector<16xi32>
    %and3A_2923 = arith.andi %lt3A_2918, %ge3A_2922 : vector<16xi1>
    %sub3A_2924 = arith.constant 239 : i32
    %sub3A_2925 = vector.broadcast %sub3A_2924 : i32 to vector<16xi32>
    %sub3A_2926 = arith.subi %sub3A_2925, %iota3A : vector<16xi32>
    %jit3A_2927 = arith.constant 0 : i32
    %broadcast_in_dim3A_2928 = vector.broadcast %jit3A_2927 : i32 to vector<16xi32>
    %select_n3A_2929 = arith.select %and3A_2923, %sub3A_2926, %broadcast_in_dim3A_2928 : vector<16xi1>, vector<16xi32>
    %reduce_sum3A_2930 = arith.constant true
    %reduce_sum3A_2931 = vector.broadcast %reduce_sum3A_2930 : i1 to vector<16xi1>
    %reduce_sum3A_2932 = tpu.scan <sum>, %select_n3A_2929 masked %reduce_sum3A_2931 : vector<16xi32>, vector<16xi1> -> vector<16xi32>
    %reduce_sum3A_2933 = vector.extract %reduce_sum3A_2932[15] : i32 from vector<16xi32>
    %add3A_2934 = arith.addi %add3A_2883, %reduce_sum3A_2933 : i32
    %add3A_2935 = vector.broadcast %add3A_2901 : i32 to vector<16xi32>
    %add3A_2936 = arith.addi %add3A_2935, %sub3A_2914 : vector<16xi32>
    %jit3A_2937 = arith.constant 0 : i32
    %broadcast_in_dim3A_2938 = vector.broadcast %jit3A_2937 : i32 to vector<16xi32>
    %select_n3A_2939 = arith.select %and3A_2923, %add3A_2936, %broadcast_in_dim3A_2938 : vector<16xi1>, vector<16xi32>
    %reduce_sum3A_2940 = arith.constant true
    %reduce_sum3A_2941 = vector.broadcast %reduce_sum3A_2940 : i1 to vector<16xi1>
    %reduce_sum3A_2942 = tpu.scan <sum>, %select_n3A_2939 masked %reduce_sum3A_2941 : vector<16xi32>, vector<16xi1> -> vector<16xi32>
    %reduce_sum3A_2943 = vector.extract %reduce_sum3A_2942[15] : i32 from vector<16xi32>
    %add3A_2944 = arith.addi %add3A_2895, %reduce_sum3A_2943 : i32
    %reduce_sum3A_2945 = arith.constant true
    %reduce_sum3A_2946 = vector.broadcast %reduce_sum3A_2945 : i1 to vector<16xi1>
    %reduce_sum3A_2947 = tpu.scan <sum>, %get3A_2905 masked %reduce_sum3A_2946 : vector<16xi32>, vector<16xi1> -> vector<16xi32>
    %reduce_sum3A_2948 = vector.extract %reduce_sum3A_2947[15] : i32 from vector<16xi32>
    %add3A_2949 = arith.addi %add3A_2901, %reduce_sum3A_2948 : i32
    %get3A_2950 = arith.constant 13 : i32
    %get3A_2951 = arith.index_cast %get3A_2950 : i32 to index
    %get3A_2952 = arith.constant 0 : index
    %get3A_2953 = tpu.vector_load %arg10[%get3A_2951, %get3A_2952] {strides = array<i32>} : memref<16x16xi32, #tpu.memory_space<vmem>>, vector<16xi32>,
    %rev3A_2954 = arith.constant 15 : i32
    %rev3A_2955 = vector.broadcast %rev3A_2954 : i32 to vector<16xi32>
    %rev3A_2956 = tpu.iota {dimensions = array<i32: 0>} : vector<16xi32>
    %rev3A_2957 = arith.subi %rev3A_2955, %rev3A_2956 : vector<16xi32>
    %rev3A_2958 = tpu.dynamic_gather %get3A_2953[%rev3A_2957] in [0] : vector<16xi32>, vector<16xi32> -> vector<16xi32>
    %broadcast_in_dim3A_2959 = arith.constant true
    %broadcast_in_dim3A_2960 = vector.broadcast %broadcast_in_dim3A_2959 : i1 to vector<16xi1>
    %masked_cumsum3A_2961 = tpu.scan <sum>, %rev3A_2958 masked %broadcast_in_dim3A_2960 : vector<16xi32>, vector<16xi1> -> vector<16xi32>
    %sub3A_2962 = arith.subi %masked_cumsum3A_2961, %rev3A_2958 : vector<16xi32>
    %add3A_2963 = vector.broadcast %add3A_2949 : i32 to vector<16xi32>
    %add3A_2964 = arith.addi %add3A_2963, %sub3A_2962 : vector<16xi32>
    %lt3A_2965 = vector.broadcast %sub3A_2769 : i32 to vector<16xi32>
    %lt3A_2966 = arith.cmpi slt, %add3A_2964, %lt3A_2965 : vector<16xi32>
    %add3A_2967 = vector.broadcast %add3A_2949 : i32 to vector<16xi32>
    %add3A_2968 = arith.addi %add3A_2967, %masked_cumsum3A_2961 : vector<16xi32>
    %ge3A_2969 = vector.broadcast %sub3A_2769 : i32 to vector<16xi32>
    %ge3A_2970 = arith.cmpi sge, %add3A_2968, %ge3A_2969 : vector<16xi32>
    %and3A_2971 = arith.andi %lt3A_2966, %ge3A_2970 : vector<16xi1>
    %sub3A_2972 = arith.constant 223 : i32
    %sub3A_2973 = vector.broadcast %sub3A_2972 : i32 to vector<16xi32>
    %sub3A_2974 = arith.subi %sub3A_2973, %iota3A : vector<16xi32>
    %jit3A_2975 = arith.constant 0 : i32
    %broadcast_in_dim3A_2976 = vector.broadcast %jit3A_2975 : i32 to vector<16xi32>
    %select_n3A_2977 = arith.select %and3A_2971, %sub3A_2974, %broadcast_in_dim3A_2976 : vector<16xi1>, vector<16xi32>
    %reduce_sum3A_2978 = arith.constant true
    %reduce_sum3A_2979 = vector.broadcast %reduce_sum3A_2978 : i1 to vector<16xi1>
    %reduce_sum3A_2980 = tpu.scan <sum>, %select_n3A_2977 masked %reduce_sum3A_2979 : vector<16xi32>, vector<16xi1> -> vector<16xi32>
    %reduce_sum3A_2981 = vector.extract %reduce_sum3A_2980[15] : i32 from vector<16xi32>
    %add3A_2982 = arith.addi %add3A_2934, %reduce_sum3A_2981 : i32
    %add3A_2983 = vector.broadcast %add3A_2949 : i32 to vector<16xi32>
    %add3A_2984 = arith.addi %add3A_2983, %sub3A_2962 : vector<16xi32>
    %jit3A_2985 = arith.constant 0 : i32
    %broadcast_in_dim3A_2986 = vector.broadcast %jit3A_2985 : i32 to vector<16xi32>
    %select_n3A_2987 = arith.select %and3A_2971, %add3A_2984, %broadcast_in_dim3A_2986 : vector<16xi1>, vector<16xi32>
    %reduce_sum3A_2988 = arith.constant true
    %reduce_sum3A_2989 = vector.broadcast %reduce_sum3A_2988 : i1 to vector<16xi1>
    %reduce_sum3A_2990 = tpu.scan <sum>, %select_n3A_2987 masked %reduce_sum3A_2989 : vector<16xi32>, vector<16xi1> -> vector<16xi32>
    %reduce_sum3A_2991 = vector.extract %reduce_sum3A_2990[15] : i32 from vector<16xi32>
    %add3A_2992 = arith.addi %add3A_2944, %reduce_sum3A_2991 : i32
    %reduce_sum3A_2993 = arith.constant true
    %reduce_sum3A_2994 = vector.broadcast %reduce_sum3A_2993 : i1 to vector<16xi1>
    %reduce_sum3A_2995 = tpu.scan <sum>, %get3A_2953 masked %reduce_sum3A_2994 : vector<16xi32>, vector<16xi1> -> vector<16xi32>
    %reduce_sum3A_2996 = vector.extract %reduce_sum3A_2995[15] : i32 from vector<16xi32>
    %add3A_2997 = arith.addi %add3A_2949, %reduce_sum3A_2996 : i32
    %get3A_2998 = arith.constant 12 : i32
    %get3A_2999 = arith.index_cast %get3A_2998 : i32 to index
    %get3A_3000 = arith.constant 0 : index
    %get3A_3001 = tpu.vector_load %arg10[%get3A_2999, %get3A_3000] {strides = array<i32>} : memref<16x16xi32, #tpu.memory_space<vmem>>, vector<16xi32>,
    %rev3A_3002 = arith.constant 15 : i32
    %rev3A_3003 = vector.broadcast %rev3A_3002 : i32 to vector<16xi32>
    %rev3A_3004 = tpu.iota {dimensions = array<i32: 0>} : vector<16xi32>
    %rev3A_3005 = arith.subi %rev3A_3003, %rev3A_3004 : vector<16xi32>
    %rev3A_3006 = tpu.dynamic_gather %get3A_3001[%rev3A_3005] in [0] : vector<16xi32>, vector<16xi32> -> vector<16xi32>
    %broadcast_in_dim3A_3007 = arith.constant true
    %broadcast_in_dim3A_3008 = vector.broadcast %broadcast_in_dim3A_3007 : i1 to vector<16xi1>
    %masked_cumsum3A_3009 = tpu.scan <sum>, %rev3A_3006 masked %broadcast_in_dim3A_3008 : vector<16xi32>, vector<16xi1> -> vector<16xi32>
    %sub3A_3010 = arith.subi %masked_cumsum3A_3009, %rev3A_3006 : vector<16xi32>
    %add3A_3011 = vector.broadcast %add3A_2997 : i32 to vector<16xi32>
    %add3A_3012 = arith.addi %add3A_3011, %sub3A_3010 : vector<16xi32>
    %lt3A_3013 = vector.broadcast %sub3A_2769 : i32 to vector<16xi32>
    %lt3A_3014 = arith.cmpi slt, %add3A_3012, %lt3A_3013 : vector<16xi32>
    %add3A_3015 = vector.broadcast %add3A_2997 : i32 to vector<16xi32>
    %add3A_3016 = arith.addi %add3A_3015, %masked_cumsum3A_3009 : vector<16xi32>
    %ge3A_3017 = vector.broadcast %sub3A_2769 : i32 to vector<16xi32>
    %ge3A_3018 = arith.cmpi sge, %add3A_3016, %ge3A_3017 : vector<16xi32>
    %and3A_3019 = arith.andi %lt3A_3014, %ge3A_3018 : vector<16xi1>
    %sub3A_3020 = arith.constant 207 : i32
    %sub3A_3021 = vector.broadcast %sub3A_3020 : i32 to vector<16xi32>
    %sub3A_3022 = arith.subi %sub3A_3021, %iota3A : vector<16xi32>
    %jit3A_3023 = arith.constant 0 : i32
    %broadcast_in_dim3A_3024 = vector.broadcast %jit3A_3023 : i32 to vector<16xi32>
    %select_n3A_3025 = arith.select %and3A_3019, %sub3A_3022, %broadcast_in_dim3A_3024 : vector<16xi1>, vector<16xi32>
    %reduce_sum3A_3026 = arith.constant true
    %reduce_sum3A_3027 = vector.broadcast %reduce_sum3A_3026 : i1 to vector<16xi1>
    %reduce_sum3A_3028 = tpu.scan <sum>, %select_n3A_3025 masked %reduce_sum3A_3027 : vector<16xi32>, vector<16xi1> -> vector<16xi32>
    %reduce_sum3A_3029 = vector.extract %reduce_sum3A_3028[15] : i32 from vector<16xi32>
    %add3A_3030 = arith.addi %add3A_2982, %reduce_sum3A_3029 : i32
    %add3A_3031 = vector.broadcast %add3A_2997 : i32 to vector<16xi32>
    %add3A_3032 = arith.addi %add3A_3031, %sub3A_3010 : vector<16xi32>
    %jit3A_3033 = arith.constant 0 : i32
    %broadcast_in_dim3A_3034 = vector.broadcast %jit3A_3033 : i32 to vector<16xi32>
    %select_n3A_3035 = arith.select %and3A_3019, %add3A_3032, %broadcast_in_dim3A_3034 : vector<16xi1>, vector<16xi32>
    %reduce_sum3A_3036 = arith.constant true
    %reduce_sum3A_3037 = vector.broadcast %reduce_sum3A_3036 : i1 to vector<16xi1>
    %reduce_sum3A_3038 = tpu.scan <sum>, %select_n3A_3035 masked %reduce_sum3A_3037 : vector<16xi32>, vector<16xi1> -> vector<16xi32>
    %reduce_sum3A_3039 = vector.extract %reduce_sum3A_3038[15] : i32 from vector<16xi32>
    %add3A_3040 = arith.addi %add3A_2992, %reduce_sum3A_3039 : i32
    %reduce_sum3A_3041 = arith.constant true
    %reduce_sum3A_3042 = vector.broadcast %reduce_sum3A_3041 : i1 to vector<16xi1>
    %reduce_sum3A_3043 = tpu.scan <sum>, %get3A_3001 masked %reduce_sum3A_3042 : vector<16xi32>, vector<16xi1> -> vector<16xi32>
    %reduce_sum3A_3044 = vector.extract %reduce_sum3A_3043[15] : i32 from vector<16xi32>
    %add3A_3045 = arith.addi %add3A_2997, %reduce_sum3A_3044 : i32
    %get3A_3046 = arith.constant 11 : i32
    %get3A_3047 = arith.index_cast %get3A_3046 : i32 to index
    %get3A_3048 = arith.constant 0 : index
    %get3A_3049 = tpu.vector_load %arg10[%get3A_3047, %get3A_3048] {strides = array<i32>} : memref<16x16xi32, #tpu.memory_space<vmem>>, vector<16xi32>,
    %rev3A_3050 = arith.constant 15 : i32
    %rev3A_3051 = vector.broadcast %rev3A_3050 : i32 to vector<16xi32>
    %rev3A_3052 = tpu.iota {dimensions = array<i32: 0>} : vector<16xi32>
    %rev3A_3053 = arith.subi %rev3A_3051, %rev3A_3052 : vector<16xi32>
    %rev3A_3054 = tpu.dynamic_gather %get3A_3049[%rev3A_3053] in [0] : vector<16xi32>, vector<16xi32> -> vector<16xi32>
    %broadcast_in_dim3A_3055 = arith.constant true
    %broadcast_in_dim3A_3056 = vector.broadcast %broadcast_in_dim3A_3055 : i1 to vector<16xi1>
    %masked_cumsum3A_3057 = tpu.scan <sum>, %rev3A_3054 masked %broadcast_in_dim3A_3056 : vector<16xi32>, vector<16xi1> -> vector<16xi32>
    %sub3A_3058 = arith.subi %masked_cumsum3A_3057, %rev3A_3054 : vector<16xi32>
    %add3A_3059 = vector.broadcast %add3A_3045 : i32 to vector<16xi32>
    %add3A_3060 = arith.addi %add3A_3059, %sub3A_3058 : vector<16xi32>
    %lt3A_3061 = vector.broadcast %sub3A_2769 : i32 to vector<16xi32>
    %lt3A_3062 = arith.cmpi slt, %add3A_3060, %lt3A_3061 : vector<16xi32>
    %add3A_3063 = vector.broadcast %add3A_3045 : i32 to vector<16xi32>
    %add3A_3064 = arith.addi %add3A_3063, %masked_cumsum3A_3057 : vector<16xi32>
    %ge3A_3065 = vector.broadcast %sub3A_2769 : i32 to vector<16xi32>
    %ge3A_3066 = arith.cmpi sge, %add3A_3064, %ge3A_3065 : vector<16xi32>
    %and3A_3067 = arith.andi %lt3A_3062, %ge3A_3066 : vector<16xi1>
    %sub3A_3068 = arith.constant 191 : i32
    %sub3A_3069 = vector.broadcast %sub3A_3068 : i32 to vector<16xi32>
    %sub3A_3070 = arith.subi %sub3A_3069, %iota3A : vector<16xi32>
    %jit3A_3071 = arith.constant 0 : i32
    %broadcast_in_dim3A_3072 = vector.broadcast %jit3A_3071 : i32 to vector<16xi32>
    %select_n3A_3073 = arith.select %and3A_3067, %sub3A_3070, %broadcast_in_dim3A_3072 : vector<16xi1>, vector<16xi32>
    %reduce_sum3A_3074 = arith.constant true
    %reduce_sum3A_3075 = vector.broadcast %reduce_sum3A_3074 : i1 to vector<16xi1>
    %reduce_sum3A_3076 = tpu.scan <sum>, %select_n3A_3073 masked %reduce_sum3A_3075 : vector<16xi32>, vector<16xi1> -> vector<16xi32>
    %reduce_sum3A_3077 = vector.extract %reduce_sum3A_3076[15] : i32 from vector<16xi32>
    %add3A_3078 = arith.addi %add3A_3030, %reduce_sum3A_3077 : i32
    %add3A_3079 = vector.broadcast %add3A_3045 : i32 to vector<16xi32>
    %add3A_3080 = arith.addi %add3A_3079, %sub3A_3058 : vector<16xi32>
    %jit3A_3081 = arith.constant 0 : i32
    %broadcast_in_dim3A_3082 = vector.broadcast %jit3A_3081 : i32 to vector<16xi32>
    %select_n3A_3083 = arith.select %and3A_3067, %add3A_3080, %broadcast_in_dim3A_3082 : vector<16xi1>, vector<16xi32>
    %reduce_sum3A_3084 = arith.constant true
    %reduce_sum3A_3085 = vector.broadcast %reduce_sum3A_3084 : i1 to vector<16xi1>
    %reduce_sum3A_3086 = tpu.scan <sum>, %select_n3A_3083 masked %reduce_sum3A_3085 : vector<16xi32>, vector<16xi1> -> vector<16xi32>
    %reduce_sum3A_3087 = vector.extract %reduce_sum3A_3086[15] : i32 from vector<16xi32>
    %add3A_3088 = arith.addi %add3A_3040, %reduce_sum3A_3087 : i32
    %reduce_sum3A_3089 = arith.constant true
    %reduce_sum3A_3090 = vector.broadcast %reduce_sum3A_3089 : i1 to vector<16xi1>
    %reduce_sum3A_3091 = tpu.scan <sum>, %get3A_3049 masked %reduce_sum3A_3090 : vector<16xi32>, vector<16xi1> -> vector<16xi32>
    %reduce_sum3A_3092 = vector.extract %reduce_sum3A_3091[15] : i32 from vector<16xi32>
    %add3A_3093 = arith.addi %add3A_3045, %reduce_sum3A_3092 : i32
    %get3A_3094 = arith.constant 10 : i32
    %get3A_3095 = arith.index_cast %get3A_3094 : i32 to index
    %get3A_3096 = arith.constant 0 : index
    %get3A_3097 = tpu.vector_load %arg10[%get3A_3095, %get3A_3096] {strides = array<i32>} : memref<16x16xi32, #tpu.memory_space<vmem>>, vector<16xi32>,
    %rev3A_3098 = arith.constant 15 : i32
    %rev3A_3099 = vector.broadcast %rev3A_3098 : i32 to vector<16xi32>
    %rev3A_3100 = tpu.iota {dimensions = array<i32: 0>} : vector<16xi32>
    %rev3A_3101 = arith.subi %rev3A_3099, %rev3A_3100 : vector<16xi32>
    %rev3A_3102 = tpu.dynamic_gather %get3A_3097[%rev3A_3101] in [0] : vector<16xi32>, vector<16xi32> -> vector<16xi32>
    %broadcast_in_dim3A_3103 = arith.constant true
    %broadcast_in_dim3A_3104 = vector.broadcast %broadcast_in_dim3A_3103 : i1 to vector<16xi1>
    %masked_cumsum3A_3105 = tpu.scan <sum>, %rev3A_3102 masked %broadcast_in_dim3A_3104 : vector<16xi32>, vector<16xi1> -> vector<16xi32>
    %sub3A_3106 = arith.subi %masked_cumsum3A_3105, %rev3A_3102 : vector<16xi32>
    %add3A_3107 = vector.broadcast %add3A_3093 : i32 to vector<16xi32>
    %add3A_3108 = arith.addi %add3A_3107, %sub3A_3106 : vector<16xi32>
    %lt3A_3109 = vector.broadcast %sub3A_2769 : i32 to vector<16xi32>
    %lt3A_3110 = arith.cmpi slt, %add3A_3108, %lt3A_3109 : vector<16xi32>
    %add3A_3111 = vector.broadcast %add3A_3093 : i32 to vector<16xi32>
    %add3A_3112 = arith.addi %add3A_3111, %masked_cumsum3A_3105 : vector<16xi32>
    %ge3A_3113 = vector.broadcast %sub3A_2769 : i32 to vector<16xi32>
    %ge3A_3114 = arith.cmpi sge, %add3A_3112, %ge3A_3113 : vector<16xi32>
    %and3A_3115 = arith.andi %lt3A_3110, %ge3A_3114 : vector<16xi1>
    %sub3A_3116 = arith.constant 175 : i32
    %sub3A_3117 = vector.broadcast %sub3A_3116 : i32 to vector<16xi32>
    %sub3A_3118 = arith.subi %sub3A_3117, %iota3A : vector<16xi32>
    %jit3A_3119 = arith.constant 0 : i32
    %broadcast_in_dim3A_3120 = vector.broadcast %jit3A_3119 : i32 to vector<16xi32>
    %select_n3A_3121 = arith.select %and3A_3115, %sub3A_3118, %broadcast_in_dim3A_3120 : vector<16xi1>, vector<16xi32>
    %reduce_sum3A_3122 = arith.constant true
    %reduce_sum3A_3123 = vector.broadcast %reduce_sum3A_3122 : i1 to vector<16xi1>
    %reduce_sum3A_3124 = tpu.scan <sum>, %select_n3A_3121 masked %reduce_sum3A_3123 : vector<16xi32>, vector<16xi1> -> vector<16xi32>
    %reduce_sum3A_3125 = vector.extract %reduce_sum3A_3124[15] : i32 from vector<16xi32>
    %add3A_3126 = arith.addi %add3A_3078, %reduce_sum3A_3125 : i32
    %add3A_3127 = vector.broadcast %add3A_3093 : i32 to vector<16xi32>
    %add3A_3128 = arith.addi %add3A_3127, %sub3A_3106 : vector<16xi32>
    %jit3A_3129 = arith.constant 0 : i32
    %broadcast_in_dim3A_3130 = vector.broadcast %jit3A_3129 : i32 to vector<16xi32>
    %select_n3A_3131 = arith.select %and3A_3115, %add3A_3128, %broadcast_in_dim3A_3130 : vector<16xi1>, vector<16xi32>
    %reduce_sum3A_3132 = arith.constant true
    %reduce_sum3A_3133 = vector.broadcast %reduce_sum3A_3132 : i1 to vector<16xi1>
    %reduce_sum3A_3134 = tpu.scan <sum>, %select_n3A_3131 masked %reduce_sum3A_3133 : vector<16xi32>, vector<16xi1> -> vector<16xi32>
    %reduce_sum3A_3135 = vector.extract %reduce_sum3A_3134[15] : i32 from vector<16xi32>
    %add3A_3136 = arith.addi %add3A_3088, %reduce_sum3A_3135 : i32
    %reduce_sum3A_3137 = arith.constant true
    %reduce_sum3A_3138 = vector.broadcast %reduce_sum3A_3137 : i1 to vector<16xi1>
    %reduce_sum3A_3139 = tpu.scan <sum>, %get3A_3097 masked %reduce_sum3A_3138 : vector<16xi32>, vector<16xi1> -> vector<16xi32>
    %reduce_sum3A_3140 = vector.extract %reduce_sum3A_3139[15] : i32 from vector<16xi32>
    %add3A_3141 = arith.addi %add3A_3093, %reduce_sum3A_3140 : i32
    %get3A_3142 = arith.constant 9 : i32
    %get3A_3143 = arith.index_cast %get3A_3142 : i32 to index
    %get3A_3144 = arith.constant 0 : index
    %get3A_3145 = tpu.vector_load %arg10[%get3A_3143, %get3A_3144] {strides = array<i32>} : memref<16x16xi32, #tpu.memory_space<vmem>>, vector<16xi32>,
    %rev3A_3146 = arith.constant 15 : i32
    %rev3A_3147 = vector.broadcast %rev3A_3146 : i32 to vector<16xi32>
    %rev3A_3148 = tpu.iota {dimensions = array<i32: 0>} : vector<16xi32>
    %rev3A_3149 = arith.subi %rev3A_3147, %rev3A_3148 : vector<16xi32>
    %rev3A_3150 = tpu.dynamic_gather %get3A_3145[%rev3A_3149] in [0] : vector<16xi32>, vector<16xi32> -> vector<16xi32>
    %broadcast_in_dim3A_3151 = arith.constant true
    %broadcast_in_dim3A_3152 = vector.broadcast %broadcast_in_dim3A_3151 : i1 to vector<16xi1>
    %masked_cumsum3A_3153 = tpu.scan <sum>, %rev3A_3150 masked %broadcast_in_dim3A_3152 : vector<16xi32>, vector<16xi1> -> vector<16xi32>
    %sub3A_3154 = arith.subi %masked_cumsum3A_3153, %rev3A_3150 : vector<16xi32>
    %add3A_3155 = vector.broadcast %add3A_3141 : i32 to vector<16xi32>
    %add3A_3156 = arith.addi %add3A_3155, %sub3A_3154 : vector<16xi32>
    %lt3A_3157 = vector.broadcast %sub3A_2769 : i32 to vector<16xi32>
    %lt3A_3158 = arith.cmpi slt, %add3A_3156, %lt3A_3157 : vector<16xi32>
    %add3A_3159 = vector.broadcast %add3A_3141 : i32 to vector<16xi32>
    %add3A_3160 = arith.addi %add3A_3159, %masked_cumsum3A_3153 : vector<16xi32>
    %ge3A_3161 = vector.broadcast %sub3A_2769 : i32 to vector<16xi32>
    %ge3A_3162 = arith.cmpi sge, %add3A_3160, %ge3A_3161 : vector<16xi32>
    %and3A_3163 = arith.andi %lt3A_3158, %ge3A_3162 : vector<16xi1>
    %sub3A_3164 = arith.constant 159 : i32
    %sub3A_3165 = vector.broadcast %sub3A_3164 : i32 to vector<16xi32>
    %sub3A_3166 = arith.subi %sub3A_3165, %iota3A : vector<16xi32>
    %jit3A_3167 = arith.constant 0 : i32
    %broadcast_in_dim3A_3168 = vector.broadcast %jit3A_3167 : i32 to vector<16xi32>
    %select_n3A_3169 = arith.select %and3A_3163, %sub3A_3166, %broadcast_in_dim3A_3168 : vector<16xi1>, vector<16xi32>
    %reduce_sum3A_3170 = arith.constant true
    %reduce_sum3A_3171 = vector.broadcast %reduce_sum3A_3170 : i1 to vector<16xi1>
    %reduce_sum3A_3172 = tpu.scan <sum>, %select_n3A_3169 masked %reduce_sum3A_3171 : vector<16xi32>, vector<16xi1> -> vector<16xi32>
    %reduce_sum3A_3173 = vector.extract %reduce_sum3A_3172[15] : i32 from vector<16xi32>
    %add3A_3174 = arith.addi %add3A_3126, %reduce_sum3A_3173 : i32
    %add3A_3175 = vector.broadcast %add3A_3141 : i32 to vector<16xi32>
    %add3A_3176 = arith.addi %add3A_3175, %sub3A_3154 : vector<16xi32>
    %jit3A_3177 = arith.constant 0 : i32
    %broadcast_in_dim3A_3178 = vector.broadcast %jit3A_3177 : i32 to vector<16xi32>
    %select_n3A_3179 = arith.select %and3A_3163, %add3A_3176, %broadcast_in_dim3A_3178 : vector<16xi1>, vector<16xi32>
    %reduce_sum3A_3180 = arith.constant true
    %reduce_sum3A_3181 = vector.broadcast %reduce_sum3A_3180 : i1 to vector<16xi1>
    %reduce_sum3A_3182 = tpu.scan <sum>, %select_n3A_3179 masked %reduce_sum3A_3181 : vector<16xi32>, vector<16xi1> -> vector<16xi32>
    %reduce_sum3A_3183 = vector.extract %reduce_sum3A_3182[15] : i32 from vector<16xi32>
    %add3A_3184 = arith.addi %add3A_3136, %reduce_sum3A_3183 : i32
    %reduce_sum3A_3185 = arith.constant true
    %reduce_sum3A_3186 = vector.broadcast %reduce_sum3A_3185 : i1 to vector<16xi1>
    %reduce_sum3A_3187 = tpu.scan <sum>, %get3A_3145 masked %reduce_sum3A_3186 : vector<16xi32>, vector<16xi1> -> vector<16xi32>
    %reduce_sum3A_3188 = vector.extract %reduce_sum3A_3187[15] : i32 from vector<16xi32>
    %add3A_3189 = arith.addi %add3A_3141, %reduce_sum3A_3188 : i32
    %get3A_3190 = arith.constant 8 : i32
    %get3A_3191 = arith.index_cast %get3A_3190 : i32 to index
    %get3A_3192 = arith.constant 0 : index
    %get3A_3193 = tpu.vector_load %arg10[%get3A_3191, %get3A_3192] {strides = array<i32>} : memref<16x16xi32, #tpu.memory_space<vmem>>, vector<16xi32>,
    %rev3A_3194 = arith.constant 15 : i32
    %rev3A_3195 = vector.broadcast %rev3A_3194 : i32 to vector<16xi32>
    %rev3A_3196 = tpu.iota {dimensions = array<i32: 0>} : vector<16xi32>
    %rev3A_3197 = arith.subi %rev3A_3195, %rev3A_3196 : vector<16xi32>
    %rev3A_3198 = tpu.dynamic_gather %get3A_3193[%rev3A_3197] in [0] : vector<16xi32>, vector<16xi32> -> vector<16xi32>
    %broadcast_in_dim3A_3199 = arith.constant true
    %broadcast_in_dim3A_3200 = vector.broadcast %broadcast_in_dim3A_3199 : i1 to vector<16xi1>
    %masked_cumsum3A_3201 = tpu.scan <sum>, %rev3A_3198 masked %broadcast_in_dim3A_3200 : vector<16xi32>, vector<16xi1> -> vector<16xi32>
    %sub3A_3202 = arith.subi %masked_cumsum3A_3201, %rev3A_3198 : vector<16xi32>
    %add3A_3203 = vector.broadcast %add3A_3189 : i32 to vector<16xi32>
    %add3A_3204 = arith.addi %add3A_3203, %sub3A_3202 : vector<16xi32>
    %lt3A_3205 = vector.broadcast %sub3A_2769 : i32 to vector<16xi32>
    %lt3A_3206 = arith.cmpi slt, %add3A_3204, %lt3A_3205 : vector<16xi32>
    %add3A_3207 = vector.broadcast %add3A_3189 : i32 to vector<16xi32>
    %add3A_3208 = arith.addi %add3A_3207, %masked_cumsum3A_3201 : vector<16xi32>
    %ge3A_3209 = vector.broadcast %sub3A_2769 : i32 to vector<16xi32>
    %ge3A_3210 = arith.cmpi sge, %add3A_3208, %ge3A_3209 : vector<16xi32>
    %and3A_3211 = arith.andi %lt3A_3206, %ge3A_3210 : vector<16xi1>
    %sub3A_3212 = arith.constant 143 : i32
    %sub3A_3213 = vector.broadcast %sub3A_3212 : i32 to vector<16xi32>
    %sub3A_3214 = arith.subi %sub3A_3213, %iota3A : vector<16xi32>
    %jit3A_3215 = arith.constant 0 : i32
    %broadcast_in_dim3A_3216 = vector.broadcast %jit3A_3215 : i32 to vector<16xi32>
    %select_n3A_3217 = arith.select %and3A_3211, %sub3A_3214, %broadcast_in_dim3A_3216 : vector<16xi1>, vector<16xi32>
    %reduce_sum3A_3218 = arith.constant true
    %reduce_sum3A_3219 = vector.broadcast %reduce_sum3A_3218 : i1 to vector<16xi1>
    %reduce_sum3A_3220 = tpu.scan <sum>, %select_n3A_3217 masked %reduce_sum3A_3219 : vector<16xi32>, vector<16xi1> -> vector<16xi32>
    %reduce_sum3A_3221 = vector.extract %reduce_sum3A_3220[15] : i32 from vector<16xi32>
    %add3A_3222 = arith.addi %add3A_3174, %reduce_sum3A_3221 : i32
    %add3A_3223 = vector.broadcast %add3A_3189 : i32 to vector<16xi32>
    %add3A_3224 = arith.addi %add3A_3223, %sub3A_3202 : vector<16xi32>
    %jit3A_3225 = arith.constant 0 : i32
    %broadcast_in_dim3A_3226 = vector.broadcast %jit3A_3225 : i32 to vector<16xi32>
    %select_n3A_3227 = arith.select %and3A_3211, %add3A_3224, %broadcast_in_dim3A_3226 : vector<16xi1>, vector<16xi32>
    %reduce_sum3A_3228 = arith.constant true
    %reduce_sum3A_3229 = vector.broadcast %reduce_sum3A_3228 : i1 to vector<16xi1>
    %reduce_sum3A_3230 = tpu.scan <sum>, %select_n3A_3227 masked %reduce_sum3A_3229 : vector<16xi32>, vector<16xi1> -> vector<16xi32>
    %reduce_sum3A_3231 = vector.extract %reduce_sum3A_3230[15] : i32 from vector<16xi32>
    %add3A_3232 = arith.addi %add3A_3184, %reduce_sum3A_3231 : i32
    %reduce_sum3A_3233 = arith.constant true
    %reduce_sum3A_3234 = vector.broadcast %reduce_sum3A_3233 : i1 to vector<16xi1>
    %reduce_sum3A_3235 = tpu.scan <sum>, %get3A_3193 masked %reduce_sum3A_3234 : vector<16xi32>, vector<16xi1> -> vector<16xi32>
    %reduce_sum3A_3236 = vector.extract %reduce_sum3A_3235[15] : i32 from vector<16xi32>
    %add3A_3237 = arith.addi %add3A_3189, %reduce_sum3A_3236 : i32
    %get3A_3238 = arith.constant 7 : i32
    %get3A_3239 = arith.index_cast %get3A_3238 : i32 to index
    %get3A_3240 = arith.constant 0 : index
    %get3A_3241 = tpu.vector_load %arg10[%get3A_3239, %get3A_3240] {strides = array<i32>} : memref<16x16xi32, #tpu.memory_space<vmem>>, vector<16xi32>,
    %rev3A_3242 = arith.constant 15 : i32
    %rev3A_3243 = vector.broadcast %rev3A_3242 : i32 to vector<16xi32>
    %rev3A_3244 = tpu.iota {dimensions = array<i32: 0>} : vector<16xi32>
    %rev3A_3245 = arith.subi %rev3A_3243, %rev3A_3244 : vector<16xi32>
    %rev3A_3246 = tpu.dynamic_gather %get3A_3241[%rev3A_3245] in [0] : vector<16xi32>, vector<16xi32> -> vector<16xi32>
    %broadcast_in_dim3A_3247 = arith.constant true
    %broadcast_in_dim3A_3248 = vector.broadcast %broadcast_in_dim3A_3247 : i1 to vector<16xi1>
    %masked_cumsum3A_3249 = tpu.scan <sum>, %rev3A_3246 masked %broadcast_in_dim3A_3248 : vector<16xi32>, vector<16xi1> -> vector<16xi32>
    %sub3A_3250 = arith.subi %masked_cumsum3A_3249, %rev3A_3246 : vector<16xi32>
    %add3A_3251 = vector.broadcast %add3A_3237 : i32 to vector<16xi32>
    %add3A_3252 = arith.addi %add3A_3251, %sub3A_3250 : vector<16xi32>
    %lt3A_3253 = vector.broadcast %sub3A_2769 : i32 to vector<16xi32>
    %lt3A_3254 = arith.cmpi slt, %add3A_3252, %lt3A_3253 : vector<16xi32>
    %add3A_3255 = vector.broadcast %add3A_3237 : i32 to vector<16xi32>
    %add3A_3256 = arith.addi %add3A_3255, %masked_cumsum3A_3249 : vector<16xi32>
    %ge3A_3257 = vector.broadcast %sub3A_2769 : i32 to vector<16xi32>
    %ge3A_3258 = arith.cmpi sge, %add3A_3256, %ge3A_3257 : vector<16xi32>
    %and3A_3259 = arith.andi %lt3A_3254, %ge3A_3258 : vector<16xi1>
    %sub3A_3260 = arith.constant 127 : i32
    %sub3A_3261 = vector.broadcast %sub3A_3260 : i32 to vector<16xi32>
    %sub3A_3262 = arith.subi %sub3A_3261, %iota3A : vector<16xi32>
    %jit3A_3263 = arith.constant 0 : i32
    %broadcast_in_dim3A_3264 = vector.broadcast %jit3A_3263 : i32 to vector<16xi32>
    %select_n3A_3265 = arith.select %and3A_3259, %sub3A_3262, %broadcast_in_dim3A_3264 : vector<16xi1>, vector<16xi32>
    %reduce_sum3A_3266 = arith.constant true
    %reduce_sum3A_3267 = vector.broadcast %reduce_sum3A_3266 : i1 to vector<16xi1>
    %reduce_sum3A_3268 = tpu.scan <sum>, %select_n3A_3265 masked %reduce_sum3A_3267 : vector<16xi32>, vector<16xi1> -> vector<16xi32>
    %reduce_sum3A_3269 = vector.extract %reduce_sum3A_3268[15] : i32 from vector<16xi32>
    %add3A_3270 = arith.addi %add3A_3222, %reduce_sum3A_3269 : i32
    %add3A_3271 = vector.broadcast %add3A_3237 : i32 to vector<16xi32>
    %add3A_3272 = arith.addi %add3A_3271, %sub3A_3250 : vector<16xi32>
    %jit3A_3273 = arith.constant 0 : i32
    %broadcast_in_dim3A_3274 = vector.broadcast %jit3A_3273 : i32 to vector<16xi32>
    %select_n3A_3275 = arith.select %and3A_3259, %add3A_3272, %broadcast_in_dim3A_3274 : vector<16xi1>, vector<16xi32>
    %reduce_sum3A_3276 = arith.constant true
    %reduce_sum3A_3277 = vector.broadcast %reduce_sum3A_3276 : i1 to vector<16xi1>
    %reduce_sum3A_3278 = tpu.scan <sum>, %select_n3A_3275 masked %reduce_sum3A_3277 : vector<16xi32>, vector<16xi1> -> vector<16xi32>
    %reduce_sum3A_3279 = vector.extract %reduce_sum3A_3278[15] : i32 from vector<16xi32>
    %add3A_3280 = arith.addi %add3A_3232, %reduce_sum3A_3279 : i32
    %reduce_sum3A_3281 = arith.constant true
    %reduce_sum3A_3282 = vector.broadcast %reduce_sum3A_3281 : i1 to vector<16xi1>
    %reduce_sum3A_3283 = tpu.scan <sum>, %get3A_3241 masked %reduce_sum3A_3282 : vector<16xi32>, vector<16xi1> -> vector<16xi32>
    %reduce_sum3A_3284 = vector.extract %reduce_sum3A_3283[15] : i32 from vector<16xi32>
    %add3A_3285 = arith.addi %add3A_3237, %reduce_sum3A_3284 : i32
    %get3A_3286 = arith.constant 6 : i32
    %get3A_3287 = arith.index_cast %get3A_3286 : i32 to index
    %get3A_3288 = arith.constant 0 : index
    %get3A_3289 = tpu.vector_load %arg10[%get3A_3287, %get3A_3288] {strides = array<i32>} : memref<16x16xi32, #tpu.memory_space<vmem>>, vector<16xi32>,
    %rev3A_3290 = arith.constant 15 : i32
    %rev3A_3291 = vector.broadcast %rev3A_3290 : i32 to vector<16xi32>
    %rev3A_3292 = tpu.iota {dimensions = array<i32: 0>} : vector<16xi32>
    %rev3A_3293 = arith.subi %rev3A_3291, %rev3A_3292 : vector<16xi32>
    %rev3A_3294 = tpu.dynamic_gather %get3A_3289[%rev3A_3293] in [0] : vector<16xi32>, vector<16xi32> -> vector<16xi32>
    %broadcast_in_dim3A_3295 = arith.constant true
    %broadcast_in_dim3A_3296 = vector.broadcast %broadcast_in_dim3A_3295 : i1 to vector<16xi1>
    %masked_cumsum3A_3297 = tpu.scan <sum>, %rev3A_3294 masked %broadcast_in_dim3A_3296 : vector<16xi32>, vector<16xi1> -> vector<16xi32>
    %sub3A_3298 = arith.subi %masked_cumsum3A_3297, %rev3A_3294 : vector<16xi32>
    %add3A_3299 = vector.broadcast %add3A_3285 : i32 to vector<16xi32>
    %add3A_3300 = arith.addi %add3A_3299, %sub3A_3298 : vector<16xi32>
    %lt3A_3301 = vector.broadcast %sub3A_2769 : i32 to vector<16xi32>
    %lt3A_3302 = arith.cmpi slt, %add3A_3300, %lt3A_3301 : vector<16xi32>
    %add3A_3303 = vector.broadcast %add3A_3285 : i32 to vector<16xi32>
    %add3A_3304 = arith.addi %add3A_3303, %masked_cumsum3A_3297 : vector<16xi32>
    %ge3A_3305 = vector.broadcast %sub3A_2769 : i32 to vector<16xi32>
    %ge3A_3306 = arith.cmpi sge, %add3A_3304, %ge3A_3305 : vector<16xi32>
    %and3A_3307 = arith.andi %lt3A_3302, %ge3A_3306 : vector<16xi1>
    %sub3A_3308 = arith.constant 111 : i32
    %sub3A_3309 = vector.broadcast %sub3A_3308 : i32 to vector<16xi32>
    %sub3A_3310 = arith.subi %sub3A_3309, %iota3A : vector<16xi32>
    %jit3A_3311 = arith.constant 0 : i32
    %broadcast_in_dim3A_3312 = vector.broadcast %jit3A_3311 : i32 to vector<16xi32>
    %select_n3A_3313 = arith.select %and3A_3307, %sub3A_3310, %broadcast_in_dim3A_3312 : vector<16xi1>, vector<16xi32>
    %reduce_sum3A_3314 = arith.constant true
    %reduce_sum3A_3315 = vector.broadcast %reduce_sum3A_3314 : i1 to vector<16xi1>
    %reduce_sum3A_3316 = tpu.scan <sum>, %select_n3A_3313 masked %reduce_sum3A_3315 : vector<16xi32>, vector<16xi1> -> vector<16xi32>
    %reduce_sum3A_3317 = vector.extract %reduce_sum3A_3316[15] : i32 from vector<16xi32>
    %add3A_3318 = arith.addi %add3A_3270, %reduce_sum3A_3317 : i32
    %add3A_3319 = vector.broadcast %add3A_3285 : i32 to vector<16xi32>
    %add3A_3320 = arith.addi %add3A_3319, %sub3A_3298 : vector<16xi32>
    %jit3A_3321 = arith.constant 0 : i32
    %broadcast_in_dim3A_3322 = vector.broadcast %jit3A_3321 : i32 to vector<16xi32>
    %select_n3A_3323 = arith.select %and3A_3307, %add3A_3320, %broadcast_in_dim3A_3322 : vector<16xi1>, vector<16xi32>
    %reduce_sum3A_3324 = arith.constant true
    %reduce_sum3A_3325 = vector.broadcast %reduce_sum3A_3324 : i1 to vector<16xi1>
    %reduce_sum3A_3326 = tpu.scan <sum>, %select_n3A_3323 masked %reduce_sum3A_3325 : vector<16xi32>, vector<16xi1> -> vector<16xi32>
    %reduce_sum3A_3327 = vector.extract %reduce_sum3A_3326[15] : i32 from vector<16xi32>
    %add3A_3328 = arith.addi %add3A_3280, %reduce_sum3A_3327 : i32
    %reduce_sum3A_3329 = arith.constant true
    %reduce_sum3A_3330 = vector.broadcast %reduce_sum3A_3329 : i1 to vector<16xi1>
    %reduce_sum3A_3331 = tpu.scan <sum>, %get3A_3289 masked %reduce_sum3A_3330 : vector<16xi32>, vector<16xi1> -> vector<16xi32>
    %reduce_sum3A_3332 = vector.extract %reduce_sum3A_3331[15] : i32 from vector<16xi32>
    %add3A_3333 = arith.addi %add3A_3285, %reduce_sum3A_3332 : i32
    %get3A_3334 = arith.constant 5 : i32
    %get3A_3335 = arith.index_cast %get3A_3334 : i32 to index
    %get3A_3336 = arith.constant 0 : index
    %get3A_3337 = tpu.vector_load %arg10[%get3A_3335, %get3A_3336] {strides = array<i32>} : memref<16x16xi32, #tpu.memory_space<vmem>>, vector<16xi32>,
    %rev3A_3338 = arith.constant 15 : i32
    %rev3A_3339 = vector.broadcast %rev3A_3338 : i32 to vector<16xi32>
    %rev3A_3340 = tpu.iota {dimensions = array<i32: 0>} : vector<16xi32>
    %rev3A_3341 = arith.subi %rev3A_3339, %rev3A_3340 : vector<16xi32>
    %rev3A_3342 = tpu.dynamic_gather %get3A_3337[%rev3A_3341] in [0] : vector<16xi32>, vector<16xi32> -> vector<16xi32>
    %broadcast_in_dim3A_3343 = arith.constant true
    %broadcast_in_dim3A_3344 = vector.broadcast %broadcast_in_dim3A_3343 : i1 to vector<16xi1>
    %masked_cumsum3A_3345 = tpu.scan <sum>, %rev3A_3342 masked %broadcast_in_dim3A_3344 : vector<16xi32>, vector<16xi1> -> vector<16xi32>
    %sub3A_3346 = arith.subi %masked_cumsum3A_3345, %rev3A_3342 : vector<16xi32>
    %add3A_3347 = vector.broadcast %add3A_3333 : i32 to vector<16xi32>
    %add3A_3348 = arith.addi %add3A_3347, %sub3A_3346 : vector<16xi32>
    %lt3A_3349 = vector.broadcast %sub3A_2769 : i32 to vector<16xi32>
    %lt3A_3350 = arith.cmpi slt, %add3A_3348, %lt3A_3349 : vector<16xi32>
    %add3A_3351 = vector.broadcast %add3A_3333 : i32 to vector<16xi32>
    %add3A_3352 = arith.addi %add3A_3351, %masked_cumsum3A_3345 : vector<16xi32>
    %ge3A_3353 = vector.broadcast %sub3A_2769 : i32 to vector<16xi32>
    %ge3A_3354 = arith.cmpi sge, %add3A_3352, %ge3A_3353 : vector<16xi32>
    %and3A_3355 = arith.andi %lt3A_3350, %ge3A_3354 : vector<16xi1>
    %sub3A_3356 = arith.constant 95 : i32
    %sub3A_3357 = vector.broadcast %sub3A_3356 : i32 to vector<16xi32>
    %sub3A_3358 = arith.subi %sub3A_3357, %iota3A : vector<16xi32>
    %jit3A_3359 = arith.constant 0 : i32
    %broadcast_in_dim3A_3360 = vector.broadcast %jit3A_3359 : i32 to vector<16xi32>
    %select_n3A_3361 = arith.select %and3A_3355, %sub3A_3358, %broadcast_in_dim3A_3360 : vector<16xi1>, vector<16xi32>
    %reduce_sum3A_3362 = arith.constant true
    %reduce_sum3A_3363 = vector.broadcast %reduce_sum3A_3362 : i1 to vector<16xi1>
    %reduce_sum3A_3364 = tpu.scan <sum>, %select_n3A_3361 masked %reduce_sum3A_3363 : vector<16xi32>, vector<16xi1> -> vector<16xi32>
    %reduce_sum3A_3365 = vector.extract %reduce_sum3A_3364[15] : i32 from vector<16xi32>
    %add3A_3366 = arith.addi %add3A_3318, %reduce_sum3A_3365 : i32
    %add3A_3367 = vector.broadcast %add3A_3333 : i32 to vector<16xi32>
    %add3A_3368 = arith.addi %add3A_3367, %sub3A_3346 : vector<16xi32>
    %jit3A_3369 = arith.constant 0 : i32
    %broadcast_in_dim3A_3370 = vector.broadcast %jit3A_3369 : i32 to vector<16xi32>
    %select_n3A_3371 = arith.select %and3A_3355, %add3A_3368, %broadcast_in_dim3A_3370 : vector<16xi1>, vector<16xi32>
    %reduce_sum3A_3372 = arith.constant true
    %reduce_sum3A_3373 = vector.broadcast %reduce_sum3A_3372 : i1 to vector<16xi1>
    %reduce_sum3A_3374 = tpu.scan <sum>, %select_n3A_3371 masked %reduce_sum3A_3373 : vector<16xi32>, vector<16xi1> -> vector<16xi32>
    %reduce_sum3A_3375 = vector.extract %reduce_sum3A_3374[15] : i32 from vector<16xi32>
    %add3A_3376 = arith.addi %add3A_3328, %reduce_sum3A_3375 : i32
    %reduce_sum3A_3377 = arith.constant true
    %reduce_sum3A_3378 = vector.broadcast %reduce_sum3A_3377 : i1 to vector<16xi1>
    %reduce_sum3A_3379 = tpu.scan <sum>, %get3A_3337 masked %reduce_sum3A_3378 : vector<16xi32>, vector<16xi1> -> vector<16xi32>
    %reduce_sum3A_3380 = vector.extract %reduce_sum3A_3379[15] : i32 from vector<16xi32>
    %add3A_3381 = arith.addi %add3A_3333, %reduce_sum3A_3380 : i32
    %get3A_3382 = arith.constant 4 : i32
    %get3A_3383 = arith.index_cast %get3A_3382 : i32 to index
    %get3A_3384 = arith.constant 0 : index
    %get3A_3385 = tpu.vector_load %arg10[%get3A_3383, %get3A_3384] {strides = array<i32>} : memref<16x16xi32, #tpu.memory_space<vmem>>, vector<16xi32>,
    %rev3A_3386 = arith.constant 15 : i32
    %rev3A_3387 = vector.broadcast %rev3A_3386 : i32 to vector<16xi32>
    %rev3A_3388 = tpu.iota {dimensions = array<i32: 0>} : vector<16xi32>
    %rev3A_3389 = arith.subi %rev3A_3387, %rev3A_3388 : vector<16xi32>
    %rev3A_3390 = tpu.dynamic_gather %get3A_3385[%rev3A_3389] in [0] : vector<16xi32>, vector<16xi32> -> vector<16xi32>
    %broadcast_in_dim3A_3391 = arith.constant true
    %broadcast_in_dim3A_3392 = vector.broadcast %broadcast_in_dim3A_3391 : i1 to vector<16xi1>
    %masked_cumsum3A_3393 = tpu.scan <sum>, %rev3A_3390 masked %broadcast_in_dim3A_3392 : vector<16xi32>, vector<16xi1> -> vector<16xi32>
    %sub3A_3394 = arith.subi %masked_cumsum3A_3393, %rev3A_3390 : vector<16xi32>
    %add3A_3395 = vector.broadcast %add3A_3381 : i32 to vector<16xi32>
    %add3A_3396 = arith.addi %add3A_3395, %sub3A_3394 : vector<16xi32>
    %lt3A_3397 = vector.broadcast %sub3A_2769 : i32 to vector<16xi32>
    %lt3A_3398 = arith.cmpi slt, %add3A_3396, %lt3A_3397 : vector<16xi32>
    %add3A_3399 = vector.broadcast %add3A_3381 : i32 to vector<16xi32>
    %add3A_3400 = arith.addi %add3A_3399, %masked_cumsum3A_3393 : vector<16xi32>
    %ge3A_3401 = vector.broadcast %sub3A_2769 : i32 to vector<16xi32>
    %ge3A_3402 = arith.cmpi sge, %add3A_3400, %ge3A_3401 : vector<16xi32>
    %and3A_3403 = arith.andi %lt3A_3398, %ge3A_3402 : vector<16xi1>
    %sub3A_3404 = arith.constant 79 : i32
    %sub3A_3405 = vector.broadcast %sub3A_3404 : i32 to vector<16xi32>
    %sub3A_3406 = arith.subi %sub3A_3405, %iota3A : vector<16xi32>
    %jit3A_3407 = arith.constant 0 : i32
    %broadcast_in_dim3A_3408 = vector.broadcast %jit3A_3407 : i32 to vector<16xi32>
    %select_n3A_3409 = arith.select %and3A_3403, %sub3A_3406, %broadcast_in_dim3A_3408 : vector<16xi1>, vector<16xi32>
    %reduce_sum3A_3410 = arith.constant true
    %reduce_sum3A_3411 = vector.broadcast %reduce_sum3A_3410 : i1 to vector<16xi1>
    %reduce_sum3A_3412 = tpu.scan <sum>, %select_n3A_3409 masked %reduce_sum3A_3411 : vector<16xi32>, vector<16xi1> -> vector<16xi32>
    %reduce_sum3A_3413 = vector.extract %reduce_sum3A_3412[15] : i32 from vector<16xi32>
    %add3A_3414 = arith.addi %add3A_3366, %reduce_sum3A_3413 : i32
    %add3A_3415 = vector.broadcast %add3A_3381 : i32 to vector<16xi32>
    %add3A_3416 = arith.addi %add3A_3415, %sub3A_3394 : vector<16xi32>
    %jit3A_3417 = arith.constant 0 : i32
    %broadcast_in_dim3A_3418 = vector.broadcast %jit3A_3417 : i32 to vector<16xi32>
    %select_n3A_3419 = arith.select %and3A_3403, %add3A_3416, %broadcast_in_dim3A_3418 : vector<16xi1>, vector<16xi32>
    %reduce_sum3A_3420 = arith.constant true
    %reduce_sum3A_3421 = vector.broadcast %reduce_sum3A_3420 : i1 to vector<16xi1>
    %reduce_sum3A_3422 = tpu.scan <sum>, %select_n3A_3419 masked %reduce_sum3A_3421 : vector<16xi32>, vector<16xi1> -> vector<16xi32>
    %reduce_sum3A_3423 = vector.extract %reduce_sum3A_3422[15] : i32 from vector<16xi32>
    %add3A_3424 = arith.addi %add3A_3376, %reduce_sum3A_3423 : i32
    %reduce_sum3A_3425 = arith.constant true
    %reduce_sum3A_3426 = vector.broadcast %reduce_sum3A_3425 : i1 to vector<16xi1>
    %reduce_sum3A_3427 = tpu.scan <sum>, %get3A_3385 masked %reduce_sum3A_3426 : vector<16xi32>, vector<16xi1> -> vector<16xi32>
    %reduce_sum3A_3428 = vector.extract %reduce_sum3A_3427[15] : i32 from vector<16xi32>
    %add3A_3429 = arith.addi %add3A_3381, %reduce_sum3A_3428 : i32
    %get3A_3430 = arith.constant 3 : i32
    %get3A_3431 = arith.index_cast %get3A_3430 : i32 to index
    %get3A_3432 = arith.constant 0 : index
    %get3A_3433 = tpu.vector_load %arg10[%get3A_3431, %get3A_3432] {strides = array<i32>} : memref<16x16xi32, #tpu.memory_space<vmem>>, vector<16xi32>,
    %rev3A_3434 = arith.constant 15 : i32
    %rev3A_3435 = vector.broadcast %rev3A_3434 : i32 to vector<16xi32>
    %rev3A_3436 = tpu.iota {dimensions = array<i32: 0>} : vector<16xi32>
    %rev3A_3437 = arith.subi %rev3A_3435, %rev3A_3436 : vector<16xi32>
    %rev3A_3438 = tpu.dynamic_gather %get3A_3433[%rev3A_3437] in [0] : vector<16xi32>, vector<16xi32> -> vector<16xi32>
    %broadcast_in_dim3A_3439 = arith.constant true
    %broadcast_in_dim3A_3440 = vector.broadcast %broadcast_in_dim3A_3439 : i1 to vector<16xi1>
    %masked_cumsum3A_3441 = tpu.scan <sum>, %rev3A_3438 masked %broadcast_in_dim3A_3440 : vector<16xi32>, vector<16xi1> -> vector<16xi32>
    %sub3A_3442 = arith.subi %masked_cumsum3A_3441, %rev3A_3438 : vector<16xi32>
    %add3A_3443 = vector.broadcast %add3A_3429 : i32 to vector<16xi32>
    %add3A_3444 = arith.addi %add3A_3443, %sub3A_3442 : vector<16xi32>
    %lt3A_3445 = vector.broadcast %sub3A_2769 : i32 to vector<16xi32>
    %lt3A_3446 = arith.cmpi slt, %add3A_3444, %lt3A_3445 : vector<16xi32>
    %add3A_3447 = vector.broadcast %add3A_3429 : i32 to vector<16xi32>
    %add3A_3448 = arith.addi %add3A_3447, %masked_cumsum3A_3441 : vector<16xi32>
    %ge3A_3449 = vector.broadcast %sub3A_2769 : i32 to vector<16xi32>
    %ge3A_3450 = arith.cmpi sge, %add3A_3448, %ge3A_3449 : vector<16xi32>
    %and3A_3451 = arith.andi %lt3A_3446, %ge3A_3450 : vector<16xi1>
    %sub3A_3452 = arith.constant 63 : i32
    %sub3A_3453 = vector.broadcast %sub3A_3452 : i32 to vector<16xi32>
    %sub3A_3454 = arith.subi %sub3A_3453, %iota3A : vector<16xi32>
    %jit3A_3455 = arith.constant 0 : i32
    %broadcast_in_dim3A_3456 = vector.broadcast %jit3A_3455 : i32 to vector<16xi32>
    %select_n3A_3457 = arith.select %and3A_3451, %sub3A_3454, %broadcast_in_dim3A_3456 : vector<16xi1>, vector<16xi32>
    %reduce_sum3A_3458 = arith.constant true
    %reduce_sum3A_3459 = vector.broadcast %reduce_sum3A_3458 : i1 to vector<16xi1>
    %reduce_sum3A_3460 = tpu.scan <sum>, %select_n3A_3457 masked %reduce_sum3A_3459 : vector<16xi32>, vector<16xi1> -> vector<16xi32>
    %reduce_sum3A_3461 = vector.extract %reduce_sum3A_3460[15] : i32 from vector<16xi32>
    %add3A_3462 = arith.addi %add3A_3414, %reduce_sum3A_3461 : i32
    %add3A_3463 = vector.broadcast %add3A_3429 : i32 to vector<16xi32>
    %add3A_3464 = arith.addi %add3A_3463, %sub3A_3442 : vector<16xi32>
    %jit3A_3465 = arith.constant 0 : i32
    %broadcast_in_dim3A_3466 = vector.broadcast %jit3A_3465 : i32 to vector<16xi32>
    %select_n3A_3467 = arith.select %and3A_3451, %add3A_3464, %broadcast_in_dim3A_3466 : vector<16xi1>, vector<16xi32>
    %reduce_sum3A_3468 = arith.constant true
    %reduce_sum3A_3469 = vector.broadcast %reduce_sum3A_3468 : i1 to vector<16xi1>
    %reduce_sum3A_3470 = tpu.scan <sum>, %select_n3A_3467 masked %reduce_sum3A_3469 : vector<16xi32>, vector<16xi1> -> vector<16xi32>
    %reduce_sum3A_3471 = vector.extract %reduce_sum3A_3470[15] : i32 from vector<16xi32>
    %add3A_3472 = arith.addi %add3A_3424, %reduce_sum3A_3471 : i32
    %reduce_sum3A_3473 = arith.constant true
    %reduce_sum3A_3474 = vector.broadcast %reduce_sum3A_3473 : i1 to vector<16xi1>
    %reduce_sum3A_3475 = tpu.scan <sum>, %get3A_3433 masked %reduce_sum3A_3474 : vector<16xi32>, vector<16xi1> -> vector<16xi32>
    %reduce_sum3A_3476 = vector.extract %reduce_sum3A_3475[15] : i32 from vector<16xi32>
    %add3A_3477 = arith.addi %add3A_3429, %reduce_sum3A_3476 : i32
    %get3A_3478 = arith.constant 2 : i32
    %get3A_3479 = arith.index_cast %get3A_3478 : i32 to index
    %get3A_3480 = arith.constant 0 : index
    %get3A_3481 = tpu.vector_load %arg10[%get3A_3479, %get3A_3480] {strides = array<i32>} : memref<16x16xi32, #tpu.memory_space<vmem>>, vector<16xi32>,
    %rev3A_3482 = arith.constant 15 : i32
    %rev3A_3483 = vector.broadcast %rev3A_3482 : i32 to vector<16xi32>
    %rev3A_3484 = tpu.iota {dimensions = array<i32: 0>} : vector<16xi32>
    %rev3A_3485 = arith.subi %rev3A_3483, %rev3A_3484 : vector<16xi32>
    %rev3A_3486 = tpu.dynamic_gather %get3A_3481[%rev3A_3485] in [0] : vector<16xi32>, vector<16xi32> -> vector<16xi32>
    %broadcast_in_dim3A_3487 = arith.constant true
    %broadcast_in_dim3A_3488 = vector.broadcast %broadcast_in_dim3A_3487 : i1 to vector<16xi1>
    %masked_cumsum3A_3489 = tpu.scan <sum>, %rev3A_3486 masked %broadcast_in_dim3A_3488 : vector<16xi32>, vector<16xi1> -> vector<16xi32>
    %sub3A_3490 = arith.subi %masked_cumsum3A_3489, %rev3A_3486 : vector<16xi32>
    %add3A_3491 = vector.broadcast %add3A_3477 : i32 to vector<16xi32>
    %add3A_3492 = arith.addi %add3A_3491, %sub3A_3490 : vector<16xi32>
    %lt3A_3493 = vector.broadcast %sub3A_2769 : i32 to vector<16xi32>
    %lt3A_3494 = arith.cmpi slt, %add3A_3492, %lt3A_3493 : vector<16xi32>
    %add3A_3495 = vector.broadcast %add3A_3477 : i32 to vector<16xi32>
    %add3A_3496 = arith.addi %add3A_3495, %masked_cumsum3A_3489 : vector<16xi32>
    %ge3A_3497 = vector.broadcast %sub3A_2769 : i32 to vector<16xi32>
    %ge3A_3498 = arith.cmpi sge, %add3A_3496, %ge3A_3497 : vector<16xi32>
    %and3A_3499 = arith.andi %lt3A_3494, %ge3A_3498 : vector<16xi1>
    %sub3A_3500 = arith.constant 47 : i32
    %sub3A_3501 = vector.broadcast %sub3A_3500 : i32 to vector<16xi32>
    %sub3A_3502 = arith.subi %sub3A_3501, %iota3A : vector<16xi32>
    %jit3A_3503 = arith.constant 0 : i32
    %broadcast_in_dim3A_3504 = vector.broadcast %jit3A_3503 : i32 to vector<16xi32>
    %select_n3A_3505 = arith.select %and3A_3499, %sub3A_3502, %broadcast_in_dim3A_3504 : vector<16xi1>, vector<16xi32>
    %reduce_sum3A_3506 = arith.constant true
    %reduce_sum3A_3507 = vector.broadcast %reduce_sum3A_3506 : i1 to vector<16xi1>
    %reduce_sum3A_3508 = tpu.scan <sum>, %select_n3A_3505 masked %reduce_sum3A_3507 : vector<16xi32>, vector<16xi1> -> vector<16xi32>
    %reduce_sum3A_3509 = vector.extract %reduce_sum3A_3508[15] : i32 from vector<16xi32>
    %add3A_3510 = arith.addi %add3A_3462, %reduce_sum3A_3509 : i32
    %add3A_3511 = vector.broadcast %add3A_3477 : i32 to vector<16xi32>
    %add3A_3512 = arith.addi %add3A_3511, %sub3A_3490 : vector<16xi32>
    %jit3A_3513 = arith.constant 0 : i32
    %broadcast_in_dim3A_3514 = vector.broadcast %jit3A_3513 : i32 to vector<16xi32>
    %select_n3A_3515 = arith.select %and3A_3499, %add3A_3512, %broadcast_in_dim3A_3514 : vector<16xi1>, vector<16xi32>
    %reduce_sum3A_3516 = arith.constant true
    %reduce_sum3A_3517 = vector.broadcast %reduce_sum3A_3516 : i1 to vector<16xi1>
    %reduce_sum3A_3518 = tpu.scan <sum>, %select_n3A_3515 masked %reduce_sum3A_3517 : vector<16xi32>, vector<16xi1> -> vector<16xi32>
    %reduce_sum3A_3519 = vector.extract %reduce_sum3A_3518[15] : i32 from vector<16xi32>
    %add3A_3520 = arith.addi %add3A_3472, %reduce_sum3A_3519 : i32
    %reduce_sum3A_3521 = arith.constant true
    %reduce_sum3A_3522 = vector.broadcast %reduce_sum3A_3521 : i1 to vector<16xi1>
    %reduce_sum3A_3523 = tpu.scan <sum>, %get3A_3481 masked %reduce_sum3A_3522 : vector<16xi32>, vector<16xi1> -> vector<16xi32>
    %reduce_sum3A_3524 = vector.extract %reduce_sum3A_3523[15] : i32 from vector<16xi32>
    %add3A_3525 = arith.addi %add3A_3477, %reduce_sum3A_3524 : i32
    %get3A_3526 = arith.constant 1 : i32
    %get3A_3527 = arith.index_cast %get3A_3526 : i32 to index
    %get3A_3528 = arith.constant 0 : index
    %get3A_3529 = tpu.vector_load %arg10[%get3A_3527, %get3A_3528] {strides = array<i32>} : memref<16x16xi32, #tpu.memory_space<vmem>>, vector<16xi32>,
    %rev3A_3530 = arith.constant 15 : i32
    %rev3A_3531 = vector.broadcast %rev3A_3530 : i32 to vector<16xi32>
    %rev3A_3532 = tpu.iota {dimensions = array<i32: 0>} : vector<16xi32>
    %rev3A_3533 = arith.subi %rev3A_3531, %rev3A_3532 : vector<16xi32>
    %rev3A_3534 = tpu.dynamic_gather %get3A_3529[%rev3A_3533] in [0] : vector<16xi32>, vector<16xi32> -> vector<16xi32>
    %broadcast_in_dim3A_3535 = arith.constant true
    %broadcast_in_dim3A_3536 = vector.broadcast %broadcast_in_dim3A_3535 : i1 to vector<16xi1>
    %masked_cumsum3A_3537 = tpu.scan <sum>, %rev3A_3534 masked %broadcast_in_dim3A_3536 : vector<16xi32>, vector<16xi1> -> vector<16xi32>
    %sub3A_3538 = arith.subi %masked_cumsum3A_3537, %rev3A_3534 : vector<16xi32>
    %add3A_3539 = vector.broadcast %add3A_3525 : i32 to vector<16xi32>
    %add3A_3540 = arith.addi %add3A_3539, %sub3A_3538 : vector<16xi32>
    %lt3A_3541 = vector.broadcast %sub3A_2769 : i32 to vector<16xi32>
    %lt3A_3542 = arith.cmpi slt, %add3A_3540, %lt3A_3541 : vector<16xi32>
    %add3A_3543 = vector.broadcast %add3A_3525 : i32 to vector<16xi32>
    %add3A_3544 = arith.addi %add3A_3543, %masked_cumsum3A_3537 : vector<16xi32>
    %ge3A_3545 = vector.broadcast %sub3A_2769 : i32 to vector<16xi32>
    %ge3A_3546 = arith.cmpi sge, %add3A_3544, %ge3A_3545 : vector<16xi32>
    %and3A_3547 = arith.andi %lt3A_3542, %ge3A_3546 : vector<16xi1>
    %sub3A_3548 = arith.constant 31 : i32
    %sub3A_3549 = vector.broadcast %sub3A_3548 : i32 to vector<16xi32>
    %sub3A_3550 = arith.subi %sub3A_3549, %iota3A : vector<16xi32>
    %jit3A_3551 = arith.constant 0 : i32
    %broadcast_in_dim3A_3552 = vector.broadcast %jit3A_3551 : i32 to vector<16xi32>
    %select_n3A_3553 = arith.select %and3A_3547, %sub3A_3550, %broadcast_in_dim3A_3552 : vector<16xi1>, vector<16xi32>
    %reduce_sum3A_3554 = arith.constant true
    %reduce_sum3A_3555 = vector.broadcast %reduce_sum3A_3554 : i1 to vector<16xi1>
    %reduce_sum3A_3556 = tpu.scan <sum>, %select_n3A_3553 masked %reduce_sum3A_3555 : vector<16xi32>, vector<16xi1> -> vector<16xi32>
    %reduce_sum3A_3557 = vector.extract %reduce_sum3A_3556[15] : i32 from vector<16xi32>
    %add3A_3558 = arith.addi %add3A_3510, %reduce_sum3A_3557 : i32
    %add3A_3559 = vector.broadcast %add3A_3525 : i32 to vector<16xi32>
    %add3A_3560 = arith.addi %add3A_3559, %sub3A_3538 : vector<16xi32>
    %jit3A_3561 = arith.constant 0 : i32
    %broadcast_in_dim3A_3562 = vector.broadcast %jit3A_3561 : i32 to vector<16xi32>
    %select_n3A_3563 = arith.select %and3A_3547, %add3A_3560, %broadcast_in_dim3A_3562 : vector<16xi1>, vector<16xi32>
    %reduce_sum3A_3564 = arith.constant true
    %reduce_sum3A_3565 = vector.broadcast %reduce_sum3A_3564 : i1 to vector<16xi1>
    %reduce_sum3A_3566 = tpu.scan <sum>, %select_n3A_3563 masked %reduce_sum3A_3565 : vector<16xi32>, vector<16xi1> -> vector<16xi32>
    %reduce_sum3A_3567 = vector.extract %reduce_sum3A_3566[15] : i32 from vector<16xi32>
    %add3A_3568 = arith.addi %add3A_3520, %reduce_sum3A_3567 : i32
    %reduce_sum3A_3569 = arith.constant true
    %reduce_sum3A_3570 = vector.broadcast %reduce_sum3A_3569 : i1 to vector<16xi1>
    %reduce_sum3A_3571 = tpu.scan <sum>, %get3A_3529 masked %reduce_sum3A_3570 : vector<16xi32>, vector<16xi1> -> vector<16xi32>
    %reduce_sum3A_3572 = vector.extract %reduce_sum3A_3571[15] : i32 from vector<16xi32>
    %add3A_3573 = arith.addi %add3A_3525, %reduce_sum3A_3572 : i32
    %get3A_3574 = arith.constant 0 : i32
    %get3A_3575 = arith.index_cast %get3A_3574 : i32 to index
    %get3A_3576 = arith.constant 0 : index
    %get3A_3577 = tpu.vector_load %arg10[%get3A_3575, %get3A_3576] {strides = array<i32>} : memref<16x16xi32, #tpu.memory_space<vmem>>, vector<16xi32>,
    %rev3A_3578 = arith.constant 15 : i32
    %rev3A_3579 = vector.broadcast %rev3A_3578 : i32 to vector<16xi32>
    %rev3A_3580 = tpu.iota {dimensions = array<i32: 0>} : vector<16xi32>
    %rev3A_3581 = arith.subi %rev3A_3579, %rev3A_3580 : vector<16xi32>
    %rev3A_3582 = tpu.dynamic_gather %get3A_3577[%rev3A_3581] in [0] : vector<16xi32>, vector<16xi32> -> vector<16xi32>
    %broadcast_in_dim3A_3583 = arith.constant true
    %broadcast_in_dim3A_3584 = vector.broadcast %broadcast_in_dim3A_3583 : i1 to vector<16xi1>
    %masked_cumsum3A_3585 = tpu.scan <sum>, %rev3A_3582 masked %broadcast_in_dim3A_3584 : vector<16xi32>, vector<16xi1> -> vector<16xi32>
    %sub3A_3586 = arith.subi %masked_cumsum3A_3585, %rev3A_3582 : vector<16xi32>
    %add3A_3587 = vector.broadcast %add3A_3573 : i32 to vector<16xi32>
    %add3A_3588 = arith.addi %add3A_3587, %sub3A_3586 : vector<16xi32>
    %lt3A_3589 = vector.broadcast %sub3A_2769 : i32 to vector<16xi32>
    %lt3A_3590 = arith.cmpi slt, %add3A_3588, %lt3A_3589 : vector<16xi32>
    %add3A_3591 = vector.broadcast %add3A_3573 : i32 to vector<16xi32>
    %add3A_3592 = arith.addi %add3A_3591, %masked_cumsum3A_3585 : vector<16xi32>
    %ge3A_3593 = vector.broadcast %sub3A_2769 : i32 to vector<16xi32>
    %ge3A_3594 = arith.cmpi sge, %add3A_3592, %ge3A_3593 : vector<16xi32>
    %and3A_3595 = arith.andi %lt3A_3590, %ge3A_3594 : vector<16xi1>
    %sub3A_3596 = arith.constant 15 : i32
    %sub3A_3597 = vector.broadcast %sub3A_3596 : i32 to vector<16xi32>
    %sub3A_3598 = arith.subi %sub3A_3597, %iota3A : vector<16xi32>
    %jit3A_3599 = arith.constant 0 : i32
    %broadcast_in_dim3A_3600 = vector.broadcast %jit3A_3599 : i32 to vector<16xi32>
    %select_n3A_3601 = arith.select %and3A_3595, %sub3A_3598, %broadcast_in_dim3A_3600 : vector<16xi1>, vector<16xi32>
    %reduce_sum3A_3602 = arith.constant true
    %reduce_sum3A_3603 = vector.broadcast %reduce_sum3A_3602 : i1 to vector<16xi1>
    %reduce_sum3A_3604 = tpu.scan <sum>, %select_n3A_3601 masked %reduce_sum3A_3603 : vector<16xi32>, vector<16xi1> -> vector<16xi32>
    %reduce_sum3A_3605 = vector.extract %reduce_sum3A_3604[15] : i32 from vector<16xi32>
    %add3A_3606 = arith.addi %add3A_3558, %reduce_sum3A_3605 : i32
    %add3A_3607 = vector.broadcast %add3A_3573 : i32 to vector<16xi32>
    %add3A_3608 = arith.addi %add3A_3607, %sub3A_3586 : vector<16xi32>
    %jit3A_3609 = arith.constant 0 : i32
    %broadcast_in_dim3A_3610 = vector.broadcast %jit3A_3609 : i32 to vector<16xi32>
    %select_n3A_3611 = arith.select %and3A_3595, %add3A_3608, %broadcast_in_dim3A_3610 : vector<16xi1>, vector<16xi32>
    %reduce_sum3A_3612 = arith.constant true
    %reduce_sum3A_3613 = vector.broadcast %reduce_sum3A_3612 : i1 to vector<16xi1>
    %reduce_sum3A_3614 = tpu.scan <sum>, %select_n3A_3611 masked %reduce_sum3A_3613 : vector<16xi32>, vector<16xi1> -> vector<16xi32>
    %reduce_sum3A_3615 = vector.extract %reduce_sum3A_3614[15] : i32 from vector<16xi32>
    %add3A_3616 = arith.addi %add3A_3568, %reduce_sum3A_3615 : i32
    %reduce_sum3A_3617 = arith.constant true
    %reduce_sum3A_3618 = vector.broadcast %reduce_sum3A_3617 : i1 to vector<16xi1>
    %reduce_sum3A_3619 = tpu.scan <sum>, %get3A_3577 masked %reduce_sum3A_3618 : vector<16xi32>, vector<16xi1> -> vector<16xi32>
    %reduce_sum3A_3620 = vector.extract %reduce_sum3A_3619[15] : i32 from vector<16xi32>
    %add3A_3621 = arith.addi %add3A_3573, %reduce_sum3A_3620 : i32
    %shift_left3A_3622 = arith.constant 0 : i32
    %shift_left3A_3623 = arith.shli %add3A_3606, %shift_left3A_3622 : i32
    %or3A_3624 = arith.ori %or3A_2768, %shift_left3A_3623 : i32
    %sub3A_3625 = arith.subi %sub3A_2769, %add3A_3616 : i32
    %scan3A_3626 = arith.constant 1008981770 : i32
    %scan3A_3627 = arith.constant 0 : i32
    %scan3A_3628 = arith.constant 0 : i32
    %scan3A_3629 = arith.constant 0 : i32
    %scan3A_3630 = arith.constant 80 : i32
    %scan3A_3631 = arith.addi %scan3A_3629, %scan3A_3630 : i32
    %scan3A_3632 = arith.constant 1 : i32
    %scan3A_3633:2 = scf.for %scan3A_3868 = %scan3A_3629 to %scan3A_3631 step %scan3A_3632 iter_args(%scan3A_3869 = %scan3A_3627, %scan3A_3870 = %scan3A_3628) -> (i32, i32)  : i32 {
      %mul3A_3871 = arith.constant 16 : i32
      %mul3A_3872 = arith.muli %scan3A_3868, %mul3A_3871 : i32
      %get3A_3873 = arith.index_cast %mul3A_3872 : i32 to index
      %get3A_3874 = tpu.vector_load %arg7[%get3A_3873] {strides = array<i32>} : memref<1280xi32, #tpu.memory_space<vmem>>, vector<16xi32>,
      %gt3A = vector.broadcast %scan3A_3626 : i32 to vector<16xi32>
      %gt3A_3875 = arith.cmpi sgt, %get3A_3874, %gt3A : vector<16xi32>
      %gt3A_3876 = vector.broadcast %or3A_3624 : i32 to vector<16xi32>
      %gt3A_3877 = arith.cmpi sgt, %get3A_3874, %gt3A_3876 : vector<16xi32>
      %and3A_3878 = arith.andi %gt3A_3875, %gt3A_3877 : vector<16xi1>
      %convert_element_type3A = arith.extui %and3A_3878 : vector<16xi1> to vector<16xi32>
      %reduce_sum3A_3879 = arith.constant true
      %reduce_sum3A_3880 = vector.broadcast %reduce_sum3A_3879 : i1 to vector<16xi1>
      %reduce_sum3A_3881 = tpu.scan <sum>, %convert_element_type3A masked %reduce_sum3A_3880 : vector<16xi32>, vector<16xi1> -> vector<16xi32>
      %reduce_sum3A_3882 = vector.extract %reduce_sum3A_3881[15] : i32 from vector<16xi32>
      %add3A_3883 = arith.addi %scan3A_3869, %reduce_sum3A_3882 : i32
      %eq3A_3884 = vector.broadcast %or3A_3624 : i32 to vector<16xi32>
      %eq3A_3885 = arith.cmpi eq, %get3A_3874, %eq3A_3884 : vector<16xi32>
      %and3A_3886 = arith.andi %gt3A_3875, %eq3A_3885 : vector<16xi1>
      %convert_element_type3A_3887 = arith.extui %and3A_3886 : vector<16xi1> to vector<16xi32>
      %reduce_sum3A_3888 = arith.constant true
      %reduce_sum3A_3889 = vector.broadcast %reduce_sum3A_3888 : i1 to vector<16xi1>
      %reduce_sum3A_3890 = tpu.scan <sum>, %convert_element_type3A_3887 masked %reduce_sum3A_3889 : vector<16xi32>, vector<16xi1> -> vector<16xi32>
      %reduce_sum3A_3891 = vector.extract %reduce_sum3A_3890[15] : i32 from vector<16xi32>
      %add3A_3892 = arith.addi %scan3A_3870, %reduce_sum3A_3891 : i32
      scf.yield %add3A_3883, %add3A_3892 : i32, i32
    }
    %scan3A_3634 = arith.constant 80 : i32
    %eq3A = arith.constant 0 : i32
    %eq3A_3635 = vector.broadcast %eq3A : i32 to vector<16xi32>
    %eq3A_3636 = arith.cmpi eq, %iota3A, %eq3A_3635 : vector<16xi32>
    %eq3A_3637 = arith.constant 1 : i32
    %eq3A_3638 = vector.broadcast %eq3A_3637 : i32 to vector<16xi32>
    %eq3A_3639 = arith.cmpi eq, %iota3A, %eq3A_3638 : vector<16xi32>
    %jit3A_3640 = arith.constant 0 : i32
    %broadcast_in_dim3A_3641 = vector.broadcast %scan3A_3633#1 : i32 to vector<16xi32>
    %broadcast_in_dim3A_3642 = vector.broadcast %jit3A_3640 : i32 to vector<16xi32>
    %select_n3A_3643 = arith.select %eq3A_3639, %broadcast_in_dim3A_3641, %broadcast_in_dim3A_3642 : vector<16xi1>, vector<16xi32>
    %broadcast_in_dim3A_3644 = vector.broadcast %scan3A_3633#0 : i32 to vector<16xi32>
    %select_n3A_3645 = arith.select %eq3A_3636, %broadcast_in_dim3A_3644, %select_n3A_3643 : vector<16xi1>, vector<16xi32>
    %swap3A_3646 = arith.constant 0 : index
    %swap3A_3647 = tpu.vector_load %arg9[%swap3A_3646] {strides = array<i32>} : memref<16xi32, #tpu.memory_space<vmem>>, vector<16xi32>,
    tpu.vector_store %arg9[%swap3A_3646], %select_n3A_3645 {strides = array<i32>} : memref<16xi32, #tpu.memory_space<vmem>>, vector<16xi32>,
    "tpu.region"() ({
      %run_scoped3A_3868 = tpu.sem_alloc : memref<!tpu.dma_semaphore, #tpu.memory_space<semaphore_mem>>
      %dma_start3A_3869 = arith.constant 0 : i32
      %dma_start3A_3870 = tpu.memref_slice %arg23[%arg1, %dma_start3A_3869] : memref<16x16xi32, #tpu.memory_space<vmem_shared>> -> memref<1x16xi32, #tpu.memory_space<vmem_shared>>
      %dma_start3A_3871 = tpu.memref_squeeze %dma_start3A_3870 : memref<1x16xi32, #tpu.memory_space<vmem_shared>> -> memref<16xi32, #tpu.memory_space<vmem_shared>>
      %dma_start3A_3872 = arith.constant 0 : i32
      %dma_start3A_3873 = tpu.memref_slice %arg23[%arg1, %dma_start3A_3872] : memref<16x16xi32, #tpu.memory_space<vmem_shared>> -> memref<1x16xi32, #tpu.memory_space<vmem_shared>>
      %dma_start3A_3874 = tpu.memref_squeeze %dma_start3A_3873 : memref<1x16xi32, #tpu.memory_space<vmem_shared>> -> memref<16xi32, #tpu.memory_space<vmem_shared>>
      tpu.enqueue_dma source(%arg9 : memref<16xi32, #tpu.memory_space<vmem>>) target(%dma_start3A_3874 : memref<16xi32, #tpu.memory_space<vmem_shared>>) target_semaphore(%run_scoped3A_3868 : memref<!tpu.dma_semaphore, #tpu.memory_space<semaphore_mem>>)
      %dma_wait3A_3875 = arith.constant 0 : i32
      %dma_wait3A_3876 = tpu.memref_slice %arg23[%arg1, %dma_wait3A_3875] : memref<16x16xi32, #tpu.memory_space<vmem_shared>> -> memref<1x16xi32, #tpu.memory_space<vmem_shared>>
      %dma_wait3A_3877 = tpu.memref_squeeze %dma_wait3A_3876 : memref<1x16xi32, #tpu.memory_space<vmem_shared>> -> memref<16xi32, #tpu.memory_space<vmem_shared>>
      %dma_wait3A_3878 = arith.constant 0 : i32
      %dma_wait3A_3879 = tpu.memref_slice %arg23[%arg1, %dma_wait3A_3878] : memref<16x16xi32, #tpu.memory_space<vmem_shared>> -> memref<1x16xi32, #tpu.memory_space<vmem_shared>>
      %dma_wait3A_3880 = tpu.memref_squeeze %dma_wait3A_3879 : memref<1x16xi32, #tpu.memory_space<vmem_shared>> -> memref<16xi32, #tpu.memory_space<vmem_shared>>
      tpu.wait_dma2 semaphore(%run_scoped3A_3868 : memref<!tpu.dma_semaphore, #tpu.memory_space<semaphore_mem>>) src(%arg9 : memref<16xi32, #tpu.memory_space<vmem>>) dst(%dma_wait3A_3880 : memref<16xi32, #tpu.memory_space<vmem_shared>>)
      tpu.yield
    }) : () -> ()
    %barrier3A_3648 = arith.constant 0 : index
    tpu.barrier barrier_id(%barrier3A_3648)
    "tpu.region"() ({
      %run_scoped3A_3868 = tpu.sem_alloc : memref<!tpu.dma_semaphore, #tpu.memory_space<semaphore_mem>>
      tpu.enqueue_dma source(%arg23 : memref<16x16xi32, #tpu.memory_space<vmem_shared>>) target(%arg10 : memref<16x16xi32, #tpu.memory_space<vmem>>) target_semaphore(%run_scoped3A_3868 : memref<!tpu.dma_semaphore, #tpu.memory_space<semaphore_mem>>)
      tpu.wait_dma2 semaphore(%run_scoped3A_3868 : memref<!tpu.dma_semaphore, #tpu.memory_space<semaphore_mem>>) src(%arg23 : memref<16x16xi32, #tpu.memory_space<vmem_shared>>) dst(%arg10 : memref<16x16xi32, #tpu.memory_space<vmem>>)
      tpu.yield
    }) : () -> ()
    %gather3A = tpu.vector_load_idx %arg10[%iota3A, %broadcast_in_dim3A_3] : memref<16x16xi32, #tpu.memory_space<vmem>>[vector<16xi32>, vector<16xi32>], vector<16xi32>,
    %gather3A_3649 = tpu.vector_load_idx %arg10[%iota3A, %broadcast_in_dim3A_1] : memref<16x16xi32, #tpu.memory_space<vmem>>[vector<16xi32>, vector<16xi32>], vector<16xi32>,
    %broadcast_in_dim3A_3650 = arith.constant true
    %broadcast_in_dim3A_3651 = vector.broadcast %broadcast_in_dim3A_3650 : i1 to vector<16xi1>
    %masked_cumsum3A_3652 = tpu.scan <sum>, %gather3A_3649 masked %broadcast_in_dim3A_3651 : vector<16xi32>, vector<16xi1> -> vector<16xi32>
    %sub3A_3653 = arith.subi %masked_cumsum3A_3652, %gather3A_3649 : vector<16xi32>
    %sub3A_3654 = vector.broadcast %sub3A_3625 : i32 to vector<16xi32>
    %sub3A_3655 = arith.subi %sub3A_3654, %sub3A_3653 : vector<16xi32>
    %jit3A_3656 = arith.constant 0 : i32
    %max3A = vector.broadcast %jit3A_3656 : i32 to vector<16xi32>
    %max3A_3657 = arith.maxsi %max3A, %sub3A_3655 : vector<16xi32>
    %min3A_3658 = arith.minsi %gather3A_3649, %max3A_3657 : vector<16xi32>
    %add3A_3659 = arith.addi %gather3A, %min3A_3658 : vector<16xi32>
    %broadcast_in_dim3A_3660 = arith.constant true
    %broadcast_in_dim3A_3661 = vector.broadcast %broadcast_in_dim3A_3660 : i1 to vector<16xi1>
    %masked_cumsum3A_3662 = tpu.scan <sum>, %add3A_3659 masked %broadcast_in_dim3A_3661 : vector<16xi32>, vector<16xi1> -> vector<16xi32>
    %sub3A_3663 = arith.subi %masked_cumsum3A_3662, %add3A_3659 : vector<16xi32>
    %eq3A_3664 = vector.broadcast %arg1 : i32 to vector<16xi32>
    %eq3A_3665 = arith.cmpi eq, %iota3A, %eq3A_3664 : vector<16xi32>
    %jit3A_3666 = arith.constant 0 : i32
    %broadcast_in_dim3A_3667 = vector.broadcast %jit3A_3666 : i32 to vector<16xi32>
    %select_n3A_3668 = arith.select %eq3A_3665, %sub3A_3663, %broadcast_in_dim3A_3667 : vector<16xi1>, vector<16xi32>
    %reduce_sum3A_3669 = arith.constant true
    %reduce_sum3A_3670 = vector.broadcast %reduce_sum3A_3669 : i1 to vector<16xi1>
    %reduce_sum3A_3671 = tpu.scan <sum>, %select_n3A_3668 masked %reduce_sum3A_3670 : vector<16xi32>, vector<16xi1> -> vector<16xi32>
    %reduce_sum3A_3672 = vector.extract %reduce_sum3A_3671[15] : i32 from vector<16xi32>
    %eq3A_3673 = vector.broadcast %arg1 : i32 to vector<16xi32>
    %eq3A_3674 = arith.cmpi eq, %iota3A, %eq3A_3673 : vector<16xi32>
    %jit3A_3675 = arith.constant 0 : i32
    %broadcast_in_dim3A_3676 = vector.broadcast %jit3A_3675 : i32 to vector<16xi32>
    %select_n3A_3677 = arith.select %eq3A_3674, %min3A_3658, %broadcast_in_dim3A_3676 : vector<16xi1>, vector<16xi32>
    %reduce_sum3A_3678 = arith.constant true
    %reduce_sum3A_3679 = vector.broadcast %reduce_sum3A_3678 : i1 to vector<16xi1>
    %reduce_sum3A_3680 = tpu.scan <sum>, %select_n3A_3677 masked %reduce_sum3A_3679 : vector<16xi32>, vector<16xi1> -> vector<16xi32>
    %reduce_sum3A_3681 = vector.extract %reduce_sum3A_3680[15] : i32 from vector<16xi32>
    %scan3A_3682 = arith.constant 1008981770 : i32
    %scan3A_3683 = arith.constant 0 : i32
    %scan3A_3684 = arith.constant 0 : i32
    %scan3A_3685 = arith.constant 0 : i32
    %scan3A_3686 = arith.constant 80 : i32
    %scan3A_3687 = arith.addi %scan3A_3685, %scan3A_3686 : i32
    %scan3A_3688 = arith.constant 1 : i32
    %scan3A_3689:2 = scf.for %scan3A_3868 = %scan3A_3685 to %scan3A_3687 step %scan3A_3688 iter_args(%scan3A_3869 = %scan3A_3683, %scan3A_3870 = %scan3A_3684) -> (i32, i32)  : i32 {
      %mul3A_3871 = arith.constant 16 : i32
      %mul3A_3872 = arith.muli %scan3A_3868, %mul3A_3871 : i32
      %get3A_3873 = arith.index_cast %mul3A_3872 : i32 to index
      %get3A_3874 = tpu.vector_load %arg7[%get3A_3873] {strides = array<i32>} : memref<1280xi32, #tpu.memory_space<vmem>>, vector<16xi32>,
      %gt3A = vector.broadcast %scan3A_3682 : i32 to vector<16xi32>
      %gt3A_3875 = arith.cmpi sgt, %get3A_3874, %gt3A : vector<16xi32>
      %gt3A_3876 = vector.broadcast %or3A_3624 : i32 to vector<16xi32>
      %gt3A_3877 = arith.cmpi sgt, %get3A_3874, %gt3A_3876 : vector<16xi32>
      %and3A_3878 = arith.andi %gt3A_3875, %gt3A_3877 : vector<16xi1>
      %eq3A_3879 = vector.broadcast %or3A_3624 : i32 to vector<16xi32>
      %eq3A_3880 = arith.cmpi eq, %get3A_3874, %eq3A_3879 : vector<16xi32>
      %and3A_3881 = arith.andi %gt3A_3875, %eq3A_3880 : vector<16xi1>
      %convert_element_type3A = arith.extui %and3A_3881 : vector<16xi1> to vector<16xi32>
      %broadcast_in_dim3A_3882 = arith.constant true
      %broadcast_in_dim3A_3883 = vector.broadcast %broadcast_in_dim3A_3882 : i1 to vector<16xi1>
      %masked_cumsum3A_3884 = tpu.scan <sum>, %convert_element_type3A masked %broadcast_in_dim3A_3883 : vector<16xi32>, vector<16xi1> -> vector<16xi32>
      %sub3A_3885 = arith.subi %masked_cumsum3A_3884, %convert_element_type3A : vector<16xi32>
      %add3A_3886 = vector.broadcast %scan3A_3870 : i32 to vector<16xi32>
      %add3A_3887 = arith.addi %add3A_3886, %sub3A_3885 : vector<16xi32>
      %lt3A_3888 = vector.broadcast %reduce_sum3A_3681 : i32 to vector<16xi32>
      %lt3A_3889 = arith.cmpi slt, %add3A_3887, %lt3A_3888 : vector<16xi32>
      %and3A_3890 = arith.andi %and3A_3881, %lt3A_3889 : vector<16xi1>
      %or3A_3891 = arith.ori %and3A_3878, %and3A_3890 : vector<16xi1>
      %convert_element_type3A_3892 = arith.extui %or3A_3891 : vector<16xi1> to vector<16xi32>
      %broadcast_in_dim3A_3893 = arith.constant true
      %broadcast_in_dim3A_3894 = vector.broadcast %broadcast_in_dim3A_3893 : i1 to vector<16xi1>
      %masked_cumsum3A_3895 = tpu.scan <sum>, %convert_element_type3A_3892 masked %broadcast_in_dim3A_3894 : vector<16xi32>, vector<16xi1> -> vector<16xi32>
      %sub3A_3896 = arith.subi %masked_cumsum3A_3895, %convert_element_type3A_3892 : vector<16xi32>
      %add3A_3897 = vector.broadcast %scan3A_3869 : i32 to vector<16xi32>
      %add3A_3898 = arith.addi %add3A_3897, %sub3A_3896 : vector<16xi32>
      %mul3A_3899 = arith.constant 16 : i32
      %mul3A_3900 = arith.muli %scan3A_3868, %mul3A_3899 : i32
      %add3A_3901 = arith.addi %mul3A_0, %mul3A_3900 : i32
      %add3A_3902 = vector.broadcast %add3A_3901 : i32 to vector<16xi32>
      %add3A_3903 = arith.addi %add3A_3902, %iota3A : vector<16xi32>
      tpu.vector_store_idx %arg11[%add3A_3898], %get3A_3874 masked %or3A_3891 : memref<448xi32, #tpu.memory_space<vmem>>[vector<16xi32>], vector<16xi32>, vector<16xi1>
      tpu.vector_store_idx %arg12[%add3A_3898], %add3A_3903 masked %or3A_3891 : memref<448xi32, #tpu.memory_space<vmem>>[vector<16xi32>], vector<16xi32>, vector<16xi1>
      %reduce_sum3A_3904 = arith.constant true
      %reduce_sum3A_3905 = vector.broadcast %reduce_sum3A_3904 : i1 to vector<16xi1>
      %reduce_sum3A_3906 = tpu.scan <sum>, %convert_element_type3A_3892 masked %reduce_sum3A_3905 : vector<16xi32>, vector<16xi1> -> vector<16xi32>
      %reduce_sum3A_3907 = vector.extract %reduce_sum3A_3906[15] : i32 from vector<16xi32>
      %add3A_3908 = arith.addi %scan3A_3869, %reduce_sum3A_3907 : i32
      %reduce_sum3A_3909 = arith.constant true
      %reduce_sum3A_3910 = vector.broadcast %reduce_sum3A_3909 : i1 to vector<16xi1>
      %reduce_sum3A_3911 = tpu.scan <sum>, %convert_element_type3A masked %reduce_sum3A_3910 : vector<16xi32>, vector<16xi1> -> vector<16xi32>
      %reduce_sum3A_3912 = vector.extract %reduce_sum3A_3911[15] : i32 from vector<16xi32>
      %add3A_3913 = arith.addi %scan3A_3870, %reduce_sum3A_3912 : i32
      scf.yield %add3A_3908, %add3A_3913 : i32, i32
    }
    %scan3A_3690 = arith.constant 80 : i32
    %add3A_3691 = arith.constant 15 : i32
    %add3A_3692 = arith.addi %scan3A_3689#0, %add3A_3691 : i32
    %shift_right_arithmetic3A = arith.constant 4 : i32
    %shift_right_arithmetic3A_3693 = arith.shrsi %add3A_3692, %shift_right_arithmetic3A : i32
    %while3A = arith.constant 0 : i32
    %while3A_3694 = arith.constant 0 : i32
    %while3A_3695 = arith.subi %shift_right_arithmetic3A_3693, %while3A : i32
    %while3A_3696 = arith.addi %while3A, %while3A_3695 : i32
    %while3A_3697 = arith.constant 1 : i32
    %while3A_3698 = arith.divsi %while3A_3695, %while3A_3697 : i32
    %while3A_3699 = arith.muli %while3A_3698, %while3A_3697 : i32
    %while3A_3700 = arith.addi %while3A, %while3A_3699 : i32
    %while3A_3701 = arith.constant 1 : i32
    %while3A_3702 = scf.for %while3A_3868 = %while3A to %while3A_3700 step %while3A_3701 iter_args(%while3A_3869 = %while3A_3694) -> (i32)  : i32 {
      %mul3A_3870 = arith.constant 16 : i32
      %mul3A_3871 = arith.muli %while3A_3868, %mul3A_3870 : i32
      %add3A_3872 = arith.addi %reduce_sum3A_3672, %mul3A_3871 : i32
      %add3A_3873 = vector.broadcast %add3A_3872 : i32 to vector<16xi32>
      %add3A_3874 = arith.addi %add3A_3873, %iota3A : vector<16xi32>
      %mul3A_3875 = arith.constant 16 : i32
      %mul3A_3876 = arith.muli %while3A_3868, %mul3A_3875 : i32
      %add3A_3877 = vector.broadcast %mul3A_3876 : i32 to vector<16xi32>
      %add3A_3878 = arith.addi %add3A_3877, %iota3A : vector<16xi32>
      %lt3A_3879 = vector.broadcast %scan3A_3689#0 : i32 to vector<16xi32>
      %lt3A_3880 = arith.cmpi slt, %add3A_3878, %lt3A_3879 : vector<16xi32>
      %add3A_3881 = arith.constant 512 : i32
      %add3A_3882 = arith.addi %add3A_3881, %arg1 : i32
      %broadcast_in_dim3A_3883 = vector.broadcast %add3A_3882 : i32 to vector<16xi32>
      %select_n3A_3884 = arith.select %lt3A_3880, %add3A_3874, %broadcast_in_dim3A_3883 : vector<16xi1>, vector<16xi32>
      %swap3A_3885 = arith.constant 0 : index
      %swap3A_3886 = tpu.vector_load %arg9[%swap3A_3885] {strides = array<i32>} : memref<16xi32, #tpu.memory_space<vmem>>, vector<16xi32>,
      tpu.vector_store %arg9[%swap3A_3885], %select_n3A_3884 {strides = array<i32>} : memref<16xi32, #tpu.memory_space<vmem>>, vector<16xi32>,
      %mul3A_3887 = arith.constant 16 : i32
      %mul3A_3888 = arith.muli %while3A_3868, %mul3A_3887 : i32
      "tpu.region"() ({
        %run_scoped3A_3892 = tpu.sem_alloc : memref<!tpu.dma_semaphore, #tpu.memory_space<semaphore_mem>>
        %dma_start3A_3893 = tpu.memref_slice %arg11[%mul3A_3888] : memref<448xi32, #tpu.memory_space<vmem>> -> memref<16xi32, #tpu.memory_space<vmem>>
        %dma_start3A_3894 = arith.constant 0 : i32
        %dma_start3A_3895 = tpu.memref_slice %arg24[%dma_start3A_3894] : memref<576xi32, #tpu.memory_space<vmem_shared>> -> memref<576xi32, #tpu.memory_space<vmem_shared>>
        tpu.enqueue_indirect_dma source(%dma_start3A_3893 : memref<16xi32, #tpu.memory_space<vmem>>) target(%dma_start3A_3895 : memref<576xi32, #tpu.memory_space<vmem_shared>>) offsets(%arg9 : memref<16xi32, #tpu.memory_space<vmem>>) semaphore(%run_scoped3A_3892 : memref<!tpu.dma_semaphore, #tpu.memory_space<semaphore_mem>>)
        %dma_wait3A_3896 = tpu.memref_slice %arg11[%mul3A_3888] : memref<448xi32, #tpu.memory_space<vmem>> -> memref<16xi32, #tpu.memory_space<vmem>>
        %dma_wait3A_3897 = arith.constant 0 : i32
        %dma_wait3A_3898 = tpu.memref_slice %arg24[%dma_wait3A_3897] : memref<576xi32, #tpu.memory_space<vmem_shared>> -> memref<576xi32, #tpu.memory_space<vmem_shared>>
        tpu.wait_indirect_dma semaphore(%run_scoped3A_3892 : memref<!tpu.dma_semaphore, #tpu.memory_space<semaphore_mem>>) src(%dma_wait3A_3896 : memref<16xi32, #tpu.memory_space<vmem>>) dst(%dma_wait3A_3898 : memref<576xi32, #tpu.memory_space<vmem_shared>>)
        tpu.yield
      }) : () -> ()
      %mul3A_3889 = arith.constant 16 : i32
      %mul3A_3890 = arith.muli %while3A_3868, %mul3A_3889 : i32
      "tpu.region"() ({
        %run_scoped3A_3892 = tpu.sem_alloc : memref<!tpu.dma_semaphore, #tpu.memory_space<semaphore_mem>>
        %dma_start3A_3893 = tpu.memref_slice %arg12[%mul3A_3890] : memref<448xi32, #tpu.memory_space<vmem>> -> memref<16xi32, #tpu.memory_space<vmem>>
        %dma_start3A_3894 = arith.constant 0 : i32
        %dma_start3A_3895 = tpu.memref_slice %arg25[%dma_start3A_3894] : memref<576xi32, #tpu.memory_space<vmem_shared>> -> memref<576xi32, #tpu.memory_space<vmem_shared>>
        tpu.enqueue_indirect_dma source(%dma_start3A_3893 : memref<16xi32, #tpu.memory_space<vmem>>) target(%dma_start3A_3895 : memref<576xi32, #tpu.memory_space<vmem_shared>>) offsets(%arg9 : memref<16xi32, #tpu.memory_space<vmem>>) semaphore(%run_scoped3A_3892 : memref<!tpu.dma_semaphore, #tpu.memory_space<semaphore_mem>>)
        %dma_wait3A_3896 = tpu.memref_slice %arg12[%mul3A_3890] : memref<448xi32, #tpu.memory_space<vmem>> -> memref<16xi32, #tpu.memory_space<vmem>>
        %dma_wait3A_3897 = arith.constant 0 : i32
        %dma_wait3A_3898 = tpu.memref_slice %arg25[%dma_wait3A_3897] : memref<576xi32, #tpu.memory_space<vmem_shared>> -> memref<576xi32, #tpu.memory_space<vmem_shared>>
        tpu.wait_indirect_dma semaphore(%run_scoped3A_3892 : memref<!tpu.dma_semaphore, #tpu.memory_space<semaphore_mem>>) src(%dma_wait3A_3896 : memref<16xi32, #tpu.memory_space<vmem>>) dst(%dma_wait3A_3898 : memref<576xi32, #tpu.memory_space<vmem_shared>>)
        tpu.yield
      }) : () -> ()
      %while3A_3891 = arith.constant 0 : i32
      scf.yield %while3A_3891 : i32
    }
    %while3A_3703 = arith.constant 1 : i32
    %while3A_3704 = scf.for %while3A_3868 = %while3A_3700 to %while3A_3696 step %while3A_3703 iter_args(%while3A_3869 = %while3A_3702) -> (i32)  : i32 {
      %mul3A_3870 = arith.constant 16 : i32
      %mul3A_3871 = arith.muli %while3A_3868, %mul3A_3870 : i32
      %add3A_3872 = arith.addi %reduce_sum3A_3672, %mul3A_3871 : i32
      %add3A_3873 = vector.broadcast %add3A_3872 : i32 to vector<16xi32>
      %add3A_3874 = arith.addi %add3A_3873, %iota3A : vector<16xi32>
      %mul3A_3875 = arith.constant 16 : i32
      %mul3A_3876 = arith.muli %while3A_3868, %mul3A_3875 : i32
      %add3A_3877 = vector.broadcast %mul3A_3876 : i32 to vector<16xi32>
      %add3A_3878 = arith.addi %add3A_3877, %iota3A : vector<16xi32>
      %lt3A_3879 = vector.broadcast %scan3A_3689#0 : i32 to vector<16xi32>
      %lt3A_3880 = arith.cmpi slt, %add3A_3878, %lt3A_3879 : vector<16xi32>
      %add3A_3881 = arith.constant 512 : i32
      %add3A_3882 = arith.addi %add3A_3881, %arg1 : i32
      %broadcast_in_dim3A_3883 = vector.broadcast %add3A_3882 : i32 to vector<16xi32>
      %select_n3A_3884 = arith.select %lt3A_3880, %add3A_3874, %broadcast_in_dim3A_3883 : vector<16xi1>, vector<16xi32>
      %swap3A_3885 = arith.constant 0 : index
      %swap3A_3886 = tpu.vector_load %arg9[%swap3A_3885] {strides = array<i32>} : memref<16xi32, #tpu.memory_space<vmem>>, vector<16xi32>,
      tpu.vector_store %arg9[%swap3A_3885], %select_n3A_3884 {strides = array<i32>} : memref<16xi32, #tpu.memory_space<vmem>>, vector<16xi32>,
      %mul3A_3887 = arith.constant 16 : i32
      %mul3A_3888 = arith.muli %while3A_3868, %mul3A_3887 : i32
      "tpu.region"() ({
        %run_scoped3A_3892 = tpu.sem_alloc : memref<!tpu.dma_semaphore, #tpu.memory_space<semaphore_mem>>
        %dma_start3A_3893 = tpu.memref_slice %arg11[%mul3A_3888] : memref<448xi32, #tpu.memory_space<vmem>> -> memref<16xi32, #tpu.memory_space<vmem>>
        %dma_start3A_3894 = arith.constant 0 : i32
        %dma_start3A_3895 = tpu.memref_slice %arg24[%dma_start3A_3894] : memref<576xi32, #tpu.memory_space<vmem_shared>> -> memref<576xi32, #tpu.memory_space<vmem_shared>>
        tpu.enqueue_indirect_dma source(%dma_start3A_3893 : memref<16xi32, #tpu.memory_space<vmem>>) target(%dma_start3A_3895 : memref<576xi32, #tpu.memory_space<vmem_shared>>) offsets(%arg9 : memref<16xi32, #tpu.memory_space<vmem>>) semaphore(%run_scoped3A_3892 : memref<!tpu.dma_semaphore, #tpu.memory_space<semaphore_mem>>)
        %dma_wait3A_3896 = tpu.memref_slice %arg11[%mul3A_3888] : memref<448xi32, #tpu.memory_space<vmem>> -> memref<16xi32, #tpu.memory_space<vmem>>
        %dma_wait3A_3897 = arith.constant 0 : i32
        %dma_wait3A_3898 = tpu.memref_slice %arg24[%dma_wait3A_3897] : memref<576xi32, #tpu.memory_space<vmem_shared>> -> memref<576xi32, #tpu.memory_space<vmem_shared>>
        tpu.wait_indirect_dma semaphore(%run_scoped3A_3892 : memref<!tpu.dma_semaphore, #tpu.memory_space<semaphore_mem>>) src(%dma_wait3A_3896 : memref<16xi32, #tpu.memory_space<vmem>>) dst(%dma_wait3A_3898 : memref<576xi32, #tpu.memory_space<vmem_shared>>)
        tpu.yield
      }) : () -> ()
      %mul3A_3889 = arith.constant 16 : i32
      %mul3A_3890 = arith.muli %while3A_3868, %mul3A_3889 : i32
      "tpu.region"() ({
        %run_scoped3A_3892 = tpu.sem_alloc : memref<!tpu.dma_semaphore, #tpu.memory_space<semaphore_mem>>
        %dma_start3A_3893 = tpu.memref_slice %arg12[%mul3A_3890] : memref<448xi32, #tpu.memory_space<vmem>> -> memref<16xi32, #tpu.memory_space<vmem>>
        %dma_start3A_3894 = arith.constant 0 : i32
        %dma_start3A_3895 = tpu.memref_slice %arg25[%dma_start3A_3894] : memref<576xi32, #tpu.memory_space<vmem_shared>> -> memref<576xi32, #tpu.memory_space<vmem_shared>>
        tpu.enqueue_indirect_dma source(%dma_start3A_3893 : memref<16xi32, #tpu.memory_space<vmem>>) target(%dma_start3A_3895 : memref<576xi32, #tpu.memory_space<vmem_shared>>) offsets(%arg9 : memref<16xi32, #tpu.memory_space<vmem>>) semaphore(%run_scoped3A_3892 : memref<!tpu.dma_semaphore, #tpu.memory_space<semaphore_mem>>)
        %dma_wait3A_3896 = tpu.memref_slice %arg12[%mul3A_3890] : memref<448xi32, #tpu.memory_space<vmem>> -> memref<16xi32, #tpu.memory_space<vmem>>
        %dma_wait3A_3897 = arith.constant 0 : i32
        %dma_wait3A_3898 = tpu.memref_slice %arg25[%dma_wait3A_3897] : memref<576xi32, #tpu.memory_space<vmem_shared>> -> memref<576xi32, #tpu.memory_space<vmem_shared>>
        tpu.wait_indirect_dma semaphore(%run_scoped3A_3892 : memref<!tpu.dma_semaphore, #tpu.memory_space<semaphore_mem>>) src(%dma_wait3A_3896 : memref<16xi32, #tpu.memory_space<vmem>>) dst(%dma_wait3A_3898 : memref<576xi32, #tpu.memory_space<vmem_shared>>)
        tpu.yield
      }) : () -> ()
      %while3A_3891 = arith.constant 0 : i32
      scf.yield %while3A_3891 : i32
    }
    %barrier3A_3705 = arith.constant 0 : index
    tpu.barrier barrier_id(%barrier3A_3705)
    "tpu.region"() ({
      %run_scoped3A_3868 = tpu.sem_alloc : memref<!tpu.dma_semaphore, #tpu.memory_space<semaphore_mem>>
      %dma_start3A_3869 = arith.constant 0 : i32
      %dma_start3A_3870 = tpu.memref_slice %arg13[%dma_start3A_3869] : memref<528xi32, #tpu.memory_space<vmem>> -> memref<512xi32, #tpu.memory_space<vmem>>
      %dma_start3A_3871 = arith.constant 0 : i32
      %dma_start3A_3872 = tpu.memref_slice %arg24[%dma_start3A_3871] : memref<576xi32, #tpu.memory_space<vmem_shared>> -> memref<512xi32, #tpu.memory_space<vmem_shared>>
      %dma_start3A_3873 = arith.constant 0 : i32
      %dma_start3A_3874 = tpu.memref_slice %arg13[%dma_start3A_3873] : memref<528xi32, #tpu.memory_space<vmem>> -> memref<512xi32, #tpu.memory_space<vmem>>
      %dma_start3A_3875 = arith.constant 0 : i32
      %dma_start3A_3876 = tpu.memref_slice %arg24[%dma_start3A_3875] : memref<576xi32, #tpu.memory_space<vmem_shared>> -> memref<512xi32, #tpu.memory_space<vmem_shared>>
      tpu.enqueue_dma source(%dma_start3A_3876 : memref<512xi32, #tpu.memory_space<vmem_shared>>) target(%dma_start3A_3874 : memref<512xi32, #tpu.memory_space<vmem>>) target_semaphore(%run_scoped3A_3868 : memref<!tpu.dma_semaphore, #tpu.memory_space<semaphore_mem>>)
      %dma_wait3A_3877 = arith.constant 0 : i32
      %dma_wait3A_3878 = tpu.memref_slice %arg13[%dma_wait3A_3877] : memref<528xi32, #tpu.memory_space<vmem>> -> memref<512xi32, #tpu.memory_space<vmem>>
      %dma_wait3A_3879 = arith.constant 0 : i32
      %dma_wait3A_3880 = tpu.memref_slice %arg24[%dma_wait3A_3879] : memref<576xi32, #tpu.memory_space<vmem_shared>> -> memref<512xi32, #tpu.memory_space<vmem_shared>>
      %dma_wait3A_3881 = arith.constant 0 : i32
      %dma_wait3A_3882 = tpu.memref_slice %arg13[%dma_wait3A_3881] : memref<528xi32, #tpu.memory_space<vmem>> -> memref<512xi32, #tpu.memory_space<vmem>>
      %dma_wait3A_3883 = arith.constant 0 : i32
      %dma_wait3A_3884 = tpu.memref_slice %arg24[%dma_wait3A_3883] : memref<576xi32, #tpu.memory_space<vmem_shared>> -> memref<512xi32, #tpu.memory_space<vmem_shared>>
      tpu.wait_dma2 semaphore(%run_scoped3A_3868 : memref<!tpu.dma_semaphore, #tpu.memory_space<semaphore_mem>>) src(%dma_wait3A_3884 : memref<512xi32, #tpu.memory_space<vmem_shared>>) dst(%dma_wait3A_3882 : memref<512xi32, #tpu.memory_space<vmem>>)
      tpu.yield
    }) : () -> ()
    "tpu.region"() ({
      %run_scoped3A_3868 = tpu.sem_alloc : memref<!tpu.dma_semaphore, #tpu.memory_space<semaphore_mem>>
      %dma_start3A_3869 = arith.constant 0 : i32
      %dma_start3A_3870 = tpu.memref_slice %arg14[%dma_start3A_3869] : memref<528xi32, #tpu.memory_space<vmem>> -> memref<512xi32, #tpu.memory_space<vmem>>
      %dma_start3A_3871 = arith.constant 0 : i32
      %dma_start3A_3872 = tpu.memref_slice %arg25[%dma_start3A_3871] : memref<576xi32, #tpu.memory_space<vmem_shared>> -> memref<512xi32, #tpu.memory_space<vmem_shared>>
      %dma_start3A_3873 = arith.constant 0 : i32
      %dma_start3A_3874 = tpu.memref_slice %arg14[%dma_start3A_3873] : memref<528xi32, #tpu.memory_space<vmem>> -> memref<512xi32, #tpu.memory_space<vmem>>
      %dma_start3A_3875 = arith.constant 0 : i32
      %dma_start3A_3876 = tpu.memref_slice %arg25[%dma_start3A_3875] : memref<576xi32, #tpu.memory_space<vmem_shared>> -> memref<512xi32, #tpu.memory_space<vmem_shared>>
      tpu.enqueue_dma source(%dma_start3A_3876 : memref<512xi32, #tpu.memory_space<vmem_shared>>) target(%dma_start3A_3874 : memref<512xi32, #tpu.memory_space<vmem>>) target_semaphore(%run_scoped3A_3868 : memref<!tpu.dma_semaphore, #tpu.memory_space<semaphore_mem>>)
      %dma_wait3A_3877 = arith.constant 0 : i32
      %dma_wait3A_3878 = tpu.memref_slice %arg14[%dma_wait3A_3877] : memref<528xi32, #tpu.memory_space<vmem>> -> memref<512xi32, #tpu.memory_space<vmem>>
      %dma_wait3A_3879 = arith.constant 0 : i32
      %dma_wait3A_3880 = tpu.memref_slice %arg25[%dma_wait3A_3879] : memref<576xi32, #tpu.memory_space<vmem_shared>> -> memref<512xi32, #tpu.memory_space<vmem_shared>>
      %dma_wait3A_3881 = arith.constant 0 : i32
      %dma_wait3A_3882 = tpu.memref_slice %arg14[%dma_wait3A_3881] : memref<528xi32, #tpu.memory_space<vmem>> -> memref<512xi32, #tpu.memory_space<vmem>>
      %dma_wait3A_3883 = arith.constant 0 : i32
      %dma_wait3A_3884 = tpu.memref_slice %arg25[%dma_wait3A_3883] : memref<576xi32, #tpu.memory_space<vmem_shared>> -> memref<512xi32, #tpu.memory_space<vmem_shared>>
      tpu.wait_dma2 semaphore(%run_scoped3A_3868 : memref<!tpu.dma_semaphore, #tpu.memory_space<semaphore_mem>>) src(%dma_wait3A_3884 : memref<512xi32, #tpu.memory_space<vmem_shared>>) dst(%dma_wait3A_3882 : memref<512xi32, #tpu.memory_space<vmem>>)
      tpu.yield
    }) : () -> ()
    %mul3A_3706 = arith.constant 32 : i32
    %mul3A_3707 = arith.muli %arg1, %mul3A_3706 : i32
    %get3A_3708 = arith.index_cast %mul3A_3707 : i32 to index
    %get3A_3709 = tpu.vector_load %arg13[%get3A_3708] {strides = array<i32>} : memref<528xi32, #tpu.memory_space<vmem>>, vector<16xi32>,
    %get3A_3710 = arith.index_cast %mul3A_3707 : i32 to index
    %get3A_3711 = tpu.vector_load %arg14[%get3A_3710] {strides = array<i32>} : memref<528xi32, #tpu.memory_space<vmem>>, vector<16xi32>,
    %add3A_3712 = arith.constant 16 : i32
    %add3A_3713 = arith.addi %mul3A_3707, %add3A_3712 : i32
    %get3A_3714 = arith.index_cast %add3A_3713 : i32 to index
    %get3A_3715 = tpu.vector_load %arg13[%get3A_3714] {strides = array<i32>} : memref<528xi32, #tpu.memory_space<vmem>>, vector<16xi32>,
    %add3A_3716 = arith.constant 16 : i32
    %add3A_3717 = arith.addi %mul3A_3707, %add3A_3716 : i32
    %get3A_3718 = arith.index_cast %add3A_3717 : i32 to index
    %get3A_3719 = tpu.vector_load %arg14[%get3A_3718] {strides = array<i32>} : memref<528xi32, #tpu.memory_space<vmem>>, vector<16xi32>,
    %while3A_3720 = arith.constant 0 : i32
    %while3A_3721 = arith.subi %min3A_288, %while3A_3720 : i32
    %while3A_3722 = arith.addi %while3A_3720, %while3A_3721 : i32
    %while3A_3723 = arith.constant 1 : i32
    %while3A_3724 = arith.divsi %while3A_3721, %while3A_3723 : i32
    %while3A_3725 = arith.muli %while3A_3724, %while3A_3723 : i32
    %while3A_3726 = arith.addi %while3A_3720, %while3A_3725 : i32
    %while3A_3727 = arith.constant 1 : i32
    %while3A_3728:2 = scf.for %while3A_3868 = %while3A_3720 to %while3A_3726 step %while3A_3727 iter_args(%while3A_3869 = %broadcast_in_dim3A_3, %while3A_3870 = %broadcast_in_dim3A_3) -> (vector<16xi32>, vector<16xi32>)  : i32 {
      %get3A_3871 = arith.index_cast %while3A_3868 : i32 to index
      %get3A_3872 = tpu.vector_load %arg13[%get3A_3871] {strides = array<i32>} : memref<528xi32, #tpu.memory_space<vmem>>, vector<16xi32>,
      %slice3A = vector.extract_strided_slice %get3A_3872 {offsets = [0], sizes = [1], strides = [1]} : vector<16xi32> to vector<1xi32>
      %squeeze3A = vector.extract %slice3A[0] : i32 from vector<1xi32>
      %get3A_3873 = arith.index_cast %while3A_3868 : i32 to index
      %get3A_3874 = tpu.vector_load %arg14[%get3A_3873] {strides = array<i32>} : memref<528xi32, #tpu.memory_space<vmem>>, vector<16xi32>,
      %slice3A_3875 = vector.extract_strided_slice %get3A_3874 {offsets = [0], sizes = [1], strides = [1]} : vector<16xi32> to vector<1xi32>
      %squeeze3A_3876 = vector.extract %slice3A_3875[0] : i32 from vector<1xi32>
      %gt3A = vector.broadcast %squeeze3A : i32 to vector<16xi32>
      %gt3A_3877 = arith.cmpi sgt, %gt3A, %get3A_3709 : vector<16xi32>
      %eq3A_3878 = vector.broadcast %squeeze3A : i32 to vector<16xi32>
      %eq3A_3879 = arith.cmpi eq, %eq3A_3878, %get3A_3709 : vector<16xi32>
      %lt3A_3880 = vector.broadcast %squeeze3A_3876 : i32 to vector<16xi32>
      %lt3A_3881 = arith.cmpi slt, %lt3A_3880, %get3A_3711 : vector<16xi32>
      %and3A_3882 = arith.andi %eq3A_3879, %lt3A_3881 : vector<16xi1>
      %or3A_3883 = arith.ori %gt3A_3877, %and3A_3882 : vector<16xi1>
      %gt3A_3884 = vector.broadcast %squeeze3A : i32 to vector<16xi32>
      %gt3A_3885 = arith.cmpi sgt, %gt3A_3884, %get3A_3715 : vector<16xi32>
      %eq3A_3886 = vector.broadcast %squeeze3A : i32 to vector<16xi32>
      %eq3A_3887 = arith.cmpi eq, %eq3A_3886, %get3A_3715 : vector<16xi32>
      %lt3A_3888 = vector.broadcast %squeeze3A_3876 : i32 to vector<16xi32>
      %lt3A_3889 = arith.cmpi slt, %lt3A_3888, %get3A_3719 : vector<16xi32>
      %and3A_3890 = arith.andi %eq3A_3887, %lt3A_3889 : vector<16xi1>
      %or3A_3891 = arith.ori %gt3A_3885, %and3A_3890 : vector<16xi1>
      %convert_element_type3A = arith.extui %or3A_3883 : vector<16xi1> to vector<16xi32>
      %add3A_3892 = arith.addi %while3A_3869, %convert_element_type3A : vector<16xi32>
      %convert_element_type3A_3893 = arith.extui %or3A_3891 : vector<16xi1> to vector<16xi32>
      %add3A_3894 = arith.addi %while3A_3870, %convert_element_type3A_3893 : vector<16xi32>
      scf.yield %add3A_3892, %add3A_3894 : vector<16xi32>, vector<16xi32>
    }
    %while3A_3729 = arith.constant 1 : i32
    %while3A_3730:2 = scf.for %while3A_3868 = %while3A_3726 to %while3A_3722 step %while3A_3729 iter_args(%while3A_3869 = %while3A_3728#0, %while3A_3870 = %while3A_3728#1) -> (vector<16xi32>, vector<16xi32>)  : i32 {
      %get3A_3871 = arith.index_cast %while3A_3868 : i32 to index
      %get3A_3872 = tpu.vector_load %arg13[%get3A_3871] {strides = array<i32>} : memref<528xi32, #tpu.memory_space<vmem>>, vector<16xi32>,
      %slice3A = vector.extract_strided_slice %get3A_3872 {offsets = [0], sizes = [1], strides = [1]} : vector<16xi32> to vector<1xi32>
      %squeeze3A = vector.extract %slice3A[0] : i32 from vector<1xi32>
      %get3A_3873 = arith.index_cast %while3A_3868 : i32 to index
      %get3A_3874 = tpu.vector_load %arg14[%get3A_3873] {strides = array<i32>} : memref<528xi32, #tpu.memory_space<vmem>>, vector<16xi32>,
      %slice3A_3875 = vector.extract_strided_slice %get3A_3874 {offsets = [0], sizes = [1], strides = [1]} : vector<16xi32> to vector<1xi32>
      %squeeze3A_3876 = vector.extract %slice3A_3875[0] : i32 from vector<1xi32>
      %gt3A = vector.broadcast %squeeze3A : i32 to vector<16xi32>
      %gt3A_3877 = arith.cmpi sgt, %gt3A, %get3A_3709 : vector<16xi32>
      %eq3A_3878 = vector.broadcast %squeeze3A : i32 to vector<16xi32>
      %eq3A_3879 = arith.cmpi eq, %eq3A_3878, %get3A_3709 : vector<16xi32>
      %lt3A_3880 = vector.broadcast %squeeze3A_3876 : i32 to vector<16xi32>
      %lt3A_3881 = arith.cmpi slt, %lt3A_3880, %get3A_3711 : vector<16xi32>
      %and3A_3882 = arith.andi %eq3A_3879, %lt3A_3881 : vector<16xi1>
      %or3A_3883 = arith.ori %gt3A_3877, %and3A_3882 : vector<16xi1>
      %gt3A_3884 = vector.broadcast %squeeze3A : i32 to vector<16xi32>
      %gt3A_3885 = arith.cmpi sgt, %gt3A_3884, %get3A_3715 : vector<16xi32>
      %eq3A_3886 = vector.broadcast %squeeze3A : i32 to vector<16xi32>
      %eq3A_3887 = arith.cmpi eq, %eq3A_3886, %get3A_3715 : vector<16xi32>
      %lt3A_3888 = vector.broadcast %squeeze3A_3876 : i32 to vector<16xi32>
      %lt3A_3889 = arith.cmpi slt, %lt3A_3888, %get3A_3719 : vector<16xi32>
      %and3A_3890 = arith.andi %eq3A_3887, %lt3A_3889 : vector<16xi1>
      %or3A_3891 = arith.ori %gt3A_3885, %and3A_3890 : vector<16xi1>
      %convert_element_type3A = arith.extui %or3A_3883 : vector<16xi1> to vector<16xi32>
      %add3A_3892 = arith.addi %while3A_3869, %convert_element_type3A : vector<16xi32>
      %convert_element_type3A_3893 = arith.extui %or3A_3891 : vector<16xi1> to vector<16xi32>
      %add3A_3894 = arith.addi %while3A_3870, %convert_element_type3A_3893 : vector<16xi32>
      scf.yield %add3A_3892, %add3A_3894 : vector<16xi32>, vector<16xi32>
    }
    %add3A_3731 = vector.broadcast %mul3A_3707 : i32 to vector<16xi32>
    %add3A_3732 = arith.addi %add3A_3731, %iota3A : vector<16xi32>
    %lt3A_3733 = vector.broadcast %min3A_288 : i32 to vector<16xi32>
    %lt3A_3734 = arith.cmpi slt, %add3A_3732, %lt3A_3733 : vector<16xi32>
    %add3A_3735 = arith.constant 16 : i32
    %add3A_3736 = arith.addi %mul3A_3707, %add3A_3735 : i32
    %add3A_3737 = vector.broadcast %add3A_3736 : i32 to vector<16xi32>
    %add3A_3738 = arith.addi %add3A_3737, %iota3A : vector<16xi32>
    %lt3A_3739 = vector.broadcast %min3A_288 : i32 to vector<16xi32>
    %lt3A_3740 = arith.cmpi slt, %add3A_3738, %lt3A_3739 : vector<16xi32>
    %add3A_3741 = arith.constant 544 : i32
    %add3A_3742 = arith.addi %add3A_3741, %arg1 : i32
    %broadcast_in_dim3A_3743 = vector.broadcast %add3A_3742 : i32 to vector<16xi32>
    %select_n3A_3744 = arith.select %lt3A_3734, %while3A_3730#0, %broadcast_in_dim3A_3743 : vector<16xi1>, vector<16xi32>
    %swap3A_3745 = arith.constant 0 : index
    %swap3A_3746 = tpu.vector_load %arg16[%swap3A_3745] {strides = array<i32>} : memref<32xi32, #tpu.memory_space<vmem>>, vector<16xi32>,
    tpu.vector_store %arg16[%swap3A_3745], %select_n3A_3744 {strides = array<i32>} : memref<32xi32, #tpu.memory_space<vmem>>, vector<16xi32>,
    %add3A_3747 = arith.constant 544 : i32
    %add3A_3748 = arith.addi %add3A_3747, %arg1 : i32
    %broadcast_in_dim3A_3749 = vector.broadcast %add3A_3748 : i32 to vector<16xi32>
    %select_n3A_3750 = arith.select %lt3A_3740, %while3A_3730#1, %broadcast_in_dim3A_3749 : vector<16xi1>, vector<16xi32>
    %swap3A_3751 = arith.constant 16 : index
    %swap3A_3752 = tpu.vector_load %arg16[%swap3A_3751] {strides = array<i32>} : memref<32xi32, #tpu.memory_space<vmem>>, vector<16xi32>,
    tpu.vector_store %arg16[%swap3A_3751], %select_n3A_3750 {strides = array<i32>} : memref<32xi32, #tpu.memory_space<vmem>>, vector<16xi32>,
    tpu.vector_store_idx %arg15[%iota3A, %broadcast_in_dim3A_3], %get3A_3711 : memref<32x16xi32, #tpu.memory_space<vmem>>[vector<16xi32>, vector<16xi32>], vector<16xi32>,
    %add3A_3753 = arith.constant 16 : i32
    %add3A_3754 = vector.broadcast %add3A_3753 : i32 to vector<16xi32>
    %add3A_3755 = arith.addi %add3A_3754, %iota3A : vector<16xi32>
    tpu.vector_store_idx %arg15[%add3A_3755, %broadcast_in_dim3A_3], %get3A_3719 : memref<32x16xi32, #tpu.memory_space<vmem>>[vector<16xi32>, vector<16xi32>], vector<16xi32>,
    "tpu.region"() ({
      %run_scoped3A_3868 = tpu.sem_alloc : memref<!tpu.dma_semaphore, #tpu.memory_space<semaphore_mem>>
      %dma_start3A_3869 = arith.constant 0 : i32
      %dma_start3A_3870 = arith.constant 0 : i32
      %dma_start3A_3871 = tpu.memref_slice %arg26[%dma_start3A_3869, %dma_start3A_3870] : memref<560x16xi32, #tpu.memory_space<vmem_shared>> -> memref<560x16xi32, #tpu.memory_space<vmem_shared>>
      tpu.enqueue_indirect_dma source(%arg15 : memref<32x16xi32, #tpu.memory_space<vmem>>) target(%dma_start3A_3871 : memref<560x16xi32, #tpu.memory_space<vmem_shared>>) offsets(%arg16 : memref<32xi32, #tpu.memory_space<vmem>>) semaphore(%run_scoped3A_3868 : memref<!tpu.dma_semaphore, #tpu.memory_space<semaphore_mem>>)
      %dma_wait3A_3872 = arith.constant 0 : i32
      %dma_wait3A_3873 = arith.constant 0 : i32
      %dma_wait3A_3874 = tpu.memref_slice %arg26[%dma_wait3A_3872, %dma_wait3A_3873] : memref<560x16xi32, #tpu.memory_space<vmem_shared>> -> memref<560x16xi32, #tpu.memory_space<vmem_shared>>
      tpu.wait_indirect_dma semaphore(%run_scoped3A_3868 : memref<!tpu.dma_semaphore, #tpu.memory_space<semaphore_mem>>) src(%arg15 : memref<32x16xi32, #tpu.memory_space<vmem>>) dst(%dma_wait3A_3874 : memref<560x16xi32, #tpu.memory_space<vmem_shared>>)
      tpu.yield
    }) : () -> ()
    %barrier3A_3756 = arith.constant 0 : index
    tpu.barrier barrier_id(%barrier3A_3756)
    "tpu.region"() ({
      %run_scoped3A_3868 = tpu.sem_alloc : memref<!tpu.dma_semaphore, #tpu.memory_space<semaphore_mem>>
      %dma_start3A_3869 = arith.constant 0 : i32
      %dma_start3A_3870 = tpu.memref_slice %arg26[%mul3A_3707, %dma_start3A_3869] : memref<560x16xi32, #tpu.memory_space<vmem_shared>> -> memref<32x16xi32, #tpu.memory_space<vmem_shared>>
      %dma_start3A_3871 = arith.constant 0 : i32
      %dma_start3A_3872 = tpu.memref_slice %arg26[%mul3A_3707, %dma_start3A_3871] : memref<560x16xi32, #tpu.memory_space<vmem_shared>> -> memref<32x16xi32, #tpu.memory_space<vmem_shared>>
      tpu.enqueue_dma source(%dma_start3A_3872 : memref<32x16xi32, #tpu.memory_space<vmem_shared>>) target(%arg17 : memref<32x16xi32, #tpu.memory_space<vmem>>) target_semaphore(%run_scoped3A_3868 : memref<!tpu.dma_semaphore, #tpu.memory_space<semaphore_mem>>)
      %dma_wait3A_3873 = arith.constant 0 : i32
      %dma_wait3A_3874 = tpu.memref_slice %arg26[%mul3A_3707, %dma_wait3A_3873] : memref<560x16xi32, #tpu.memory_space<vmem_shared>> -> memref<32x16xi32, #tpu.memory_space<vmem_shared>>
      %dma_wait3A_3875 = arith.constant 0 : i32
      %dma_wait3A_3876 = tpu.memref_slice %arg26[%mul3A_3707, %dma_wait3A_3875] : memref<560x16xi32, #tpu.memory_space<vmem_shared>> -> memref<32x16xi32, #tpu.memory_space<vmem_shared>>
      tpu.wait_dma2 semaphore(%run_scoped3A_3868 : memref<!tpu.dma_semaphore, #tpu.memory_space<semaphore_mem>>) src(%dma_wait3A_3876 : memref<32x16xi32, #tpu.memory_space<vmem_shared>>) dst(%arg17 : memref<32x16xi32, #tpu.memory_space<vmem>>)
      tpu.yield
    }) : () -> ()
    %add3A_3757 = arith.constant 0 : i32
    %add3A_3758 = vector.broadcast %add3A_3757 : i32 to vector<16xi32>
    %add3A_3759 = arith.addi %iota3A, %add3A_3758 : vector<16xi32>
    %gather3A_3760 = tpu.vector_load_idx %arg17[%add3A_3759, %broadcast_in_dim3A_3] : memref<32x16xi32, #tpu.memory_space<vmem>>[vector<16xi32>, vector<16xi32>], vector<16xi32>,
    %add3A_3761 = arith.constant 0 : i32
    %add3A_3762 = arith.addi %mul3A_3707, %add3A_3761 : i32
    %add3A_3763 = vector.broadcast %add3A_3762 : i32 to vector<16xi32>
    %add3A_3764 = arith.addi %add3A_3763, %iota3A : vector<16xi32>
    %lt3A_3765 = vector.broadcast %min3A_288 : i32 to vector<16xi32>
    %lt3A_3766 = arith.cmpi slt, %add3A_3764, %lt3A_3765 : vector<16xi32>
    %jit3A_3767 = arith.constant 0 : i32
    %broadcast_in_dim3A_3768 = vector.broadcast %jit3A_3767 : i32 to vector<16xi32>
    %select_n3A_3769 = arith.select %lt3A_3766, %gather3A_3760, %broadcast_in_dim3A_3768 : vector<16xi1>, vector<16xi32>
    %swap3A_3770 = arith.constant 0 : index
    %swap3A_3771 = tpu.vector_load %arg18[%swap3A_3770] {strides = array<i32>} : memref<32xi32, #tpu.memory_space<vmem>>, vector<16xi32>,
    tpu.vector_store %arg18[%swap3A_3770], %select_n3A_3769 {strides = array<i32>} : memref<32xi32, #tpu.memory_space<vmem>>, vector<16xi32>,
    %add3A_3772 = arith.constant 16 : i32
    %add3A_3773 = vector.broadcast %add3A_3772 : i32 to vector<16xi32>
    %add3A_3774 = arith.addi %iota3A, %add3A_3773 : vector<16xi32>
    %gather3A_3775 = tpu.vector_load_idx %arg17[%add3A_3774, %broadcast_in_dim3A_3] : memref<32x16xi32, #tpu.memory_space<vmem>>[vector<16xi32>, vector<16xi32>], vector<16xi32>,
    %add3A_3776 = arith.constant 16 : i32
    %add3A_3777 = arith.addi %mul3A_3707, %add3A_3776 : i32
    %add3A_3778 = vector.broadcast %add3A_3777 : i32 to vector<16xi32>
    %add3A_3779 = arith.addi %add3A_3778, %iota3A : vector<16xi32>
    %lt3A_3780 = vector.broadcast %min3A_288 : i32 to vector<16xi32>
    %lt3A_3781 = arith.cmpi slt, %add3A_3779, %lt3A_3780 : vector<16xi32>
    %jit3A_3782 = arith.constant 0 : i32
    %broadcast_in_dim3A_3783 = vector.broadcast %jit3A_3782 : i32 to vector<16xi32>
    %select_n3A_3784 = arith.select %lt3A_3781, %gather3A_3775, %broadcast_in_dim3A_3783 : vector<16xi1>, vector<16xi32>
    %swap3A_3785 = arith.constant 16 : index
    %swap3A_3786 = tpu.vector_load %arg18[%swap3A_3785] {strides = array<i32>} : memref<32xi32, #tpu.memory_space<vmem>>, vector<16xi32>,
    tpu.vector_store %arg18[%swap3A_3785], %select_n3A_3784 {strides = array<i32>} : memref<32xi32, #tpu.memory_space<vmem>>, vector<16xi32>,
    %dma_start3A = arith.constant 0 : i32
    %dma_start3A_3787 = arith.constant 0 : i32
    %dma_start3A_3788 = tpu.memref_slice %arg3[%dma_start3A, %dma_start3A_3787] : memref<20480x16xf32, #tpu.memory_space<hbm>> -> memref<20480x16xf32, #tpu.memory_space<hbm>>
    tpu.enqueue_indirect_dma source(%dma_start3A_3788 : memref<20480x16xf32, #tpu.memory_space<hbm>>) target(%arg20 : memref<32x16xf32, #tpu.memory_space<vmem>>) offsets(%arg18 : memref<32xi32, #tpu.memory_space<vmem>>) semaphore(%arg27 : memref<!tpu.dma_semaphore, #tpu.memory_space<semaphore_mem>>)
    %dma_wait3A = arith.constant 0 : i32
    %dma_wait3A_3789 = arith.constant 0 : i32
    %dma_wait3A_3790 = tpu.memref_slice %arg3[%dma_wait3A, %dma_wait3A_3789] : memref<20480x16xf32, #tpu.memory_space<hbm>> -> memref<20480x16xf32, #tpu.memory_space<hbm>>
    tpu.wait_indirect_dma semaphore(%arg27 : memref<!tpu.dma_semaphore, #tpu.memory_space<semaphore_mem>>) src(%dma_wait3A_3790 : memref<20480x16xf32, #tpu.memory_space<hbm>>) dst(%arg20 : memref<32x16xf32, #tpu.memory_space<vmem>>)
    %add3A_3791 = arith.constant 0 : i32
    %add3A_3792 = vector.broadcast %add3A_3791 : i32 to vector<16xi32>
    %add3A_3793 = arith.addi %iota3A, %add3A_3792 : vector<16xi32>
    %add3A_3794 = arith.constant 0 : i32
    %add3A_3795 = arith.addi %mul3A_3707, %add3A_3794 : i32
    %add3A_3796 = vector.broadcast %add3A_3795 : i32 to vector<16xi32>
    %add3A_3797 = arith.addi %add3A_3796, %iota3A : vector<16xi32>
    %lt3A_3798 = vector.broadcast %min3A_288 : i32 to vector<16xi32>
    %lt3A_3799 = arith.cmpi slt, %add3A_3797, %lt3A_3798 : vector<16xi32>
    %broadcast_in_dim3A_3800 = arith.constant 4 : i32
    %broadcast_in_dim3A_3801 = vector.broadcast %broadcast_in_dim3A_3800 : i32 to vector<16xi32>
    %gather3A_3802 = tpu.vector_load_idx %arg20[%add3A_3793, %broadcast_in_dim3A_3801] : memref<32x16xf32, #tpu.memory_space<vmem>>[vector<16xi32>, vector<16xi32>], vector<16xf32>,
    %jit3A_3803 = arith.constant 0xFF800000 : f32
    %broadcast_in_dim3A_3804 = vector.broadcast %jit3A_3803 : f32 to vector<16xf32>
    %select_n3A_3805 = arith.select %lt3A_3799, %gather3A_3802, %broadcast_in_dim3A_3804 : vector<16xi1>, vector<16xf32>
    %swap3A_3806 = arith.constant 0 : index
    %swap3A_3807 = tpu.vector_load %arg19[%swap3A_3806] {strides = array<i32>} : memref<32xf32, #tpu.memory_space<vmem>>, vector<16xf32>,
    tpu.vector_store %arg19[%swap3A_3806], %select_n3A_3805 {strides = array<i32>} : memref<32xf32, #tpu.memory_space<vmem>>, vector<16xf32>,
    %broadcast_in_dim3A_3808 = arith.constant 0 : i32
    %broadcast_in_dim3A_3809 = vector.broadcast %broadcast_in_dim3A_3808 : i32 to vector<16xi32>
    %gather3A_3810 = tpu.vector_load_idx %arg20[%add3A_3793, %broadcast_in_dim3A_3809] : memref<32x16xf32, #tpu.memory_space<vmem>>[vector<16xi32>, vector<16xi32>], vector<16xf32>,
    %swap3A_3811 = arith.constant 0 : index
    %swap3A_3812 = tpu.vector_load %arg21[%swap3A_3811] {strides = array<i32>} : memref<128xf32, #tpu.memory_space<vmem>>, vector<16xf32>,
    tpu.vector_store %arg21[%swap3A_3811], %gather3A_3810 {strides = array<i32>} : memref<128xf32, #tpu.memory_space<vmem>>, vector<16xf32>,
    %broadcast_in_dim3A_3813 = arith.constant 1 : i32
    %broadcast_in_dim3A_3814 = vector.broadcast %broadcast_in_dim3A_3813 : i32 to vector<16xi32>
    %gather3A_3815 = tpu.vector_load_idx %arg20[%add3A_3793, %broadcast_in_dim3A_3814] : memref<32x16xf32, #tpu.memory_space<vmem>>[vector<16xi32>, vector<16xi32>], vector<16xf32>,
    %swap3A_3816 = arith.constant 32 : index
    %swap3A_3817 = tpu.vector_load %arg21[%swap3A_3816] {strides = array<i32>} : memref<128xf32, #tpu.memory_space<vmem>>, vector<16xf32>,
    tpu.vector_store %arg21[%swap3A_3816], %gather3A_3815 {strides = array<i32>} : memref<128xf32, #tpu.memory_space<vmem>>, vector<16xf32>,
    %broadcast_in_dim3A_3818 = arith.constant 2 : i32
    %broadcast_in_dim3A_3819 = vector.broadcast %broadcast_in_dim3A_3818 : i32 to vector<16xi32>
    %gather3A_3820 = tpu.vector_load_idx %arg20[%add3A_3793, %broadcast_in_dim3A_3819] : memref<32x16xf32, #tpu.memory_space<vmem>>[vector<16xi32>, vector<16xi32>], vector<16xf32>,
    %swap3A_3821 = arith.constant 64 : index
    %swap3A_3822 = tpu.vector_load %arg21[%swap3A_3821] {strides = array<i32>} : memref<128xf32, #tpu.memory_space<vmem>>, vector<16xf32>,
    tpu.vector_store %arg21[%swap3A_3821], %gather3A_3820 {strides = array<i32>} : memref<128xf32, #tpu.memory_space<vmem>>, vector<16xf32>,
    %broadcast_in_dim3A_3823 = arith.constant 3 : i32
    %broadcast_in_dim3A_3824 = vector.broadcast %broadcast_in_dim3A_3823 : i32 to vector<16xi32>
    %gather3A_3825 = tpu.vector_load_idx %arg20[%add3A_3793, %broadcast_in_dim3A_3824] : memref<32x16xf32, #tpu.memory_space<vmem>>[vector<16xi32>, vector<16xi32>], vector<16xf32>,
    %swap3A_3826 = arith.constant 96 : index
    %swap3A_3827 = tpu.vector_load %arg21[%swap3A_3826] {strides = array<i32>} : memref<128xf32, #tpu.memory_space<vmem>>, vector<16xf32>,
    tpu.vector_store %arg21[%swap3A_3826], %gather3A_3825 {strides = array<i32>} : memref<128xf32, #tpu.memory_space<vmem>>, vector<16xf32>,
    %add3A_3828 = arith.constant 16 : i32
    %add3A_3829 = vector.broadcast %add3A_3828 : i32 to vector<16xi32>
    %add3A_3830 = arith.addi %iota3A, %add3A_3829 : vector<16xi32>
    %add3A_3831 = arith.constant 16 : i32
    %add3A_3832 = arith.addi %mul3A_3707, %add3A_3831 : i32
    %add3A_3833 = vector.broadcast %add3A_3832 : i32 to vector<16xi32>
    %add3A_3834 = arith.addi %add3A_3833, %iota3A : vector<16xi32>
    %lt3A_3835 = vector.broadcast %min3A_288 : i32 to vector<16xi32>
    %lt3A_3836 = arith.cmpi slt, %add3A_3834, %lt3A_3835 : vector<16xi32>
    %broadcast_in_dim3A_3837 = arith.constant 4 : i32
    %broadcast_in_dim3A_3838 = vector.broadcast %broadcast_in_dim3A_3837 : i32 to vector<16xi32>
    %gather3A_3839 = tpu.vector_load_idx %arg20[%add3A_3830, %broadcast_in_dim3A_3838] : memref<32x16xf32, #tpu.memory_space<vmem>>[vector<16xi32>, vector<16xi32>], vector<16xf32>,
    %jit3A_3840 = arith.constant 0xFF800000 : f32
    %broadcast_in_dim3A_3841 = vector.broadcast %jit3A_3840 : f32 to vector<16xf32>
    %select_n3A_3842 = arith.select %lt3A_3836, %gather3A_3839, %broadcast_in_dim3A_3841 : vector<16xi1>, vector<16xf32>
    %swap3A_3843 = arith.constant 16 : index
    %swap3A_3844 = tpu.vector_load %arg19[%swap3A_3843] {strides = array<i32>} : memref<32xf32, #tpu.memory_space<vmem>>, vector<16xf32>,
    tpu.vector_store %arg19[%swap3A_3843], %select_n3A_3842 {strides = array<i32>} : memref<32xf32, #tpu.memory_space<vmem>>, vector<16xf32>,
    %broadcast_in_dim3A_3845 = arith.constant 0 : i32
    %broadcast_in_dim3A_3846 = vector.broadcast %broadcast_in_dim3A_3845 : i32 to vector<16xi32>
    %gather3A_3847 = tpu.vector_load_idx %arg20[%add3A_3830, %broadcast_in_dim3A_3846] : memref<32x16xf32, #tpu.memory_space<vmem>>[vector<16xi32>, vector<16xi32>], vector<16xf32>,
    %swap3A_3848 = arith.constant 16 : index
    %swap3A_3849 = tpu.vector_load %arg21[%swap3A_3848] {strides = array<i32>} : memref<128xf32, #tpu.memory_space<vmem>>, vector<16xf32>,
    tpu.vector_store %arg21[%swap3A_3848], %gather3A_3847 {strides = array<i32>} : memref<128xf32, #tpu.memory_space<vmem>>, vector<16xf32>,
    %broadcast_in_dim3A_3850 = arith.constant 1 : i32
    %broadcast_in_dim3A_3851 = vector.broadcast %broadcast_in_dim3A_3850 : i32 to vector<16xi32>
    %gather3A_3852 = tpu.vector_load_idx %arg20[%add3A_3830, %broadcast_in_dim3A_3851] : memref<32x16xf32, #tpu.memory_space<vmem>>[vector<16xi32>, vector<16xi32>], vector<16xf32>,
    %swap3A_3853 = arith.constant 48 : index
    %swap3A_3854 = tpu.vector_load %arg21[%swap3A_3853] {strides = array<i32>} : memref<128xf32, #tpu.memory_space<vmem>>, vector<16xf32>,
    tpu.vector_store %arg21[%swap3A_3853], %gather3A_3852 {strides = array<i32>} : memref<128xf32, #tpu.memory_space<vmem>>, vector<16xf32>,
    %broadcast_in_dim3A_3855 = arith.constant 2 : i32
    %broadcast_in_dim3A_3856 = vector.broadcast %broadcast_in_dim3A_3855 : i32 to vector<16xi32>
    %gather3A_3857 = tpu.vector_load_idx %arg20[%add3A_3830, %broadcast_in_dim3A_3856] : memref<32x16xf32, #tpu.memory_space<vmem>>[vector<16xi32>, vector<16xi32>], vector<16xf32>,
    %swap3A_3858 = arith.constant 80 : index
    %swap3A_3859 = tpu.vector_load %arg21[%swap3A_3858] {strides = array<i32>} : memref<128xf32, #tpu.memory_space<vmem>>, vector<16xf32>,
    tpu.vector_store %arg21[%swap3A_3858], %gather3A_3857 {strides = array<i32>} : memref<128xf32, #tpu.memory_space<vmem>>, vector<16xf32>,
    %broadcast_in_dim3A_3860 = arith.constant 3 : i32
    %broadcast_in_dim3A_3861 = vector.broadcast %broadcast_in_dim3A_3860 : i32 to vector<16xi32>
    %gather3A_3862 = tpu.vector_load_idx %arg20[%add3A_3830, %broadcast_in_dim3A_3861] : memref<32x16xf32, #tpu.memory_space<vmem>>[vector<16xi32>, vector<16xi32>], vector<16xf32>,
    %swap3A_3863 = arith.constant 112 : index
    %swap3A_3864 = tpu.vector_load %arg21[%swap3A_3863] {strides = array<i32>} : memref<128xf32, #tpu.memory_space<vmem>>, vector<16xf32>,
    tpu.vector_store %arg21[%swap3A_3863], %gather3A_3862 {strides = array<i32>} : memref<128xf32, #tpu.memory_space<vmem>>, vector<16xf32>,
    "tpu.region"() ({
      %run_scoped3A_3868 = tpu.sem_alloc : memref<!tpu.dma_semaphore, #tpu.memory_space<semaphore_mem>>
      %dma_start3A_3869 = arith.constant 0 : i32
      %dma_start3A_3870 = tpu.memref_slice %arg4[%arg1, %dma_start3A_3869] : memref<16x32xf32, #tpu.memory_space<hbm>> -> memref<1x32xf32, #tpu.memory_space<hbm>>
      %dma_start3A_3871 = tpu.memref_squeeze %dma_start3A_3870 : memref<1x32xf32, #tpu.memory_space<hbm>> -> memref<32xf32, #tpu.memory_space<hbm>>
      %dma_start3A_3872 = arith.constant 0 : i32
      %dma_start3A_3873 = tpu.memref_slice %arg4[%arg1, %dma_start3A_3872] : memref<16x32xf32, #tpu.memory_space<hbm>> -> memref<1x32xf32, #tpu.memory_space<hbm>>
      %dma_start3A_3874 = tpu.memref_squeeze %dma_start3A_3873 : memref<1x32xf32, #tpu.memory_space<hbm>> -> memref<32xf32, #tpu.memory_space<hbm>>
      tpu.enqueue_dma source(%arg19 : memref<32xf32, #tpu.memory_space<vmem>>) target(%dma_start3A_3874 : memref<32xf32, #tpu.memory_space<hbm>>) target_semaphore(%run_scoped3A_3868 : memref<!tpu.dma_semaphore, #tpu.memory_space<semaphore_mem>>)
      %dma_wait3A_3875 = arith.constant 0 : i32
      %dma_wait3A_3876 = tpu.memref_slice %arg4[%arg1, %dma_wait3A_3875] : memref<16x32xf32, #tpu.memory_space<hbm>> -> memref<1x32xf32, #tpu.memory_space<hbm>>
      %dma_wait3A_3877 = tpu.memref_squeeze %dma_wait3A_3876 : memref<1x32xf32, #tpu.memory_space<hbm>> -> memref<32xf32, #tpu.memory_space<hbm>>
      %dma_wait3A_3878 = arith.constant 0 : i32
      %dma_wait3A_3879 = tpu.memref_slice %arg4[%arg1, %dma_wait3A_3878] : memref<16x32xf32, #tpu.memory_space<hbm>> -> memref<1x32xf32, #tpu.memory_space<hbm>>
      %dma_wait3A_3880 = tpu.memref_squeeze %dma_wait3A_3879 : memref<1x32xf32, #tpu.memory_space<hbm>> -> memref<32xf32, #tpu.memory_space<hbm>>
      tpu.wait_dma2 semaphore(%run_scoped3A_3868 : memref<!tpu.dma_semaphore, #tpu.memory_space<semaphore_mem>>) src(%arg19 : memref<32xf32, #tpu.memory_space<vmem>>) dst(%dma_wait3A_3880 : memref<32xf32, #tpu.memory_space<hbm>>)
      tpu.yield
    }) : () -> ()
    "tpu.region"() ({
      %run_scoped3A_3868 = tpu.sem_alloc : memref<!tpu.dma_semaphore, #tpu.memory_space<semaphore_mem>>
      %dma_start3A_3869 = arith.constant 0 : i32
      %dma_start3A_3870 = tpu.memref_slice %arg5[%mul3A_3707, %dma_start3A_3869] : memref<512x16xf32, #tpu.memory_space<hbm>> -> memref<32x16xf32, #tpu.memory_space<hbm>>
      %dma_start3A_3871 = arith.constant 0 : i32
      %dma_start3A_3872 = tpu.memref_slice %arg5[%mul3A_3707, %dma_start3A_3871] : memref<512x16xf32, #tpu.memory_space<hbm>> -> memref<32x16xf32, #tpu.memory_space<hbm>>
      tpu.enqueue_dma source(%arg20 : memref<32x16xf32, #tpu.memory_space<vmem>>) target(%dma_start3A_3872 : memref<32x16xf32, #tpu.memory_space<hbm>>) target_semaphore(%run_scoped3A_3868 : memref<!tpu.dma_semaphore, #tpu.memory_space<semaphore_mem>>)
      %dma_wait3A_3873 = arith.constant 0 : i32
      %dma_wait3A_3874 = tpu.memref_slice %arg5[%mul3A_3707, %dma_wait3A_3873] : memref<512x16xf32, #tpu.memory_space<hbm>> -> memref<32x16xf32, #tpu.memory_space<hbm>>
      %dma_wait3A_3875 = arith.constant 0 : i32
      %dma_wait3A_3876 = tpu.memref_slice %arg5[%mul3A_3707, %dma_wait3A_3875] : memref<512x16xf32, #tpu.memory_space<hbm>> -> memref<32x16xf32, #tpu.memory_space<hbm>>
      tpu.wait_dma2 semaphore(%run_scoped3A_3868 : memref<!tpu.dma_semaphore, #tpu.memory_space<semaphore_mem>>) src(%arg20 : memref<32x16xf32, #tpu.memory_space<vmem>>) dst(%dma_wait3A_3876 : memref<32x16xf32, #tpu.memory_space<hbm>>)
      tpu.yield
    }) : () -> ()
    %run_scoped3A = arith.constant 0 : i32
    "tpu.region"() ({
      %run_scoped3A_3868 = tpu.sem_alloc : memref<!tpu.dma_semaphore, #tpu.memory_space<semaphore_mem>>
      %dma_start3A_3869 = arith.constant 0 : i32
      %dma_start3A_3870 = tpu.memref_slice %arg21[%dma_start3A_3869] : memref<128xf32, #tpu.memory_space<vmem>> -> memref<32xf32, #tpu.memory_space<vmem>>
      %dma_start3A_3871 = tpu.memref_slice %arg6[%run_scoped3A, %mul3A_3707] : memref<4x512xf32, #tpu.memory_space<hbm>> -> memref<1x32xf32, #tpu.memory_space<hbm>>
      %dma_start3A_3872 = tpu.memref_squeeze %dma_start3A_3871 : memref<1x32xf32, #tpu.memory_space<hbm>> -> memref<32xf32, #tpu.memory_space<hbm>>
      %dma_start3A_3873 = tpu.memref_slice %arg6[%run_scoped3A, %mul3A_3707] : memref<4x512xf32, #tpu.memory_space<hbm>> -> memref<1x32xf32, #tpu.memory_space<hbm>>
      %dma_start3A_3874 = tpu.memref_squeeze %dma_start3A_3873 : memref<1x32xf32, #tpu.memory_space<hbm>> -> memref<32xf32, #tpu.memory_space<hbm>>
      %dma_start3A_3875 = arith.constant 0 : i32
      %dma_start3A_3876 = tpu.memref_slice %arg21[%dma_start3A_3875] : memref<128xf32, #tpu.memory_space<vmem>> -> memref<32xf32, #tpu.memory_space<vmem>>
      tpu.enqueue_dma source(%dma_start3A_3876 : memref<32xf32, #tpu.memory_space<vmem>>) target(%dma_start3A_3874 : memref<32xf32, #tpu.memory_space<hbm>>) target_semaphore(%run_scoped3A_3868 : memref<!tpu.dma_semaphore, #tpu.memory_space<semaphore_mem>>)
      %dma_wait3A_3877 = arith.constant 0 : i32
      %dma_wait3A_3878 = tpu.memref_slice %arg21[%dma_wait3A_3877] : memref<128xf32, #tpu.memory_space<vmem>> -> memref<32xf32, #tpu.memory_space<vmem>>
      %dma_wait3A_3879 = tpu.memref_slice %arg6[%run_scoped3A, %mul3A_3707] : memref<4x512xf32, #tpu.memory_space<hbm>> -> memref<1x32xf32, #tpu.memory_space<hbm>>
      %dma_wait3A_3880 = tpu.memref_squeeze %dma_wait3A_3879 : memref<1x32xf32, #tpu.memory_space<hbm>> -> memref<32xf32, #tpu.memory_space<hbm>>
      %dma_wait3A_3881 = tpu.memref_slice %arg6[%run_scoped3A, %mul3A_3707] : memref<4x512xf32, #tpu.memory_space<hbm>> -> memref<1x32xf32, #tpu.memory_space<hbm>>
      %dma_wait3A_3882 = tpu.memref_squeeze %dma_wait3A_3881 : memref<1x32xf32, #tpu.memory_space<hbm>> -> memref<32xf32, #tpu.memory_space<hbm>>
      %dma_wait3A_3883 = arith.constant 0 : i32
      %dma_wait3A_3884 = tpu.memref_slice %arg21[%dma_wait3A_3883] : memref<128xf32, #tpu.memory_space<vmem>> -> memref<32xf32, #tpu.memory_space<vmem>>
      tpu.wait_dma2 semaphore(%run_scoped3A_3868 : memref<!tpu.dma_semaphore, #tpu.memory_space<semaphore_mem>>) src(%dma_wait3A_3884 : memref<32xf32, #tpu.memory_space<vmem>>) dst(%dma_wait3A_3882 : memref<32xf32, #tpu.memory_space<hbm>>)
      tpu.yield
    }) : () -> ()
    %run_scoped3A_3865 = arith.constant 1 : i32
    "tpu.region"() ({
      %run_scoped3A_3868 = tpu.sem_alloc : memref<!tpu.dma_semaphore, #tpu.memory_space<semaphore_mem>>
      %dma_start3A_3869 = arith.constant 32 : i32
      %dma_start3A_3870 = tpu.memref_slice %arg21[%dma_start3A_3869] : memref<128xf32, #tpu.memory_space<vmem>> -> memref<32xf32, #tpu.memory_space<vmem>>
      %dma_start3A_3871 = tpu.memref_slice %arg6[%run_scoped3A_3865, %mul3A_3707] : memref<4x512xf32, #tpu.memory_space<hbm>> -> memref<1x32xf32, #tpu.memory_space<hbm>>
      %dma_start3A_3872 = tpu.memref_squeeze %dma_start3A_3871 : memref<1x32xf32, #tpu.memory_space<hbm>> -> memref<32xf32, #tpu.memory_space<hbm>>
      %dma_start3A_3873 = tpu.memref_slice %arg6[%run_scoped3A_3865, %mul3A_3707] : memref<4x512xf32, #tpu.memory_space<hbm>> -> memref<1x32xf32, #tpu.memory_space<hbm>>
      %dma_start3A_3874 = tpu.memref_squeeze %dma_start3A_3873 : memref<1x32xf32, #tpu.memory_space<hbm>> -> memref<32xf32, #tpu.memory_space<hbm>>
      %dma_start3A_3875 = arith.constant 32 : i32
      %dma_start3A_3876 = tpu.memref_slice %arg21[%dma_start3A_3875] : memref<128xf32, #tpu.memory_space<vmem>> -> memref<32xf32, #tpu.memory_space<vmem>>
      tpu.enqueue_dma source(%dma_start3A_3876 : memref<32xf32, #tpu.memory_space<vmem>>) target(%dma_start3A_3874 : memref<32xf32, #tpu.memory_space<hbm>>) target_semaphore(%run_scoped3A_3868 : memref<!tpu.dma_semaphore, #tpu.memory_space<semaphore_mem>>)
      %dma_wait3A_3877 = arith.constant 32 : i32
      %dma_wait3A_3878 = tpu.memref_slice %arg21[%dma_wait3A_3877] : memref<128xf32, #tpu.memory_space<vmem>> -> memref<32xf32, #tpu.memory_space<vmem>>
      %dma_wait3A_3879 = tpu.memref_slice %arg6[%run_scoped3A_3865, %mul3A_3707] : memref<4x512xf32, #tpu.memory_space<hbm>> -> memref<1x32xf32, #tpu.memory_space<hbm>>
      %dma_wait3A_3880 = tpu.memref_squeeze %dma_wait3A_3879 : memref<1x32xf32, #tpu.memory_space<hbm>> -> memref<32xf32, #tpu.memory_space<hbm>>
      %dma_wait3A_3881 = tpu.memref_slice %arg6[%run_scoped3A_3865, %mul3A_3707] : memref<4x512xf32, #tpu.memory_space<hbm>> -> memref<1x32xf32, #tpu.memory_space<hbm>>
      %dma_wait3A_3882 = tpu.memref_squeeze %dma_wait3A_3881 : memref<1x32xf32, #tpu.memory_space<hbm>> -> memref<32xf32, #tpu.memory_space<hbm>>
      %dma_wait3A_3883 = arith.constant 32 : i32
      %dma_wait3A_3884 = tpu.memref_slice %arg21[%dma_wait3A_3883] : memref<128xf32, #tpu.memory_space<vmem>> -> memref<32xf32, #tpu.memory_space<vmem>>
      tpu.wait_dma2 semaphore(%run_scoped3A_3868 : memref<!tpu.dma_semaphore, #tpu.memory_space<semaphore_mem>>) src(%dma_wait3A_3884 : memref<32xf32, #tpu.memory_space<vmem>>) dst(%dma_wait3A_3882 : memref<32xf32, #tpu.memory_space<hbm>>)
      tpu.yield
    }) : () -> ()
    %run_scoped3A_3866 = arith.constant 2 : i32
    "tpu.region"() ({
      %run_scoped3A_3868 = tpu.sem_alloc : memref<!tpu.dma_semaphore, #tpu.memory_space<semaphore_mem>>
      %dma_start3A_3869 = arith.constant 64 : i32
      %dma_start3A_3870 = tpu.memref_slice %arg21[%dma_start3A_3869] : memref<128xf32, #tpu.memory_space<vmem>> -> memref<32xf32, #tpu.memory_space<vmem>>
      %dma_start3A_3871 = tpu.memref_slice %arg6[%run_scoped3A_3866, %mul3A_3707] : memref<4x512xf32, #tpu.memory_space<hbm>> -> memref<1x32xf32, #tpu.memory_space<hbm>>
      %dma_start3A_3872 = tpu.memref_squeeze %dma_start3A_3871 : memref<1x32xf32, #tpu.memory_space<hbm>> -> memref<32xf32, #tpu.memory_space<hbm>>
      %dma_start3A_3873 = tpu.memref_slice %arg6[%run_scoped3A_3866, %mul3A_3707] : memref<4x512xf32, #tpu.memory_space<hbm>> -> memref<1x32xf32, #tpu.memory_space<hbm>>
      %dma_start3A_3874 = tpu.memref_squeeze %dma_start3A_3873 : memref<1x32xf32, #tpu.memory_space<hbm>> -> memref<32xf32, #tpu.memory_space<hbm>>
      %dma_start3A_3875 = arith.constant 64 : i32
      %dma_start3A_3876 = tpu.memref_slice %arg21[%dma_start3A_3875] : memref<128xf32, #tpu.memory_space<vmem>> -> memref<32xf32, #tpu.memory_space<vmem>>
      tpu.enqueue_dma source(%dma_start3A_3876 : memref<32xf32, #tpu.memory_space<vmem>>) target(%dma_start3A_3874 : memref<32xf32, #tpu.memory_space<hbm>>) target_semaphore(%run_scoped3A_3868 : memref<!tpu.dma_semaphore, #tpu.memory_space<semaphore_mem>>)
      %dma_wait3A_3877 = arith.constant 64 : i32
      %dma_wait3A_3878 = tpu.memref_slice %arg21[%dma_wait3A_3877] : memref<128xf32, #tpu.memory_space<vmem>> -> memref<32xf32, #tpu.memory_space<vmem>>
      %dma_wait3A_3879 = tpu.memref_slice %arg6[%run_scoped3A_3866, %mul3A_3707] : memref<4x512xf32, #tpu.memory_space<hbm>> -> memref<1x32xf32, #tpu.memory_space<hbm>>
      %dma_wait3A_3880 = tpu.memref_squeeze %dma_wait3A_3879 : memref<1x32xf32, #tpu.memory_space<hbm>> -> memref<32xf32, #tpu.memory_space<hbm>>
      %dma_wait3A_3881 = tpu.memref_slice %arg6[%run_scoped3A_3866, %mul3A_3707] : memref<4x512xf32, #tpu.memory_space<hbm>> -> memref<1x32xf32, #tpu.memory_space<hbm>>
      %dma_wait3A_3882 = tpu.memref_squeeze %dma_wait3A_3881 : memref<1x32xf32, #tpu.memory_space<hbm>> -> memref<32xf32, #tpu.memory_space<hbm>>
      %dma_wait3A_3883 = arith.constant 64 : i32
      %dma_wait3A_3884 = tpu.memref_slice %arg21[%dma_wait3A_3883] : memref<128xf32, #tpu.memory_space<vmem>> -> memref<32xf32, #tpu.memory_space<vmem>>
      tpu.wait_dma2 semaphore(%run_scoped3A_3868 : memref<!tpu.dma_semaphore, #tpu.memory_space<semaphore_mem>>) src(%dma_wait3A_3884 : memref<32xf32, #tpu.memory_space<vmem>>) dst(%dma_wait3A_3882 : memref<32xf32, #tpu.memory_space<hbm>>)
      tpu.yield
    }) : () -> ()
    %run_scoped3A_3867 = arith.constant 3 : i32
    "tpu.region"() ({
      %run_scoped3A_3868 = tpu.sem_alloc : memref<!tpu.dma_semaphore, #tpu.memory_space<semaphore_mem>>
      %dma_start3A_3869 = arith.constant 96 : i32
      %dma_start3A_3870 = tpu.memref_slice %arg21[%dma_start3A_3869] : memref<128xf32, #tpu.memory_space<vmem>> -> memref<32xf32, #tpu.memory_space<vmem>>
      %dma_start3A_3871 = tpu.memref_slice %arg6[%run_scoped3A_3867, %mul3A_3707] : memref<4x512xf32, #tpu.memory_space<hbm>> -> memref<1x32xf32, #tpu.memory_space<hbm>>
      %dma_start3A_3872 = tpu.memref_squeeze %dma_start3A_3871 : memref<1x32xf32, #tpu.memory_space<hbm>> -> memref<32xf32, #tpu.memory_space<hbm>>
      %dma_start3A_3873 = tpu.memref_slice %arg6[%run_scoped3A_3867, %mul3A_3707] : memref<4x512xf32, #tpu.memory_space<hbm>> -> memref<1x32xf32, #tpu.memory_space<hbm>>
      %dma_start3A_3874 = tpu.memref_squeeze %dma_start3A_3873 : memref<1x32xf32, #tpu.memory_space<hbm>> -> memref<32xf32, #tpu.memory_space<hbm>>
      %dma_start3A_3875 = arith.constant 96 : i32
      %dma_start3A_3876 = tpu.memref_slice %arg21[%dma_start3A_3875] : memref<128xf32, #tpu.memory_space<vmem>> -> memref<32xf32, #tpu.memory_space<vmem>>
      tpu.enqueue_dma source(%dma_start3A_3876 : memref<32xf32, #tpu.memory_space<vmem>>) target(%dma_start3A_3874 : memref<32xf32, #tpu.memory_space<hbm>>) target_semaphore(%run_scoped3A_3868 : memref<!tpu.dma_semaphore, #tpu.memory_space<semaphore_mem>>)
      %dma_wait3A_3877 = arith.constant 96 : i32
      %dma_wait3A_3878 = tpu.memref_slice %arg21[%dma_wait3A_3877] : memref<128xf32, #tpu.memory_space<vmem>> -> memref<32xf32, #tpu.memory_space<vmem>>
      %dma_wait3A_3879 = tpu.memref_slice %arg6[%run_scoped3A_3867, %mul3A_3707] : memref<4x512xf32, #tpu.memory_space<hbm>> -> memref<1x32xf32, #tpu.memory_space<hbm>>
      %dma_wait3A_3880 = tpu.memref_squeeze %dma_wait3A_3879 : memref<1x32xf32, #tpu.memory_space<hbm>> -> memref<32xf32, #tpu.memory_space<hbm>>
      %dma_wait3A_3881 = tpu.memref_slice %arg6[%run_scoped3A_3867, %mul3A_3707] : memref<4x512xf32, #tpu.memory_space<hbm>> -> memref<1x32xf32, #tpu.memory_space<hbm>>
      %dma_wait3A_3882 = tpu.memref_squeeze %dma_wait3A_3881 : memref<1x32xf32, #tpu.memory_space<hbm>> -> memref<32xf32, #tpu.memory_space<hbm>>
      %dma_wait3A_3883 = arith.constant 96 : i32
      %dma_wait3A_3884 = tpu.memref_slice %arg21[%dma_wait3A_3883] : memref<128xf32, #tpu.memory_space<vmem>> -> memref<32xf32, #tpu.memory_space<vmem>>
      tpu.wait_dma2 semaphore(%run_scoped3A_3868 : memref<!tpu.dma_semaphore, #tpu.memory_space<semaphore_mem>>) src(%dma_wait3A_3884 : memref<32xf32, #tpu.memory_space<vmem>>) dst(%dma_wait3A_3882 : memref<32xf32, #tpu.memory_space<hbm>>)
      tpu.yield
    }) : () -> ()
    return
  }
}

module attributes {stable_mosaic.version = 14 : i64} {
  func.func @_tc_body(%arg0: memref<1x512xf32, #tpu.memory_space<vmem>>, %arg1: memref<512x16xf32, #tpu.memory_space<vmem>>, %arg2: memref<4x512xf32, #tpu.memory_space<vmem>>, %arg3: memref<256x8xf32, #tpu.memory_space<vmem>>, %arg4: memref<512x512xf32, #tpu.memory_space<vmem>>) attributes {dimension_semantics = [], scalar_prefetch = 0 : i64, scratch_operands = 1 : i64, tpu.core_type = #tpu.core_type<tc>} {
    %get3A = arith.constant 0 : index
    %get3A_0 = arith.constant 0 : index
    %get3A_1 = vector.load %arg1[%get3A, %get3A_0] : memref<512x16xf32, #tpu.memory_space<vmem>>, vector<512x1xf32>
    %get3A_2 = arith.constant 0 : index
    %get3A_3 = arith.constant 1 : index
    %get3A_4 = vector.load %arg1[%get3A_2, %get3A_3] : memref<512x16xf32, #tpu.memory_space<vmem>>, vector<512x1xf32>
    %get3A_5 = arith.constant 0 : index
    %get3A_6 = arith.constant 2 : index
    %get3A_7 = vector.load %arg1[%get3A_5, %get3A_6] : memref<512x16xf32, #tpu.memory_space<vmem>>, vector<512x1xf32>
    %get3A_8 = arith.constant 0 : index
    %get3A_9 = arith.constant 3 : index
    %get3A_10 = vector.load %arg1[%get3A_8, %get3A_9] : memref<512x16xf32, #tpu.memory_space<vmem>>, vector<512x1xf32>
    %get3A_11 = arith.constant 0 : index
    %get3A_12 = arith.constant 0 : index
    %get3A_13 = vector.load %arg2[%get3A_11, %get3A_12] : memref<4x512xf32, #tpu.memory_space<vmem>>, vector<1x512xf32>
    %get3A_14 = arith.constant 1 : index
    %get3A_15 = arith.constant 0 : index
    %get3A_16 = vector.load %arg2[%get3A_14, %get3A_15] : memref<4x512xf32, #tpu.memory_space<vmem>>, vector<1x512xf32>
    %get3A_17 = arith.constant 2 : index
    %get3A_18 = arith.constant 0 : index
    %get3A_19 = vector.load %arg2[%get3A_17, %get3A_18] : memref<4x512xf32, #tpu.memory_space<vmem>>, vector<1x512xf32>
    %get3A_20 = arith.constant 3 : index
    %get3A_21 = arith.constant 0 : index
    %get3A_22 = vector.load %arg2[%get3A_20, %get3A_21] : memref<4x512xf32, #tpu.memory_space<vmem>>, vector<1x512xf32>
    %sub3A = arith.subf %get3A_7, %get3A_1 : vector<512x1xf32>
    %sub3A_23 = arith.subf %get3A_10, %get3A_4 : vector<512x1xf32>
    %mul3A = arith.mulf %sub3A, %sub3A_23 : vector<512x1xf32>
    %sub3A_24 = arith.subf %get3A_19, %get3A_13 : vector<1x512xf32>
    %sub3A_25 = arith.subf %get3A_22, %get3A_16 : vector<1x512xf32>
    %mul3A_26 = arith.mulf %sub3A_24, %sub3A_25 : vector<1x512xf32>
    %min3A = vector.broadcast %get3A_7 : vector<512x1xf32> to vector<512x512xf32>
    %min3A_27 = vector.broadcast %get3A_19 : vector<1x512xf32> to vector<512x512xf32>
    %min3A_28 = arith.minimumf %min3A, %min3A_27 : vector<512x512xf32>
    %max3A = vector.broadcast %get3A_1 : vector<512x1xf32> to vector<512x512xf32>
    %max3A_29 = vector.broadcast %get3A_13 : vector<1x512xf32> to vector<512x512xf32>
    %max3A_30 = arith.maximumf %max3A, %max3A_29 : vector<512x512xf32>
    %sub3A_31 = arith.subf %min3A_28, %max3A_30 : vector<512x512xf32>
    %jit3A = arith.constant 0.000000e+00 : f32
    %max3A_32 = vector.broadcast %jit3A : f32 to vector<512x512xf32>
    %max3A_33 = arith.maximumf %max3A_32, %sub3A_31 : vector<512x512xf32>
    %min3A_34 = vector.broadcast %get3A_10 : vector<512x1xf32> to vector<512x512xf32>
    %min3A_35 = vector.broadcast %get3A_22 : vector<1x512xf32> to vector<512x512xf32>
    %min3A_36 = arith.minimumf %min3A_34, %min3A_35 : vector<512x512xf32>
    %max3A_37 = vector.broadcast %get3A_4 : vector<512x1xf32> to vector<512x512xf32>
    %max3A_38 = vector.broadcast %get3A_16 : vector<1x512xf32> to vector<512x512xf32>
    %max3A_39 = arith.maximumf %max3A_37, %max3A_38 : vector<512x512xf32>
    %sub3A_40 = arith.subf %min3A_36, %max3A_39 : vector<512x512xf32>
    %jit3A_41 = arith.constant 0.000000e+00 : f32
    %max3A_42 = vector.broadcast %jit3A_41 : f32 to vector<512x512xf32>
    %max3A_43 = arith.maximumf %max3A_42, %sub3A_40 : vector<512x512xf32>
    %mul3A_44 = arith.mulf %max3A_33, %max3A_43 : vector<512x512xf32>
    %add3A = vector.broadcast %mul3A : vector<512x1xf32> to vector<512x512xf32>
    %add3A_45 = vector.broadcast %mul3A_26 : vector<1x512xf32> to vector<512x512xf32>
    %add3A_46 = arith.addf %add3A, %add3A_45 : vector<512x512xf32>
    %sub3A_47 = arith.subf %add3A_46, %mul3A_44 : vector<512x512xf32>
    %add3A_48 = arith.constant 9.99999971E-10 : f32
    %add3A_49 = vector.broadcast %add3A_48 : f32 to vector<512x512xf32>
    %add3A_50 = arith.addf %sub3A_47, %add3A_49 : vector<512x512xf32>
    %div3A = arith.divf %mul3A_44, %add3A_50 : vector<512x512xf32>
    %swap3A = arith.constant 0 : index
    %swap3A_51 = arith.constant 0 : index
    %swap3A_52 = vector.load %arg4[%swap3A, %swap3A_51] : memref<512x512xf32, #tpu.memory_space<vmem>>, vector<512x512xf32>
    tpu.vector_store %arg4[%swap3A, %swap3A_51], %div3A {strides = array<i32>} : memref<512x512xf32, #tpu.memory_space<vmem>>, vector<512x512xf32>,
    %iota3A = tpu.iota {dimensions = array<i32: 1>} : vector<1x512xi32>
    %broadcast_in_dim3A = arith.constant 0.000000e+00 : f32
    %broadcast_in_dim3A_53 = vector.broadcast %broadcast_in_dim3A : f32 to vector<1x512xf32>
    %scan3A = arith.constant 0 : i32
    %scan3A_54 = arith.constant 512 : i32
    %scan3A_55 = arith.addi %scan3A, %scan3A_54 : i32
    %scan3A_56 = arith.constant 1 : i32
    %scan3A_57 = scf.for %scan3A_108 = %scan3A to %scan3A_55 step %scan3A_56 iter_args(%scan3A_109 = %broadcast_in_dim3A_53) -> (vector<1x512xf32>)  : i32 {
      %get3A_110 = arith.index_cast %scan3A_108 : i32 to index
      %get3A_111 = arith.constant 0 : index
      %get3A_112 = vector.load %arg4[%get3A_110, %get3A_111] : memref<512x512xf32, #tpu.memory_space<vmem>>, vector<1x512xf32>
      %eq3A_113 = vector.broadcast %scan3A_108 : i32 to vector<1x512xi32>
      %eq3A_114 = arith.cmpi eq, %iota3A, %eq3A_113 : vector<1x512xi32>
      %jit3A_115 = arith.constant 0.000000e+00 : f32
      %broadcast_in_dim3A_116 = vector.broadcast %jit3A_115 : f32 to vector<1x512xf32>
      %select_n3A_117 = arith.select %eq3A_114, %scan3A_109, %broadcast_in_dim3A_116 : vector<1x512xi1>, vector<1x512xf32>
      %reduce_sum3A = vector.shape_cast %select_n3A_117 : vector<1x512xf32> to vector<1x1x512xf32>
      %reduce_sum3A_118 = arith.constant dense<0.000000e+00> : vector<1xf32>
      %reduce_sum3A_119 = vector.multi_reduction <add>, %reduce_sum3A, %reduce_sum3A_118 [1, 2] : vector<1x1x512xf32> to vector<1xf32>
      %reduce_sum3A_120 = vector.shape_cast %reduce_sum3A_119 : vector<1xf32> to vector<1x1x1xf32>
      %reduce_sum3A_121 = vector.extract %reduce_sum3A_120[0, 0, 0] : f32 from vector<1x1x1xf32>
      %gt3A_122 = arith.constant 5.000000e-01 : f32
      %gt3A_123 = vector.broadcast %gt3A_122 : f32 to vector<1x512xf32>
      %gt3A_124 = arith.cmpf ogt, %get3A_112, %gt3A_123 : vector<1x512xf32>
      %gt3A_125 = vector.broadcast %scan3A_108 : i32 to vector<1x512xi32>
      %gt3A_126 = arith.cmpi sgt, %iota3A, %gt3A_125 : vector<1x512xi32>
      %and3A_127 = arith.andi %gt3A_124, %gt3A_126 : vector<1x512xi1>
      %eq3A_128 = arith.constant 0.000000e+00 : f32
      %eq3A_129 = arith.cmpf oeq, %reduce_sum3A_121, %eq3A_128 : f32
      %and3A_130 = vector.broadcast %eq3A_129 : i1 to vector<1x512xi1>
      %and3A_131 = arith.andi %and3A_127, %and3A_130 : vector<1x512xi1>
      %jit3A_132 = arith.constant 1.000000e+00 : f32
      %jit3A_133 = arith.constant 0.000000e+00 : f32
      %broadcast_in_dim3A_134 = vector.broadcast %jit3A_132 : f32 to vector<1x512xf32>
      %broadcast_in_dim3A_135 = vector.broadcast %jit3A_133 : f32 to vector<1x512xf32>
      %select_n3A_136 = arith.select %and3A_131, %broadcast_in_dim3A_134, %broadcast_in_dim3A_135 : vector<1x512xi1>, vector<1x512xf32>
      %max3A_137 = arith.maximumf %scan3A_109, %select_n3A_136 : vector<1x512xf32>
      scf.yield %max3A_137 : vector<1x512xf32>
    }
    %scan3A_58 = arith.constant 512 : i32
    %get3A_59 = arith.constant 0 : index
    %get3A_60 = arith.constant 0 : index
    %get3A_61 = vector.load %arg0[%get3A_59, %get3A_60] : memref<1x512xf32, #tpu.memory_space<vmem>>, vector<1x512xf32>
    %gt3A = arith.constant 0xFF800000 : f32
    %gt3A_62 = vector.broadcast %gt3A : f32 to vector<1x512xf32>
    %gt3A_63 = arith.cmpf ogt, %get3A_61, %gt3A_62 : vector<1x512xf32>
    %eq3A = arith.constant 0.000000e+00 : f32
    %eq3A_64 = vector.broadcast %eq3A : f32 to vector<1x512xf32>
    %eq3A_65 = arith.cmpf oeq, %scan3A_57, %eq3A_64 : vector<1x512xf32>
    %and3A = arith.andi %gt3A_63, %eq3A_65 : vector<1x512xi1>
    %jit3A_66 = arith.constant 1.000000e+00 : f32
    %jit3A_67 = arith.constant 0.000000e+00 : f32
    %broadcast_in_dim3A_68 = vector.broadcast %jit3A_66 : f32 to vector<1x512xf32>
    %broadcast_in_dim3A_69 = vector.broadcast %jit3A_67 : f32 to vector<1x512xf32>
    %select_n3A = arith.select %and3A, %broadcast_in_dim3A_68, %broadcast_in_dim3A_69 : vector<1x512xi1>, vector<1x512xf32>
    %iota3A_70 = tpu.iota {dimensions = array<i32: 0>} : vector<512x512xi32>
    %iota3A_71 = tpu.iota {dimensions = array<i32: 1>} : vector<512x512xi32>
    %le3A = arith.cmpi sle, %iota3A_70, %iota3A_71 : vector<512x512xi32>
    %jit3A_72 = arith.constant 1.000000e+00 : f32
    %jit3A_73 = arith.constant 0.000000e+00 : f32
    %broadcast_in_dim3A_74 = vector.broadcast %jit3A_72 : f32 to vector<512x512xf32>
    %broadcast_in_dim3A_75 = vector.broadcast %jit3A_73 : f32 to vector<512x512xf32>
    %select_n3A_76 = arith.select %le3A, %broadcast_in_dim3A_74, %broadcast_in_dim3A_75 : vector<512x512xi1>, vector<512x512xf32>
    %dot_general3A = arith.constant dense<0.000000e+00> : vector<1x512xf32>
    %dot_general3A_77 = tpu.matmul %select_n3A, %select_n3A_76, %dot_general3A {dimension_numbers = #tpu.dot_dimension_numbers<[1], [0], [0], [1], [0, 0, 1, 1], [], []>, precision = #tpu.contract_precision<fp32>, transpose_lhs_hint = false} : vector<1x512xf32>, vector<512x512xf32>, vector<1x512xf32> -> vector<1x512xf32>
    %iota3A_78 = tpu.iota {dimensions = array<i32: 0>} : vector<256x512xi32>
    %convert_element_type3A = arith.sitofp %iota3A_78 : vector<256x512xi32> to vector<256x512xf32>
    %sub3A_79 = arith.constant 1.000000e+00 : f32
    %sub3A_80 = vector.broadcast %sub3A_79 : f32 to vector<1x512xf32>
    %sub3A_81 = arith.subf %dot_general3A_77, %sub3A_80 : vector<1x512xf32>
    %eq3A_82 = vector.broadcast %sub3A_81 : vector<1x512xf32> to vector<256x512xf32>
    %eq3A_83 = arith.cmpf oeq, %eq3A_82, %convert_element_type3A : vector<256x512xf32>
    %gt3A_84 = arith.constant 0.000000e+00 : f32
    %gt3A_85 = vector.broadcast %gt3A_84 : f32 to vector<1x512xf32>
    %gt3A_86 = arith.cmpf ogt, %select_n3A, %gt3A_85 : vector<1x512xf32>
    %and3A_87 = vector.broadcast %gt3A_86 : vector<1x512xi1> to vector<256x512xi1>
    %and3A_88 = arith.andi %eq3A_83, %and3A_87 : vector<256x512xi1>
    %jit3A_89 = arith.constant 1.000000e+00 : f32
    %jit3A_90 = arith.constant 0.000000e+00 : f32
    %broadcast_in_dim3A_91 = vector.broadcast %jit3A_89 : f32 to vector<256x512xf32>
    %broadcast_in_dim3A_92 = vector.broadcast %jit3A_90 : f32 to vector<256x512xf32>
    %select_n3A_93 = arith.select %and3A_88, %broadcast_in_dim3A_91, %broadcast_in_dim3A_92 : vector<256x512xi1>, vector<256x512xf32>
    %get3A_94 = arith.constant 0 : index
    %get3A_95 = arith.constant 0 : index
    %get3A_96 = vector.load %arg1[%get3A_94, %get3A_95] : memref<512x16xf32, #tpu.memory_space<vmem>>, vector<512x8xf32>
    %eq3A_97 = arith.constant 0xFF800000 : f32
    %eq3A_98 = vector.broadcast %eq3A_97 : f32 to vector<512x8xf32>
    %eq3A_99 = arith.cmpf oeq, %get3A_96, %eq3A_98 : vector<512x8xf32>
    %jit3A_100 = arith.constant 0.000000e+00 : f32
    %broadcast_in_dim3A_101 = vector.broadcast %jit3A_100 : f32 to vector<512x8xf32>
    %select_n3A_102 = arith.select %eq3A_99, %broadcast_in_dim3A_101, %get3A_96 : vector<512x8xi1>, vector<512x8xf32>
    %dot_general3A_103 = arith.constant dense<0.000000e+00> : vector<256x8xf32>
    %dot_general3A_104 = tpu.matmul %select_n3A_93, %select_n3A_102, %dot_general3A_103 {dimension_numbers = #tpu.dot_dimension_numbers<[1], [0], [0], [1], [0, 0, 1, 1], [], []>, precision = #tpu.contract_precision<fp32>, transpose_lhs_hint = false} : vector<256x512xf32>, vector<512x8xf32>, vector<256x8xf32> -> vector<256x8xf32>
    %swap3A_105 = arith.constant 0 : index
    %swap3A_106 = arith.constant 0 : index
    %swap3A_107 = vector.load %arg3[%swap3A_105, %swap3A_106] : memref<256x8xf32, #tpu.memory_space<vmem>>, vector<256x8xf32>
    tpu.vector_store %arg3[%swap3A_105, %swap3A_106], %dot_general3A_104 {strides = array<i32>} : memref<256x8xf32, #tpu.memory_space<vmem>>, vector<256x8xf32>,
    return
  }
}

</mosaic_0001>

<sc_bundles>
// kernel: kernel.4.cloned.1.call-start
scs
__scs_entry_jumppad:
0x0: {  	(pc) =	sbr.rel $0x88, $3  }
0x1: {  	(tag) =	ssettag $0x0;
	lr =	simm.s32 $0x1  }
0x2: {  	[smem:$0x3F9F] =	sst lr;
	_ =	strace $0xD0000000  }
0x3: {  	_ = 	snop  }
0x4: {  	_ = 	snop  }
0x5: {  	_ = 	snop  }
0x6: {  	_ = 	snop  }
0x7: {  	_ = 	snop  }
__scs_overlays_trampoline_lowered:
0x8: {  	[smem:$0x3FAE] =	sst s0  }
0x9: {  	[smem:$0x3FAF] =	sst s1  }
0xa: {  	[smem:$0x3FB0] =	sst s2  }
0xb: {  	[smem:$0x3FB1] =	sst s3  }
0xc: {  	[smem:$0x3FB2] =	sst s4  }
0xd: {  	[smem:$0x3FB3] =	sst s5  }
0xe: {  	[smem:$0x3FB4] =	sst s6  }
0xf: {  	[smem:$0x3FB5] =	sst s7  }
0x10: {  	[smem:$0x3FB6] =	sst s8  }
0x11: {  	[smem:$0x3FB7] =	sst s9;
	s0 =	simm.s32 @!p0 $0x0  }
0x12: {  	s1 =	sld [smem:$0x3F9D];
	s0 =	simm.s32 @p0 $0x1  }
0x13: {  	[smem:$0x3FB8] =	sst s0;
	s0 =	simm.s32 @!p1 $0x0  }
0x14: {  	s2 =	sld [smem:$0x3F9C];
	s0 =	simm.s32 @p1 $0x1  }
0x15: {  	[smem:$0x3FB9] =	sst s0;
	s0 =	simm.s32 @!p2 $0x0  }
0x16: {  	s3 =	sld [smem:$0x3FDB];
	s0 =	simm.s32 @p2 $0x1  }
0x17: {  	s4 =	simm.s32 $0x1BF5;
	[smem:$0x3FBB] =	sst s0  }
0x18: {  	s0 =	sld [smem:$0x3F9E];
	_ =	swait.ge [sflag:s4], $0x0  }
0x19: {  	s7 =	sld [smem:$0x3F9F]  }
0x1a: {  	s8 =	sadd.s32 $0xFFFFE003, lr  }
0x1b: {  	s9 =	sadd.s32 $0xFFFFFEF7, lr;
	s5 =	simm.s32 $0xFFFFFFFF;
	p2 =	slt.u32 s8, $0xFFFFF086  }
0x1c: {  	p1 =	slt.u32 s9, $0xF7A;
	s5 =	simm.s32 @!p2 $0x0  }
0x1d: {  	s5 =	simm.s32 @p1 $0x1;
	p0 =	seq.s32 s7, s2  }
0x1e: {  	s7 =	smul.u32 @!p0 $0xF7A, s2;
	p2 =	seq.s32 @!p0 s5, $0x0  }
0x1f: {  	s9 =	smul.u32 $0xF7A, s1;
	s8 =	simm.s32 @!p0 $0x1BF5;
	p2 =	por !p2, p0  }
0x20: {  	[sflag:s8] =	ssyncset.s32 @!p0 $0xFFFFF086;
	s6 =	sadd.s32 @!p0 s3, s7;
	s7 =	simm.s32 @!p0 $0x108  }
0x21: {  	s3 =	sadd.s32 s3, s9;
	s6 =	sadd.s32 @!p0 $0x88, s6;
	s7 =	simm.s32 @p2 $0x1082  }
0x22: {  	[simem:s7], [sflag:s8] =	dma.local @!p0 [hbm:s6], $0xF7A  }
0x23: {  	s9 =	sor.u32 $0xD0000000, s2;
	s6 =	simm.s32 $0x108;
	_ =	swait.ge @!p0 [sflag:s8], $0x0  }
0x24: {  	s3 =	sadd.s32 $0x88, s3;
	s6 =	simm.s32 @!p1 $0x1082;
	[sflag:s4] =	ssyncset.s32 $0xFFFFF086  }
0x25: {  	[simem:s6], [sflag:s4] =	dma.local [hbm:s3], $0xF7A  }
0x26: {  	[smem:$0x3F9F] =	sst s1;
	(tag) =	ssettag s2;
	_ =	strace s9  }
0x27: {  	s1 =	sld [smem:$0x3FAF]  }
0x28: {  	s2 =	sld [smem:$0x3FB0]  }
0x29: {  	s4 =	sld [smem:$0x3FB2]  }
0x2a: {  	p0 =	seq.s32 s5, $0x0;
	s5 =	sld [smem:$0x3FB3]  }
0x2b: {  	s6 =	sld [smem:$0x3FB4]  }
0x2c: {  	s7 =	sld [smem:$0x3FB5]  }
0x2d: {  	s3 =	simm.s32 $0x108;
	s8 =	sld [smem:$0x3FB6]  }
0x2e: {  	s3 =	simm.s32 @!p0 $0x1082;
	s9 =	sld [smem:$0x3FB7]  }
0x2f: {  	lr =	sadd.s32 s0, s3;
	s0 =	sld [smem:$0x3FAE]  }
0x30: {  	s3 =	sld [smem:$0x3FB1]  }
0x31: {  	[smem:$0x3FBA] =	sst s10  }
0x32: {  	s10 =	sld [smem:$0x3FB8];
	_ =	sdelay $0x3  }
0x33: {  	p0 =	seq.s32 s10, $0x1;
	s10 =	sld [smem:$0x3FBA];
	_ =	sdelay $0x3  }
0x34: {  	[smem:$0x3FBA] =	sst s10  }
0x35: {  	s10 =	sld [smem:$0x3FB9];
	_ =	sdelay $0x3  }
0x36: {  	p1 =	seq.s32 s10, $0x1;
	s10 =	sld [smem:$0x3FBA];
	_ =	sdelay $0x3  }
0x37: {  	[smem:$0x3FBA] =	sst s10  }
0x38: {  	s10 =	sld [smem:$0x3FBB]  }
0x39: {  	_ = 	snop;
	(pc) =	sbr.ind lr, $3  }
0x3a: {  	_ = 	snop  }
0x3b: {  	_ = 	snop  }
0x3c: {  	p2 =	seq.s32 s10, $0x1;
	s10 =	sld [smem:$0x3FBA]  }
0x3d: {  	_ =	shalt  }
0x3e: {  	_ =	shalt  }
0x3f: {  	_ =	shalt  }
0x40: {  	_ =	shalt  }
0x41: {  	_ =	shalt  }
0x42: {  	_ =	shalt  }
0x43: {  	_ =	shalt  }
0x44: {  	_ =	shalt  }
0x45: {  	_ =	shalt  }
0x46: {  	_ =	shalt  }
0x47: {  	_ =	shalt  }
0x48: {  	_ =	shalt  }
0x49: {  	_ =	shalt  }
0x4a: {  	_ =	shalt  }
0x4b: {  	_ =	shalt  }
0x4c: {  	_ =	shalt  }
0x4d: {  	_ =	shalt  }
0x4e: {  	_ =	shalt  }
0x4f: {  	_ =	shalt  }
0x50: {  	_ =	shalt  }
0x51: {  	_ =	shalt  }
0x52: {  	_ =	shalt  }
0x53: {  	_ =	shalt  }
0x54: {  	_ =	shalt  }
0x55: {  	_ =	shalt  }
0x56: {  	_ =	shalt  }
0x57: {  	_ =	shalt  }
0x58: {  	_ =	shalt  }
0x59: {  	_ =	shalt  }
0x5a: {  	_ =	shalt  }
0x5b: {  	_ =	shalt  }
0x5c: {  	_ =	shalt  }
0x5d: {  	_ =	shalt  }
0x5e: {  	_ =	shalt  }
0x5f: {  	_ =	shalt  }
0x60: {  	_ =	shalt  }
0x61: {  	_ =	shalt  }
0x62: {  	_ =	shalt  }
0x63: {  	_ =	shalt  }
0x64: {  	_ =	shalt  }
0x65: {  	_ =	shalt  }
0x66: {  	_ =	shalt  }
0x67: {  	_ =	shalt  }
0x68: {  	_ =	shalt  }
0x69: {  	_ =	shalt  }
0x6a: {  	_ =	shalt  }
0x6b: {  	_ =	shalt  }
0x6c: {  	_ =	shalt  }
0x6d: {  	_ =	shalt  }
0x6e: {  	_ =	shalt  }
0x6f: {  	_ =	shalt  }
0x70: {  	_ =	shalt  }
0x71: {  	_ =	shalt  }
0x72: {  	_ =	shalt  }
0x73: {  	_ =	shalt  }
0x74: {  	_ =	shalt  }
0x75: {  	_ =	shalt  }
0x76: {  	_ =	shalt  }
0x77: {  	_ =	shalt  }
0x78: {  	_ =	shalt  }
0x79: {  	_ =	shalt  }
0x7a: {  	_ =	shalt  }
0x7b: {  	_ =	shalt  }
0x7c: {  	_ =	shalt  }
0x7d: {  	_ =	shalt  }
0x7e: {  	_ =	shalt  }
0x7f: {  	_ =	shalt  }
0x80: {  	_ =	shalt  }
0x81: {  	_ =	shalt  }
0x82: {  	_ =	shalt  }
0x83: {  	_ =	shalt  }
0x84: {  	_ =	shalt  }
0x85: {  	_ =	shalt  }
0x86: {  	_ =	shalt  }
0x87: {  	_ =	shalt  }
.Lfunc_end0:
.L_simem_size_0:
called_computation_lowered:
.L_overlay_start_0:
0x88: {  	s2 =	sld [smem:$0x3FD9]  }
0x89: {  	s3 =	sld [smem:$0x3FFE];
	_ =	sdelay $0x1  }
0x8a: {  	s1 =	srdreg.scid  }
0x8b: {  	s0 =	sand.u32 $0x1, s1  }
0x8c: {  	s17 =	sshll.u32 s0, $0xA;
	s2 =	sadd.s32 s3, s2  }
0x8d: {  	s2 =	sadd.s32 s2, s17  }
0x8e: {  	[smem:$0x3FC6] =	sst s2  }
0x8f: {  	_ = 	snop  }
0x90: {  	s2 =	sld [smem:$0x3FD0];
	(tm) =	ssettm $0x1  }
0x91: {  	s18 =	sld [smem:$0x3FFB];
	_ =	sdelay $0x3  }
0x92: {  	_ =	strace s18  }
0x93: {  	s3 =	sld [smem:$0x3FFC];
	_ =	sdelay $0x3  }
0x94: {  	_ =	strace s3  }
0x95: {  	s3 =	sld [smem:$0x3FFD];
	_ =	sdelay $0x3  }
0x96: {  	_ =	strace s3  }
0x97: {  	_ =	strace $0x8FFFFFFF  }
0x98: {  	s19 =	sld [smem:$0x3FDB];
	_ =	sdelay $0x1  }
0x99: {  	s4 =	simm.s32 $_scs_section_size  }
0x9a: {  	s5 =	simm.s32 $_size__tile_overlayer_lowered;
	s6 =	simm.s32 $_tile_overlayer_lowered  }
0x9b: {  	s22 =	simm.s32 $0x1BFF;
	s21 =	sshll.u32 s6, $0x1;
	s3 =	sadd.s32 s4, s19  }
0x9c: {  	s7 =	simm.s32 $0x0;
	s20 =	sshll.u32 s5, $0x1;
	s5 =	sadd.s32 s21, s3  }
0x9d: {  	[timem:s7], [sflag:s22] =	dma.local [hbm:s5], s20  }
0x9e: {  	_ =	swait.ge [sflag:s22], s20  }
0x9f: {  	s4 =	ssub.s32 $0x0, s20;
	[sflag:s22] =	ssyncset.done $0x0  }
0xa0: {  	[sflag:s22] =	ssyncadd.s32 s4;
	_ =	sdelay $0x1  }
0xa1: {  	s23 =	simm.s32 $0x1B8B  }
0xa2: {  	_ =	swait.ge [sflag:s23], $0x1  }
0xa3: {  	[sflag:s23] =	ssyncset.done $0x0  }
0xa4: {  	s25 =	simm.s32 $0x1B8E;
	s24 =	sld [smem:$0x3FFE];
	[sflag:s23] =	ssyncadd.s32 $0xFFFFFFFF  }
0xa5: {  	s26 =	simm.s32 $execute0_lowered;
	[smem:$0x3FD2] =	sst s25  }
0xa6: {  	s5 =	sshll.u32 s26, $0x1;
	_ =	strace $0x80000046;
	[dreg:$0x1] =	wrdreg $0xFFFFFFFF  }
0xa7: {  	s28 =	simm.s32 $_size_execute0_lowered;
	s3 =	sadd.s32 s3, s5;
	[dreg:$0x0] =	wrdreg $0x0  }
0xa8: {  	s5 =	sshll.u32 s28, $0x1;
	[dreg:$0x2] =	wrdreg s3  }
0xa9: {  	[dreg:$0x3] =	wrdreg s5  }
0xaa: {  	[dreg:$0x4] =	wrdreg $0xC0  }
0xab: {  	_ =	task [dreg:s7], $0x5FFFF  }
0xac: {  	[dreg:$0x1] =	wrdreg $0xFFFFFFFF  }
0xad: {  	[dreg:$0x0] =	wrdreg $0x60  }
0xae: {  	[dreg:$0x2] =	wrdreg s24  }
0xaf: {  	[dreg:$0x3] =	wrdreg s2  }
0xb0: {  	[dreg:$0x4] =	wrdreg $0x15900  }
0xb1: {  	[dreg:$0x5] =	wrdreg $0x15D00  }
0xb2: {  	[dreg:$0x6] =	wrdreg $0x15E00  }
0xb3: {  	[dreg:$0x7] =	wrdreg $0x16080  }
0xb4: {  	[dreg:$0x8] =	wrdreg $0x16300  }
0xb5: {  	[dreg:$0x9] =	wrdreg $0x9  }
0xb6: {  	_ =	task.clear_ibuf [dreg:s7], $0xAFFFF;
	_ =	strace $0x90000046  }
0xb7: {  	s29 =	simm.s32 $0x9;
	_ =	strace $0x80000048  }
0xb8: {  	_ =	swait.ge [sflag:s29], $0x1  }
0xb9: {  	[sflag:s29] =	ssyncadd.s32 $0xFFFFFFFF  }
0xba: {  	_ =	strace $0x90000048  }
0xbb: {  	_ =	sfence  }
0xbc: {  	s30 =	sld [smem:$0x0];
	_ =	sdelay $0x2  }
0xbd: {  	s31 =	sshll.u32 s1, $0xD;
	s1 =	sshrl.u32 s1, $0x2  }
0xbe: {  	s3 =	sand.u32 $0x4000, s31;
	s1 =	sadd.s32 s1, s30  }
0xbf: {  	s0 =	sor.u32 s3, s0;
	s1 =	sshll.u32 s1, $0x11  }
0xc0: {  	s0 =	sor.u32 s1, s0  }
0xc1: {  	s0 =	sadd.s32 $0x8F2B, s0  }
0xc2: {  	[sflag:s0] =	ssyncadd.remote.s32 $0x1  }
0xc3: {  	_ =	sfence.sel $0xFFFF  }
0xc4: {  	[dreg:$0x0] =	wrdreg $0xFFFFFFFF;
	(pc) =	sbr.abs _section_cstart, $3  }
0xc5: {  	[dreg:$0x1] =	wrdreg $0xFFFFFFFF  }
0xc6: {  	_ =	task.clear_ibuf [dreg:s7], $0x2FFFF;
	_ =	strace $0x9FFFFFFF  }
0xc7: {  	(tm) =	ssettm $0x7FFFFFFF  }
tec
execute0_lowered:
.L_overlay_start_1:
0x0: {  	(tag) =	ssettag $0x1  }
0x1: {  	s0 =	rddreg [dreg:$0x0]  }
0x2: {  	s2 =	rddreg [dreg:$0x1]  }
0x3: {  	s14 =	rddreg [dreg:$0x2]  }
0x4: {  	s7 =	rddreg [dreg:$0x3]  }
0x5: {  	s4 =	rddreg [dreg:$0x4]  }
0x6: {  	s5 =	rddreg [dreg:$0x5]  }
0x7: {  	s8 =	rddreg [dreg:$0x6]  }
0x8: {  	s1 =	stileid.u32;
	s13 =	simm.s32 $0x0;
	s3 =	srdreg.scid  }
0x9: {  	s28 =	simm.s32 $0x500;
	s29 =	simm.s32 $0x10;
	s30 =	simm.s32 $0x600  }
0xa: {  	s6 =	smul.u32 $0x500, s1;
	[smem:$0x7FF] =	sst s13;
	s9 =	sadd.s32 $0x1200, s0  }
0xb: {  	s15 =	sadd.s32 $0x100, s14;
	_ =	strace $0x80000047;
	[dreg:$0x9] =	wrdreg s9  }
0xc: {  	s3 =	sand.u32 $0x1, s3;
	s16 =	sadd.s32 $0x200, s14;
	[dreg:$0xc] =	wrdreg s15  }
0xd: {  	s31 =	sshll.u32 s1, $0x2;
	s17 =	sadd.s32 $0x300, s14;
	[dreg:$0xd] =	wrdreg s16  }
0xe: {  	s10 =	sshll.u32 s1, $0x6;
	s20 =	sshll.u32 s1, $0x5;
	[dreg:$0xe] =	wrdreg s17  }
0xf: {  	s19 =	sor.u32 $0x200, s1;
	s22 =	sshll.u32 s1, $0x9;
	[dreg:$0x10] =	wrdreg s20  }
0x10: {  	s21 =	sor.u32 $0x220, s1;
	s8 =	sadd.s32 s22, s8;
	[dreg:$0x8] =	wrdreg s6  }
0x11: {  	s3 =	ssub.s32 $0x2, s3;
	s2 =	sadd.s32 s2, s31;
	[dreg:$0x12] =	wrdreg s8  }
0x12: {  	s12 =	sadd.s32 s31, s0;
	s15 =	sor.u32 $0x10, s20;
	[dreg:$0x14] =	wrdreg s2  }
0x13: {  	s6 =	sshrl.u32 s6, $0x3;
	s23 =	sadd.s32 $0xB600, s12;
	[dreg:$0x11] =	wrdreg s15  }
0x14: {  	v2 =	vlaneseq.u32;
	s11 =	sshrl.u32 s3, $0x1;
	s24 =	sadd.s32 $0x40, s2;
	[dreg:$0x13] =	wrdreg s23  }
0x15: {  	v6 =	vimm.s32 $0x0;
	v7 =	vimm.s32 $0x1;
	v23 =	vmul.u32 $0xFFFFFFFF, v2;
	s25 =	sadd.s32 $0x80, s2;
	s26 =	sadd.s32 $0xC0, s2;
	[dreg:$0x16] =	wrdreg s24  }
0x16: {  	v0 =	vmov s1;
	v1 =	vmov s19;
	v3 =	vor.u32 s20, v2;
	s6 =	sadd.s32 s6, s0;
	s0 =	sadd.s32 s10, s0;
	[dreg:$0x17] =	wrdreg s25  }
0x17: {  	v4 =	vmov s21;
	v5 =	vor.u32 s15, v2;
	v8 =	vadd.s32 $0xF, v23;
	s3 =	ssub.s32 s3, s11;
	s11 =	sadd.s32 s10, s14;
	[dreg:$0x18] =	wrdreg s26  }
.Ltmp0:
0x18: {  	v9 =	vadd.s32 $0xFF, v23;
	v10 =	vadd.s32 $0xEF, v23;
	v11 =	vadd.s32 $0xDF, v23;
	s6 =	sadd.s32 $0x800, s6;
	[dreg:$0xb] =	wrdreg s11;
	(pc) =	sbr.rel .LBB2_1-.Ltmp0, $4  }
0x19: {  	s18 =	sshrl.u32 s10, $0x2;
	v12 =	vadd.s32 $0xCF, v23;
	v13 =	vadd.s32 $0xBF, v23;
	v14 =	vadd.s32 $0xAF, v23;
	s0 =	sadd.s32 $0xB200, s0;
	[dreg:$0xa] =	wrdreg s6  }
0x1a: {  	s2 =	simm.s32 $0x8D0;
	v15 =	vadd.s32 $0x9F, v23;
	v16 =	vadd.s32 $0x8F, v23;
	v17 =	vadd.s32 $0x7F, v23;
	s31 =	smax.u32 s3, $0x1;
	[dreg:$0x15] =	wrdreg s0  }
0x1b: {  	v18 =	vadd.s32 $0x6F, v23;
	v19 =	vadd.s32 $0x5F, v23;
	v20 =	vadd.s32 $0x4F, v23;
	s12 =	simm.s32 $0x0;
	s6 =	sadd.s32 s18, s7;
	[dreg:$0x19] =	wrdreg s31  }
0x1c: {  	v21 =	vadd.s32 $0x3F, v23;
	v22 =	vadd.s32 $0x2F, v23;
	v23 =	vadd.s32 $0x1F, v23;
	s26 =	simm.s32 $0x2;
	s0 =	simm.s32 $0x710;
	[dreg:$0xf] =	wrdreg s6  }
.LBB2_21:
0x1d: {  	v29 =	vimm.s32 $0x0;
	v30 =	vimm.s32 $0x0;
	s13 =	simm.s32 $0x0  }
.LBB2_25:
0x1e: {  	vm1 =	vlt.s32 v3, v24;
	v31 =	vor.u32 $0x100, v25  }
0x1f: {  	vm0 =	vlt.s32 v5, v24;
	v54 =	vsel vm1, v29, v4  }
0x20: {  	v55 =	vsel vm0, v30, v4;
	[tilespmem:$0x10B0] =	vst v54  }
0x21: {  	s3 =	simm.s32 $0xEB0;
	[tilespmem:$0x10C0] =	vst v55  }
0x22: {  	[tilespmem:v25+s3+$0x0] =	vst.idx.msk $0xffff, v27  }
0x23: {  	s1 =	rddreg [dreg:$0x6];
	s6 =	simm.s32 $0x20;
	s8 =	simm.s32 $0x10B0;
	[tilespmem:v31+s3+$0x0] =	vst.idx.msk $0xffff, v28  }
0x24: {  	[spmem:s1] =	stream.indirect.scatter [tilespmem:s3], [sflag:$0x2], $0x10, s8, s6, $0xb8;
	[tilespmem:$0x1860] =	vst v63  }
0x25: {  	_ =	swait.ge [sflag:s26], $0x200  }
0x26: {  	[sflag:s26] =	ssyncset.done $0x0  }
0x27: {  	[sflag:s26] =	ssyncadd.s32 $0xFFFFFE00  }
0x28: {  	[bflag:$0x0] =	sbarrier.arrive $0xFFFF  }
0x29: {  	s7 =	simm.s32 $0x10D0;
	s3 =	rddreg [dreg:$0x12]  }
0x2a: {  	[tilespmem:s7], [sflag:$0x2] =	stream.linear.gather [spmem:s3], $0x200, $0x38;
	[tilespmem:$0x1860] =	vst v63  }
0x2b: {  	_ =	swait.ge [sflag:s26], $0x200  }
0x2c: {  	[sflag:s26] =	ssyncset.done $0x0  }
0x2d: {  	[sflag:s26] =	ssyncadd.s32 $0xFFFFFE00  }
0x2e: {  	v56 =	vld.idx.msk [tilespmem:v25+s7+$0x0], $0xffff;
	_ =	sdelay $0x4  }
0x2f: {  	v24 =	vnsel vm1, $0x0, v56  }
0x30: {  	[tilespmem:$0x12D0] =	vst v24  }
0x31: {  	v24 =	vld.idx.msk [tilespmem:v31+s7+$0x0], $0xffff;
	_ =	sdelay $0x4  }
0x32: {  	s9 =	simm.s32 $0x12D0;
	v24 =	vnsel vm0, $0x0, v24  }
0x33: {  	v57 =	vor.u32 $0x4, v25;
	s10 =	simm.s32 $0x1310;
	s11 =	simm.s32 $0x1;
	s8 =	rddreg [dreg:$0x9];
	[tilespmem:$0x12E0] =	vst v24  }
0x34: {  	[tilespmem:s10], [sflag:$0x1] =	stream.indirect.gather [hbm4b:s8+s6], $0x10, s9, s6, $0xb8;
	[tilespmem:$0x1860] =	vst v63  }
0x35: {  	_ =	swait.ge [sflag:s11], $0x200  }
0x36: {  	[sflag:s11] =	ssyncset.done $0x0  }
0x37: {  	[sflag:s11] =	ssyncadd.s32 $0xFFFFFE00  }
0x38: {  	v24 =	vld.idx.msk [tilespmem:v57+s10+$0x0], $0xffff;
	_ =	sdelay $0x4  }
0x39: {  	v24 =	vnsel vm1, $0xFF800000, v24  }
0x3a: {  	[tilespmem:$0x12F0] =	vst v24  }
0x3b: {  	v24 =	vld.idx.msk [tilespmem:v25+s10+$0x0], $0xffff;
	_ =	sdelay $0x4  }
0x3c: {  	[tilespmem:$0x1510] =	vst v24  }
0x3d: {  	v24 =	vld.idx.msk [tilespmem:v26+s10+$0x0], $0xffff  }
0x3e: {  	v58 =	vor.u32 $0x2, v25;
	_ =	sdelay $0x3  }
0x3f: {  	[tilespmem:$0x1530] =	vst v24  }
0x40: {  	v24 =	vld.idx.msk [tilespmem:v58+s10+$0x0], $0xffff  }
0x41: {  	v59 =	vor.u32 $0x3, v25;
	_ =	sdelay $0x3  }
0x42: {  	[tilespmem:$0x1550] =	vst v24  }
0x43: {  	v24 =	vld.idx.msk [tilespmem:v59+s10+$0x0], $0xffff  }
0x44: {  	v60 =	vor.u32 $0x104, v25;
	_ =	sdelay $0x3  }
0x45: {  	[tilespmem:$0x1570] =	vst v24  }
0x46: {  	v24 =	vld.idx.msk [tilespmem:v60+s10+$0x0], $0xffff;
	_ =	sdelay $0x4  }
0x47: {  	v24 =	vnsel vm0, $0xFF800000, v24  }
0x48: {  	[tilespmem:$0x1300] =	vst v24  }
0x49: {  	v24 =	vld.idx.msk [tilespmem:v31+s10+$0x0], $0xffff  }
0x4a: {  	v61 =	vor.u32 $0x101, v25;
	_ =	sdelay $0x3  }
0x4b: {  	[tilespmem:$0x1520] =	vst v24  }
0x4c: {  	v24 =	vld.idx.msk [tilespmem:v61+s10+$0x0], $0xffff  }
0x4d: {  	v62 =	vor.u32 $0x102, v25;
	_ =	sdelay $0x3  }
0x4e: {  	[tilespmem:$0x1540] =	vst v24  }
0x4f: {  	v24 =	vld.idx.msk [tilespmem:v62+s10+$0x0], $0xffff  }
0x50: {  	v63 =	vor.u32 $0x103, v25;
	_ =	sdelay $0x3  }
0x51: {  	[tilespmem:$0x1560] =	vst v24  }
0x52: {  	v24 =	vld.idx.msk [tilespmem:v63+s10+$0x0], $0xffff;
	_ =	sdelay $0x4  }
0x53: {  	s16 =	simm.s32 $0x12F0;
	s15 =	rddreg [dreg:$0x13];
	[tilespmem:$0x1580] =	vst v24  }
0x54: {  	[hbm4b:s15+s13] =	stream.linear.scatter [tilespmem:s16], [sflag:$0x2], $0x20, $0x38;
	[tilespmem:$0x1860] =	vst v63  }
0x55: {  	_ =	swait.ge [sflag:s26], $0x20  }
0x56: {  	[sflag:s26] =	ssyncset.done $0x0  }
0x57: {  	s17 =	rddreg [dreg:$0x15];
	[sflag:s26] =	ssyncadd.s32 $0xFFFFFFE0  }
0x58: {  	[hbm4b:s17+s13] =	stream.linear.scatter [tilespmem:s10], [sflag:$0x2], $0x200, $0x38;
	[tilespmem:$0x1860] =	vst v63  }
0x59: {  	_ =	swait.ge [sflag:s26], $0x200  }
0x5a: {  	[sflag:s26] =	ssyncset.done $0x0  }
0x5b: {  	s19 =	simm.s32 $0x1510;
	s18 =	rddreg [dreg:$0x14];
	[sflag:s26] =	ssyncadd.s32 $0xFFFFFE00  }
0x5c: {  	[hbm4b:s18+s13] =	stream.linear.scatter [tilespmem:s19], [sflag:$0x2], $0x20, $0x38;
	[tilespmem:$0x1860] =	vst v63  }
0x5d: {  	_ =	swait.ge [sflag:s26], $0x20  }
0x5e: {  	[sflag:s26] =	ssyncset.done $0x0  }
0x5f: {  	s21 =	simm.s32 $0x1530;
	s20 =	rddreg [dreg:$0x16];
	[sflag:s26] =	ssyncadd.s32 $0xFFFFFFE0  }
0x60: {  	[hbm4b:s20+s13] =	stream.linear.scatter [tilespmem:s21], [sflag:$0x2], $0x20, $0x38;
	[tilespmem:$0x1860] =	vst v63  }
0x61: {  	_ =	swait.ge [sflag:s26], $0x20  }
0x62: {  	[sflag:s26] =	ssyncset.done $0x0  }
0x63: {  	s23 =	simm.s32 $0x1550;
	s22 =	rddreg [dreg:$0x17];
	[sflag:s26] =	ssyncadd.s32 $0xFFFFFFE0  }
0x64: {  	[hbm4b:s22+s13] =	stream.linear.scatter [tilespmem:s23], [sflag:$0x2], $0x20, $0x38;
	[tilespmem:$0x1860] =	vst v63  }
0x65: {  	_ =	swait.ge [sflag:s26], $0x20  }
0x66: {  	[sflag:s26] =	ssyncset.done $0x0  }
0x67: {  	s25 =	simm.s32 $0x1570;
	s24 =	rddreg [dreg:$0x18];
	[sflag:s26] =	ssyncadd.s32 $0xFFFFFFE0  }
0x68: {  	[hbm4b:s24+s13] =	stream.linear.scatter [tilespmem:s25], [sflag:$0x2], $0x20, $0x38;
	[tilespmem:$0x1860] =	vst v63  }
0x69: {  	_ =	swait.ge [sflag:s26], $0x20  }
0x6a: {  	s12 =	sadd.s32 $0x1, s12;
	s31 =	rddreg [dreg:$0x19]  }
0x6b: {  	p0 =	sne.s32 s12, s31  }
.Ltmp1:
0x6c: {  	_ = 	snop;
	(pc) =	sbr.rel @!p0 .LBB2_26-.Ltmp1, $3  }
0x6d: {  	_ =	sdelay $0x1  }
0x6e: {  	[sflag:s26] =	ssyncset.done $0x0  }
0x6f: {  	[sflag:s26] =	ssyncadd.s32 $0xFFFFFFE0  }
.LBB2_1:
0x70: {  	s1 =	rddreg [dreg:$0xa]  }
0x71: {  	[tilespmem:s13], [sflag:$0x2] =	stream.linear.gather [hbm4b:s1+s13], $0x500, $0x38;
	[tilespmem:$0x1860] =	vst v63  }
0x72: {  	_ =	swait.ge [sflag:s26], $0x500  }
0x73: {  	[sflag:s26] =	ssyncset.done $0x0  }
0x74: {  	[sflag:s26] =	ssyncadd.s32 $0xFFFFFB00  }
0x75: {  	[tilespmem:$0x500] =	vst v6  }
0x76: {  	[tilespmem:$0x510] =	vst v6  }
0x77: {  	[tilespmem:$0x520] =	vst v6  }
0x78: {  	[tilespmem:$0x530] =	vst v6  }
0x79: {  	[tilespmem:$0x540] =	vst v6  }
0x7a: {  	[tilespmem:$0x550] =	vst v6  }
0x7b: {  	[tilespmem:$0x560] =	vst v6  }
0x7c: {  	[tilespmem:$0x570] =	vst v6  }
0x7d: {  	[tilespmem:$0x580] =	vst v6  }
0x7e: {  	[tilespmem:$0x590] =	vst v6  }
0x7f: {  	[tilespmem:$0x5A0] =	vst v6  }
0x80: {  	[tilespmem:$0x5B0] =	vst v6  }
0x81: {  	[tilespmem:$0x5C0] =	vst v6  }
0x82: {  	[tilespmem:$0x5D0] =	vst v6  }
0x83: {  	[tilespmem:$0x5E0] =	vst v6  }
0x84: {  	s31 =	rddreg [dreg:$0xb];
	[tilespmem:$0x5F0] =	vst v6  }
0x85: {  	[spmem:s31] =	stream.linear.scatter [tilespmem:s28], [sflag:$0x2], $0x40, $0x38;
	[tilespmem:$0x1860] =	vst v63  }
0x86: {  	_ =	swait.ge [sflag:s26], $0x40  }
0x87: {  	[sflag:s26] =	ssyncset.done $0x0  }
0x88: {  	[sflag:s26] =	ssyncadd.s32 $0xFFFFFFC0  }
0x89: {  	[bflag:$0x0] =	sbarrier.arrive $0xFFFF  }
0x8a: {  	[tilespmem:$0x500] =	vst v6  }
0x8b: {  	[tilespmem:$0x510] =	vst v6  }
0x8c: {  	[tilespmem:$0x520] =	vst v6  }
0x8d: {  	[tilespmem:$0x530] =	vst v6  }
0x8e: {  	[tilespmem:$0x540] =	vst v6  }
0x8f: {  	[tilespmem:$0x550] =	vst v6  }
0x90: {  	[tilespmem:$0x560] =	vst v6  }
0x91: {  	[tilespmem:$0x570] =	vst v6  }
0x92: {  	[tilespmem:$0x580] =	vst v6  }
0x93: {  	[tilespmem:$0x590] =	vst v6  }
0x94: {  	[tilespmem:$0x5A0] =	vst v6  }
0x95: {  	[tilespmem:$0x5B0] =	vst v6  }
0x96: {  	[tilespmem:$0x5C0] =	vst v6  }
0x97: {  	[tilespmem:$0x5D0] =	vst v6  }
0x98: {  	[tilespmem:$0x5E0] =	vst v6  }
0x99: {  	s6 =	simm.s32 $0x0;
	s3 =	simm.s32 $0x40;
	[tilespmem:$0x5F0] =	vst v6  }
.LBB2_2:
0x9a: {  	p0 =	sne.s32 s3, $0x13C0;
	v24 =	vld [tilespmem:s6+$0x0];
	_ =	sdelay $0x4  }
0x9b: {  	vm0 =	vgt.s32 v24, $0x3C23D70A  }
0x9c: {  	v24 =	vshrl.u32 v24, $0x18  }
.Ltmp2:
0x9d: {  	(pc) =	sbr.rel @p0 .LBB2_2-.Ltmp2, $2  }
0x9e: {  	_ =	sdelay $0x2  }
0x9f: {  	s6 =	sshra.s32 s3, $0x2;
	s3 =	sadd.s32 $0x40, s3;
	[tilespmem:v24+s28+$0x0] =	vst.idx.add.s32.msk vm0, v7  }
0xa0: {  	v24 =	vld [tilespmem:s6+$0x0];
	_ =	sdelay $0x4  }
0xa1: {  	vm0 =	vgt.s32 v24, $0x3C23D70A  }
0xa2: {  	v24 =	vshrl.u32 v24, $0x18;
	_ =	sdelay $0x4  }
0xa3: {  	[tilespmem:v24+s28+$0x0] =	vst.idx.add.s32.msk vm0, v7  }
0xa4: {  	[tilespmem:$0x600] =	vst v2  }
0xa5: {  	[spmem:s14] =	stream.indirect.scatter.add.s32 [tilespmem:s28], [sflag:$0x2], $0x10, s30, s29, $0xb8;
	[tilespmem:$0x1860] =	vst v63  }
0xa6: {  	_ =	swait.ge [sflag:s26], $0x100  }
0xa7: {  	[sflag:s26] =	ssyncset.done $0x0  }
0xa8: {  	[sflag:s26] =	ssyncadd.s32 $0xFFFFFF00  }
0xa9: {  	s1 =	simm.s32 $0x610;
	[bflag:$0x0] =	sbarrier.arrive $0xFFFF  }
0xaa: {  	[tilespmem:s1], [sflag:$0x2] =	stream.linear.gather [spmem:s14], $0x100, $0x38;
	[tilespmem:$0x1860] =	vst v63  }
0xab: {  	_ =	swait.ge [sflag:s26], $0x100  }
0xac: {  	[sflag:s26] =	ssyncset.done $0x0  }
0xad: {  	[sflag:s26] =	ssyncadd.s32 $0xFFFFFF00  }
0xae: {  	v24 =	vld [tilespmem:$0x610]  }
0xaf: {  	v28 =	vld [tilespmem:$0x620]  }
0xb0: {  	v30 =	vld [tilespmem:$0x630]  }
0xb1: {  	v33 =	vld [tilespmem:$0x640]  }
0xb2: {  	v35 =	vld [tilespmem:$0x650]  }
0xb3: {  	v37 =	vld [tilespmem:$0x660];
	(xrf0) =	vadd.scan.msk.s32 $0xffff, v24  }
0xb4: {  	v39 =	vld [tilespmem:$0x670];
	(xrf0) =	vadd.scan.msk.s32 $0xffff, v28  }
0xb5: {  	v38 =	vld [tilespmem:$0x680];
	(xrf0) =	vadd.scan.msk.s32 $0xffff, v30  }
0xb6: {  	v36 =	vld [tilespmem:$0x690];
	(xrf0) =	vadd.scan.msk.s32 $0xffff, v33  }
0xb7: {  	v34 =	vld [tilespmem:$0x6A0];
	(xrf0) =	vadd.scan.msk.s32 $0xffff, v35  }
0xb8: {  	v32 =	vld [tilespmem:$0x6B0];
	(xrf0) =	vadd.scan.msk.s32 $0xffff, v37  }
0xb9: {  	v31 =	vld [tilespmem:$0x6C0];
	v25, _, _ =	vpop (xrf0);
	(xrf0) =	vadd.scan.msk.s32 $0xffff, v39  }
0xba: {  	v29 =	vld [tilespmem:$0x6D0];
	(v2sf) =	vpush v25, $0xF;
	v25, _, _ =	vpop (xrf0);
	(xrf0) =	vadd.scan.msk.s32 $0xffff, v38  }
0xbb: {  	v27 =	vld [tilespmem:$0x6E0];
	(v2sf) =	vpush v25, $0xF;
	v25, _, _ =	vpop (xrf0);
	(xrf0) =	vadd.scan.msk.s32 $0xffff, v36  }
0xbc: {  	v26 =	vld [tilespmem:$0x6F0];
	(v2sf) =	vpush v25, $0xF;
	v25, _, _ =	vpop (xrf0);
	(xrf0) =	vadd.scan.msk.s32 $0xffff, v34  }
0xbd: {  	v40 =	vld [tilespmem:$0x700];
	(v2sf) =	vpush v25, $0xF;
	v25, _, _ =	vpop (xrf0);
	(xrf0) =	vadd.scan.msk.s32 $0xffff, v32  }
0xbe: {  	(v2sf) =	vpush v25, $0xF;
	v25, _, _ =	vpop (xrf0);
	(xrf0) =	vadd.scan.msk.s32 $0xffff, v31  }
0xbf: {  	(v2sf) =	vpush v25, $0xF;
	v25, _, _ =	vpop (xrf0);
	(xrf0) =	vadd.scan.msk.s32 $0xffff, v29  }
0xc0: {  	(v2sf) =	vpush v25, $0xF;
	v25, _, _ =	vpop (xrf0);
	(xrf0) =	vadd.scan.msk.s32 $0xffff, v27  }
0xc1: {  	(v2sf) =	vpush v25, $0xF;
	v25, _, _ =	vpop (xrf0);
	(xrf0) =	vadd.scan.msk.s32 $0xffff, v26  }
0xc2: {  	(v2sf) =	vpush v25, $0xF;
	v25, _, _ =	vpop (xrf0);
	(xrf0) =	vadd.scan.msk.s32 $0xffff, v40  }
0xc3: {  	v41, _, _ =	vpop (xrf0);
	(v2sf) =	vpush v25, $0xF  }
0xc4: {  	v25, _, _ =	vpop (xrf0);
	(v2sf) =	vpush v41, $0xF  }
0xc5: {  	v62, _, _ =	vpop (xrf0);
	(v2sf) =	vpush v25, $0xF  }
0xc6: {  	v25, _, _ =	vpop (xrf0);
	(v2sf) =	vpush v62, $0xF  }
0xc7: {  	(v2sf) =	vpush v25, $0xF;
	v25, _, _ =	vpop (xrf0)  }
0xc8: {  	(v2sf) =	vpush v25, $0xF;
	v63, _, _ =	vpop (xrf0)  }
0xc9: {  	s3 =	spop (v2sf);
	(v2sf) =	vpush v63, $0xF  }
0xca: {  	s10 =	spop (v2sf)  }
0xcb: {  	s3 =	sadd.s32 s3, s10;
	s15 =	spop (v2sf)  }
0xcc: {  	s3 =	sadd.s32 s15, s3;
	s18 =	spop (v2sf)  }
0xcd: {  	s3 =	sadd.s32 s18, s3;
	s19 =	spop (v2sf)  }
0xce: {  	s3 =	sadd.s32 s19, s3;
	s21 =	spop (v2sf)  }
0xcf: {  	s3 =	sadd.s32 s21, s3;
	s20 =	spop (v2sf)  }
0xd0: {  	s9 =	sadd.s32 s20, s3;
	s31 =	spop (v2sf)  }
0xd1: {  	s11 =	sadd.s32 s31, s9;
	s1 =	spop (v2sf)  }
0xd2: {  	v25 =	vperm.xlane v40, v8;
	s13 =	sadd.s32 s1, s11;
	s7 =	spop (v2sf)  }
0xd3: {  	s13 =	sadd.s32 s7, s13;
	s22 =	spop (v2sf)  }
0xd4: {  	(xrf0) =	vadd.scan.msk.s32 $0xffff, v25;
	s13 =	sadd.s32 s22, s13;
	s17 =	spop (v2sf)  }
0xd5: {  	s13 =	sadd.s32 s17, s13;
	s16 =	spop (v2sf)  }
0xd6: {  	s13 =	sadd.s32 s16, s13;
	s23 =	spop (v2sf)  }
0xd7: {  	s13 =	sadd.s32 s23, s13;
	s24 =	spop (v2sf)  }
0xd8: {  	s13 =	sadd.s32 s24, s13;
	s25 =	spop (v2sf)  }
0xd9: {  	s13 =	sadd.s32 s25, s13  }
0xda: {  	v44, _, _ =	vpop (xrf0);
	p0 =	slt.s32 s13, $0x190  }
0xdb: {  	v25 =	vsub.s32 v44, v25;
	[dreg:$0x1a] =	wrdreg s13;
	s13 =	simm.s32 @!p0 $0x190  }
0xdc: {  	vm0 =	vlt.s32 v25, s13;
	vm1 =	vge.s32 v44, s13  }
0xdd: {  	vm0 =	vmand vm0, vm1  }
0xde: {  	v26 =	vperm.xlane v26, v8;
	v46 =	vnsel vm0, $0x0, v9  }
0xdf: {  	(xrf0) =	vadd.scan.msk.s32 $0xffff, v46  }
0xe0: {  	(xrf0) =	vadd.scan.msk.s32 $0xffff, v26  }
0xe1: {  	v45 =	vimm.s32 $0x0  }
0xe2: {  	v40 =	vsel vm0, $0xFFFFFFFF, v45;
	_ =	sdelay $0x2  }
0xe3: {  	[tilespmem:$0x1FFE0] =	vst v40;
	v40, _, _ =	vpop (xrf0)  }
0xe4: {  	v41 =	vbroadcast v63, $0xF;
	v42, _, _ =	vpop (xrf0)  }
0xe5: {  	v26 =	vsub.s32 v42, v26  }
0xe6: {  	v26 =	vadd.s32 v41, v26;
	v41 =	vadd.s32 v41, v42  }
0xe7: {  	vm0 =	vlt.s32 v26, s13;
	vm1 =	vge.s32 v41, s13  }
0xe8: {  	vm0 =	vmand vm0, vm1  }
0xe9: {  	v27 =	vperm.xlane v27, v8;
	v48 =	vnsel vm0, $0x0, v10  }
0xea: {  	(xrf0) =	vadd.scan.msk.s32 $0xffff, v48  }
0xeb: {  	(xrf0) =	vadd.scan.msk.s32 $0xffff, v27  }
0xec: {  	v47 =	vimm.s32 $0x0  }
0xed: {  	v41 =	vsel vm0, $0xFFFFFFFF, v47;
	_ =	sdelay $0x2  }
0xee: {  	[tilespmem:$0x1FFF0] =	vst v41;
	v41, _, _ =	vpop (xrf0)  }
0xef: {  	v49, _, _ =	vpop (xrf0)  }
0xf0: {  	s24 =	sadd.s32 s24, s25;
	v27 =	vsub.s32 v49, v27  }
0xf1: {  	v42 =	vadd.s32 s24, v49;
	v27 =	vadd.s32 s24, v27  }
0xf2: {  	vm1 =	vge.s32 v42, s13;
	vm0 =	vlt.s32 v27, s13  }
0xf3: {  	vm4 =	vmand vm0, vm1  }
0xf4: {  	v29 =	vperm.xlane v29, v8;
	v50 =	vnsel vm4, $0x0, v11  }
0xf5: {  	(xrf0) =	vadd.scan.msk.s32 $0xffff, v50  }
0xf6: {  	(xrf0) =	vadd.scan.msk.s32 $0xffff, v29;
	_ =	sdelay $0x4  }
0xf7: {  	v42, _, _ =	vpop (xrf0)  }
0xf8: {  	v43, _, _ =	vpop (xrf0)  }
0xf9: {  	s23 =	sadd.s32 s23, s24;
	v29 =	vsub.s32 v43, v29  }
0xfa: {  	v43 =	vadd.s32 s23, v43;
	v29 =	vadd.s32 s23, v29  }
0xfb: {  	vm1 =	vge.s32 v43, s13;
	vm0 =	vlt.s32 v29, s13  }
0xfc: {  	vm5 =	vmand vm0, vm1  }
0xfd: {  	v31 =	vperm.xlane v31, v8;
	v51 =	vnsel vm5, $0x0, v12  }
0xfe: {  	(xrf0) =	vadd.scan.msk.s32 $0xffff, v51  }
0xff: {  	(xrf0) =	vadd.scan.msk.s32 $0xffff, v31;
	_ =	sdelay $0x4  }
0x100: {  	v43, _, _ =	vpop (xrf0)  }
0x101: {  	v44, _, _ =	vpop (xrf0)  }
0x102: {  	s16 =	sadd.s32 s16, s23;
	v31 =	vsub.s32 v44, v31  }
0x103: {  	v44 =	vadd.s32 s16, v44;
	v31 =	vadd.s32 s16, v31  }
0x104: {  	vm1 =	vge.s32 v44, s13;
	vm0 =	vlt.s32 v31, s13  }
0x105: {  	vm6 =	vmand vm0, vm1  }
0x106: {  	v32 =	vperm.xlane v32, v8;
	v52 =	vnsel vm6, $0x0, v13  }
0x107: {  	(xrf0) =	vadd.scan.msk.s32 $0xffff, v52  }
0x108: {  	(xrf0) =	vadd.scan.msk.s32 $0xffff, v32;
	_ =	sdelay $0x4  }
0x109: {  	v44, _, _ =	vpop (xrf0)  }
0x10a: {  	v45, _, _ =	vpop (xrf0)  }
0x10b: {  	s16 =	sadd.s32 s17, s16;
	v32 =	vsub.s32 v45, v32  }
0x10c: {  	v45 =	vadd.s32 s16, v45;
	v32 =	vadd.s32 s16, v32  }
0x10d: {  	vm1 =	vge.s32 v45, s13;
	vm0 =	vlt.s32 v32, s13  }
0x10e: {  	vm7 =	vmand vm0, vm1  }
0x10f: {  	v34 =	vperm.xlane v34, v8;
	v53 =	vnsel vm7, $0x0, v14  }
0x110: {  	(xrf0) =	vadd.scan.msk.s32 $0xffff, v53  }
0x111: {  	(xrf0) =	vadd.scan.msk.s32 $0xffff, v34;
	_ =	sdelay $0x4  }
0x112: {  	v45, _, _ =	vpop (xrf0)  }
0x113: {  	v46, _, _ =	vpop (xrf0)  }
0x114: {  	s16 =	sadd.s32 s22, s16;
	v34 =	vsub.s32 v46, v34  }
0x115: {  	v46 =	vadd.s32 s16, v46;
	v34 =	vadd.s32 s16, v34  }
0x116: {  	vm1 =	vge.s32 v46, s13;
	vm0 =	vlt.s32 v34, s13  }
0x117: {  	vm8 =	vmand vm0, vm1  }
0x118: {  	v36 =	vperm.xlane v36, v8;
	v54 =	vnsel vm8, $0x0, v15  }
0x119: {  	(xrf0) =	vadd.scan.msk.s32 $0xffff, v54  }
0x11a: {  	(xrf0) =	vadd.scan.msk.s32 $0xffff, v36;
	_ =	sdelay $0x4  }
0x11b: {  	v46, _, _ =	vpop (xrf0)  }
0x11c: {  	v47, _, _ =	vpop (xrf0)  }
0x11d: {  	s11 =	sadd.s32 s7, s16;
	v36 =	vsub.s32 v47, v36  }
0x11e: {  	v47 =	vadd.s32 s11, v47;
	v36 =	vadd.s32 s11, v36  }
0x11f: {  	vm1 =	vge.s32 v47, s13;
	vm0 =	vlt.s32 v36, s13  }
0x120: {  	vm9 =	vmand vm0, vm1  }
0x121: {  	v38 =	vperm.xlane v38, v8;
	v55 =	vnsel vm9, $0x0, v16  }
0x122: {  	(xrf0) =	vadd.scan.msk.s32 $0xffff, v55  }
0x123: {  	(xrf0) =	vadd.scan.msk.s32 $0xffff, v38;
	_ =	sdelay $0x4  }
0x124: {  	v47, _, _ =	vpop (xrf0)  }
0x125: {  	v48, _, _ =	vpop (xrf0)  }
0x126: {  	s9 =	sadd.s32 s1, s11;
	v38 =	vsub.s32 v48, v38  }
0x127: {  	v48 =	vadd.s32 s9, v48;
	v38 =	vadd.s32 s9, v38  }
0x128: {  	vm1 =	vge.s32 v48, s13;
	vm0 =	vlt.s32 v38, s13  }
0x129: {  	vm10 =	vmand vm0, vm1  }
0x12a: {  	v39 =	vperm.xlane v39, v8;
	v56 =	vnsel vm10, $0x0, v17  }
0x12b: {  	(xrf0) =	vadd.scan.msk.s32 $0xffff, v56  }
0x12c: {  	(xrf0) =	vadd.scan.msk.s32 $0xffff, v39;
	_ =	sdelay $0x4  }
0x12d: {  	v48, _, _ =	vpop (xrf0)  }
0x12e: {  	v49, _, _ =	vpop (xrf0)  }
0x12f: {  	s3 =	sadd.s32 s31, s9;
	v39 =	vsub.s32 v49, v39  }
0x130: {  	v49 =	vadd.s32 s3, v49;
	v39 =	vadd.s32 s3, v39  }
0x131: {  	vm1 =	vge.s32 v49, s13;
	vm0 =	vlt.s32 v39, s13  }
0x132: {  	vm0 =	vmand vm0, vm1  }
0x133: {  	v37 =	vperm.xlane v37, v8;
	v57 =	vnsel vm0, $0x0, v18  }
0x134: {  	(xrf0) =	vadd.scan.msk.s32 $0xffff, v57  }
0x135: {  	(xrf0) =	vadd.scan.msk.s32 $0xffff, v37;
	_ =	sdelay $0x4  }
0x136: {  	v49, _, _ =	vpop (xrf0)  }
0x137: {  	v50, _, _ =	vpop (xrf0)  }
0x138: {  	s3 =	sadd.s32 s20, s3;
	v37 =	vsub.s32 v50, v37  }
0x139: {  	v50 =	vadd.s32 s3, v50;
	v37 =	vadd.s32 s3, v37  }
0x13a: {  	vm11 =	vge.s32 v50, s13;
	vm1 =	vlt.s32 v37, s13  }
0x13b: {  	vm11 =	vmand vm1, vm11  }
0x13c: {  	v35 =	vperm.xlane v35, v8;
	v58 =	vnsel vm11, $0x0, v19  }
0x13d: {  	(xrf0) =	vadd.scan.msk.s32 $0xffff, v58  }
0x13e: {  	(xrf0) =	vadd.scan.msk.s32 $0xffff, v35;
	_ =	sdelay $0x4  }
0x13f: {  	v50, _, _ =	vpop (xrf0)  }
0x140: {  	v51, _, _ =	vpop (xrf0)  }
0x141: {  	s3 =	sadd.s32 s21, s3;
	v35 =	vsub.s32 v51, v35  }
0x142: {  	v51 =	vadd.s32 s3, v51;
	v35 =	vadd.s32 s3, v35  }
0x143: {  	vm12 =	vge.s32 v51, s13;
	vm1 =	vlt.s32 v35, s13  }
0x144: {  	vm1 =	vmand vm1, vm12  }
0x145: {  	v33 =	vperm.xlane v33, v8;
	v59 =	vnsel vm1, $0x0, v20  }
0x146: {  	(xrf0) =	vadd.scan.msk.s32 $0xffff, v59  }
0x147: {  	(xrf0) =	vadd.scan.msk.s32 $0xffff, v33;
	_ =	sdelay $0x4  }
0x148: {  	v51, _, _ =	vpop (xrf0)  }
0x149: {  	v52, _, _ =	vpop (xrf0)  }
0x14a: {  	s3 =	sadd.s32 s19, s3;
	v33 =	vsub.s32 v52, v33  }
0x14b: {  	v52 =	vadd.s32 s3, v52;
	v33 =	vadd.s32 s3, v33  }
0x14c: {  	vm13 =	vge.s32 v52, s13;
	vm12 =	vlt.s32 v33, s13  }
0x14d: {  	vm12 =	vmand vm12, vm13  }
0x14e: {  	v30 =	vperm.xlane v30, v8;
	v60 =	vnsel vm12, $0x0, v21  }
0x14f: {  	(xrf0) =	vadd.scan.msk.s32 $0xffff, v60  }
0x150: {  	(xrf0) =	vadd.scan.msk.s32 $0xffff, v30;
	_ =	sdelay $0x4  }
0x151: {  	v52, _, _ =	vpop (xrf0)  }
0x152: {  	v53, _, _ =	vpop (xrf0)  }
0x153: {  	s3 =	sadd.s32 s18, s3;
	v30 =	vsub.s32 v53, v30  }
0x154: {  	v53 =	vadd.s32 s3, v53;
	v30 =	vadd.s32 s3, v30  }
0x155: {  	vm14 =	vge.s32 v53, s13;
	vm13 =	vlt.s32 v30, s13  }
0x156: {  	vm13 =	vmand vm13, vm14  }
0x157: {  	v28 =	vperm.xlane v28, v8;
	v61 =	vnsel vm13, $0x0, v22  }
0x158: {  	(xrf0) =	vadd.scan.msk.s32 $0xffff, v61  }
0x159: {  	(xrf0) =	vadd.scan.msk.s32 $0xffff, v28;
	_ =	sdelay $0x4  }
0x15a: {  	v53, _, _ =	vpop (xrf0)  }
0x15b: {  	v54, _, _ =	vpop (xrf0)  }
0x15c: {  	s3 =	sadd.s32 s15, s3;
	v28 =	vsub.s32 v54, v28  }
0x15d: {  	v54 =	vadd.s32 s3, v54;
	v28 =	vadd.s32 s3, v28  }
0x15e: {  	vm15 =	vge.s32 v54, s13;
	vm14 =	vlt.s32 v28, s13  }
0x15f: {  	vm14 =	vmand vm14, vm15  }
0x160: {  	v24 =	vperm.xlane v24, v8;
	v62 =	vnsel vm14, $0x0, v23  }
0x161: {  	(xrf0) =	vadd.scan.msk.s32 $0xffff, v62  }
0x162: {  	(xrf0) =	vadd.scan.msk.s32 $0xffff, v24;
	_ =	sdelay $0x3  }
0x163: {  	(v2sf) =	vpush v40, $0xF  }
0x164: {  	(v2sf) =	vpush v41, $0xF;
	v54, _, _ =	vpop (xrf0)  }
0x165: {  	(v2sf) =	vpush v42, $0xF;
	v63, _, _ =	vpop (xrf0)  }
0x166: {  	(v2sf) =	vpush v43, $0xF;
	s3 =	sadd.s32 s10, s3;
	v24 =	vsub.s32 v63, v24  }
0x167: {  	(v2sf) =	vpush v44, $0xF;
	v40 =	vadd.s32 s3, v24;
	v24 =	vadd.s32 s3, v63  }
0x168: {  	(v2sf) =	vpush v45, $0xF;
	vm15 =	vge.s32 v24, s13;
	vm2 =	vlt.s32 v40, s13  }
0x169: {  	(v2sf) =	vpush v46, $0xF;
	vm15 =	vmand vm2, vm15  }
0x16a: {  	(v2sf) =	vpush v47, $0xF;
	v24 =	vnsel vm15, $0x0, v8  }
0x16b: {  	(v2sf) =	vpush v48, $0xF;
	(xrf0) =	vadd.scan.msk.s32 $0xffff, v24  }
0x16c: {  	(v2sf) =	vpush v49, $0xF  }
0x16d: {  	(v2sf) =	vpush v50, $0xF  }
0x16e: {  	(v2sf) =	vpush v51, $0xF  }
0x16f: {  	(v2sf) =	vpush v52, $0xF  }
0x170: {  	(v2sf) =	vpush v53, $0xF  }
0x171: {  	(v2sf) =	vpush v54, $0xF;
	v24, _, _ =	vpop (xrf0)  }
0x172: {  	s8 =	spop (v2sf);
	(v2sf) =	vpush v24, $0xF  }
0x173: {  	s9 =	spop (v2sf)  }
0x174: {  	s10 =	spop (v2sf);
	s3 =	sadd.s32 s9, s8  }
0x175: {  	s11 =	spop (v2sf);
	s3 =	sadd.s32 s10, s3  }
0x176: {  	[tilespmem:$0x500] =	vst v6;
	s15 =	spop (v2sf);
	s3 =	sadd.s32 s11, s3  }
0x177: {  	[tilespmem:$0x510] =	vst v6;
	s16 =	spop (v2sf);
	s3 =	sadd.s32 s15, s3  }
0x178: {  	[tilespmem:$0x520] =	vst v6;
	s17 =	spop (v2sf);
	s3 =	sadd.s32 s16, s3  }
0x179: {  	[tilespmem:$0x530] =	vst v6;
	s18 =	spop (v2sf);
	s3 =	sadd.s32 s17, s3  }
0x17a: {  	[tilespmem:$0x540] =	vst v6;
	s19 =	spop (v2sf);
	s3 =	sadd.s32 s18, s3  }
0x17b: {  	[tilespmem:$0x550] =	vst v6;
	s20 =	spop (v2sf);
	s3 =	sadd.s32 s19, s3  }
0x17c: {  	[tilespmem:$0x560] =	vst v6;
	s21 =	spop (v2sf);
	s3 =	sadd.s32 s20, s3  }
0x17d: {  	[tilespmem:$0x570] =	vst v6;
	s22 =	spop (v2sf);
	s3 =	sadd.s32 s21, s3  }
0x17e: {  	[tilespmem:$0x580] =	vst v6;
	s23 =	spop (v2sf);
	s3 =	sadd.s32 s22, s3  }
0x17f: {  	[tilespmem:$0x590] =	vst v6;
	s24 =	spop (v2sf);
	s3 =	sadd.s32 s23, s3  }
0x180: {  	[tilespmem:$0x5A0] =	vst v6;
	s3 =	sadd.s32 s24, s3;
	s25 =	spop (v2sf)  }
0x181: {  	[tilespmem:$0x5B0] =	vst v6;
	s3 =	sadd.s32 s25, s3;
	s31 =	spop (v2sf)  }
0x182: {  	[tilespmem:$0x5C0] =	vst v6;
	s3 =	sadd.s32 s31, s3  }
0x183: {  	[tilespmem:$0x5D0] =	vst v6;
	s15 =	sshll.u32 s3, $0x18  }
0x184: {  	[tilespmem:$0x5E0] =	vst v6;
	s3 =	sshra.s32 s15, $0x18  }
0x185: {  	s6 =	simm.s32 $0x40;
	[tilespmem:$0x5F0] =	vst v6;
	v24 =	vmov s13;
	v41 =	vmov s3;
	s3 =	simm.s32 $0x0  }
.LBB2_4:
0x186: {  	p0 =	sne.s32 s6, $0x13C0;
	v42 =	vld [tilespmem:s3+$0x0];
	_ =	sdelay $0x4  }
0x187: {  	v43 =	vshra.s32 v42, $0x18  }
0x188: {  	vm2 =	vgt.s32 v42, $0x3C23D70A;
	vm3 =	veq.s32 v43, v41  }
0x189: {  	v42 =	vshrl.u32 v42, $0x10;
	vm2 =	vmand vm2, vm3  }
0x18a: {  	v42 =	vand.u32 $0xFF, v42  }
.Ltmp3:
0x18b: {  	(pc) =	sbr.rel @p0 .LBB2_4-.Ltmp3, $2  }
0x18c: {  	_ =	sdelay $0x2  }
0x18d: {  	s3 =	sshra.s32 s6, $0x2;
	s6 =	sadd.s32 $0x40, s6;
	[tilespmem:v42+s28+$0x0] =	vst.idx.add.s32.msk vm2, v7  }
0x18e: {  	v42 =	vld [tilespmem:$0x1FFE0];
	_ =	sdelay $0x4  }
0x18f: {  	vm2 =	vnez.u8 v42  }
0x190: {  	v25 =	vnsel vm2, $0x0, v25  }
0x191: {  	(xrf0) =	vadd.scan.msk.s32 $0xffff, v25;
	v25 =	vld [tilespmem:$0x1FFF0];
	_ =	sdelay $0x4  }
0x192: {  	vm2 =	vnez.u8 v25  }
0x193: {  	v25 =	vnsel vm2, $0x0, v26  }
0x194: {  	(xrf0) =	vadd.scan.msk.s32 $0xffff, v25;
	v25 =	vnsel vm4, $0x0, v27  }
0x195: {  	(xrf0) =	vadd.scan.msk.s32 $0xffff, v25;
	v25 =	vnsel vm5, $0x0, v29  }
0x196: {  	(xrf0) =	vadd.scan.msk.s32 $0xffff, v25;
	v25 =	vnsel vm6, $0x0, v31  }
0x197: {  	(xrf0) =	vadd.scan.msk.s32 $0xffff, v25;
	v25 =	vnsel vm7, $0x0, v32  }
0x198: {  	(xrf0) =	vadd.scan.msk.s32 $0xffff, v25;
	v25 =	vnsel vm8, $0x0, v34  }
0x199: {  	v26, _, _ =	vpop (xrf0);
	(xrf0) =	vadd.scan.msk.s32 $0xffff, v25;
	v25 =	vnsel vm9, $0x0, v36  }
0x19a: {  	(v2sf) =	vpush v26, $0xF;
	v26, _, _ =	vpop (xrf0);
	(xrf0) =	vadd.scan.msk.s32 $0xffff, v25;
	v25 =	vnsel vm10, $0x0, v38  }
0x19b: {  	(v2sf) =	vpush v26, $0xF;
	v26, _, _ =	vpop (xrf0);
	(xrf0) =	vadd.scan.msk.s32 $0xffff, v25;
	v25 =	vnsel vm0, $0x0, v39  }
0x19c: {  	(v2sf) =	vpush v26, $0xF;
	v26, _, _ =	vpop (xrf0);
	(xrf0) =	vadd.scan.msk.s32 $0xffff, v25;
	v25 =	vnsel vm11, $0x0, v37  }
0x19d: {  	(v2sf) =	vpush v26, $0xF;
	v26, _, _ =	vpop (xrf0);
	(xrf0) =	vadd.scan.msk.s32 $0xffff, v25;
	v25 =	vnsel vm1, $0x0, v35  }
0x19e: {  	(v2sf) =	vpush v26, $0xF;
	v26, _, _ =	vpop (xrf0);
	(xrf0) =	vadd.scan.msk.s32 $0xffff, v25;
	v25 =	vnsel vm12, $0x0, v33  }
0x19f: {  	(v2sf) =	vpush v26, $0xF;
	v26, _, _ =	vpop (xrf0);
	(xrf0) =	vadd.scan.msk.s32 $0xffff, v25;
	v25 =	vnsel vm13, $0x0, v30  }
0x1a0: {  	(v2sf) =	vpush v26, $0xF;
	v26, _, _ =	vpop (xrf0);
	(xrf0) =	vadd.scan.msk.s32 $0xffff, v25;
	v25 =	vnsel vm14, $0x0, v28  }
0x1a1: {  	(v2sf) =	vpush v26, $0xF;
	v26, _, _ =	vpop (xrf0);
	(xrf0) =	vadd.scan.msk.s32 $0xffff, v25;
	v25 =	vnsel vm15, $0x0, v40;
	_ =	sdelay $0x1  }
0x1a2: {  	(v2sf) =	vpush v26, $0xF;
	v26, _, _ =	vpop (xrf0);
	(xrf0) =	vadd.scan.msk.s32 $0xffff, v25  }
0x1a3: {  	(v2sf) =	vpush v26, $0xF;
	v25, _, _ =	vpop (xrf0)  }
0x1a4: {  	v26, _, _ =	vpop (xrf0);
	(v2sf) =	vpush v25, $0xF  }
0x1a5: {  	v25, _, _ =	vpop (xrf0);
	(v2sf) =	vpush v26, $0xF  }
0x1a6: {  	(v2sf) =	vpush v25, $0xF;
	v25, _, _ =	vpop (xrf0)  }
0x1a7: {  	(v2sf) =	vpush v25, $0xF;
	v25, _, _ =	vpop (xrf0)  }
0x1a8: {  	(v2sf) =	vpush v25, $0xF;
	v25, _, _ =	vpop (xrf0)  }
0x1a9: {  	s6 =	spop (v2sf);
	(v2sf) =	vpush v25, $0xF  }
0x1aa: {  	s9 =	spop (v2sf);
	v25 =	vld [tilespmem:s3+$0x0]  }
0x1ab: {  	s31 =	spop (v2sf)  }
0x1ac: {  	s11 =	spop (v2sf)  }
0x1ad: {  	s16 =	spop (v2sf)  }
0x1ae: {  	s17 =	spop (v2sf)  }
0x1af: {  	s18 =	spop (v2sf);
	v26 =	vshra.s32 v25, $0x18  }
0x1b0: {  	vm0 =	vgt.s32 v25, $0x3C23D70A;
	s19 =	spop (v2sf);
	vm1 =	veq.s32 v26, v41  }
0x1b1: {  	v25 =	vshrl.u32 v25, $0x10;
	s20 =	spop (v2sf);
	vm0 =	vmand vm0, vm1  }
0x1b2: {  	v25 =	vand.u32 $0xFF, v25;
	s21 =	spop (v2sf)  }
0x1b3: {  	s22 =	spop (v2sf)  }
0x1b4: {  	s23 =	spop (v2sf)  }
0x1b5: {  	s24 =	spop (v2sf)  }
0x1b6: {  	s25 =	spop (v2sf)  }
0x1b7: {  	[tilespmem:v25+s28+$0x0] =	vst.idx.add.s32.msk vm0, v7;
	v25 =	vor.u32 $0x10, v2;
	s8 =	spop (v2sf)  }
0x1b8: {  	[tilespmem:$0x600] =	vst v25;
	s1 =	spop (v2sf)  }
0x1b9: {  	[spmem:s14] =	stream.indirect.scatter.add.s32 [tilespmem:s28], [sflag:$0x2], $0x10, s30, s29, $0xb8;
	[tilespmem:$0x1860] =	vst v63  }
0x1ba: {  	_ =	swait.ge [sflag:s26], $0x100  }
0x1bb: {  	[sflag:s26] =	ssyncset.done $0x0  }
0x1bc: {  	[sflag:s26] =	ssyncadd.s32 $0xFFFFFF00  }
0x1bd: {  	[bflag:$0x0] =	sbarrier.arrive $0xFFFF  }
0x1be: {  	s10 =	simm.s32 $0x610;
	s7 =	rddreg [dreg:$0xc]  }
0x1bf: {  	[tilespmem:s10], [sflag:$0x2] =	stream.linear.gather [spmem:s7], $0x100, $0x38;
	[tilespmem:$0x1860] =	vst v63  }
0x1c0: {  	_ =	swait.ge [sflag:s26], $0x100  }
0x1c1: {  	[sflag:s26] =	ssyncset.done $0x0  }
0x1c2: {  	s6 =	sadd.s32 s6, s9;
	[sflag:s26] =	ssyncadd.s32 $0xFFFFFF00  }
0x1c3: {  	s3 =	sadd.s32 s31, s6;
	v26 =	vld [tilespmem:$0x700]  }
0x1c4: {  	s3 =	sadd.s32 s11, s3  }
0x1c5: {  	s3 =	sadd.s32 s16, s3  }
0x1c6: {  	s3 =	sadd.s32 s17, s3  }
0x1c7: {  	s3 =	sadd.s32 s18, s3  }
0x1c8: {  	s3 =	sadd.s32 s19, s3;
	v25 =	vperm.xlane v26, v8  }
0x1c9: {  	s3 =	sadd.s32 s20, s3  }
0x1ca: {  	s3 =	sadd.s32 s21, s3;
	(xrf0) =	vadd.scan.msk.s32 $0xffff, v25  }
0x1cb: {  	s3 =	sadd.s32 s22, s3  }
0x1cc: {  	s3 =	sadd.s32 s23, s3  }
0x1cd: {  	s3 =	sadd.s32 s24, s3  }
0x1ce: {  	s3 =	sadd.s32 s25, s3  }
0x1cf: {  	s3 =	sadd.s32 s8, s3  }
0x1d0: {  	s1 =	sadd.s32 s1, s3;
	v27, _, _ =	vpop (xrf0)  }
0x1d1: {  	s6 =	ssub.s32 s13, s1;
	v28 =	vld [tilespmem:$0x6F0];
	v25 =	vsub.s32 v27, v25  }
0x1d2: {  	vm1 =	vge.s32 v27, s6;
	vm0 =	vlt.s32 v25, s6  }
0x1d3: {  	v27 =	vimm.s32 $0x0;
	vm0 =	vmand vm1, vm0  }
0x1d4: {  	v27 =	vsel vm0, $0xFFFFFFFF, v27  }
0x1d5: {  	[tilespmem:$0x1FFC0] =	vst v27;
	v27 =	vnsel vm0, $0x0, v9  }
0x1d6: {  	(xrf0) =	vadd.scan.msk.s32 $0xffff, v27;
	v27 =	vperm.xlane v28, v8  }
0x1d7: {  	(xrf0) =	vadd.scan.msk.s32 $0xffff, v26  }
0x1d8: {  	(xrf0) =	vadd.scan.msk.s32 $0xffff, v27;
	_ =	sdelay $0x3  }
0x1d9: {  	v29, _, _ =	vpop (xrf0)  }
0x1da: {  	v30, _, _ =	vpop (xrf0)  }
0x1db: {  	v31, _, _ =	vpop (xrf0);
	v57 =	vbroadcast v30, $0xF  }
0x1dc: {  	v26 =	vsub.s32 v31, v27  }
0x1dd: {  	v26 =	vadd.s32 v57, v26;
	v27 =	vadd.s32 v57, v31  }
0x1de: {  	vm0 =	vlt.s32 v26, s6;
	vm1 =	vge.s32 v27, s6  }
0x1df: {  	v27 =	vimm.s32 $0x0;
	vm0 =	vmand vm1, vm0  }
0x1e0: {  	v27 =	vsel vm0, $0xFFFFFFFF, v27  }
0x1e1: {  	[tilespmem:$0x1FFD0] =	vst v27;
	v27 =	vnsel vm0, $0x0, v10  }
0x1e2: {  	(xrf0) =	vadd.scan.msk.s32 $0xffff, v27  }
0x1e3: {  	(xrf0) =	vadd.scan.msk.s32 $0xffff, v28;
	_ =	sdelay $0x3  }
0x1e4: {  	(v2sf) =	vpush v29, $0xF  }
0x1e5: {  	(v2sf) =	vpush v30, $0xF;
	v27, _, _ =	vpop (xrf0)  }
0x1e6: {  	(v2sf) =	vpush v27, $0xF;
	v27, _, _ =	vpop (xrf0)  }
0x1e7: {  	(v2sf) =	vpush v27, $0xF;
	_ =	sdelay $0x1  }
0x1e8: {  	v28 =	vld [tilespmem:$0x6E0];
	_ =	sdelay $0x4  }
0x1e9: {  	v27 =	vperm.xlane v28, v8;
	_ =	sdelay $0x1  }
0x1ea: {  	(xrf0) =	vadd.scan.msk.s32 $0xffff, v27;
	_ =	sdelay $0x2  }
0x1eb: {  	s18 =	spop (v2sf)  }
0x1ec: {  	s24 =	spop (v2sf)  }
0x1ed: {  	s19 =	spop (v2sf)  }
0x1ee: {  	v29, _, _ =	vpop (xrf0);
	s25 =	spop (v2sf)  }
0x1ef: {  	v27 =	vsub.s32 v29, v27;
	s1 =	sadd.s32 s24, s25  }
0x1f0: {  	v27 =	vadd.s32 s1, v27;
	v29 =	vadd.s32 s1, v29  }
0x1f1: {  	vm0 =	vlt.s32 v27, s6;
	vm1 =	vge.s32 v29, s6  }
0x1f2: {  	vm4 =	vmand vm0, vm1  }
0x1f3: {  	v29 =	vnsel vm4, $0x0, v11  }
0x1f4: {  	(xrf0) =	vadd.scan.msk.s32 $0xffff, v29  }
0x1f5: {  	(xrf0) =	vadd.scan.msk.s32 $0xffff, v28;
	_ =	sdelay $0x4  }
0x1f6: {  	v28, _, _ =	vpop (xrf0)  }
0x1f7: {  	(v2sf) =	vpush v28, $0xF;
	v28, _, _ =	vpop (xrf0)  }
0x1f8: {  	(v2sf) =	vpush v28, $0xF;
	_ =	sdelay $0x1  }
0x1f9: {  	v29 =	vld [tilespmem:$0x6D0];
	_ =	sdelay $0x4  }
0x1fa: {  	v28 =	vperm.xlane v29, v8;
	_ =	sdelay $0x1  }
0x1fb: {  	(xrf0) =	vadd.scan.msk.s32 $0xffff, v28;
	_ =	sdelay $0x4  }
0x1fc: {  	s21 =	spop (v2sf)  }
0x1fd: {  	v30, _, _ =	vpop (xrf0);
	s31 =	spop (v2sf)  }
0x1fe: {  	v28 =	vsub.s32 v30, v28;
	s1 =	sadd.s32 s1, s31  }
0x1ff: {  	v28 =	vadd.s32 s1, v28;
	v30 =	vadd.s32 s1, v30  }
0x200: {  	vm0 =	vlt.s32 v28, s6;
	vm1 =	vge.s32 v30, s6  }
0x201: {  	vm5 =	vmand vm0, vm1  }
0x202: {  	v30 =	vnsel vm5, $0x0, v12  }
0x203: {  	(xrf0) =	vadd.scan.msk.s32 $0xffff, v30  }
0x204: {  	(xrf0) =	vadd.scan.msk.s32 $0xffff, v29;
	_ =	sdelay $0x4  }
0x205: {  	v29, _, _ =	vpop (xrf0)  }
0x206: {  	(v2sf) =	vpush v29, $0xF;
	v29, _, _ =	vpop (xrf0)  }
0x207: {  	(v2sf) =	vpush v29, $0xF;
	_ =	sdelay $0x1  }
0x208: {  	v30 =	vld [tilespmem:$0x6C0];
	_ =	sdelay $0x4  }
0x209: {  	v29 =	vperm.xlane v30, v8;
	_ =	sdelay $0x1  }
0x20a: {  	(xrf0) =	vadd.scan.msk.s32 $0xffff, v29;
	_ =	sdelay $0x4  }
0x20b: {  	s22 =	spop (v2sf)  }
0x20c: {  	v31, _, _ =	vpop (xrf0);
	s7 =	spop (v2sf)  }
0x20d: {  	v29 =	vsub.s32 v31, v29;
	s1 =	sadd.s32 s1, s7  }
0x20e: {  	v29 =	vadd.s32 s1, v29;
	v31 =	vadd.s32 s1, v31  }
0x20f: {  	vm0 =	vlt.s32 v29, s6;
	vm1 =	vge.s32 v31, s6  }
0x210: {  	vm6 =	vmand vm0, vm1  }
0x211: {  	v31 =	vnsel vm6, $0x0, v13  }
0x212: {  	(xrf0) =	vadd.scan.msk.s32 $0xffff, v31  }
0x213: {  	(xrf0) =	vadd.scan.msk.s32 $0xffff, v30;
	_ =	sdelay $0x4  }
0x214: {  	v30, _, _ =	vpop (xrf0)  }
0x215: {  	(v2sf) =	vpush v30, $0xF;
	v30, _, _ =	vpop (xrf0)  }
0x216: {  	(v2sf) =	vpush v30, $0xF;
	_ =	sdelay $0x1  }
0x217: {  	v31 =	vld [tilespmem:$0x6B0];
	_ =	sdelay $0x4  }
0x218: {  	v30 =	vperm.xlane v31, v8;
	_ =	sdelay $0x1  }
0x219: {  	(xrf0) =	vadd.scan.msk.s32 $0xffff, v30;
	_ =	sdelay $0x4  }
0x21a: {  	s23 =	spop (v2sf)  }
0x21b: {  	v58, _, _ =	vpop (xrf0);
	s8 =	spop (v2sf)  }
0x21c: {  	v30 =	vsub.s32 v58, v30;
	s1 =	sadd.s32 s1, s8  }
0x21d: {  	v30 =	vadd.s32 s1, v30;
	v32 =	vadd.s32 s1, v58  }
0x21e: {  	vm0 =	vlt.s32 v30, s6;
	vm1 =	vge.s32 v32, s6  }
0x21f: {  	vm7 =	vmand vm0, vm1  }
0x220: {  	v59 =	vnsel vm7, $0x0, v14  }
0x221: {  	(xrf0) =	vadd.scan.msk.s32 $0xffff, v59  }
0x222: {  	(xrf0) =	vadd.scan.msk.s32 $0xffff, v31;
	_ =	sdelay $0x4  }
0x223: {  	v31, _, _ =	vpop (xrf0)  }
0x224: {  	(v2sf) =	vpush v31, $0xF;
	v31, _, _ =	vpop (xrf0)  }
0x225: {  	(v2sf) =	vpush v31, $0xF;
	_ =	sdelay $0x1  }
0x226: {  	v60 =	vld [tilespmem:$0x6A0];
	_ =	sdelay $0x4  }
0x227: {  	v31 =	vperm.xlane v60, v8;
	_ =	sdelay $0x1  }
0x228: {  	(xrf0) =	vadd.scan.msk.s32 $0xffff, v31;
	_ =	sdelay $0x4  }
0x229: {  	s24 =	spop (v2sf)  }
0x22a: {  	v61, _, _ =	vpop (xrf0);
	s9 =	spop (v2sf)  }
0x22b: {  	v31 =	vsub.s32 v61, v31;
	s1 =	sadd.s32 s1, s9  }
0x22c: {  	v31 =	vadd.s32 s1, v31;
	v33 =	vadd.s32 s1, v61  }
0x22d: {  	vm0 =	vlt.s32 v31, s6;
	vm1 =	vge.s32 v33, s6  }
0x22e: {  	vm8 =	vmand vm0, vm1  }
0x22f: {  	v62 =	vnsel vm8, $0x0, v15  }
0x230: {  	(xrf0) =	vadd.scan.msk.s32 $0xffff, v62  }
0x231: {  	(xrf0) =	vadd.scan.msk.s32 $0xffff, v60;
	_ =	sdelay $0x4  }
0x232: {  	v63, _, _ =	vpop (xrf0)  }
0x233: {  	(v2sf) =	vpush v63, $0xF;
	v36, _, _ =	vpop (xrf0)  }
0x234: {  	(v2sf) =	vpush v36, $0xF;
	_ =	sdelay $0x1  }
0x235: {  	v37 =	vld [tilespmem:$0x690];
	_ =	sdelay $0x4  }
0x236: {  	v38 =	vperm.xlane v37, v8;
	_ =	sdelay $0x1  }
0x237: {  	(xrf0) =	vadd.scan.msk.s32 $0xffff, v38;
	_ =	sdelay $0x4  }
0x238: {  	s25 =	spop (v2sf)  }
0x239: {  	v39, _, _ =	vpop (xrf0);
	s10 =	spop (v2sf)  }
0x23a: {  	v32 =	vsub.s32 v39, v38;
	s1 =	sadd.s32 s1, s10  }
0x23b: {  	v32 =	vadd.s32 s1, v32;
	v34 =	vadd.s32 s1, v39  }
0x23c: {  	vm0 =	vlt.s32 v32, s6;
	vm1 =	vge.s32 v34, s6  }
0x23d: {  	vm9 =	vmand vm0, vm1  }
0x23e: {  	v40 =	vnsel vm9, $0x0, v16  }
0x23f: {  	(xrf0) =	vadd.scan.msk.s32 $0xffff, v40  }
0x240: {  	(xrf0) =	vadd.scan.msk.s32 $0xffff, v37;
	_ =	sdelay $0x4  }
0x241: {  	v41, _, _ =	vpop (xrf0)  }
0x242: {  	(v2sf) =	vpush v41, $0xF;
	v42, _, _ =	vpop (xrf0)  }
0x243: {  	(v2sf) =	vpush v42, $0xF;
	_ =	sdelay $0x1  }
0x244: {  	v43 =	vld [tilespmem:$0x680];
	_ =	sdelay $0x4  }
0x245: {  	v44 =	vperm.xlane v43, v8;
	_ =	sdelay $0x1  }
0x246: {  	(xrf0) =	vadd.scan.msk.s32 $0xffff, v44;
	_ =	sdelay $0x4  }
0x247: {  	s20 =	spop (v2sf)  }
0x248: {  	v45, _, _ =	vpop (xrf0);
	s11 =	spop (v2sf)  }
0x249: {  	v33 =	vsub.s32 v45, v44;
	s1 =	sadd.s32 s1, s11  }
0x24a: {  	v33 =	vadd.s32 s1, v33;
	v35 =	vadd.s32 s1, v45  }
0x24b: {  	vm0 =	vlt.s32 v33, s6;
	vm1 =	vge.s32 v35, s6  }
0x24c: {  	vm10 =	vmand vm0, vm1  }
0x24d: {  	v46 =	vnsel vm10, $0x0, v17  }
0x24e: {  	(xrf0) =	vadd.scan.msk.s32 $0xffff, v46  }
0x24f: {  	(xrf0) =	vadd.scan.msk.s32 $0xffff, v43;
	_ =	sdelay $0x4  }
0x250: {  	v47, _, _ =	vpop (xrf0)  }
0x251: {  	(v2sf) =	vpush v47, $0xF;
	v48, _, _ =	vpop (xrf0)  }
0x252: {  	(v2sf) =	vpush v48, $0xF;
	_ =	sdelay $0x1  }
0x253: {  	v49 =	vld [tilespmem:$0x670];
	_ =	sdelay $0x4  }
0x254: {  	v50 =	vperm.xlane v49, v8;
	_ =	sdelay $0x1  }
0x255: {  	(xrf0) =	vadd.scan.msk.s32 $0xffff, v50;
	_ =	sdelay $0x4  }
0x256: {  	s3 =	spop (v2sf)  }
0x257: {  	v51, _, _ =	vpop (xrf0);
	s16 =	spop (v2sf)  }
0x258: {  	v34 =	vsub.s32 v51, v50;
	s1 =	sadd.s32 s1, s16  }
0x259: {  	v34 =	vadd.s32 s1, v34;
	v36 =	vadd.s32 s1, v51  }
0x25a: {  	vm0 =	vlt.s32 v34, s6;
	vm1 =	vge.s32 v36, s6  }
0x25b: {  	vm11 =	vmand vm0, vm1  }
0x25c: {  	v52 =	vnsel vm11, $0x0, v18  }
0x25d: {  	(xrf0) =	vadd.scan.msk.s32 $0xffff, v52  }
0x25e: {  	(xrf0) =	vadd.scan.msk.s32 $0xffff, v49;
	_ =	sdelay $0x4  }
0x25f: {  	v53, _, _ =	vpop (xrf0)  }
0x260: {  	(v2sf) =	vpush v53, $0xF;
	v54, _, _ =	vpop (xrf0)  }
0x261: {  	(v2sf) =	vpush v54, $0xF;
	_ =	sdelay $0x1  }
0x262: {  	v55 =	vld [tilespmem:$0x660];
	_ =	sdelay $0x4  }
0x263: {  	v56 =	vperm.xlane v55, v8;
	_ =	sdelay $0x1  }
0x264: {  	(xrf0) =	vadd.scan.msk.s32 $0xffff, v56;
	_ =	sdelay $0x4  }
0x265: {  	s9 =	spop (v2sf)  }
0x266: {  	v57, _, _ =	vpop (xrf0);
	s17 =	spop (v2sf)  }
0x267: {  	v35 =	vsub.s32 v57, v56;
	s1 =	sadd.s32 s1, s17  }
0x268: {  	v35 =	vadd.s32 s1, v35;
	v37 =	vadd.s32 s1, v57  }
0x269: {  	vm0 =	vlt.s32 v35, s6;
	vm1 =	vge.s32 v37, s6  }
0x26a: {  	vm0 =	vmand vm0, vm1  }
0x26b: {  	v58 =	vnsel vm0, $0x0, v19  }
0x26c: {  	(xrf0) =	vadd.scan.msk.s32 $0xffff, v58  }
0x26d: {  	(xrf0) =	vadd.scan.msk.s32 $0xffff, v55;
	_ =	sdelay $0x4  }
0x26e: {  	v59, _, _ =	vpop (xrf0)  }
0x26f: {  	(v2sf) =	vpush v59, $0xF;
	v60, _, _ =	vpop (xrf0)  }
0x270: {  	(v2sf) =	vpush v60, $0xF;
	_ =	sdelay $0x1  }
0x271: {  	v61 =	vld [tilespmem:$0x650];
	_ =	sdelay $0x4  }
0x272: {  	v62 =	vperm.xlane v61, v8;
	_ =	sdelay $0x1  }
0x273: {  	(xrf0) =	vadd.scan.msk.s32 $0xffff, v62;
	_ =	sdelay $0x4  }
0x274: {  	s11 =	spop (v2sf)  }
0x275: {  	v63, _, _ =	vpop (xrf0);
	s31 =	spop (v2sf)  }
0x276: {  	v36 =	vsub.s32 v63, v62;
	s1 =	sadd.s32 s1, s31  }
0x277: {  	v36 =	vadd.s32 s1, v36;
	v38 =	vadd.s32 s1, v63  }
0x278: {  	vm1 =	vlt.s32 v36, s6;
	vm12 =	vge.s32 v38, s6  }
0x279: {  	vm1 =	vmand vm1, vm12  }
0x27a: {  	v40 =	vnsel vm1, $0x0, v20  }
0x27b: {  	(xrf0) =	vadd.scan.msk.s32 $0xffff, v40  }
0x27c: {  	(xrf0) =	vadd.scan.msk.s32 $0xffff, v61;
	_ =	sdelay $0x4  }
0x27d: {  	v41, _, _ =	vpop (xrf0)  }
0x27e: {  	(v2sf) =	vpush v41, $0xF;
	v42, _, _ =	vpop (xrf0)  }
0x27f: {  	(v2sf) =	vpush v42, $0xF;
	_ =	sdelay $0x1  }
0x280: {  	v43 =	vld [tilespmem:$0x640];
	_ =	sdelay $0x4  }
0x281: {  	v44 =	vperm.xlane v43, v8;
	_ =	sdelay $0x1  }
0x282: {  	(xrf0) =	vadd.scan.msk.s32 $0xffff, v44;
	_ =	sdelay $0x4  }
0x283: {  	s17 =	spop (v2sf)  }
0x284: {  	v45, _, _ =	vpop (xrf0);
	s7 =	spop (v2sf)  }
0x285: {  	v37 =	vsub.s32 v45, v44;
	s1 =	sadd.s32 s1, s7  }
0x286: {  	v37 =	vadd.s32 s1, v37;
	v39 =	vadd.s32 s1, v45  }
0x287: {  	vm12 =	vlt.s32 v37, s6;
	vm13 =	vge.s32 v39, s6  }
0x288: {  	vm12 =	vmand vm12, vm13  }
0x289: {  	v46 =	vnsel vm12, $0x0, v21  }
0x28a: {  	(xrf0) =	vadd.scan.msk.s32 $0xffff, v46  }
0x28b: {  	(xrf0) =	vadd.scan.msk.s32 $0xffff, v43;
	_ =	sdelay $0x4  }
0x28c: {  	v47, _, _ =	vpop (xrf0)  }
0x28d: {  	(v2sf) =	vpush v47, $0xF;
	v48, _, _ =	vpop (xrf0)  }
0x28e: {  	(v2sf) =	vpush v48, $0xF;
	_ =	sdelay $0x1  }
0x28f: {  	v49 =	vld [tilespmem:$0x630];
	_ =	sdelay $0x4  }
0x290: {  	v50 =	vperm.xlane v49, v8;
	_ =	sdelay $0x1  }
0x291: {  	(xrf0) =	vadd.scan.msk.s32 $0xffff, v50;
	_ =	sdelay $0x4  }
0x292: {  	s16 =	spop (v2sf)  }
0x293: {  	v51, _, _ =	vpop (xrf0);
	s10 =	spop (v2sf)  }
0x294: {  	v38 =	vsub.s32 v51, v50;
	s1 =	sadd.s32 s1, s10  }
0x295: {  	v38 =	vadd.s32 s1, v38;
	v40 =	vadd.s32 s1, v51  }
0x296: {  	vm13 =	vlt.s32 v38, s6;
	vm14 =	vge.s32 v40, s6  }
0x297: {  	vm13 =	vmand vm13, vm14  }
0x298: {  	v52 =	vnsel vm13, $0x0, v22  }
0x299: {  	(xrf0) =	vadd.scan.msk.s32 $0xffff, v52  }
0x29a: {  	(xrf0) =	vadd.scan.msk.s32 $0xffff, v49;
	_ =	sdelay $0x4  }
0x29b: {  	v53, _, _ =	vpop (xrf0)  }
0x29c: {  	(v2sf) =	vpush v53, $0xF;
	v54, _, _ =	vpop (xrf0)  }
0x29d: {  	(v2sf) =	vpush v54, $0xF;
	_ =	sdelay $0x1  }
0x29e: {  	v55 =	vld [tilespmem:$0x620];
	_ =	sdelay $0x4  }
0x29f: {  	v56 =	vperm.xlane v55, v8;
	_ =	sdelay $0x1  }
0x2a0: {  	(xrf0) =	vadd.scan.msk.s32 $0xffff, v56;
	_ =	sdelay $0x4  }
0x2a1: {  	s8 =	spop (v2sf)  }
0x2a2: {  	v57, _, _ =	vpop (xrf0);
	s31 =	spop (v2sf)  }
0x2a3: {  	v39 =	vsub.s32 v57, v56;
	s1 =	sadd.s32 s1, s31  }
0x2a4: {  	v39 =	vadd.s32 s1, v39;
	v41 =	vadd.s32 s1, v57  }
0x2a5: {  	vm14 =	vlt.s32 v39, s6;
	vm15 =	vge.s32 v41, s6  }
0x2a6: {  	vm14 =	vmand vm14, vm15  }
0x2a7: {  	v58 =	vnsel vm14, $0x0, v23  }
0x2a8: {  	(xrf0) =	vadd.scan.msk.s32 $0xffff, v58  }
0x2a9: {  	(xrf0) =	vadd.scan.msk.s32 $0xffff, v55;
	_ =	sdelay $0x4  }
0x2aa: {  	v59, _, _ =	vpop (xrf0)  }
0x2ab: {  	(v2sf) =	vpush v59, $0xF;
	v60, _, _ =	vpop (xrf0)  }
0x2ac: {  	(v2sf) =	vpush v60, $0xF;
	_ =	sdelay $0x1  }
0x2ad: {  	v61 =	vld [tilespmem:$0x610];
	_ =	sdelay $0x4  }
0x2ae: {  	v40 =	vperm.xlane v61, v8;
	_ =	sdelay $0x1  }
0x2af: {  	(xrf0) =	vadd.scan.msk.s32 $0xffff, v40;
	_ =	sdelay $0x4  }
0x2b0: {  	s10 =	spop (v2sf)  }
0x2b1: {  	v62, _, _ =	vpop (xrf0);
	s31 =	spop (v2sf)  }
0x2b2: {  	v40 =	vsub.s32 v62, v40;
	s1 =	sadd.s32 s1, s31  }
0x2b3: {  	v40 =	vadd.s32 s1, v40;
	v41 =	vadd.s32 s1, v62  }
0x2b4: {  	vm15 =	vlt.s32 v40, s6;
	vm2 =	vge.s32 v41, s6  }
0x2b5: {  	vm15 =	vmand vm15, vm2  }
0x2b6: {  	v63 =	vnsel vm15, $0x0, v8  }
0x2b7: {  	(xrf0) =	vadd.scan.msk.s32 $0xffff, v63;
	_ =	sdelay $0x5  }
0x2b8: {  	v41, _, _ =	vpop (xrf0)  }
0x2b9: {  	(v2sf) =	vpush v41, $0xF;
	_ =	sdelay $0x1  }
0x2ba: {  	s19 =	sadd.s32 s18, s19  }
0x2bb: {  	s1 =	sadd.s32 s21, s19  }
0x2bc: {  	s1 =	sadd.s32 s22, s1  }
0x2bd: {  	[tilespmem:$0x500] =	vst v6;
	s1 =	sadd.s32 s23, s1  }
0x2be: {  	[tilespmem:$0x510] =	vst v6;
	s1 =	sadd.s32 s24, s1  }
0x2bf: {  	[tilespmem:$0x520] =	vst v6;
	s1 =	sadd.s32 s25, s1  }
0x2c0: {  	[tilespmem:$0x530] =	vst v6;
	s1 =	sadd.s32 s20, s1  }
0x2c1: {  	[tilespmem:$0x540] =	vst v6;
	s1 =	sadd.s32 s3, s1  }
0x2c2: {  	[tilespmem:$0x550] =	vst v6;
	s1 =	sadd.s32 s9, s1  }
0x2c3: {  	[tilespmem:$0x560] =	vst v6;
	s1 =	sadd.s32 s11, s1  }
0x2c4: {  	[tilespmem:$0x570] =	vst v6;
	s1 =	sadd.s32 s17, s1  }
0x2c5: {  	[tilespmem:$0x580] =	vst v6;
	s1 =	sadd.s32 s16, s1  }
0x2c6: {  	[tilespmem:$0x590] =	vst v6;
	s1 =	sadd.s32 s8, s1  }
0x2c7: {  	[tilespmem:$0x5A0] =	vst v6;
	s1 =	sadd.s32 s10, s1;
	s31 =	spop (v2sf)  }
0x2c8: {  	[tilespmem:$0x5B0] =	vst v6;
	s1 =	sadd.s32 s31, s1  }
0x2c9: {  	[tilespmem:$0x5C0] =	vst v6;
	s1 =	sshll.u32 s1, $0x10  }
0x2ca: {  	[tilespmem:$0x5D0] =	vst v6;
	s15 =	sor.u32 s15, s1  }
0x2cb: {  	[tilespmem:$0x5E0] =	vst v6;
	s1 =	sshra.s32 s15, $0x10  }
0x2cc: {  	[tilespmem:$0x5F0] =	vst v6;
	s3 =	simm.s32 $0x0;
	s9 =	simm.s32 $0x40;
	v41 =	vmov s1  }
.LBB2_6:
0x2cd: {  	p0 =	sne.s32 s9, $0x13C0;
	v42 =	vld [tilespmem:s3+$0x0];
	_ =	sdelay $0x4  }
0x2ce: {  	v43 =	vshra.s32 v42, $0x10  }
0x2cf: {  	vm2 =	vgt.s32 v42, $0x3C23D70A;
	vm3 =	veq.s32 v43, v41  }
0x2d0: {  	v42 =	vshrl.u32 v42, $0x8;
	vm2 =	vmand vm2, vm3  }
0x2d1: {  	v42 =	vand.u32 $0xFF, v42  }
.Ltmp4:
0x2d2: {  	(pc) =	sbr.rel @p0 .LBB2_6-.Ltmp4, $2  }
0x2d3: {  	_ =	sdelay $0x2  }
0x2d4: {  	s3 =	sshra.s32 s9, $0x2;
	s9 =	sadd.s32 $0x40, s9;
	[tilespmem:v42+s28+$0x0] =	vst.idx.add.s32.msk vm2, v7  }
0x2d5: {  	v42 =	vld [tilespmem:$0x1FFC0];
	_ =	sdelay $0x4  }
0x2d6: {  	vm2 =	vnez.u8 v42  }
0x2d7: {  	v25 =	vnsel vm2, $0x0, v25  }
0x2d8: {  	(xrf0) =	vadd.scan.msk.s32 $0xffff, v25;
	v25 =	vld [tilespmem:$0x1FFD0];
	_ =	sdelay $0x4  }
0x2d9: {  	vm2 =	vnez.u8 v25  }
0x2da: {  	v25 =	vnsel vm2, $0x0, v26  }
0x2db: {  	(xrf0) =	vadd.scan.msk.s32 $0xffff, v25;
	v25 =	vnsel vm4, $0x0, v27  }
0x2dc: {  	(xrf0) =	vadd.scan.msk.s32 $0xffff, v25;
	v25 =	vnsel vm5, $0x0, v28  }
0x2dd: {  	(xrf0) =	vadd.scan.msk.s32 $0xffff, v25;
	v25 =	vnsel vm6, $0x0, v29  }
0x2de: {  	(xrf0) =	vadd.scan.msk.s32 $0xffff, v25;
	v25 =	vnsel vm7, $0x0, v30  }
0x2df: {  	(xrf0) =	vadd.scan.msk.s32 $0xffff, v25;
	v25 =	vnsel vm8, $0x0, v31  }
0x2e0: {  	v26, _, _ =	vpop (xrf0);
	(xrf0) =	vadd.scan.msk.s32 $0xffff, v25;
	v25 =	vnsel vm9, $0x0, v32  }
0x2e1: {  	(v2sf) =	vpush v26, $0xF;
	v26, _, _ =	vpop (xrf0);
	(xrf0) =	vadd.scan.msk.s32 $0xffff, v25;
	v25 =	vnsel vm10, $0x0, v33  }
0x2e2: {  	(v2sf) =	vpush v26, $0xF;
	v26, _, _ =	vpop (xrf0);
	(xrf0) =	vadd.scan.msk.s32 $0xffff, v25;
	v25 =	vnsel vm11, $0x0, v34  }
0x2e3: {  	(v2sf) =	vpush v26, $0xF;
	v26, _, _ =	vpop (xrf0);
	(xrf0) =	vadd.scan.msk.s32 $0xffff, v25;
	v25 =	vnsel vm0, $0x0, v35  }
0x2e4: {  	(v2sf) =	vpush v26, $0xF;
	v26, _, _ =	vpop (xrf0);
	(xrf0) =	vadd.scan.msk.s32 $0xffff, v25;
	v25 =	vnsel vm1, $0x0, v36  }
0x2e5: {  	(v2sf) =	vpush v26, $0xF;
	v26, _, _ =	vpop (xrf0);
	(xrf0) =	vadd.scan.msk.s32 $0xffff, v25;
	v25 =	vnsel vm12, $0x0, v37  }
0x2e6: {  	(v2sf) =	vpush v26, $0xF;
	v26, _, _ =	vpop (xrf0);
	(xrf0) =	vadd.scan.msk.s32 $0xffff, v25;
	v25 =	vnsel vm13, $0x0, v38  }
0x2e7: {  	(v2sf) =	vpush v26, $0xF;
	v26, _, _ =	vpop (xrf0);
	(xrf0) =	vadd.scan.msk.s32 $0xffff, v25;
	v25 =	vnsel vm14, $0x0, v39  }
0x2e8: {  	(v2sf) =	vpush v26, $0xF;
	v26, _, _ =	vpop (xrf0);
	(xrf0) =	vadd.scan.msk.s32 $0xffff, v25;
	v25 =	vnsel vm15, $0x0, v40;
	_ =	sdelay $0x1  }
0x2e9: {  	(v2sf) =	vpush v26, $0xF;
	v26, _, _ =	vpop (xrf0);
	(xrf0) =	vadd.scan.msk.s32 $0xffff, v25  }
0x2ea: {  	(v2sf) =	vpush v26, $0xF;
	v25, _, _ =	vpop (xrf0)  }
0x2eb: {  	v26, _, _ =	vpop (xrf0);
	(v2sf) =	vpush v25, $0xF  }
0x2ec: {  	v25, _, _ =	vpop (xrf0);
	(v2sf) =	vpush v26, $0xF  }
0x2ed: {  	(v2sf) =	vpush v25, $0xF;
	v25, _, _ =	vpop (xrf0)  }
0x2ee: {  	(v2sf) =	vpush v25, $0xF;
	v25, _, _ =	vpop (xrf0)  }
0x2ef: {  	(v2sf) =	vpush v25, $0xF;
	v25, _, _ =	vpop (xrf0)  }
0x2f0: {  	s1 =	spop (v2sf);
	(v2sf) =	vpush v25, $0xF  }
0x2f1: {  	s7 =	spop (v2sf);
	v25 =	vld [tilespmem:s3+$0x0]  }
0x2f2: {  	s3 =	spop (v2sf)  }
0x2f3: {  	s8 =	spop (v2sf)  }
0x2f4: {  	s9 =	spop (v2sf)  }
0x2f5: {  	s11 =	spop (v2sf)  }
0x2f6: {  	s16 =	spop (v2sf);
	v26 =	vshra.s32 v25, $0x10  }
0x2f7: {  	vm0 =	vgt.s32 v25, $0x3C23D70A;
	s17 =	spop (v2sf);
	vm1 =	veq.s32 v26, v41  }
0x2f8: {  	v25 =	vshrl.u32 v25, $0x8;
	s18 =	spop (v2sf);
	vm0 =	vmand vm0, vm1  }
0x2f9: {  	v25 =	vand.u32 $0xFF, v25;
	s19 =	spop (v2sf)  }
0x2fa: {  	s20 =	spop (v2sf)  }
0x2fb: {  	s21 =	spop (v2sf)  }
0x2fc: {  	s22 =	spop (v2sf)  }
0x2fd: {  	s23 =	spop (v2sf)  }
0x2fe: {  	[tilespmem:v25+s28+$0x0] =	vst.idx.add.s32.msk vm0, v7;
	v25 =	vor.u32 $0x20, v2;
	s24 =	spop (v2sf)  }
0x2ff: {  	[tilespmem:$0x600] =	vst v25;
	s25 =	spop (v2sf)  }
0x300: {  	[spmem:s14] =	stream.indirect.scatter.add.s32 [tilespmem:s28], [sflag:$0x2], $0x10, s30, s29, $0xb8;
	[tilespmem:$0x1860] =	vst v63  }
0x301: {  	_ =	swait.ge [sflag:s26], $0x100  }
0x302: {  	[sflag:s26] =	ssyncset.done $0x0  }
0x303: {  	[sflag:s26] =	ssyncadd.s32 $0xFFFFFF00  }
0x304: {  	[bflag:$0x0] =	sbarrier.arrive $0xFFFF  }
0x305: {  	s31 =	simm.s32 $0x610;
	s10 =	rddreg [dreg:$0xd]  }
0x306: {  	[tilespmem:s31], [sflag:$0x2] =	stream.linear.gather [spmem:s10], $0x100, $0x38;
	[tilespmem:$0x1860] =	vst v63  }
0x307: {  	_ =	swait.ge [sflag:s26], $0x100  }
0x308: {  	[sflag:s26] =	ssyncset.done $0x0  }
0x309: {  	s1 =	sadd.s32 s7, s1;
	[sflag:s26] =	ssyncadd.s32 $0xFFFFFF00  }
0x30a: {  	s1 =	sadd.s32 s3, s1;
	v26 =	vld [tilespmem:$0x700]  }
0x30b: {  	s1 =	sadd.s32 s8, s1  }
0x30c: {  	s1 =	sadd.s32 s9, s1  }
0x30d: {  	s1 =	sadd.s32 s11, s1  }
0x30e: {  	s1 =	sadd.s32 s16, s1  }
0x30f: {  	s1 =	sadd.s32 s17, s1;
	v25 =	vperm.xlane v26, v8  }
0x310: {  	s1 =	sadd.s32 s18, s1  }
0x311: {  	s1 =	sadd.s32 s19, s1;
	(xrf0) =	vadd.scan.msk.s32 $0xffff, v25  }
0x312: {  	s1 =	sadd.s32 s20, s1  }
0x313: {  	s1 =	sadd.s32 s21, s1  }
0x314: {  	s1 =	sadd.s32 s22, s1  }
0x315: {  	s1 =	sadd.s32 s23, s1  }
0x316: {  	s1 =	sadd.s32 s24, s1  }
0x317: {  	s1 =	sadd.s32 s25, s1;
	v27, _, _ =	vpop (xrf0)  }
0x318: {  	s6 =	ssub.s32 s6, s1;
	v28 =	vld [tilespmem:$0x6F0];
	v25 =	vsub.s32 v27, v25  }
0x319: {  	vm1 =	vge.s32 v27, s6;
	vm0 =	vlt.s32 v25, s6  }
0x31a: {  	v27 =	vimm.s32 $0x0;
	vm0 =	vmand vm1, vm0  }
0x31b: {  	v27 =	vsel vm0, $0xFFFFFFFF, v27  }
0x31c: {  	[tilespmem:$0x1FFA0] =	vst v27;
	v27 =	vnsel vm0, $0x0, v9  }
0x31d: {  	(xrf0) =	vadd.scan.msk.s32 $0xffff, v27;
	v27 =	vperm.xlane v28, v8  }
0x31e: {  	(xrf0) =	vadd.scan.msk.s32 $0xffff, v26  }
0x31f: {  	(xrf0) =	vadd.scan.msk.s32 $0xffff, v27;
	_ =	sdelay $0x3  }
0x320: {  	v29, _, _ =	vpop (xrf0)  }
0x321: {  	v30, _, _ =	vpop (xrf0)  }
0x322: {  	v31, _, _ =	vpop (xrf0);
	v57 =	vbroadcast v30, $0xF  }
0x323: {  	v26 =	vsub.s32 v31, v27  }
0x324: {  	v26 =	vadd.s32 v57, v26;
	v27 =	vadd.s32 v57, v31  }
0x325: {  	vm0 =	vlt.s32 v26, s6;
	vm1 =	vge.s32 v27, s6  }
0x326: {  	v27 =	vimm.s32 $0x0;
	vm0 =	vmand vm1, vm0  }
0x327: {  	v27 =	vsel vm0, $0xFFFFFFFF, v27  }
0x328: {  	[tilespmem:$0x1FFB0] =	vst v27;
	v27 =	vnsel vm0, $0x0, v10  }
0x329: {  	(xrf0) =	vadd.scan.msk.s32 $0xffff, v27  }
0x32a: {  	(xrf0) =	vadd.scan.msk.s32 $0xffff, v28;
	_ =	sdelay $0x3  }
0x32b: {  	(v2sf) =	vpush v29, $0xF  }
0x32c: {  	(v2sf) =	vpush v30, $0xF;
	v27, _, _ =	vpop (xrf0)  }
0x32d: {  	(v2sf) =	vpush v27, $0xF;
	v27, _, _ =	vpop (xrf0)  }
0x32e: {  	(v2sf) =	vpush v27, $0xF;
	_ =	sdelay $0x1  }
0x32f: {  	v28 =	vld [tilespmem:$0x6E0];
	_ =	sdelay $0x4  }
0x330: {  	v27 =	vperm.xlane v28, v8;
	_ =	sdelay $0x1  }
0x331: {  	(xrf0) =	vadd.scan.msk.s32 $0xffff, v27;
	_ =	sdelay $0x2  }
0x332: {  	s18 =	spop (v2sf)  }
0x333: {  	s24 =	spop (v2sf)  }
0x334: {  	s19 =	spop (v2sf)  }
0x335: {  	v29, _, _ =	vpop (xrf0);
	s25 =	spop (v2sf)  }
0x336: {  	v27 =	vsub.s32 v29, v27;
	s1 =	sadd.s32 s24, s25  }
0x337: {  	v27 =	vadd.s32 s1, v27;
	v29 =	vadd.s32 s1, v29  }
0x338: {  	vm0 =	vlt.s32 v27, s6;
	vm1 =	vge.s32 v29, s6  }
0x339: {  	vm4 =	vmand vm0, vm1  }
0x33a: {  	v29 =	vnsel vm4, $0x0, v11  }
0x33b: {  	(xrf0) =	vadd.scan.msk.s32 $0xffff, v29  }
0x33c: {  	(xrf0) =	vadd.scan.msk.s32 $0xffff, v28;
	_ =	sdelay $0x4  }
0x33d: {  	v28, _, _ =	vpop (xrf0)  }
0x33e: {  	(v2sf) =	vpush v28, $0xF;
	v28, _, _ =	vpop (xrf0)  }
0x33f: {  	(v2sf) =	vpush v28, $0xF;
	_ =	sdelay $0x1  }
0x340: {  	v29 =	vld [tilespmem:$0x6D0];
	_ =	sdelay $0x4  }
0x341: {  	v28 =	vperm.xlane v29, v8;
	_ =	sdelay $0x1  }
0x342: {  	(xrf0) =	vadd.scan.msk.s32 $0xffff, v28;
	_ =	sdelay $0x4  }
0x343: {  	s21 =	spop (v2sf)  }
0x344: {  	v30, _, _ =	vpop (xrf0);
	s31 =	spop (v2sf)  }
0x345: {  	v28 =	vsub.s32 v30, v28;
	s1 =	sadd.s32 s1, s31  }
0x346: {  	v28 =	vadd.s32 s1, v28;
	v30 =	vadd.s32 s1, v30  }
0x347: {  	vm0 =	vlt.s32 v28, s6;
	vm1 =	vge.s32 v30, s6  }
0x348: {  	vm5 =	vmand vm0, vm1  }
0x349: {  	v30 =	vnsel vm5, $0x0, v12  }
0x34a: {  	(xrf0) =	vadd.scan.msk.s32 $0xffff, v30  }
0x34b: {  	(xrf0) =	vadd.scan.msk.s32 $0xffff, v29;
	_ =	sdelay $0x4  }
0x34c: {  	v29, _, _ =	vpop (xrf0)  }
0x34d: {  	(v2sf) =	vpush v29, $0xF;
	v29, _, _ =	vpop (xrf0)  }
0x34e: {  	(v2sf) =	vpush v29, $0xF;
	_ =	sdelay $0x1  }
0x34f: {  	v30 =	vld [tilespmem:$0x6C0];
	_ =	sdelay $0x4  }
0x350: {  	v29 =	vperm.xlane v30, v8;
	_ =	sdelay $0x1  }
0x351: {  	(xrf0) =	vadd.scan.msk.s32 $0xffff, v29;
	_ =	sdelay $0x4  }
0x352: {  	s22 =	spop (v2sf)  }
0x353: {  	v31, _, _ =	vpop (xrf0);
	s7 =	spop (v2sf)  }
0x354: {  	v29 =	vsub.s32 v31, v29;
	s1 =	sadd.s32 s1, s7  }
0x355: {  	v29 =	vadd.s32 s1, v29;
	v31 =	vadd.s32 s1, v31  }
0x356: {  	vm0 =	vlt.s32 v29, s6;
	vm1 =	vge.s32 v31, s6  }
0x357: {  	vm6 =	vmand vm0, vm1  }
0x358: {  	v31 =	vnsel vm6, $0x0, v13  }
0x359: {  	(xrf0) =	vadd.scan.msk.s32 $0xffff, v31  }
0x35a: {  	(xrf0) =	vadd.scan.msk.s32 $0xffff, v30;
	_ =	sdelay $0x4  }
0x35b: {  	v30, _, _ =	vpop (xrf0)  }
0x35c: {  	(v2sf) =	vpush v30, $0xF;
	v30, _, _ =	vpop (xrf0)  }
0x35d: {  	(v2sf) =	vpush v30, $0xF;
	_ =	sdelay $0x1  }
0x35e: {  	v31 =	vld [tilespmem:$0x6B0];
	_ =	sdelay $0x4  }
0x35f: {  	v30 =	vperm.xlane v31, v8;
	_ =	sdelay $0x1  }
0x360: {  	(xrf0) =	vadd.scan.msk.s32 $0xffff, v30;
	_ =	sdelay $0x4  }
0x361: {  	s23 =	spop (v2sf)  }
0x362: {  	v58, _, _ =	vpop (xrf0);
	s8 =	spop (v2sf)  }
0x363: {  	v30 =	vsub.s32 v58, v30;
	s1 =	sadd.s32 s1, s8  }
0x364: {  	v30 =	vadd.s32 s1, v30;
	v32 =	vadd.s32 s1, v58  }
0x365: {  	vm0 =	vlt.s32 v30, s6;
	vm1 =	vge.s32 v32, s6  }
0x366: {  	vm7 =	vmand vm0, vm1  }
0x367: {  	v59 =	vnsel vm7, $0x0, v14  }
0x368: {  	(xrf0) =	vadd.scan.msk.s32 $0xffff, v59  }
0x369: {  	(xrf0) =	vadd.scan.msk.s32 $0xffff, v31;
	_ =	sdelay $0x4  }
0x36a: {  	v31, _, _ =	vpop (xrf0)  }
0x36b: {  	(v2sf) =	vpush v31, $0xF;
	v31, _, _ =	vpop (xrf0)  }
0x36c: {  	(v2sf) =	vpush v31, $0xF;
	_ =	sdelay $0x1  }
0x36d: {  	v60 =	vld [tilespmem:$0x6A0];
	_ =	sdelay $0x4  }
0x36e: {  	v31 =	vperm.xlane v60, v8;
	_ =	sdelay $0x1  }
0x36f: {  	(xrf0) =	vadd.scan.msk.s32 $0xffff, v31;
	_ =	sdelay $0x4  }
0x370: {  	s24 =	spop (v2sf)  }
0x371: {  	v61, _, _ =	vpop (xrf0);
	s9 =	spop (v2sf)  }
0x372: {  	v31 =	vsub.s32 v61, v31;
	s1 =	sadd.s32 s1, s9  }
0x373: {  	v31 =	vadd.s32 s1, v31;
	v33 =	vadd.s32 s1, v61  }
0x374: {  	vm0 =	vlt.s32 v31, s6;
	vm1 =	vge.s32 v33, s6  }
0x375: {  	vm8 =	vmand vm0, vm1  }
0x376: {  	v62 =	vnsel vm8, $0x0, v15  }
0x377: {  	(xrf0) =	vadd.scan.msk.s32 $0xffff, v62  }
0x378: {  	(xrf0) =	vadd.scan.msk.s32 $0xffff, v60;
	_ =	sdelay $0x4  }
0x379: {  	v63, _, _ =	vpop (xrf0)  }
0x37a: {  	(v2sf) =	vpush v63, $0xF;
	v36, _, _ =	vpop (xrf0)  }
0x37b: {  	(v2sf) =	vpush v36, $0xF;
	_ =	sdelay $0x1  }
0x37c: {  	v37 =	vld [tilespmem:$0x690];
	_ =	sdelay $0x4  }
0x37d: {  	v38 =	vperm.xlane v37, v8;
	_ =	sdelay $0x1  }
0x37e: {  	(xrf0) =	vadd.scan.msk.s32 $0xffff, v38;
	_ =	sdelay $0x4  }
0x37f: {  	s25 =	spop (v2sf)  }
0x380: {  	v39, _, _ =	vpop (xrf0);
	s10 =	spop (v2sf)  }
0x381: {  	v32 =	vsub.s32 v39, v38;
	s1 =	sadd.s32 s1, s10  }
0x382: {  	v32 =	vadd.s32 s1, v32;
	v34 =	vadd.s32 s1, v39  }
0x383: {  	vm0 =	vlt.s32 v32, s6;
	vm1 =	vge.s32 v34, s6  }
0x384: {  	vm9 =	vmand vm0, vm1  }
0x385: {  	v40 =	vnsel vm9, $0x0, v16  }
0x386: {  	(xrf0) =	vadd.scan.msk.s32 $0xffff, v40  }
0x387: {  	(xrf0) =	vadd.scan.msk.s32 $0xffff, v37;
	_ =	sdelay $0x4  }
0x388: {  	v41, _, _ =	vpop (xrf0)  }
0x389: {  	(v2sf) =	vpush v41, $0xF;
	v42, _, _ =	vpop (xrf0)  }
0x38a: {  	(v2sf) =	vpush v42, $0xF;
	_ =	sdelay $0x1  }
0x38b: {  	v43 =	vld [tilespmem:$0x680];
	_ =	sdelay $0x4  }
0x38c: {  	v44 =	vperm.xlane v43, v8;
	_ =	sdelay $0x1  }
0x38d: {  	(xrf0) =	vadd.scan.msk.s32 $0xffff, v44;
	_ =	sdelay $0x4  }
0x38e: {  	s20 =	spop (v2sf)  }
0x38f: {  	v45, _, _ =	vpop (xrf0);
	s11 =	spop (v2sf)  }
0x390: {  	v33 =	vsub.s32 v45, v44;
	s1 =	sadd.s32 s1, s11  }
0x391: {  	v33 =	vadd.s32 s1, v33;
	v35 =	vadd.s32 s1, v45  }
0x392: {  	vm0 =	vlt.s32 v33, s6;
	vm1 =	vge.s32 v35, s6  }
0x393: {  	vm10 =	vmand vm0, vm1  }
0x394: {  	v46 =	vnsel vm10, $0x0, v17  }
0x395: {  	(xrf0) =	vadd.scan.msk.s32 $0xffff, v46  }
0x396: {  	(xrf0) =	vadd.scan.msk.s32 $0xffff, v43;
	_ =	sdelay $0x4  }
0x397: {  	v47, _, _ =	vpop (xrf0)  }
0x398: {  	(v2sf) =	vpush v47, $0xF;
	v48, _, _ =	vpop (xrf0)  }
0x399: {  	(v2sf) =	vpush v48, $0xF;
	_ =	sdelay $0x1  }
0x39a: {  	v49 =	vld [tilespmem:$0x670];
	_ =	sdelay $0x4  }
0x39b: {  	v50 =	vperm.xlane v49, v8;
	_ =	sdelay $0x1  }
0x39c: {  	(xrf0) =	vadd.scan.msk.s32 $0xffff, v50;
	_ =	sdelay $0x4  }
0x39d: {  	s3 =	spop (v2sf)  }
0x39e: {  	v51, _, _ =	vpop (xrf0);
	s16 =	spop (v2sf)  }
0x39f: {  	v34 =	vsub.s32 v51, v50;
	s1 =	sadd.s32 s1, s16  }
0x3a0: {  	v34 =	vadd.s32 s1, v34;
	v36 =	vadd.s32 s1, v51  }
0x3a1: {  	vm0 =	vlt.s32 v34, s6;
	vm1 =	vge.s32 v36, s6  }
0x3a2: {  	vm11 =	vmand vm0, vm1  }
0x3a3: {  	v52 =	vnsel vm11, $0x0, v18  }
0x3a4: {  	(xrf0) =	vadd.scan.msk.s32 $0xffff, v52  }
0x3a5: {  	(xrf0) =	vadd.scan.msk.s32 $0xffff, v49;
	_ =	sdelay $0x4  }
0x3a6: {  	v53, _, _ =	vpop (xrf0)  }
0x3a7: {  	(v2sf) =	vpush v53, $0xF;
	v54, _, _ =	vpop (xrf0)  }
0x3a8: {  	(v2sf) =	vpush v54, $0xF;
	_ =	sdelay $0x1  }
0x3a9: {  	v55 =	vld [tilespmem:$0x660];
	_ =	sdelay $0x4  }
0x3aa: {  	v56 =	vperm.xlane v55, v8;
	_ =	sdelay $0x1  }
0x3ab: {  	(xrf0) =	vadd.scan.msk.s32 $0xffff, v56;
	_ =	sdelay $0x4  }
0x3ac: {  	s9 =	spop (v2sf)  }
0x3ad: {  	v57, _, _ =	vpop (xrf0);
	s17 =	spop (v2sf)  }
0x3ae: {  	v35 =	vsub.s32 v57, v56;
	s1 =	sadd.s32 s1, s17  }
0x3af: {  	v35 =	vadd.s32 s1, v35;
	v37 =	vadd.s32 s1, v57  }
0x3b0: {  	vm0 =	vlt.s32 v35, s6;
	vm1 =	vge.s32 v37, s6  }
0x3b1: {  	vm0 =	vmand vm0, vm1  }
0x3b2: {  	v58 =	vnsel vm0, $0x0, v19  }
0x3b3: {  	(xrf0) =	vadd.scan.msk.s32 $0xffff, v58  }
0x3b4: {  	(xrf0) =	vadd.scan.msk.s32 $0xffff, v55;
	_ =	sdelay $0x4  }
0x3b5: {  	v59, _, _ =	vpop (xrf0)  }
0x3b6: {  	(v2sf) =	vpush v59, $0xF;
	v60, _, _ =	vpop (xrf0)  }
0x3b7: {  	(v2sf) =	vpush v60, $0xF;
	_ =	sdelay $0x1  }
0x3b8: {  	v61 =	vld [tilespmem:$0x650];
	_ =	sdelay $0x4  }
0x3b9: {  	v62 =	vperm.xlane v61, v8;
	_ =	sdelay $0x1  }
0x3ba: {  	(xrf0) =	vadd.scan.msk.s32 $0xffff, v62;
	_ =	sdelay $0x4  }
0x3bb: {  	s11 =	spop (v2sf)  }
0x3bc: {  	v63, _, _ =	vpop (xrf0);
	s31 =	spop (v2sf)  }
0x3bd: {  	v36 =	vsub.s32 v63, v62;
	s1 =	sadd.s32 s1, s31  }
0x3be: {  	v36 =	vadd.s32 s1, v36;
	v38 =	vadd.s32 s1, v63  }
0x3bf: {  	vm1 =	vlt.s32 v36, s6;
	vm12 =	vge.s32 v38, s6  }
0x3c0: {  	vm1 =	vmand vm1, vm12  }
0x3c1: {  	v40 =	vnsel vm1, $0x0, v20  }
0x3c2: {  	(xrf0) =	vadd.scan.msk.s32 $0xffff, v40  }
0x3c3: {  	(xrf0) =	vadd.scan.msk.s32 $0xffff, v61;
	_ =	sdelay $0x4  }
0x3c4: {  	v41, _, _ =	vpop (xrf0)  }
0x3c5: {  	(v2sf) =	vpush v41, $0xF;
	v42, _, _ =	vpop (xrf0)  }
0x3c6: {  	(v2sf) =	vpush v42, $0xF;
	_ =	sdelay $0x1  }
0x3c7: {  	v43 =	vld [tilespmem:$0x640];
	_ =	sdelay $0x4  }
0x3c8: {  	v44 =	vperm.xlane v43, v8;
	_ =	sdelay $0x1  }
0x3c9: {  	(xrf0) =	vadd.scan.msk.s32 $0xffff, v44;
	_ =	sdelay $0x4  }
0x3ca: {  	s17 =	spop (v2sf)  }
0x3cb: {  	v45, _, _ =	vpop (xrf0);
	s8 =	spop (v2sf)  }
0x3cc: {  	v37 =	vsub.s32 v45, v44;
	s1 =	sadd.s32 s1, s8  }
0x3cd: {  	v37 =	vadd.s32 s1, v37;
	v39 =	vadd.s32 s1, v45  }
0x3ce: {  	vm12 =	vlt.s32 v37, s6;
	vm13 =	vge.s32 v39, s6  }
0x3cf: {  	vm12 =	vmand vm12, vm13  }
0x3d0: {  	v46 =	vnsel vm12, $0x0, v21  }
0x3d1: {  	(xrf0) =	vadd.scan.msk.s32 $0xffff, v46  }
0x3d2: {  	(xrf0) =	vadd.scan.msk.s32 $0xffff, v43;
	_ =	sdelay $0x4  }
0x3d3: {  	v47, _, _ =	vpop (xrf0)  }
0x3d4: {  	(v2sf) =	vpush v47, $0xF;
	v48, _, _ =	vpop (xrf0)  }
0x3d5: {  	(v2sf) =	vpush v48, $0xF;
	_ =	sdelay $0x1  }
0x3d6: {  	v49 =	vld [tilespmem:$0x630];
	_ =	sdelay $0x4  }
0x3d7: {  	v50 =	vperm.xlane v49, v8;
	_ =	sdelay $0x1  }
0x3d8: {  	(xrf0) =	vadd.scan.msk.s32 $0xffff, v50;
	_ =	sdelay $0x4  }
0x3d9: {  	s16 =	spop (v2sf)  }
0x3da: {  	v51, _, _ =	vpop (xrf0);
	s10 =	spop (v2sf)  }
0x3db: {  	v38 =	vsub.s32 v51, v50;
	s1 =	sadd.s32 s1, s10  }
0x3dc: {  	v38 =	vadd.s32 s1, v38;
	v40 =	vadd.s32 s1, v51  }
0x3dd: {  	vm13 =	vlt.s32 v38, s6;
	vm14 =	vge.s32 v40, s6  }
0x3de: {  	vm13 =	vmand vm13, vm14  }
0x3df: {  	v52 =	vnsel vm13, $0x0, v22  }
0x3e0: {  	(xrf0) =	vadd.scan.msk.s32 $0xffff, v52  }
0x3e1: {  	(xrf0) =	vadd.scan.msk.s32 $0xffff, v49;
	_ =	sdelay $0x4  }
0x3e2: {  	v53, _, _ =	vpop (xrf0)  }
0x3e3: {  	(v2sf) =	vpush v53, $0xF;
	v54, _, _ =	vpop (xrf0)  }
0x3e4: {  	(v2sf) =	vpush v54, $0xF;
	_ =	sdelay $0x1  }
0x3e5: {  	v55 =	vld [tilespmem:$0x620];
	_ =	sdelay $0x4  }
0x3e6: {  	v56 =	vperm.xlane v55, v8;
	_ =	sdelay $0x1  }
0x3e7: {  	(xrf0) =	vadd.scan.msk.s32 $0xffff, v56;
	_ =	sdelay $0x4  }
0x3e8: {  	s7 =	spop (v2sf)  }
0x3e9: {  	v57, _, _ =	vpop (xrf0);
	s31 =	spop (v2sf)  }
0x3ea: {  	v39 =	vsub.s32 v57, v56;
	s1 =	sadd.s32 s1, s31  }
0x3eb: {  	v39 =	vadd.s32 s1, v39;
	v41 =	vadd.s32 s1, v57  }
0x3ec: {  	vm14 =	vlt.s32 v39, s6;
	vm15 =	vge.s32 v41, s6  }
0x3ed: {  	vm14 =	vmand vm14, vm15  }
0x3ee: {  	v58 =	vnsel vm14, $0x0, v23  }
0x3ef: {  	(xrf0) =	vadd.scan.msk.s32 $0xffff, v58  }
0x3f0: {  	(xrf0) =	vadd.scan.msk.s32 $0xffff, v55;
	_ =	sdelay $0x4  }
0x3f1: {  	v59, _, _ =	vpop (xrf0)  }
0x3f2: {  	(v2sf) =	vpush v59, $0xF;
	v60, _, _ =	vpop (xrf0)  }
0x3f3: {  	(v2sf) =	vpush v60, $0xF;
	_ =	sdelay $0x1  }
0x3f4: {  	v61 =	vld [tilespmem:$0x610];
	_ =	sdelay $0x4  }
0x3f5: {  	v40 =	vperm.xlane v61, v8;
	_ =	sdelay $0x1  }
0x3f6: {  	(xrf0) =	vadd.scan.msk.s32 $0xffff, v40;
	_ =	sdelay $0x4  }
0x3f7: {  	s8 =	spop (v2sf)  }
0x3f8: {  	v62, _, _ =	vpop (xrf0);
	s10 =	spop (v2sf)  }
0x3f9: {  	v40 =	vsub.s32 v62, v40;
	s1 =	sadd.s32 s1, s10  }
0x3fa: {  	v40 =	vadd.s32 s1, v40;
	v41 =	vadd.s32 s1, v62  }
0x3fb: {  	vm15 =	vlt.s32 v40, s6;
	vm2 =	vge.s32 v41, s6  }
0x3fc: {  	vm15 =	vmand vm15, vm2  }
0x3fd: {  	v63 =	vnsel vm15, $0x0, v8  }
0x3fe: {  	(xrf0) =	vadd.scan.msk.s32 $0xffff, v63;
	_ =	sdelay $0x5  }
0x3ff: {  	v41, _, _ =	vpop (xrf0)  }
0x400: {  	(v2sf) =	vpush v41, $0xF;
	_ =	sdelay $0x1  }
0x401: {  	s19 =	sadd.s32 s18, s19  }
0x402: {  	s1 =	sadd.s32 s21, s19  }
0x403: {  	s1 =	sadd.s32 s22, s1  }
0x404: {  	[tilespmem:$0x500] =	vst v6;
	s1 =	sadd.s32 s23, s1  }
0x405: {  	[tilespmem:$0x510] =	vst v6;
	s1 =	sadd.s32 s24, s1  }
0x406: {  	[tilespmem:$0x520] =	vst v6;
	s1 =	sadd.s32 s25, s1  }
0x407: {  	[tilespmem:$0x530] =	vst v6;
	s1 =	sadd.s32 s20, s1  }
0x408: {  	[tilespmem:$0x540] =	vst v6;
	s1 =	sadd.s32 s3, s1  }
0x409: {  	[tilespmem:$0x550] =	vst v6;
	s1 =	sadd.s32 s9, s1  }
0x40a: {  	[tilespmem:$0x560] =	vst v6;
	s1 =	sadd.s32 s11, s1  }
0x40b: {  	[tilespmem:$0x570] =	vst v6;
	s1 =	sadd.s32 s17, s1  }
0x40c: {  	[tilespmem:$0x580] =	vst v6;
	s1 =	sadd.s32 s16, s1  }
0x40d: {  	[tilespmem:$0x590] =	vst v6;
	s1 =	sadd.s32 s7, s1  }
0x40e: {  	[tilespmem:$0x5A0] =	vst v6;
	s1 =	sadd.s32 s8, s1;
	s31 =	spop (v2sf)  }
0x40f: {  	[tilespmem:$0x5B0] =	vst v6;
	s1 =	sadd.s32 s31, s1  }
0x410: {  	[tilespmem:$0x5C0] =	vst v6;
	s1 =	sshll.u32 s1, $0x8  }
0x411: {  	[tilespmem:$0x5D0] =	vst v6;
	s18 =	sor.u32 s15, s1  }
0x412: {  	[tilespmem:$0x5E0] =	vst v6;
	s1 =	sshra.s32 s18, $0x8  }
0x413: {  	[tilespmem:$0x5F0] =	vst v6;
	s3 =	simm.s32 $0x0;
	s9 =	simm.s32 $0x40;
	v41 =	vmov s1  }
.LBB2_8:
0x414: {  	p0 =	sne.s32 s9, $0x13C0;
	v42 =	vld [tilespmem:s3+$0x0];
	_ =	sdelay $0x4  }
0x415: {  	v43 =	vshra.s32 v42, $0x8  }
0x416: {  	vm2 =	vgt.s32 v42, $0x3C23D70A;
	vm3 =	veq.s32 v43, v41  }
0x417: {  	vm2 =	vmand vm2, vm3  }
0x418: {  	v42 =	vand.u32 $0xFF, v42  }
.Ltmp5:
0x419: {  	(pc) =	sbr.rel @p0 .LBB2_8-.Ltmp5, $2  }
0x41a: {  	_ =	sdelay $0x2  }
0x41b: {  	s3 =	sshra.s32 s9, $0x2;
	s9 =	sadd.s32 $0x40, s9;
	[tilespmem:v42+s28+$0x0] =	vst.idx.add.s32.msk vm2, v7  }
0x41c: {  	v42 =	vld [tilespmem:$0x1FFA0];
	_ =	sdelay $0x4  }
0x41d: {  	vm2 =	vnez.u8 v42  }
0x41e: {  	v25 =	vnsel vm2, $0x0, v25  }
0x41f: {  	(xrf0) =	vadd.scan.msk.s32 $0xffff, v25;
	v25 =	vld [tilespmem:$0x1FFB0];
	_ =	sdelay $0x4  }
0x420: {  	vm2 =	vnez.u8 v25  }
0x421: {  	v25 =	vnsel vm2, $0x0, v26  }
0x422: {  	(xrf0) =	vadd.scan.msk.s32 $0xffff, v25;
	v25 =	vnsel vm4, $0x0, v27  }
0x423: {  	(xrf0) =	vadd.scan.msk.s32 $0xffff, v25;
	v25 =	vnsel vm5, $0x0, v28  }
0x424: {  	(xrf0) =	vadd.scan.msk.s32 $0xffff, v25;
	v25 =	vnsel vm6, $0x0, v29  }
0x425: {  	(xrf0) =	vadd.scan.msk.s32 $0xffff, v25;
	v25 =	vnsel vm7, $0x0, v30  }
0x426: {  	(xrf0) =	vadd.scan.msk.s32 $0xffff, v25;
	v25 =	vnsel vm8, $0x0, v31  }
0x427: {  	v26, _, _ =	vpop (xrf0);
	(xrf0) =	vadd.scan.msk.s32 $0xffff, v25;
	v25 =	vnsel vm9, $0x0, v32  }
0x428: {  	(v2sf) =	vpush v26, $0xF;
	v26, _, _ =	vpop (xrf0);
	(xrf0) =	vadd.scan.msk.s32 $0xffff, v25;
	v25 =	vnsel vm10, $0x0, v33  }
0x429: {  	(v2sf) =	vpush v26, $0xF;
	v26, _, _ =	vpop (xrf0);
	(xrf0) =	vadd.scan.msk.s32 $0xffff, v25;
	v25 =	vnsel vm11, $0x0, v34  }
0x42a: {  	(v2sf) =	vpush v26, $0xF;
	v26, _, _ =	vpop (xrf0);
	(xrf0) =	vadd.scan.msk.s32 $0xffff, v25;
	v25 =	vnsel vm0, $0x0, v35  }
0x42b: {  	(v2sf) =	vpush v26, $0xF;
	v26, _, _ =	vpop (xrf0);
	(xrf0) =	vadd.scan.msk.s32 $0xffff, v25;
	v25 =	vnsel vm1, $0x0, v36  }
0x42c: {  	(v2sf) =	vpush v26, $0xF;
	v26, _, _ =	vpop (xrf0);
	(xrf0) =	vadd.scan.msk.s32 $0xffff, v25;
	v25 =	vnsel vm12, $0x0, v37  }
0x42d: {  	(v2sf) =	vpush v26, $0xF;
	v26, _, _ =	vpop (xrf0);
	(xrf0) =	vadd.scan.msk.s32 $0xffff, v25;
	v25 =	vnsel vm13, $0x0, v38  }
0x42e: {  	(v2sf) =	vpush v26, $0xF;
	v26, _, _ =	vpop (xrf0);
	(xrf0) =	vadd.scan.msk.s32 $0xffff, v25;
	v25 =	vnsel vm14, $0x0, v39  }
0x42f: {  	(v2sf) =	vpush v26, $0xF;
	v26, _, _ =	vpop (xrf0);
	(xrf0) =	vadd.scan.msk.s32 $0xffff, v25;
	v25 =	vnsel vm15, $0x0, v40;
	_ =	sdelay $0x1  }
0x430: {  	(v2sf) =	vpush v26, $0xF;
	v26, _, _ =	vpop (xrf0);
	(xrf0) =	vadd.scan.msk.s32 $0xffff, v25  }
0x431: {  	(v2sf) =	vpush v26, $0xF;
	v25, _, _ =	vpop (xrf0)  }
0x432: {  	(v2sf) =	vpush v25, $0xF;
	v25, _, _ =	vpop (xrf0)  }
0x433: {  	(v2sf) =	vpush v25, $0xF;
	v25, _, _ =	vpop (xrf0)  }
0x434: {  	(v2sf) =	vpush v25, $0xF;
	v25, _, _ =	vpop (xrf0)  }
0x435: {  	(v2sf) =	vpush v25, $0xF;
	v25, _, _ =	vpop (xrf0)  }
0x436: {  	(v2sf) =	vpush v25, $0xF;
	v25, _, _ =	vpop (xrf0)  }
0x437: {  	s1 =	spop (v2sf);
	(v2sf) =	vpush v25, $0xF  }
0x438: {  	s7 =	spop (v2sf);
	v25 =	vld [tilespmem:s3+$0x0]  }
0x439: {  	s3 =	spop (v2sf)  }
0x43a: {  	s8 =	spop (v2sf)  }
0x43b: {  	s9 =	spop (v2sf)  }
0x43c: {  	s11 =	spop (v2sf)  }
0x43d: {  	s15 =	spop (v2sf);
	v26 =	vshra.s32 v25, $0x8  }
0x43e: {  	vm0 =	vgt.s32 v25, $0x3C23D70A;
	s16 =	spop (v2sf);
	vm1 =	veq.s32 v26, v41  }
0x43f: {  	s17 =	spop (v2sf);
	vm0 =	vmand vm0, vm1  }
0x440: {  	v25 =	vand.u32 $0xFF, v25;
	s19 =	spop (v2sf)  }
0x441: {  	s20 =	spop (v2sf)  }
0x442: {  	s21 =	spop (v2sf)  }
0x443: {  	s22 =	spop (v2sf)  }
0x444: {  	s23 =	spop (v2sf)  }
0x445: {  	[tilespmem:v25+s28+$0x0] =	vst.idx.add.s32.msk vm0, v7;
	v25 =	vor.u32 $0x30, v2;
	s24 =	spop (v2sf)  }
0x446: {  	[tilespmem:$0x600] =	vst v25;
	s25 =	spop (v2sf)  }
0x447: {  	[spmem:s14] =	stream.indirect.scatter.add.s32 [tilespmem:s28], [sflag:$0x2], $0x10, s30, s29, $0xb8;
	[tilespmem:$0x1860] =	vst v63  }
0x448: {  	_ =	swait.ge [sflag:s26], $0x100  }
0x449: {  	[sflag:s26] =	ssyncset.done $0x0  }
0x44a: {  	[sflag:s26] =	ssyncadd.s32 $0xFFFFFF00  }
0x44b: {  	[bflag:$0x0] =	sbarrier.arrive $0xFFFF  }
0x44c: {  	s10 =	smov.u32 s14;
	s31 =	simm.s32 $0x610;
	s14 =	rddreg [dreg:$0xe]  }
0x44d: {  	[tilespmem:s31], [sflag:$0x2] =	stream.linear.gather [spmem:s14], $0x100, $0x38;
	[tilespmem:$0x1860] =	vst v63  }
0x44e: {  	_ =	swait.ge [sflag:s26], $0x100  }
0x44f: {  	[sflag:s26] =	ssyncset.done $0x0  }
0x450: {  	s1 =	sadd.s32 s7, s1;
	[sflag:s26] =	ssyncadd.s32 $0xFFFFFF00  }
0x451: {  	s1 =	sadd.s32 s3, s1;
	v26 =	vld [tilespmem:$0x700]  }
0x452: {  	s1 =	sadd.s32 s8, s1  }
0x453: {  	s1 =	sadd.s32 s9, s1  }
0x454: {  	s1 =	sadd.s32 s11, s1  }
0x455: {  	s1 =	sadd.s32 s15, s1  }
0x456: {  	s1 =	sadd.s32 s16, s1;
	v25 =	vperm.xlane v26, v8  }
0x457: {  	s1 =	sadd.s32 s17, s1  }
0x458: {  	s1 =	sadd.s32 s19, s1;
	(xrf0) =	vadd.scan.msk.s32 $0xffff, v25  }
0x459: {  	s1 =	sadd.s32 s20, s1  }
0x45a: {  	s1 =	sadd.s32 s21, s1  }
0x45b: {  	s1 =	sadd.s32 s22, s1  }
0x45c: {  	s1 =	sadd.s32 s23, s1  }
0x45d: {  	s1 =	sadd.s32 s24, s1  }
0x45e: {  	s1 =	sadd.s32 s25, s1;
	v27, _, _ =	vpop (xrf0)  }
0x45f: {  	s15 =	ssub.s32 s6, s1;
	v28 =	vld [tilespmem:$0x6F0];
	v25 =	vsub.s32 v27, v25  }
0x460: {  	vm1 =	vge.s32 v27, s15;
	vm0 =	vlt.s32 v25, s15  }
0x461: {  	v27 =	vimm.s32 $0x0;
	vm0 =	vmand vm1, vm0  }
0x462: {  	v27 =	vsel vm0, $0xFFFFFFFF, v27  }
0x463: {  	[tilespmem:$0x1FF60] =	vst v27;
	v27 =	vnsel vm0, $0x0, v9  }
0x464: {  	(xrf0) =	vadd.scan.msk.s32 $0xffff, v27;
	v27 =	vperm.xlane v28, v8  }
0x465: {  	(xrf0) =	vadd.scan.msk.s32 $0xffff, v26  }
0x466: {  	(xrf0) =	vadd.scan.msk.s32 $0xffff, v27;
	_ =	sdelay $0x3  }
0x467: {  	v29, _, _ =	vpop (xrf0)  }
0x468: {  	v30, _, _ =	vpop (xrf0)  }
0x469: {  	v31, _, _ =	vpop (xrf0);
	v37 =	vbroadcast v30, $0xF  }
0x46a: {  	v26 =	vsub.s32 v31, v27  }
0x46b: {  	v26 =	vadd.s32 v37, v26;
	v27 =	vadd.s32 v37, v31  }
0x46c: {  	vm0 =	vlt.s32 v26, s15;
	vm1 =	vge.s32 v27, s15  }
0x46d: {  	v27 =	vimm.s32 $0x0;
	vm0 =	vmand vm1, vm0  }
0x46e: {  	v27 =	vsel vm0, $0xFFFFFFFF, v27  }
0x46f: {  	[tilespmem:$0x1FF70] =	vst v27;
	v27 =	vnsel vm0, $0x0, v10  }
0x470: {  	(xrf0) =	vadd.scan.msk.s32 $0xffff, v27  }
0x471: {  	(xrf0) =	vadd.scan.msk.s32 $0xffff, v28;
	_ =	sdelay $0x3  }
0x472: {  	(v2sf) =	vpush v29, $0xF  }
0x473: {  	(v2sf) =	vpush v30, $0xF;
	v27, _, _ =	vpop (xrf0)  }
0x474: {  	(v2sf) =	vpush v27, $0xF;
	v27, _, _ =	vpop (xrf0)  }
0x475: {  	(v2sf) =	vpush v27, $0xF;
	_ =	sdelay $0x1  }
0x476: {  	v28 =	vld [tilespmem:$0x6E0];
	_ =	sdelay $0x4  }
0x477: {  	v27 =	vperm.xlane v28, v8;
	_ =	sdelay $0x1  }
0x478: {  	(xrf0) =	vadd.scan.msk.s32 $0xffff, v27;
	_ =	sdelay $0x2  }
0x479: {  	s6 =	spop (v2sf)  }
0x47a: {  	s24 =	spop (v2sf)  }
0x47b: {  	s19 =	spop (v2sf)  }
0x47c: {  	v29, _, _ =	vpop (xrf0);
	s25 =	spop (v2sf)  }
0x47d: {  	v27 =	vsub.s32 v29, v27;
	s1 =	sadd.s32 s24, s25  }
0x47e: {  	v27 =	vadd.s32 s1, v27;
	v29 =	vadd.s32 s1, v29  }
0x47f: {  	vm0 =	vlt.s32 v27, s15;
	vm1 =	vge.s32 v29, s15  }
0x480: {  	v29 =	vimm.s32 $0x0;
	vm0 =	vmand vm0, vm1  }
0x481: {  	v29 =	vsel vm0, $0xFFFFFFFF, v29  }
0x482: {  	[tilespmem:$0x1FF80] =	vst v29;
	v29 =	vnsel vm0, $0x0, v11  }
0x483: {  	(xrf0) =	vadd.scan.msk.s32 $0xffff, v29  }
0x484: {  	(xrf0) =	vadd.scan.msk.s32 $0xffff, v28;
	_ =	sdelay $0x4  }
0x485: {  	v28, _, _ =	vpop (xrf0)  }
0x486: {  	(v2sf) =	vpush v28, $0xF;
	v28, _, _ =	vpop (xrf0)  }
0x487: {  	(v2sf) =	vpush v28, $0xF;
	_ =	sdelay $0x1  }
0x488: {  	v29 =	vld [tilespmem:$0x6D0];
	_ =	sdelay $0x4  }
0x489: {  	v28 =	vperm.xlane v29, v8;
	_ =	sdelay $0x1  }
0x48a: {  	(xrf0) =	vadd.scan.msk.s32 $0xffff, v28;
	_ =	sdelay $0x4  }
0x48b: {  	s21 =	spop (v2sf)  }
0x48c: {  	v30, _, _ =	vpop (xrf0);
	s31 =	spop (v2sf)  }
0x48d: {  	v28 =	vsub.s32 v30, v28;
	s1 =	sadd.s32 s1, s31  }
0x48e: {  	v28 =	vadd.s32 s1, v28;
	v30 =	vadd.s32 s1, v30  }
0x48f: {  	vm0 =	vlt.s32 v28, s15;
	vm1 =	vge.s32 v30, s15  }
0x490: {  	v30 =	vimm.s32 $0x0;
	vm0 =	vmand vm0, vm1  }
0x491: {  	v30 =	vsel vm0, $0xFFFFFFFF, v30  }
0x492: {  	[tilespmem:$0x1FF90] =	vst v30;
	v30 =	vnsel vm0, $0x0, v12  }
0x493: {  	(xrf0) =	vadd.scan.msk.s32 $0xffff, v30  }
0x494: {  	(xrf0) =	vadd.scan.msk.s32 $0xffff, v29;
	_ =	sdelay $0x4  }
0x495: {  	v29, _, _ =	vpop (xrf0)  }
0x496: {  	(v2sf) =	vpush v29, $0xF;
	v29, _, _ =	vpop (xrf0)  }
0x497: {  	(v2sf) =	vpush v29, $0xF;
	_ =	sdelay $0x1  }
0x498: {  	v29 =	vld [tilespmem:$0x6C0];
	_ =	sdelay $0x4  }
0x499: {  	v30 =	vperm.xlane v29, v8;
	_ =	sdelay $0x1  }
0x49a: {  	(xrf0) =	vadd.scan.msk.s32 $0xffff, v30;
	_ =	sdelay $0x4  }
0x49b: {  	s22 =	spop (v2sf)  }
0x49c: {  	v31, _, _ =	vpop (xrf0);
	s7 =	spop (v2sf)  }
0x49d: {  	v30 =	vsub.s32 v31, v30;
	s1 =	sadd.s32 s1, s7  }
0x49e: {  	v30 =	vadd.s32 s1, v30;
	v31 =	vadd.s32 s1, v31  }
0x49f: {  	vm0 =	vlt.s32 v30, s15;
	vm1 =	vge.s32 v31, s15  }
0x4a0: {  	vm6 =	vmand vm0, vm1  }
0x4a1: {  	v31 =	vnsel vm6, $0x0, v13  }
0x4a2: {  	(xrf0) =	vadd.scan.msk.s32 $0xffff, v31  }
0x4a3: {  	(xrf0) =	vadd.scan.msk.s32 $0xffff, v29;
	_ =	sdelay $0x4  }
0x4a4: {  	v29, _, _ =	vpop (xrf0)  }
0x4a5: {  	(v2sf) =	vpush v29, $0xF;
	v29, _, _ =	vpop (xrf0)  }
0x4a6: {  	(v2sf) =	vpush v29, $0xF;
	_ =	sdelay $0x1  }
0x4a7: {  	v29 =	vld [tilespmem:$0x6B0];
	_ =	sdelay $0x4  }
0x4a8: {  	v31 =	vperm.xlane v29, v8;
	_ =	sdelay $0x1  }
0x4a9: {  	(xrf0) =	vadd.scan.msk.s32 $0xffff, v31;
	_ =	sdelay $0x4  }
0x4aa: {  	s23 =	spop (v2sf)  }
0x4ab: {  	v38, _, _ =	vpop (xrf0);
	s8 =	spop (v2sf)  }
0x4ac: {  	v31 =	vsub.s32 v38, v31;
	s1 =	sadd.s32 s1, s8  }
0x4ad: {  	v31 =	vadd.s32 s1, v31;
	v32 =	vadd.s32 s1, v38  }
0x4ae: {  	vm0 =	vlt.s32 v31, s15;
	vm1 =	vge.s32 v32, s15  }
0x4af: {  	vm7 =	vmand vm0, vm1  }
0x4b0: {  	v39 =	vnsel vm7, $0x0, v14  }
0x4b1: {  	(xrf0) =	vadd.scan.msk.s32 $0xffff, v39  }
0x4b2: {  	(xrf0) =	vadd.scan.msk.s32 $0xffff, v29;
	_ =	sdelay $0x4  }
0x4b3: {  	v29, _, _ =	vpop (xrf0)  }
0x4b4: {  	(v2sf) =	vpush v29, $0xF;
	v29, _, _ =	vpop (xrf0)  }
0x4b5: {  	(v2sf) =	vpush v29, $0xF;
	_ =	sdelay $0x1  }
0x4b6: {  	v29 =	vld [tilespmem:$0x6A0];
	_ =	sdelay $0x4  }
0x4b7: {  	v40 =	vperm.xlane v29, v8;
	_ =	sdelay $0x1  }
0x4b8: {  	(xrf0) =	vadd.scan.msk.s32 $0xffff, v40;
	_ =	sdelay $0x4  }
0x4b9: {  	s24 =	spop (v2sf)  }
0x4ba: {  	v41, _, _ =	vpop (xrf0);
	s9 =	spop (v2sf)  }
0x4bb: {  	v32 =	vsub.s32 v41, v40;
	s1 =	sadd.s32 s1, s9  }
0x4bc: {  	v32 =	vadd.s32 s1, v32;
	v33 =	vadd.s32 s1, v41  }
0x4bd: {  	vm0 =	vlt.s32 v32, s15;
	vm1 =	vge.s32 v33, s15  }
0x4be: {  	vm8 =	vmand vm0, vm1  }
0x4bf: {  	v42 =	vnsel vm8, $0x0, v15  }
0x4c0: {  	(xrf0) =	vadd.scan.msk.s32 $0xffff, v42  }
0x4c1: {  	(xrf0) =	vadd.scan.msk.s32 $0xffff, v29;
	_ =	sdelay $0x4  }
0x4c2: {  	v29, _, _ =	vpop (xrf0)  }
0x4c3: {  	(v2sf) =	vpush v29, $0xF;
	v29, _, _ =	vpop (xrf0)  }
0x4c4: {  	(v2sf) =	vpush v29, $0xF;
	_ =	sdelay $0x1  }
0x4c5: {  	v29 =	vld [tilespmem:$0x690];
	_ =	sdelay $0x4  }
0x4c6: {  	v43 =	vperm.xlane v29, v8;
	_ =	sdelay $0x1  }
0x4c7: {  	(xrf0) =	vadd.scan.msk.s32 $0xffff, v43;
	_ =	sdelay $0x4  }
0x4c8: {  	s25 =	spop (v2sf)  }
0x4c9: {  	v44, _, _ =	vpop (xrf0);
	s11 =	spop (v2sf)  }
0x4ca: {  	v33 =	vsub.s32 v44, v43;
	s1 =	sadd.s32 s1, s11  }
0x4cb: {  	v33 =	vadd.s32 s1, v33;
	v34 =	vadd.s32 s1, v44  }
0x4cc: {  	vm0 =	vlt.s32 v33, s15;
	vm1 =	vge.s32 v34, s15  }
0x4cd: {  	vm9 =	vmand vm0, vm1  }
0x4ce: {  	v45 =	vnsel vm9, $0x0, v16  }
0x4cf: {  	(xrf0) =	vadd.scan.msk.s32 $0xffff, v45  }
0x4d0: {  	(xrf0) =	vadd.scan.msk.s32 $0xffff, v29;
	_ =	sdelay $0x4  }
0x4d1: {  	v29, _, _ =	vpop (xrf0)  }
0x4d2: {  	(v2sf) =	vpush v29, $0xF;
	v29, _, _ =	vpop (xrf0)  }
0x4d3: {  	(v2sf) =	vpush v29, $0xF;
	_ =	sdelay $0x1  }
0x4d4: {  	v29 =	vld [tilespmem:$0x680];
	_ =	sdelay $0x4  }
0x4d5: {  	v46 =	vperm.xlane v29, v8;
	_ =	sdelay $0x1  }
0x4d6: {  	(xrf0) =	vadd.scan.msk.s32 $0xffff, v46;
	_ =	sdelay $0x4  }
0x4d7: {  	s20 =	spop (v2sf)  }
0x4d8: {  	v47, _, _ =	vpop (xrf0);
	s14 =	spop (v2sf)  }
0x4d9: {  	v34 =	vsub.s32 v47, v46;
	s1 =	sadd.s32 s1, s14  }
0x4da: {  	v34 =	vadd.s32 s1, v34;
	v35 =	vadd.s32 s1, v47  }
0x4db: {  	vm0 =	vlt.s32 v34, s15;
	vm1 =	vge.s32 v35, s15  }
0x4dc: {  	vm10 =	vmand vm0, vm1  }
0x4dd: {  	v48 =	vnsel vm10, $0x0, v17  }
0x4de: {  	(xrf0) =	vadd.scan.msk.s32 $0xffff, v48  }
0x4df: {  	(xrf0) =	vadd.scan.msk.s32 $0xffff, v29;
	_ =	sdelay $0x4  }
0x4e0: {  	v29, _, _ =	vpop (xrf0)  }
0x4e1: {  	(v2sf) =	vpush v29, $0xF;
	v29, _, _ =	vpop (xrf0)  }
0x4e2: {  	(v2sf) =	vpush v29, $0xF;
	_ =	sdelay $0x1  }
0x4e3: {  	v29 =	vld [tilespmem:$0x670];
	_ =	sdelay $0x4  }
0x4e4: {  	v49 =	vperm.xlane v29, v8;
	_ =	sdelay $0x1  }
0x4e5: {  	(xrf0) =	vadd.scan.msk.s32 $0xffff, v49;
	_ =	sdelay $0x4  }
0x4e6: {  	s3 =	spop (v2sf)  }
0x4e7: {  	v50, _, _ =	vpop (xrf0);
	s16 =	spop (v2sf)  }
0x4e8: {  	v35 =	vsub.s32 v50, v49;
	s1 =	sadd.s32 s1, s16  }
0x4e9: {  	v35 =	vadd.s32 s1, v35;
	v36 =	vadd.s32 s1, v50  }
0x4ea: {  	vm0 =	vlt.s32 v35, s15;
	vm1 =	vge.s32 v36, s15  }
0x4eb: {  	vm11 =	vmand vm0, vm1  }
0x4ec: {  	v51 =	vnsel vm11, $0x0, v18  }
0x4ed: {  	(xrf0) =	vadd.scan.msk.s32 $0xffff, v51  }
0x4ee: {  	(xrf0) =	vadd.scan.msk.s32 $0xffff, v29;
	_ =	sdelay $0x4  }
0x4ef: {  	v29, _, _ =	vpop (xrf0)  }
0x4f0: {  	(v2sf) =	vpush v29, $0xF;
	v29, _, _ =	vpop (xrf0)  }
0x4f1: {  	(v2sf) =	vpush v29, $0xF;
	_ =	sdelay $0x1  }
0x4f2: {  	v29 =	vld [tilespmem:$0x660];
	_ =	sdelay $0x4  }
0x4f3: {  	v52 =	vperm.xlane v29, v8;
	_ =	sdelay $0x1  }
0x4f4: {  	(xrf0) =	vadd.scan.msk.s32 $0xffff, v52;
	_ =	sdelay $0x4  }
0x4f5: {  	s9 =	spop (v2sf)  }
0x4f6: {  	v53, _, _ =	vpop (xrf0);
	s17 =	spop (v2sf)  }
0x4f7: {  	v36 =	vsub.s32 v53, v52;
	s1 =	sadd.s32 s1, s17  }
0x4f8: {  	v36 =	vadd.s32 s1, v36;
	v37 =	vadd.s32 s1, v53  }
0x4f9: {  	vm0 =	vlt.s32 v36, s15;
	vm1 =	vge.s32 v37, s15  }
0x4fa: {  	vm12 =	vmand vm0, vm1  }
0x4fb: {  	v54 =	vnsel vm12, $0x0, v19  }
0x4fc: {  	(xrf0) =	vadd.scan.msk.s32 $0xffff, v54  }
0x4fd: {  	(xrf0) =	vadd.scan.msk.s32 $0xffff, v29;
	_ =	sdelay $0x4  }
0x4fe: {  	v29, _, _ =	vpop (xrf0)  }
0x4ff: {  	(v2sf) =	vpush v29, $0xF;
	v29, _, _ =	vpop (xrf0)  }
0x500: {  	(v2sf) =	vpush v29, $0xF;
	_ =	sdelay $0x1  }
0x501: {  	v29 =	vld [tilespmem:$0x650];
	_ =	sdelay $0x4  }
0x502: {  	v55 =	vperm.xlane v29, v8;
	_ =	sdelay $0x1  }
0x503: {  	(xrf0) =	vadd.scan.msk.s32 $0xffff, v55;
	_ =	sdelay $0x4  }
0x504: {  	s11 =	spop (v2sf)  }
0x505: {  	v56, _, _ =	vpop (xrf0);
	s31 =	spop (v2sf)  }
0x506: {  	v37 =	vsub.s32 v56, v55;
	s1 =	sadd.s32 s1, s31  }
0x507: {  	v37 =	vadd.s32 s1, v37;
	v38 =	vadd.s32 s1, v56  }
0x508: {  	vm0 =	vlt.s32 v37, s15;
	vm1 =	vge.s32 v38, s15  }
0x509: {  	vm13 =	vmand vm0, vm1  }
0x50a: {  	v57 =	vnsel vm13, $0x0, v20  }
0x50b: {  	(xrf0) =	vadd.scan.msk.s32 $0xffff, v57  }
0x50c: {  	(xrf0) =	vadd.scan.msk.s32 $0xffff, v29;
	_ =	sdelay $0x4  }
0x50d: {  	v29, _, _ =	vpop (xrf0)  }
0x50e: {  	(v2sf) =	vpush v29, $0xF;
	v29, _, _ =	vpop (xrf0)  }
0x50f: {  	(v2sf) =	vpush v29, $0xF;
	_ =	sdelay $0x1  }
0x510: {  	v29 =	vld [tilespmem:$0x640];
	_ =	sdelay $0x4  }
0x511: {  	v58 =	vperm.xlane v29, v8;
	_ =	sdelay $0x1  }
0x512: {  	(xrf0) =	vadd.scan.msk.s32 $0xffff, v58;
	_ =	sdelay $0x4  }
0x513: {  	s17 =	spop (v2sf)  }
0x514: {  	v59, _, _ =	vpop (xrf0);
	s8 =	spop (v2sf)  }
0x515: {  	v38 =	vsub.s32 v59, v58;
	s1 =	sadd.s32 s1, s8  }
0x516: {  	v38 =	vadd.s32 s1, v38;
	v39 =	vadd.s32 s1, v59  }
0x517: {  	vm0 =	vlt.s32 v38, s15;
	vm1 =	vge.s32 v39, s15  }
0x518: {  	vm14 =	vmand vm0, vm1  }
0x519: {  	v60 =	vnsel vm14, $0x0, v21  }
0x51a: {  	(xrf0) =	vadd.scan.msk.s32 $0xffff, v60  }
0x51b: {  	(xrf0) =	vadd.scan.msk.s32 $0xffff, v29;
	_ =	sdelay $0x4  }
0x51c: {  	v29, _, _ =	vpop (xrf0)  }
0x51d: {  	(v2sf) =	vpush v29, $0xF;
	v29, _, _ =	vpop (xrf0)  }
0x51e: {  	(v2sf) =	vpush v29, $0xF;
	_ =	sdelay $0x1  }
0x51f: {  	v29 =	vld [tilespmem:$0x630];
	_ =	sdelay $0x4  }
0x520: {  	v61 =	vperm.xlane v29, v8;
	_ =	sdelay $0x1  }
0x521: {  	(xrf0) =	vadd.scan.msk.s32 $0xffff, v61;
	_ =	sdelay $0x4  }
0x522: {  	s16 =	spop (v2sf)  }
0x523: {  	v62, _, _ =	vpop (xrf0);
	s14 =	spop (v2sf)  }
0x524: {  	v39 =	vsub.s32 v62, v61;
	s1 =	sadd.s32 s1, s14  }
0x525: {  	v39 =	vadd.s32 s1, v39;
	v40 =	vadd.s32 s1, v62  }
0x526: {  	vm0 =	vlt.s32 v39, s15;
	vm1 =	vge.s32 v40, s15  }
0x527: {  	vm15 =	vmand vm0, vm1  }
0x528: {  	v63 =	vnsel vm15, $0x0, v22  }
0x529: {  	(xrf0) =	vadd.scan.msk.s32 $0xffff, v63  }
0x52a: {  	(xrf0) =	vadd.scan.msk.s32 $0xffff, v29;
	_ =	sdelay $0x4  }
0x52b: {  	v29, _, _ =	vpop (xrf0)  }
0x52c: {  	(v2sf) =	vpush v29, $0xF;
	v29, _, _ =	vpop (xrf0)  }
0x52d: {  	(v2sf) =	vpush v29, $0xF;
	_ =	sdelay $0x1  }
0x52e: {  	v29 =	vld [tilespmem:$0x620];
	_ =	sdelay $0x4  }
0x52f: {  	v44 =	vperm.xlane v29, v8;
	_ =	sdelay $0x1  }
0x530: {  	(xrf0) =	vadd.scan.msk.s32 $0xffff, v44;
	_ =	sdelay $0x4  }
0x531: {  	s7 =	spop (v2sf)  }
0x532: {  	v45, _, _ =	vpop (xrf0);
	s31 =	spop (v2sf)  }
0x533: {  	v40 =	vsub.s32 v45, v44;
	s1 =	sadd.s32 s1, s31  }
0x534: {  	v40 =	vadd.s32 s1, v40;
	v41 =	vadd.s32 s1, v45  }
0x535: {  	vm0 =	vlt.s32 v40, s15;
	vm1 =	vge.s32 v41, s15  }
0x536: {  	vm0 =	vmand vm0, vm1  }
0x537: {  	v46 =	vnsel vm0, $0x0, v23  }
0x538: {  	(xrf0) =	vadd.scan.msk.s32 $0xffff, v46  }
0x539: {  	(xrf0) =	vadd.scan.msk.s32 $0xffff, v29;
	_ =	sdelay $0x4  }
0x53a: {  	v29, _, _ =	vpop (xrf0)  }
0x53b: {  	(v2sf) =	vpush v29, $0xF;
	v29, _, _ =	vpop (xrf0)  }
0x53c: {  	(v2sf) =	vpush v29, $0xF;
	_ =	sdelay $0x1  }
0x53d: {  	v29 =	vld [tilespmem:$0x610];
	_ =	sdelay $0x4  }
0x53e: {  	v29 =	vperm.xlane v29, v8;
	_ =	sdelay $0x1  }
0x53f: {  	(xrf0) =	vadd.scan.msk.s32 $0xffff, v29;
	_ =	sdelay $0x4  }
0x540: {  	s8 =	spop (v2sf)  }
0x541: {  	v47, _, _ =	vpop (xrf0);
	s14 =	spop (v2sf)  }
0x542: {  	v29 =	vsub.s32 v47, v29;
	s1 =	sadd.s32 s1, s14  }
0x543: {  	v41 =	vadd.s32 s1, v29;
	v29 =	vadd.s32 s1, v47  }
0x544: {  	vm1 =	vlt.s32 v41, s15;
	vm2 =	vge.s32 v29, s15  }
0x545: {  	vm1 =	vmand vm1, vm2  }
0x546: {  	v29 =	vnsel vm1, $0x0, v8  }
0x547: {  	(xrf0) =	vadd.scan.msk.s32 $0xffff, v29;
	_ =	sdelay $0x5  }
0x548: {  	v29, _, _ =	vpop (xrf0)  }
0x549: {  	(v2sf) =	vpush v29, $0xF;
	_ =	sdelay $0x1  }
0x54a: {  	s19 =	sadd.s32 s6, s19  }
0x54b: {  	s1 =	sadd.s32 s21, s19  }
0x54c: {  	s1 =	sadd.s32 s22, s1  }
0x54d: {  	s1 =	sadd.s32 s23, s1  }
0x54e: {  	s1 =	sadd.s32 s24, s1  }
0x54f: {  	s1 =	sadd.s32 s25, s1  }
0x550: {  	s1 =	sadd.s32 s20, s1  }
0x551: {  	s1 =	sadd.s32 s3, s1  }
0x552: {  	s1 =	sadd.s32 s9, s1  }
0x553: {  	s1 =	sadd.s32 s11, s1  }
0x554: {  	s1 =	sadd.s32 s17, s1  }
0x555: {  	s21 =	simm.s32 $0x0;
	s1 =	sadd.s32 s16, s1  }
0x556: {  	v48 =	vld [tilespmem:s21+$0x0];
	s23 =	simm.s32 $0x10;
	s1 =	sadd.s32 s7, s1  }
0x557: {  	v43 =	vld [tilespmem:s23+$0x0];
	s1 =	sadd.s32 s8, s1;
	s22 =	spop (v2sf)  }
0x558: {  	s1 =	sadd.s32 s22, s1  }
0x559: {  	s24 =	simm.s32 $0x20;
	s1 =	sor.u32 s18, s1  }
0x55a: {  	v44 =	vld [tilespmem:s24+$0x0];
	v29 =	vmov s1  }
0x55b: {  	vm2 =	vgt.s32 v48, $0x3C23D70A;
	vm3 =	veq.s32 v48, v29;
	vm4 =	vgt.s32 v48, v29  }
0x55c: {  	vm5 =	veq.s32 v43, v29;
	vm3 =	vmand vm2, vm3;
	vm2 =	vmand vm2, vm4  }
0x55d: {  	vm4 =	vgt.s32 v43, v29;
	v49 =	vsel vm3, $0x1, v6;
	vm3 =	vgt.s32 v43, $0x3C23D70A  }
0x55e: {  	v50 =	vsel vm2, $0x1, v6;
	vm4 =	vmand vm3, vm4;
	vm3 =	vmand vm3, vm5;
	(xrf0) =	vadd.scan.msk.s32 $0xffff, v49  }
0x55f: {  	vm2 =	vgt.s32 v44, $0x3C23D70A;
	v51 =	vsel vm3, $0x1, v6;
	(xrf0) =	vadd.scan.msk.s32 $0xffff, v50;
	vm3 =	veq.s32 v44, v29  }
0x560: {  	v52 =	vsel vm4, $0x1, v6;
	vm4 =	vgt.s32 v44, v29;
	(xrf0) =	vadd.scan.msk.s32 $0xffff, v51;
	vm3 =	vmand vm2, vm3  }
0x561: {  	vm2 =	vmand vm2, vm4;
	v53 =	vsel vm3, $0x1, v6;
	(xrf0) =	vadd.scan.msk.s32 $0xffff, v52  }
0x562: {  	v55 =	vsel vm2, $0x1, v6;
	(xrf0) =	vadd.scan.msk.s32 $0xffff, v53  }
0x563: {  	(xrf0) =	vadd.scan.msk.s32 $0xffff, v55  }
0x564: {  	v56, _, _ =	vpop (xrf0)  }
0x565: {  	v57, _, _ =	vpop (xrf0);
	(v2sf) =	vpush v56, $0xF  }
0x566: {  	v58, _, _ =	vpop (xrf0);
	(v2sf) =	vpush v57, $0xF  }
0x567: {  	(v2sf) =	vpush v58, $0xF;
	v59, _, _ =	vpop (xrf0)  }
0x568: {  	s25 =	simm.s32 $0x30;
	(v2sf) =	vpush v59, $0xF;
	v61, _, _ =	vpop (xrf0)  }
0x569: {  	v54 =	vld [tilespmem:s25+$0x0];
	v63, _, _ =	vpop (xrf0);
	(v2sf) =	vpush v61, $0xF  }
0x56a: {  	(v2sf) =	vpush v63, $0xF;
	_ =	sdelay $0x3  }
0x56b: {  	s31 =	simm.s32 $0x40;
	vm2 =	vgt.s32 v54, $0x3C23D70A;
	vm3 =	veq.s32 v54, v29  }
0x56c: {  	v42 =	vld [tilespmem:s31+$0x0];
	vm4 =	vgt.s32 v54, v29;
	vm3 =	vmand vm2, vm3  }
0x56d: {  	vm2 =	vmand vm2, vm4;
	v60 =	vsel vm3, $0x1, v6  }
0x56e: {  	v62 =	vsel vm2, $0x1, v6;
	(xrf0) =	vadd.scan.msk.s32 $0xffff, v60  }
0x56f: {  	(xrf0) =	vadd.scan.msk.s32 $0xffff, v62  }
0x570: {  	s6 =	simm.s32 $0x0;
	s3 =	simm.s32 $0x0;
	s9 =	simm.s32 $0x140  }
.LBB2_10:
0x571: {  	s1 =	sshra.s32 s9, $0x2;
	p0 =	sne.s32 s9, $0x13C0;
	s9 =	sadd.s32 $0x40, s9;
	vm2 =	vgt.s32 v42, $0x3C23D70A;
	vm3 =	vgt.s32 v42, v29;
	vm4 =	veq.s32 v42, v29  }
.Ltmp6:
0x572: {  	v42 =	vld [tilespmem:s1+$0x0];
	vm3 =	vmand vm2, vm3;
	vm2 =	vmand vm2, vm4;
	s1 =	spop (v2sf);
	(pc) =	sbr.rel @p0 .LBB2_10-.Ltmp6, $4  }
0x573: {  	v46 =	vsel vm3, $0x1, v6;
	v45 =	vsel vm2, $0x1, v6;
	s6 =	sadd.s32 s6, s1;
	s1 =	spop (v2sf)  }
0x574: {  	(xrf0) =	vadd.scan.msk.s32 $0xffff, v45;
	v44, _, _ =	vpop (xrf0);
	s3 =	sadd.s32 s3, s1  }
0x575: {  	(xrf0) =	vadd.scan.msk.s32 $0xffff, v46;
	v43, _, _ =	vpop (xrf0);
	(v2sf) =	vpush v44, $0xF  }
0x576: {  	(v2sf) =	vpush v43, $0xF  }
0x577: {  	v60 =	vld [tilespmem:$0x1FF60]  }
0x578: {  	v61 =	vld [tilespmem:$0x1FF70]  }
0x579: {  	vm2 =	vgt.s32 v42, $0x3C23D70A;
	vm3 =	veq.s32 v42, v29  }
0x57a: {  	vm4 =	vgt.s32 v42, v29;
	vm3 =	vmand vm2, vm3  }
0x57b: {  	vm2 =	vmand vm2, vm4;
	v59 =	vsel vm3, $0x1, v6  }
0x57c: {  	v43 =	vsel vm2, $0x1, v6;
	(xrf0) =	vadd.scan.msk.s32 $0xffff, v59;
	vm2 =	vnez.u8 v60  }
0x57d: {  	(xrf0) =	vadd.scan.msk.s32 $0xffff, v43;
	v25 =	vnsel vm2, $0x0, v25;
	vm2 =	vnez.u8 v61  }
0x57e: {  	v26 =	vnsel vm2, $0x0, v26;
	(xrf0) =	vadd.scan.msk.s32 $0xffff, v25;
	v25 =	vld [tilespmem:$0x1FF80]  }
0x57f: {  	(xrf0) =	vadd.scan.msk.s32 $0xffff, v26;
	v26 =	vld [tilespmem:$0x1FF90];
	_ =	sdelay $0x3  }
0x580: {  	vm2 =	vnez.u8 v25  }
0x581: {  	v25 =	vnsel vm2, $0x0, v27;
	vm2 =	vnez.u8 v26  }
0x582: {  	v27, _, _ =	vpop (xrf0);
	v26 =	vnsel vm2, $0x0, v28;
	(xrf0) =	vadd.scan.msk.s32 $0xffff, v25  }
0x583: {  	v25 =	vnsel vm6, $0x0, v30;
	v28, _, _ =	vpop (xrf0);
	(v2sf) =	vpush v27, $0xF;
	(xrf0) =	vadd.scan.msk.s32 $0xffff, v26  }
0x584: {  	v26 =	vnsel vm7, $0x0, v31;
	(v2sf) =	vpush v28, $0xF;
	v27, _, _ =	vpop (xrf0);
	(xrf0) =	vadd.scan.msk.s32 $0xffff, v25  }
0x585: {  	v25 =	vnsel vm8, $0x0, v32;
	v28, _, _ =	vpop (xrf0);
	(v2sf) =	vpush v27, $0xF;
	(xrf0) =	vadd.scan.msk.s32 $0xffff, v26  }
0x586: {  	v26 =	vnsel vm9, $0x0, v33;
	(v2sf) =	vpush v28, $0xF;
	v27, _, _ =	vpop (xrf0);
	(xrf0) =	vadd.scan.msk.s32 $0xffff, v25  }
0x587: {  	v25 =	vnsel vm10, $0x0, v34;
	(v2sf) =	vpush v27, $0xF;
	v27, _, _ =	vpop (xrf0);
	(xrf0) =	vadd.scan.msk.s32 $0xffff, v26;
	v26 =	vnsel vm11, $0x0, v35  }
0x588: {  	(v2sf) =	vpush v27, $0xF;
	v27, _, _ =	vpop (xrf0);
	(xrf0) =	vadd.scan.msk.s32 $0xffff, v25  }
0x589: {  	v25 =	vnsel vm12, $0x0, v36;
	(v2sf) =	vpush v27, $0xF;
	v27, _, _ =	vpop (xrf0);
	(xrf0) =	vadd.scan.msk.s32 $0xffff, v26  }
0x58a: {  	(v2sf) =	vpush v27, $0xF;
	v26, _, _ =	vpop (xrf0);
	(xrf0) =	vadd.scan.msk.s32 $0xffff, v25;
	v25 =	vnsel vm13, $0x0, v37  }
0x58b: {  	(v2sf) =	vpush v26, $0xF;
	v26, _, _ =	vpop (xrf0);
	(xrf0) =	vadd.scan.msk.s32 $0xffff, v25;
	v25 =	vnsel vm14, $0x0, v38  }
0x58c: {  	s1 =	spop (v2sf);
	(v2sf) =	vpush v26, $0xF;
	v26, _, _ =	vpop (xrf0);
	(xrf0) =	vadd.scan.msk.s32 $0xffff, v25;
	v25 =	vnsel vm15, $0x0, v39  }
0x58d: {  	s7 =	spop (v2sf);
	(v2sf) =	vpush v26, $0xF;
	v26, _, _ =	vpop (xrf0);
	(xrf0) =	vadd.scan.msk.s32 $0xffff, v25;
	v25 =	vnsel vm0, $0x0, v40  }
0x58e: {  	s8 =	spop (v2sf);
	(v2sf) =	vpush v26, $0xF;
	v26, _, _ =	vpop (xrf0);
	(xrf0) =	vadd.scan.msk.s32 $0xffff, v25;
	v25 =	vnsel vm1, $0x0, v41  }
0x58f: {  	s9 =	spop (v2sf)  }
0x590: {  	s11 =	spop (v2sf);
	(v2sf) =	vpush v26, $0xF;
	v26, _, _ =	vpop (xrf0);
	(xrf0) =	vadd.scan.msk.s32 $0xffff, v25  }
0x591: {  	s16 =	spop (v2sf);
	(v2sf) =	vpush v26, $0xF;
	v25, _, _ =	vpop (xrf0)  }
0x592: {  	s17 =	spop (v2sf);
	v26, _, _ =	vpop (xrf0);
	(v2sf) =	vpush v25, $0xF  }
0x593: {  	s3 =	sadd.s32 s3, s7;
	s18 =	spop (v2sf);
	v25, _, _ =	vpop (xrf0);
	(v2sf) =	vpush v26, $0xF  }
0x594: {  	s3 =	sadd.s32 s3, s9;
	s19 =	spop (v2sf);
	(v2sf) =	vpush v25, $0xF;
	v25, _, _ =	vpop (xrf0)  }
0x595: {  	s1 =	sadd.s32 s6, s1;
	s3 =	sadd.s32 s3, s16;
	s20 =	spop (v2sf);
	(v2sf) =	vpush v25, $0xF;
	v25, _, _ =	vpop (xrf0)  }
0x596: {  	s1 =	sadd.s32 s1, s8;
	s3 =	sadd.s32 s3, s18;
	s21 =	spop (v2sf);
	(v2sf) =	vpush v25, $0xF;
	v25, _, _ =	vpop (xrf0)  }
0x597: {  	s1 =	sadd.s32 s1, s11;
	s3 =	sadd.s32 s3, s20;
	s22 =	spop (v2sf);
	(v2sf) =	vpush v25, $0xF  }
0x598: {  	vm0 =	vcmask $0x300;
	s1 =	sadd.s32 s1, s17;
	v25 =	vmov s3;
	s23 =	spop (v2sf)  }
0x599: {  	s1 =	sadd.s32 s1, s19;
	v25 =	vnsel vm0, $0x0, v25;
	vm0 =	vcmask $0x704;
	s24 =	spop (v2sf)  }
0x59a: {  	v25 =	vsel vm0, s1, v25;
	s25 =	spop (v2sf)  }
0x59b: {  	s20 =	rddreg [dreg:$0xf];
	[tilespmem:$0x600] =	vst v25;
	s31 =	spop (v2sf)  }
0x59c: {  	[spmem:s20] =	stream.linear.scatter [tilespmem:s30], [sflag:$0x2], $0x10, $0x38;
	[tilespmem:$0x1860] =	vst v63  }
0x59d: {  	s14 =	spop (v2sf)  }
0x59e: {  	s7 =	spop (v2sf)  }
0x59f: {  	s9 =	spop (v2sf)  }
0x5a0: {  	s6 =	spop (v2sf)  }
0x5a1: {  	s8 =	spop (v2sf)  }
0x5a2: {  	s11 =	spop (v2sf)  }
0x5a3: {  	s16 =	spop (v2sf)  }
0x5a4: {  	s3 =	spop (v2sf)  }
0x5a5: {  	s17 =	spop (v2sf)  }
0x5a6: {  	s1 =	spop (v2sf)  }
0x5a7: {  	_ =	swait.ge [sflag:s26], $0x10  }
0x5a8: {  	[sflag:s26] =	ssyncset.done $0x0  }
0x5a9: {  	v25 =	vmul.u32 $0x10, v2;
	[sflag:s26] =	ssyncadd.s32 $0xFFFFFFF0  }
0x5aa: {  	s21 =	sadd.s32 s22, s21;
	[bflag:$0x0] =	sbarrier.arrive $0xFFFF  }
0x5ab: {  	s18 =	sadd.s32 s23, s21;
	s23 =	simm.s32 $0x610;
	v26 =	vor.u32 $0x1, v25;
	s22 =	rddreg [dreg:$0x3]  }
0x5ac: {  	[tilespmem:s23], [sflag:$0x2] =	stream.linear.gather [spmem:s22], $0x100, $0x38;
	[tilespmem:$0x1860] =	vst v63  }
0x5ad: {  	s18 =	sadd.s32 s24, s18;
	_ =	swait.ge [sflag:s26], $0x100  }
0x5ae: {  	s18 =	sadd.s32 s25, s18;
	[sflag:s26] =	ssyncset.done $0x0  }
0x5af: {  	s18 =	sadd.s32 s31, s18;
	[sflag:s26] =	ssyncadd.s32 $0xFFFFFF00  }
0x5b0: {  	s14 =	sadd.s32 s14, s18;
	v27 =	vld.idx.msk [tilespmem:v26+s23+$0x0], $0xffff  }
0x5b1: {  	s7 =	sadd.s32 s7, s14  }
0x5b2: {  	s7 =	sadd.s32 s9, s7  }
0x5b3: {  	s6 =	sadd.s32 s6, s7  }
0x5b4: {  	s6 =	sadd.s32 s8, s6  }
0x5b5: {  	s6 =	sadd.s32 s11, s6;
	(xrf0) =	vadd.scan.msk.s32 $0xffff, v27  }
0x5b6: {  	s6 =	sadd.s32 s16, s6  }
0x5b7: {  	s3 =	sadd.s32 s3, s6  }
0x5b8: {  	s3 =	sadd.s32 s17, s3  }
0x5b9: {  	s24 =	simm.s32 $0x0;
	s1 =	sadd.s32 s1, s3  }
0x5ba: {  	s1 =	ssub.s32 s15, s1;
	v62 =	vld [tilespmem:s24+$0x0]  }
0x5bb: {  	v30 =	vadd.s32 s1, v27;
	v28, _, _ =	vpop (xrf0)  }
0x5bc: {  	v28 =	vsub.s32 v30, v28  }
0x5bd: {  	vm0 =	vgt.s32 v28, $0x0  }
0x5be: {  	v28 =	vnsel vm0, $0x0, v28  }
0x5bf: {  	vm2 =	veq.s32 v62, v29;
	vm1 =	vlt.s32 v27, v28  }
0x5c0: {  	vm0 =	veq.s32 v0, v2;
	v27 =	vsel vm1, v27, v28;
	vm1 =	vgt.s32 v62, $0x3C23D70A  }
0x5c1: {  	v28 =	vnsel vm0, $0x0, v27;
	vm2 =	vmand vm1, vm2  }
0x5c2: {  	(xrf0) =	vadd.scan.msk.s32 $0xffff, v28;
	v28 =	vsel vm2, $0x1, v6  }
0x5c3: {  	(xrf0) =	vadd.scan.msk.s32 $0xffff, v28;
	_ =	sdelay $0x4  }
0x5c4: {  	s3 =	simm.s32 $0x0;
	v30 =	vsel vm2, $0xFFFFFFFF, v6;
	v28, _, _ =	vpop (xrf0)  }
0x5c5: {  	v30 =	vadd.s32 s3, v30;
	v28 =	vbroadcast v28, $0xF;
	v31, _, _ =	vpop (xrf0)  }
0x5c6: {  	v30 =	vadd.s32 v31, v30  }
0x5c7: {  	vm3 =	vgt.s32 v62, v29;
	vm15 =	vlt.s32 v30, v28  }
0x5c8: {  	vm1 =	vmand vm1, vm3;
	vm2 =	vmand vm2, vm15  }
0x5c9: {  	vm1 =	vmor vm1, vm2  }
0x5ca: {  	v30 =	vsel vm1, $0x1, v6  }
0x5cb: {  	(xrf0) =	vadd.scan.msk.s32 $0xffff, v30;
	_ =	sdelay $0x5  }
0x5cc: {  	(v2sf) =	vpush v31, $0xF;
	v31, _, _ =	vpop (xrf0)  }
0x5cd: {  	v30 =	vsub.s32 v31, v30;
	(v2sf) =	vpush v31, $0xF  }
0x5ce: {  	v30 =	vadd.s32 s3, v30;
	_ =	sdelay $0x3  }
0x5cf: {  	s6 =	rddreg [dreg:$0x8]  }
0x5d0: {  	v63 =	vor.u32 s6, v2;
	v31 =	vld.idx.msk [tilespmem:v25+s23+$0x0], $0xffff;
	[tilespmem:v30+s0+$0x0] =	vst.idx.msk vm1, v62  }
0x5d1: {  	s25 =	simm.s32 $0x10;
	[tilespmem:v30+s2+$0x0] =	vst.idx.msk vm1, v63  }
0x5d2: {  	v30 =	vld [tilespmem:s25+$0x0];
	_ =	sdelay $0x4  }
0x5d3: {  	vm1 =	vgt.s32 v30, $0x3C23D70A;
	vm2 =	veq.s32 v30, v29  }
0x5d4: {  	s31 =	spop (v2sf);
	vm3 =	vgt.s32 v30, v29;
	vm2 =	vmand vm1, vm2  }
0x5d5: {  	s16 =	simm.s32 $0x80;
	s9 =	sadd.s32 $0x0, s31;
	vm1 =	vmand vm1, vm3;
	v32 =	vsel vm2, $0xFFFFFFFF, v6;
	v33 =	vsel vm2, $0x1, v6;
	s15 =	spop (v2sf)  }
.LBB2_12:
0x5d6: {  	s3 =	sadd.s32 s3, s15  }
0x5d7: {  	(xrf0) =	vadd.scan.msk.s32 $0xffff, v33;
	s6 =	sadd.s32 $0x10, s6;
	s1 =	smov.u32 s16;
	s11 =	sadd.s32 $0x40, s16  }
0x5d8: {  	p0 =	sne.s32 s16, $0x13C0;
	_ =	sdelay $0x4  }
0x5d9: {  	v32 =	vadd.s32 s9, v32;
	v33, _, _ =	vpop (xrf0)  }
0x5da: {  	v32 =	vadd.s32 v33, v32;
	(v2sf) =	vpush v33, $0xF  }
0x5db: {  	vm3 =	vlt.s32 v32, v28  }
0x5dc: {  	vm2 =	vmand vm2, vm3  }
0x5dd: {  	vm1 =	vmor vm1, vm2  }
0x5de: {  	v32 =	vsel vm1, $0x1, v6  }
0x5df: {  	(xrf0) =	vadd.scan.msk.s32 $0xffff, v32;
	_ =	sdelay $0x5  }
0x5e0: {  	v33, _, _ =	vpop (xrf0)  }
0x5e1: {  	v32 =	vsub.s32 v33, v32;
	(v2sf) =	vpush v33, $0xF  }
0x5e2: {  	v32 =	vadd.s32 s3, v32;
	_ =	sdelay $0x1  }
0x5e3: {  	s7 =	spop (v2sf)  }
0x5e4: {  	s9 =	sadd.s32 s9, s7;
	_ =	sdelay $0x1  }
0x5e5: {  	v33 =	vor.u32 s6, v2;
	[tilespmem:v32+s0+$0x0] =	vst.idx.msk vm1, v30  }
0x5e6: {  	s1 =	sshra.s32 s1, $0x2;
	[tilespmem:v32+s2+$0x0] =	vst.idx.msk vm1, v33  }
0x5e7: {  	v30 =	vld [tilespmem:s1+$0x0];
	_ =	sdelay $0x2  }
.Ltmp7:
0x5e8: {  	(pc) =	sbr.rel @p0 .LBB2_12-.Ltmp7, $4  }
0x5e9: {  	_ = 	snop  }
0x5ea: {  	vm2 =	vgt.s32 v30, $0x3C23D70A;
	vm1 =	vgt.s32 v30, v29;
	vm3 =	veq.s32 v30, v29  }
0x5eb: {  	vm1 =	vmand vm2, vm1;
	vm2 =	vmand vm2, vm3  }
0x5ec: {  	s16 =	smov.u32 s11;
	v32 =	vsel vm2, $0xFFFFFFFF, v6;
	v33 =	vsel vm2, $0x1, v6;
	s15 =	spop (v2sf)  }
0x5ed: {  	(xrf0) =	vadd.scan.msk.s32 $0xffff, v33;
	_ =	sdelay $0x5  }
0x5ee: {  	v29 =	vadd.s32 s9, v32;
	v59, _, _ =	vpop (xrf0)  }
0x5ef: {  	v29 =	vadd.s32 v59, v29  }
0x5f0: {  	vm3 =	vlt.s32 v29, v28  }
0x5f1: {  	vm2 =	vmand vm2, vm3  }
0x5f2: {  	vm1 =	vmor vm1, vm2  }
0x5f3: {  	v60 =	vsel vm1, $0x1, v6  }
0x5f4: {  	v27 =	vadd.s32 v31, v27;
	(xrf0) =	vadd.scan.msk.s32 $0xffff, v60  }
0x5f5: {  	(xrf0) =	vadd.scan.msk.s32 $0xffff, v27;
	_ =	sdelay $0x4  }
0x5f6: {  	v61, _, _ =	vpop (xrf0)  }
0x5f7: {  	(v2sf) =	vpush v59, $0xF;
	v62, _, _ =	vpop (xrf0)  }
0x5f8: {  	(v2sf) =	vpush v61, $0xF;
	v27 =	vsub.s32 v62, v27  }
0x5f9: {  	v27 =	vnsel vm0, $0x0, v27  }
0x5fa: {  	(xrf0) =	vadd.scan.msk.s32 $0xffff, v27;
	_ =	sdelay $0x5  }
0x5fb: {  	v27, _, _ =	vpop (xrf0)  }
0x5fc: {  	(v2sf) =	vpush v27, $0xF;
	_ =	sdelay $0x4  }
0x5fd: {  	s31 =	spop (v2sf)  }
0x5fe: {  	s1 =	sadd.s32 s3, s15;
	s3 =	spop (v2sf)  }
0x5ff: {  	v27 =	vsub.s32 v61, v60;
	s3 =	sadd.s32 s1, s3  }
0x600: {  	v27 =	vadd.s32 s1, v27;
	s1 =	sadd.s32 $0xF, s3  }
0x601: {  	s11 =	sshra.s32 s1, $0x4  }
0x602: {  	p0 =	slt.s32 s11, $0x1  }
.Ltmp8:
0x603: {  	_ = 	snop;
	(pc) =	sbr.rel @p0 .LBB2_20-.Ltmp8, $4  }
0x604: {  	_ = 	snop  }
0x605: {  	s6 =	sadd.s32 $0x10, s6  }
0x606: {  	v63 =	vor.u32 s6, v2;
	[tilespmem:v27+s0+$0x0] =	vst.idx.msk vm1, v30  }
0x607: {  	s14 =	smov.u32 s10;
	[tilespmem:v27+s2+$0x0] =	vst.idx.msk vm1, v63;
	s9 =	spop (v2sf)  }
0x608: {  	p1 =	sne.s32 s11, $0x1  }
.Ltmp9:
0x609: {  	_ = 	snop;
	(pc) =	sbr.rel @!p1 .LBB2_15-.Ltmp9, $4  }
0x60a: {  	_ = 	snop  }
0x60b: {  	s1 =	simm.s32 $0x0  }
0x60c: {  	v27 =	vmov s3;
	s6 =	simm.s32 $0x710;
	s7 =	sadd.s32 $0x0, s9;
	v29 =	vor.u32 s1, v2  }
0x60d: {  	s3 =	simm.s32 $0x8D0;
	s11 =	sadd.s32 $0xFFFFFFFF, s11;
	p0 =	por $0x0, $0x0;
	v28 =	vadd.s32 s7, v2;
	vm0 =	vlt.s32 v29, v27  }
0x60e: {  	v28 =	vsel vm0, v28, v1  }
0x60f: {  	[tilespmem:$0x600] =	vst v28  }
0x610: {  	[spmem:s4] =	stream.indirect.scatter [tilespmem:s6], [sflag:$0x2], $0x1, s30, s29, $0xb8;
	[tilespmem:$0x1860] =	vst v63  }
0x611: {  	p1 =	sne.s32 s11, $0x1;
	_ =	swait.ge [sflag:s26], $0x10  }
.Ltmp10:
0x612: {  	[sflag:s26] =	ssyncset.done $0x0;
	(pc) =	sbr.rel @!p1 .LBB2_17-.Ltmp10, $4  }
0x613: {  	s16 =	simm.s32 $0x10;
	s17 =	sadd.s32 $0xFFFFFFFF, s11;
	[sflag:s26] =	ssyncadd.s32 $0xFFFFFFF0  }
0x614: {  	[spmem:s5] =	stream.indirect.scatter [tilespmem:s3], [sflag:$0x2], $0x1, s30, s29, $0xb8;
	[tilespmem:$0x1860] =	vst v63  }
0x615: {  	s1 =	sadd.s32 $0x10, s9;
	p0 =	por $0x1, $0x1;
	v29 =	vor.u32 s16, v2;
	_ =	swait.ge [sflag:s26], $0x10  }
0x616: {  	s15 =	simm.s32 $0x710;
	s11 =	simm.s32 $0x8D0;
	v28 =	vadd.s32 s1, v2;
	vm0 =	vlt.s32 v29, v27;
	[sflag:s26] =	ssyncset.done $0x0  }
.LBB2_18:
0x617: {  	v28 =	vsel vm0, v28, v1;
	[sflag:s26] =	ssyncadd.s32 $0xFFFFFFF0;
	s15 =	sadd.s32 $0x10, s15;
	s11 =	sadd.s32 $0x10, s11  }
0x618: {  	p1 =	sne.s32 s17, $0x1;
	s17 =	sadd.s32 $0xFFFFFFFF, s17;
	[tilespmem:$0x600] =	vst v28  }
0x619: {  	[spmem:s4] =	stream.indirect.scatter [tilespmem:s15], [sflag:$0x2], $0x1, s30, s29, $0xb8;
	[tilespmem:$0x1860] =	vst v63  }
0x61a: {  	_ =	swait.ge [sflag:s26], $0x10  }
.Ltmp11:
0x61b: {  	[sflag:s26] =	ssyncset.done $0x0;
	(pc) =	sbr.rel @p1 .LBB2_18-.Ltmp11, $4  }
0x61c: {  	s16 =	sadd.s32 $0x10, s16;
	[sflag:s26] =	ssyncadd.s32 $0xFFFFFFF0  }
0x61d: {  	[spmem:s5] =	stream.indirect.scatter [tilespmem:s11], [sflag:$0x2], $0x1, s30, s29, $0xb8;
	[tilespmem:$0x1860] =	vst v63  }
0x61e: {  	s1 =	sadd.s32 s16, s9;
	v29 =	vor.u32 s16, v2;
	_ =	swait.ge [sflag:s26], $0x10  }
0x61f: {  	v28 =	vadd.s32 s1, v2;
	vm0 =	vlt.s32 v29, v27;
	[sflag:s26] =	ssyncset.done $0x0  }
.LBB2_19:
0x620: {  	v27 =	vsel vm0, v28, v1;
	[sflag:s26] =	ssyncadd.s32 @p0 $0xFFFFFFF0;
	s1 =	sadd.s32 @p0 $0x10, s15  }
0x621: {  	[tilespmem:$0x600] =	vst v27;
	s6 =	smov.u32 @p0 s1  }
0x622: {  	[spmem:s4] =	stream.indirect.scatter [tilespmem:s6], [sflag:$0x2], $0x1, s30, s29, $0xb8;
	[tilespmem:$0x1860] =	vst v63  }
0x623: {  	_ =	swait.ge [sflag:s26], $0x10  }
0x624: {  	s1 =	sadd.s32 @p0 $0x10, s11;
	[sflag:s26] =	ssyncset.done $0x0  }
0x625: {  	s3 =	smov.u32 @p0 s1;
	[sflag:s26] =	ssyncadd.s32 $0xFFFFFFF0  }
0x626: {  	[spmem:s5] =	stream.indirect.scatter [tilespmem:s3], [sflag:$0x2], $0x1, s30, s29, $0xb8;
	[tilespmem:$0x1860] =	vst v63  }
0x627: {  	_ =	swait.ge [sflag:s26], $0x10  }
0x628: {  	[sflag:s26] =	ssyncset.done $0x0  }
0x629: {  	[sflag:s26] =	ssyncadd.s32 $0xFFFFFFF0  }
.LBB2_20:
0x62a: {  	[bflag:$0x0] =	sbarrier.arrive $0xFFFF;
	s1 =	simm.s32 $0xA90  }
0x62b: {  	[tilespmem:s1], [sflag:$0x2] =	stream.linear.gather [spmem:s4], $0x200, $0x38;
	[tilespmem:$0x1860] =	vst v63  }
0x62c: {  	_ =	swait.ge [sflag:s26], $0x200  }
0x62d: {  	[sflag:s26] =	ssyncset.done $0x0  }
0x62e: {  	s25 =	simm.s32 $0xCA0;
	[sflag:s26] =	ssyncadd.s32 $0xFFFFFE00  }
0x62f: {  	[tilespmem:s25], [sflag:$0x2] =	stream.linear.gather [spmem:s5], $0x200, $0x38;
	[tilespmem:$0x1860] =	vst v63  }
0x630: {  	_ =	swait.ge [sflag:s26], $0x200  }
0x631: {  	[sflag:s26] =	ssyncset.done $0x0;
	s31 =	rddreg [dreg:$0x1a]  }
0x632: {  	s7 =	rddreg [dreg:$0x10];
	[sflag:s26] =	ssyncadd.s32 $0xFFFFFE00;
	p0 =	slt.s32 s31, $0x1  }
.Ltmp12:
0x633: {  	s15 =	rddreg [dreg:$0x11];
	v27 =	vld [tilespmem:s7+$0xCA0];
	(pc) =	sbr.rel @p0 .LBB2_21-.Ltmp12, $1  }
0x634: {  	v28 =	vld [tilespmem:s15+$0xCA0];
	_ =	sdelay $0x3  }
0x635: {  	v32 =	vld [tilespmem:s7+$0xA90]  }
0x636: {  	v30 =	vld [tilespmem:s15+$0xA90];
	s1 =	simm.s32 $0xA90;
	p0 =	sne.s32 s13, $0x1  }
.Ltmp13:
0x637: {  	s3 =	simm.s32 $0xCA0;
	v33 =	vld.msk [tilespmem:s1+$0x0 ss:$0x0], $0xffff;
	(pc) =	sbr.rel @!p0 .LBB2_24-.Ltmp13, $2  }
0x638: {  	v34 =	vld.msk [tilespmem:s3+$0x0 ss:$0x0], $0xffff;
	_ =	sdelay $0x2  }
0x639: {  	v29 =	vimm.s32 $0x0;
	s6 =	sadd.s32 $0xFFFFFFFF, s13;
	s9 =	simm.s32 $0xA91;
	v31 =	vimm.s32 $0x0  }
.LBB2_23:
0x63a: {  	vm0 =	vgt.s32 v33, v32;
	vm1 =	veq.s32 v33, v32;
	s3 =	sadd.s32 $0x1, s3;
	v35 =	vmov v33;
	v33 =	vld.msk [tilespmem:s9+$0x0 ss:$0x0], $0xffff;
	p0 =	sne.s32 s6, $0x1  }
.Ltmp14:
0x63b: {  	s6 =	sadd.s32 $0xFFFFFFFF, s6;
	vm2 =	vlt.s32 v34, v27;
	vm4 =	vlt.s32 v34, v28;
	vm3 =	veq.s32 v35, v30;
	v34 =	vld.msk [tilespmem:s3+$0x0 ss:$0x0], $0xffff;
	(pc) =	sbr.rel @p0 .LBB2_23-.Ltmp14, $4  }
0x63c: {  	vm1 =	vmand vm1, vm2;
	vm2 =	vgt.s32 v35, v30;
	vm3 =	vmand vm3, vm4  }
0x63d: {  	vm0 =	vmor vm0, vm1;
	vm1 =	vmor vm2, vm3  }
0x63e: {  	v35 =	vsel vm0, $0x1, v6;
	v36 =	vsel vm1, $0x1, v6  }
0x63f: {  	s9 =	sadd.s32 $0x1, s9;
	v29 =	vadd.s32 v35, v29;
	v31 =	vadd.s32 v36, v31  }
.LBB2_24:
0x640: {  	vm0 =	vgt.s32 v33, v32;
	vm1 =	veq.s32 v33, v32  }
.Ltmp15:
0x641: {  	vm3 =	veq.s32 v33, v30;
	vm2 =	vlt.s32 v34, v27;
	vm4 =	vlt.s32 v34, v28;
	(pc) =	sbr.rel .LBB2_25-.Ltmp15, $4  }
0x642: {  	vm14 =	vgt.s32 v33, v30;
	vm1 =	vmand vm1, vm2;
	vm3 =	vmand vm3, vm4  }
0x643: {  	vm0 =	vmor vm0, vm1;
	vm15 =	vmor vm14, vm3  }
0x644: {  	v30 =	vsel vm0, $0x1, v6;
	v63 =	vsel vm15, $0x1, v6  }
0x645: {  	s13 =	simm.s32 $0x0;
	v29 =	vadd.s32 v30, v29;
	v30 =	vadd.s32 v63, v31  }
.LBB2_15:
.Ltmp16:
0x646: {  	(pc) =	sbr.rel .LBB2_19-.Ltmp16, $2  }
0x647: {  	_ =	sdelay $0x2  }
0x648: {  	s15 =	simm.s32 $0x710;
	s11 =	simm.s32 $0x8D0  }
.LBB2_17:
.Ltmp17:
0x649: {  	(pc) =	sbr.rel .LBB2_19-.Ltmp17, $2  }
0x64a: {  	_ =	sdelay $0x2  }
0x64b: {  	s15 =	simm.s32 $0x710;
	s11 =	simm.s32 $0x8D0  }
.LBB2_26:
0x64c: {  	_ =	sfence.sel $0x180000  }
0x64d: {  	[bflag:$0x0] =	sbarrier.arrive $0xFFFF  }
0x64e: {  	_ =	strace $0x90000047  }
0x64f: {  	s0 =	stileid.u32;
	[bflag:$0x2] =	sbarrier.arrive $0xFFFF  }
0x650: {  	p0 =	sne.s32 s0, $0x0;
	s0 =	rddreg [dreg:$0x7]  }
0x651: {  	s0 =	sadd.s32 @!p0 $0x100000, s0  }
0x652: {  	[sflag:s0] =	ssyncadd.tile.s32 @!p0 $0x1;
	_ =	shalt  }
.Lfunc_end2:
_tile_overlayer_lowered:
.L_overlay_start_2:
0x653: {  	(tag) =	ssettag $0x2  }
0x654: {  	s0 =	rddreg [dreg:$0x0];
	s2 =	stileid.u32  }
0x655: {  	s1 =	rddreg [dreg:$0x1];
	p0 =	sne.s32 s2, $0x0  }
0x656: {  	s3 =	rddreg [dreg:$0x2];
	[bflag:$0x3] =	sbarrier.arrive $0xFFFF;
	s2 =	simm.s32 @!p0 $0x1C02  }
0x657: {  	[timem:s3], [sflag:s2] =	dma.local @!p0 [hbm:s0], s1  }
0x658: {  	s0 =	simm.s32 @!p0 $0x2  }
0x659: {  	_ =	swait.ge @!p0 [sflag:s0], s1  }
0x65a: {  	s1 =	ssub.s32 @!p0 $0x0, s1;
	[sflag:s0] =	ssyncset.done @!p0 $0x0  }
0x65b: {  	[sflag:s0] =	ssyncadd.s32 @!p0 s1  }
0x65c: {  	[bflag:$0x3] =	sbarrier.arrive $0xFFFF  }
0x65d: {  	_ =	shalt  }

</sc_bundles>
